<compile_context>
chip_gen: v7x
topology: tpu7x:2x2x1
jax: 0.10.2.dev20260603
libtpu: 0.0.44.dev20260713+nightly
codegen_flags: <defaults>
</compile_context>

<pallas_src>
import functools

import jax
import jax.numpy as jnp
from jax import lax
from jax.experimental import pallas as pl
from jax.experimental.pallas import tpu as pltpu
from jax.experimental.pallas import tpu_sc as plsc

_LB = 128
_DB = 8


@functools.lru_cache(maxsize=None)
def _build(batch, hist, D):
    info = plsc.get_sparse_core_info()
    nw = info.num_cores * info.num_subcores
    n_pairs = hist * (batch // _LB)
    ppw = n_pairs // nw
    nbuf = 4
    d_hi = D // _DB
    assert n_pairs % nw == 0 and ppw % nbuf == 0 and ppw // nbuf >= 3

    mesh = plsc.VectorSubcoreMesh(core_axis_name="c", subcore_axis_name="s")

    @functools.partial(
        pl.kernel,
        mesh=mesh,
        out_type=jax.ShapeDtypeStruct((hist, d_hi, batch // _LB, _DB, _LB),
                                      jnp.float32),
        scratch_types=(
            [pltpu.VMEM((ppw, _LB), jnp.int32)]
            + [pltpu.VMEM((_LB, D), jnp.float32) for _ in range(nbuf)]
            + [pltpu.VMEM((d_hi, _DB, _LB + 1), jnp.float32)
               for _ in range(nbuf)]
            + [pltpu.SemaphoreType.DMA for _ in range(2 * nbuf)]
        ),
        compiler_params=pltpu.CompilerParams(use_tc_tiling_on_sc=False,
                                             needs_layout_passes=False),
    )
    def gather_kernel(idx_hbm, table_hbm, out_hbm, idx_v, *bufs):
        rows = bufs[:nbuf]
        tiles = bufs[nbuf:2 * nbuf]
        gsems = bufs[2 * nbuf:3 * nbuf]
        ssems = bufs[3 * nbuf:4 * nbuf]
        wid = lax.axis_index("s") * info.num_cores + lax.axis_index("c")
        p_base = wid * ppw

        pltpu.sync_copy(idx_hbm.at[wid], idx_v)

        def gat(p, row, sem):
            return pltpu.make_async_copy(table_hbm.at[idx_v.at[p]], row, sem)

        class st:

            def __init__(self, p, tile, sem):
                gp = p_base + p
                h = gp // (batch // _LB)
                bb = gp % (batch // _LB)
                self.copies = [
                    pltpu.make_async_copy(tile.at[:, :, pl.ds(0, _LB)],
                                          out_hbm.at[h, :, bb], sem)
                ]

            def start(self):
                for c in self.copies:
                    c.start()

            def wait(self):
                for c in self.copies:
                    c.wait()

        lane = lax.iota(jnp.int32, 16)
        zero16 = jnp.full((16,), 0, jnp.int32)
        cvecs = [lane + c0 for c0 in range(0, D, 16)]
        dhis = [c >> 3 for c in cvecs]
        dlos = [c & 7 for c in cvecs]

        def transpose(row, tile):
            ng = D // 16

            def tbody(j4, carry):
                nu = 8
                jbase = zero16 + j4 * nu
                prev = [row[j4 * nu, pl.ds(g * 16, 16)] for g in range(ng)]
                for u in range(1, nu):
                    j = j4 * nu + u
                    jv_prev = jbase + (u - 1) if u > 1 else jbase
                    cur = []
                    for g in range(ng):
                        cur.append(row[j, pl.ds(g * 16, 16)])
                        plsc.store_scatter(
                            tile, [dhis[g], dlos[g], jv_prev], prev[g])
                    prev = cur
                jv_last = jbase + (nu - 1)
                for g in range(ng):
                    plsc.store_scatter(
                        tile, [dhis[g], dlos[g], jv_last], prev[g])
                return carry

            lax.fori_loop(0, _LB // 8, tbody, 0)

        for u in range(nbuf):
            gat(u, rows[u], gsems[u]).start()
        for u in range(nbuf):
            gat(u, rows[u], gsems[u]).wait()
            transpose(rows[u], tiles[u])
            gat(u + nbuf, rows[u], gsems[u]).start()
            st(u, tiles[u], ssems[u]).start()

        def body(g, carry):
            for u in range(nbuf):
                p = nbuf * g + u
                st(p - nbuf, tiles[u], ssems[u]).wait()
                gat(p, rows[u], gsems[u]).wait()
                transpose(rows[u], tiles[u])
                gat(p + nbuf, rows[u], gsems[u]).start()
                st(p, tiles[u], ssems[u]).start()
            return carry

        lax.fori_loop(1, ppw // nbuf - 1, body, 0)

        for u in range(nbuf):
            p = ppw - nbuf + u
            st(p - nbuf, tiles[u], ssems[u]).wait()
            gat(p, rows[u], gsems[u]).wait()
            transpose(rows[u], tiles[u])
            st(p, tiles[u], ssems[u]).start()
        for u in range(nbuf):
            st(ppw - nbuf + u, tiles[u], ssems[u]).wait()

    return gather_kernel


def kernel(inputs, table):
    batch, hist = inputs.shape
    vocab, dim = table.shape
    info = plsc.get_sparse_core_info()
    nw = info.num_cores * info.num_subcores
    n_pairs = hist * (batch // _LB)
    idx = (inputs.astype(jnp.int32).T
           .reshape(hist, batch // _LB, _LB)
           .reshape(nw, n_pairs // nw, _LB))
    out5d = _build(batch, hist, dim)(idx, table)
    return out5d.transpose(2, 4, 0, 1, 3).reshape(batch, hist, dim)

# --- scband reference (transcript-rebuilt; emitter-appended) ---
"""Pipeline reference for scband-discrete-embedding-14302241096042 (READ-ONLY COPY).

The authoritative reference and input builder live on the scoring server;
editing this copy changes nothing except your own understanding.
"""

import jax, jax.numpy as jnp
import numpy as np

VOCAB = 100000
DIM = 64
BATCH = 16384
HIST = 50

def setup_inputs(seed: int = 0) -> dict:
    key = jax.random.key(seed)
    k1, k2 = jax.random.split(key)
    inputs = jax.random.randint(k1, (BATCH, HIST), 0, VOCAB, dtype=jnp.int64 if jax.config.jax_enable_x64 else jnp.int32)
    # nn.Embedding default init: N(0, 1)
    table = jax.random.normal(k2, (VOCAB, DIM), dtype=jnp.float32)
    return {"inputs": inputs, "table": table}

def reference(inputs, table):
    # DiscreteEmbedding.forward: self.embedding(inputs)
    return jnp.take(table, inputs, axis=0)

if __name__ == "__main__":
    import jax
    _d = setup_inputs()
    print(jax.jit(kernel)(*tuple(_d.values())))

</pallas_src>

<mosaic_0001>
#map = affine_map<(d0, d1) -> (0, 0, 0)>
#map1 = affine_map<(d0, d1) -> (0, 0)>
#map2 = affine_map<(d0, d1) -> (0, 0, 0, 0, 0)>
module attributes {stable_mosaic.version = 14 : i64} {
  func.func @gather_kernel(%arg0: i32, %arg1: i32, %arg2: memref<32x200x128xi32, #tpu.memory_space<hbm>>, %arg3: memref<100000x64xf32, #tpu.memory_space<hbm>>, %arg4: memref<50x8x128x8x128xf32, #tpu.memory_space<hbm>>, %arg5: memref<200x128xi32, #tpu.memory_space<vmem>>, %arg6: memref<128x64xf32, #tpu.memory_space<vmem>>, %arg7: memref<128x64xf32, #tpu.memory_space<vmem>>, %arg8: memref<128x64xf32, #tpu.memory_space<vmem>>, %arg9: memref<128x64xf32, #tpu.memory_space<vmem>>, %arg10: memref<8x8x129xf32, #tpu.memory_space<vmem>>, %arg11: memref<8x8x129xf32, #tpu.memory_space<vmem>>, %arg12: memref<8x8x129xf32, #tpu.memory_space<vmem>>, %arg13: memref<8x8x129xf32, #tpu.memory_space<vmem>>, %arg14: memref<!tpu.dma_semaphore, #tpu.memory_space<semaphore_mem>>, %arg15: memref<!tpu.dma_semaphore, #tpu.memory_space<semaphore_mem>>, %arg16: memref<!tpu.dma_semaphore, #tpu.memory_space<semaphore_mem>>, %arg17: memref<!tpu.dma_semaphore, #tpu.memory_space<semaphore_mem>>, %arg18: memref<!tpu.dma_semaphore, #tpu.memory_space<semaphore_mem>>, %arg19: memref<!tpu.dma_semaphore, #tpu.memory_space<semaphore_mem>>, %arg20: memref<!tpu.dma_semaphore, #tpu.memory_space<semaphore_mem>>, %arg21: memref<!tpu.dma_semaphore, #tpu.memory_space<semaphore_mem>>) attributes {dimension_semantics = [#tpu.dimension_semantics<core_parallel>, #tpu.dimension_semantics<subcore_parallel>], iteration_bounds = array<i64: 2, 16>, scalar_prefetch = 0 : i64, scratch_operands = 17 : i64, tpu.core_type = #tpu.core_type<sc_vector_subcore>, window_params = [{transform_indices = #map}, {transform_indices = #map1}, {transform_indices = #map2}]} {
    %mul3A = arith.constant 2 : i32
    %mul3A_0 = arith.muli %arg1, %mul3A : i32
    %add3A = arith.addi %mul3A_0, %arg0 : i32
    %mul3A_1 = arith.constant 200 : i32
    %mul3A_2 = arith.muli %add3A, %mul3A_1 : i32
    "tpu.region"() ({
      %run_scoped3A = tpu.sem_alloc : memref<!tpu.dma_semaphore, #tpu.memory_space<semaphore_mem>>
      %dma_start3A_1152 = arith.constant 0 : i32
      %dma_start3A_1153 = arith.constant 0 : i32
      %dma_start3A_1154 = tpu.memref_slice %arg2[%add3A, %dma_start3A_1152, %dma_start3A_1153] : memref<32x200x128xi32, #tpu.memory_space<hbm>> -> memref<1x200x128xi32, #tpu.memory_space<hbm>>
      %dma_start3A_1155 = tpu.memref_squeeze %dma_start3A_1154 : memref<1x200x128xi32, #tpu.memory_space<hbm>> -> memref<200x128xi32, #tpu.memory_space<hbm>>
      %dma_start3A_1156 = arith.constant 0 : i32
      %dma_start3A_1157 = arith.constant 0 : i32
      %dma_start3A_1158 = tpu.memref_slice %arg2[%add3A, %dma_start3A_1156, %dma_start3A_1157] : memref<32x200x128xi32, #tpu.memory_space<hbm>> -> memref<1x200x128xi32, #tpu.memory_space<hbm>>
      %dma_start3A_1159 = tpu.memref_squeeze %dma_start3A_1158 : memref<1x200x128xi32, #tpu.memory_space<hbm>> -> memref<200x128xi32, #tpu.memory_space<hbm>>
      tpu.enqueue_dma source(%dma_start3A_1159 : memref<200x128xi32, #tpu.memory_space<hbm>>) target(%arg5 : memref<200x128xi32, #tpu.memory_space<vmem>>) target_semaphore(%run_scoped3A : memref<!tpu.dma_semaphore, #tpu.memory_space<semaphore_mem>>)
      %dma_wait3A_1160 = arith.constant 0 : i32
      %dma_wait3A_1161 = arith.constant 0 : i32
      %dma_wait3A_1162 = tpu.memref_slice %arg2[%add3A, %dma_wait3A_1160, %dma_wait3A_1161] : memref<32x200x128xi32, #tpu.memory_space<hbm>> -> memref<1x200x128xi32, #tpu.memory_space<hbm>>
      %dma_wait3A_1163 = tpu.memref_squeeze %dma_wait3A_1162 : memref<1x200x128xi32, #tpu.memory_space<hbm>> -> memref<200x128xi32, #tpu.memory_space<hbm>>
      %dma_wait3A_1164 = arith.constant 0 : i32
      %dma_wait3A_1165 = arith.constant 0 : i32
      %dma_wait3A_1166 = tpu.memref_slice %arg2[%add3A, %dma_wait3A_1164, %dma_wait3A_1165] : memref<32x200x128xi32, #tpu.memory_space<hbm>> -> memref<1x200x128xi32, #tpu.memory_space<hbm>>
      %dma_wait3A_1167 = tpu.memref_squeeze %dma_wait3A_1166 : memref<1x200x128xi32, #tpu.memory_space<hbm>> -> memref<200x128xi32, #tpu.memory_space<hbm>>
      tpu.wait_dma2 semaphore(%run_scoped3A : memref<!tpu.dma_semaphore, #tpu.memory_space<semaphore_mem>>) src(%dma_wait3A_1167 : memref<200x128xi32, #tpu.memory_space<hbm>>) dst(%arg5 : memref<200x128xi32, #tpu.memory_space<vmem>>)
      tpu.yield
    }) : () -> ()
    %iota3A = tpu.iota {dimensions = array<i32: 0>} : vector<16xi32>
    %broadcast_in_dim3A = arith.constant 0 : i32
    %broadcast_in_dim3A_3 = vector.broadcast %broadcast_in_dim3A : i32 to vector<16xi32>
    %add3A_4 = arith.constant 0 : i32
    %add3A_5 = vector.broadcast %add3A_4 : i32 to vector<16xi32>
    %add3A_6 = arith.addi %iota3A, %add3A_5 : vector<16xi32>
    %add3A_7 = arith.constant 16 : i32
    %add3A_8 = vector.broadcast %add3A_7 : i32 to vector<16xi32>
    %add3A_9 = arith.addi %iota3A, %add3A_8 : vector<16xi32>
    %add3A_10 = arith.constant 32 : i32
    %add3A_11 = vector.broadcast %add3A_10 : i32 to vector<16xi32>
    %add3A_12 = arith.addi %iota3A, %add3A_11 : vector<16xi32>
    %add3A_13 = arith.constant 48 : i32
    %add3A_14 = vector.broadcast %add3A_13 : i32 to vector<16xi32>
    %add3A_15 = arith.addi %iota3A, %add3A_14 : vector<16xi32>
    %shift_right_arithmetic3A = arith.constant 3 : i32
    %shift_right_arithmetic3A_16 = vector.broadcast %shift_right_arithmetic3A : i32 to vector<16xi32>
    %shift_right_arithmetic3A_17 = arith.shrsi %add3A_6, %shift_right_arithmetic3A_16 : vector<16xi32>
    %shift_right_arithmetic3A_18 = arith.constant 3 : i32
    %shift_right_arithmetic3A_19 = vector.broadcast %shift_right_arithmetic3A_18 : i32 to vector<16xi32>
    %shift_right_arithmetic3A_20 = arith.shrsi %add3A_9, %shift_right_arithmetic3A_19 : vector<16xi32>
    %shift_right_arithmetic3A_21 = arith.constant 3 : i32
    %shift_right_arithmetic3A_22 = vector.broadcast %shift_right_arithmetic3A_21 : i32 to vector<16xi32>
    %shift_right_arithmetic3A_23 = arith.shrsi %add3A_12, %shift_right_arithmetic3A_22 : vector<16xi32>
    %shift_right_arithmetic3A_24 = arith.constant 3 : i32
    %shift_right_arithmetic3A_25 = vector.broadcast %shift_right_arithmetic3A_24 : i32 to vector<16xi32>
    %shift_right_arithmetic3A_26 = arith.shrsi %add3A_15, %shift_right_arithmetic3A_25 : vector<16xi32>
    %and3A = arith.constant 7 : i32
    %and3A_27 = vector.broadcast %and3A : i32 to vector<16xi32>
    %and3A_28 = arith.andi %add3A_6, %and3A_27 : vector<16xi32>
    %and3A_29 = arith.constant 7 : i32
    %and3A_30 = vector.broadcast %and3A_29 : i32 to vector<16xi32>
    %and3A_31 = arith.andi %add3A_9, %and3A_30 : vector<16xi32>
    %and3A_32 = arith.constant 7 : i32
    %and3A_33 = vector.broadcast %and3A_32 : i32 to vector<16xi32>
    %and3A_34 = arith.andi %add3A_12, %and3A_33 : vector<16xi32>
    %and3A_35 = arith.constant 7 : i32
    %and3A_36 = vector.broadcast %and3A_35 : i32 to vector<16xi32>
    %and3A_37 = arith.andi %add3A_15, %and3A_36 : vector<16xi32>
    %dma_start3A = arith.constant 0 : i32
    %dma_start3A_38 = arith.constant 0 : i32
    %dma_start3A_39 = tpu.memref_slice %arg5[%dma_start3A, %dma_start3A_38] : memref<200x128xi32, #tpu.memory_space<vmem>> -> memref<1x128xi32, #tpu.memory_space<vmem>>
    %dma_start3A_40 = tpu.memref_squeeze %dma_start3A_39 : memref<1x128xi32, #tpu.memory_space<vmem>> -> memref<128xi32, #tpu.memory_space<vmem>>
    %dma_start3A_41 = arith.constant 0 : i32
    %dma_start3A_42 = arith.constant 0 : i32
    %dma_start3A_43 = tpu.memref_slice %arg3[%dma_start3A_41, %dma_start3A_42] : memref<100000x64xf32, #tpu.memory_space<hbm>> -> memref<100000x64xf32, #tpu.memory_space<hbm>>
    tpu.enqueue_indirect_dma source(%dma_start3A_43 : memref<100000x64xf32, #tpu.memory_space<hbm>>) target(%arg6 : memref<128x64xf32, #tpu.memory_space<vmem>>) offsets(%dma_start3A_40 : memref<128xi32, #tpu.memory_space<vmem>>) semaphore(%arg14 : memref<!tpu.dma_semaphore, #tpu.memory_space<semaphore_mem>>)
    %dma_start3A_44 = arith.constant 1 : i32
    %dma_start3A_45 = arith.constant 0 : i32
    %dma_start3A_46 = tpu.memref_slice %arg5[%dma_start3A_44, %dma_start3A_45] : memref<200x128xi32, #tpu.memory_space<vmem>> -> memref<1x128xi32, #tpu.memory_space<vmem>>
    %dma_start3A_47 = tpu.memref_squeeze %dma_start3A_46 : memref<1x128xi32, #tpu.memory_space<vmem>> -> memref<128xi32, #tpu.memory_space<vmem>>
    %dma_start3A_48 = arith.constant 0 : i32
    %dma_start3A_49 = arith.constant 0 : i32
    %dma_start3A_50 = tpu.memref_slice %arg3[%dma_start3A_48, %dma_start3A_49] : memref<100000x64xf32, #tpu.memory_space<hbm>> -> memref<100000x64xf32, #tpu.memory_space<hbm>>
    tpu.enqueue_indirect_dma source(%dma_start3A_50 : memref<100000x64xf32, #tpu.memory_space<hbm>>) target(%arg7 : memref<128x64xf32, #tpu.memory_space<vmem>>) offsets(%dma_start3A_47 : memref<128xi32, #tpu.memory_space<vmem>>) semaphore(%arg15 : memref<!tpu.dma_semaphore, #tpu.memory_space<semaphore_mem>>)
    %dma_start3A_51 = arith.constant 2 : i32
    %dma_start3A_52 = arith.constant 0 : i32
    %dma_start3A_53 = tpu.memref_slice %arg5[%dma_start3A_51, %dma_start3A_52] : memref<200x128xi32, #tpu.memory_space<vmem>> -> memref<1x128xi32, #tpu.memory_space<vmem>>
    %dma_start3A_54 = tpu.memref_squeeze %dma_start3A_53 : memref<1x128xi32, #tpu.memory_space<vmem>> -> memref<128xi32, #tpu.memory_space<vmem>>
    %dma_start3A_55 = arith.constant 0 : i32
    %dma_start3A_56 = arith.constant 0 : i32
    %dma_start3A_57 = tpu.memref_slice %arg3[%dma_start3A_55, %dma_start3A_56] : memref<100000x64xf32, #tpu.memory_space<hbm>> -> memref<100000x64xf32, #tpu.memory_space<hbm>>
    tpu.enqueue_indirect_dma source(%dma_start3A_57 : memref<100000x64xf32, #tpu.memory_space<hbm>>) target(%arg8 : memref<128x64xf32, #tpu.memory_space<vmem>>) offsets(%dma_start3A_54 : memref<128xi32, #tpu.memory_space<vmem>>) semaphore(%arg16 : memref<!tpu.dma_semaphore, #tpu.memory_space<semaphore_mem>>)
    %dma_start3A_58 = arith.constant 3 : i32
    %dma_start3A_59 = arith.constant 0 : i32
    %dma_start3A_60 = tpu.memref_slice %arg5[%dma_start3A_58, %dma_start3A_59] : memref<200x128xi32, #tpu.memory_space<vmem>> -> memref<1x128xi32, #tpu.memory_space<vmem>>
    %dma_start3A_61 = tpu.memref_squeeze %dma_start3A_60 : memref<1x128xi32, #tpu.memory_space<vmem>> -> memref<128xi32, #tpu.memory_space<vmem>>
    %dma_start3A_62 = arith.constant 0 : i32
    %dma_start3A_63 = arith.constant 0 : i32
    %dma_start3A_64 = tpu.memref_slice %arg3[%dma_start3A_62, %dma_start3A_63] : memref<100000x64xf32, #tpu.memory_space<hbm>> -> memref<100000x64xf32, #tpu.memory_space<hbm>>
    tpu.enqueue_indirect_dma source(%dma_start3A_64 : memref<100000x64xf32, #tpu.memory_space<hbm>>) target(%arg9 : memref<128x64xf32, #tpu.memory_space<vmem>>) offsets(%dma_start3A_61 : memref<128xi32, #tpu.memory_space<vmem>>) semaphore(%arg17 : memref<!tpu.dma_semaphore, #tpu.memory_space<semaphore_mem>>)
    %dma_wait3A = arith.constant 0 : i32
    %dma_wait3A_65 = arith.constant 0 : i32
    %dma_wait3A_66 = tpu.memref_slice %arg5[%dma_wait3A, %dma_wait3A_65] : memref<200x128xi32, #tpu.memory_space<vmem>> -> memref<1x128xi32, #tpu.memory_space<vmem>>
    %dma_wait3A_67 = tpu.memref_squeeze %dma_wait3A_66 : memref<1x128xi32, #tpu.memory_space<vmem>> -> memref<128xi32, #tpu.memory_space<vmem>>
    %dma_wait3A_68 = arith.constant 0 : i32
    %dma_wait3A_69 = arith.constant 0 : i32
    %dma_wait3A_70 = tpu.memref_slice %arg3[%dma_wait3A_68, %dma_wait3A_69] : memref<100000x64xf32, #tpu.memory_space<hbm>> -> memref<100000x64xf32, #tpu.memory_space<hbm>>
    tpu.wait_indirect_dma semaphore(%arg14 : memref<!tpu.dma_semaphore, #tpu.memory_space<semaphore_mem>>) src(%dma_wait3A_70 : memref<100000x64xf32, #tpu.memory_space<hbm>>) dst(%arg6 : memref<128x64xf32, #tpu.memory_space<vmem>>)
    %scan3A = arith.constant 0 : i32
    %scan3A_71 = arith.constant 0 : i32
    %scan3A_72 = arith.constant 16 : i32
    %scan3A_73 = arith.addi %scan3A_71, %scan3A_72 : i32
    %scan3A_74 = arith.constant 1 : i32
    scf.for %scan3A_1152 = %scan3A_71 to %scan3A_73 step %scan3A_74  : i32 {
      %mul3A_1153 = arith.constant 8 : i32
      %mul3A_1154 = arith.muli %scan3A_1152, %mul3A_1153 : i32
      %add3A_1155 = vector.broadcast %mul3A_1154 : i32 to vector<16xi32>
      %add3A_1156 = arith.addi %broadcast_in_dim3A_3, %add3A_1155 : vector<16xi32>
      %mul3A_1157 = arith.constant 8 : i32
      %mul3A_1158 = arith.muli %scan3A_1152, %mul3A_1157 : i32
      %get3A = arith.index_cast %mul3A_1158 : i32 to index
      %get3A_1159 = arith.constant 0 : index
      %get3A_1160 = tpu.vector_load %arg6[%get3A, %get3A_1159] {strides = array<i32>} : memref<128x64xf32, #tpu.memory_space<vmem>>, vector<16xf32>,
      %mul3A_1161 = arith.constant 8 : i32
      %mul3A_1162 = arith.muli %scan3A_1152, %mul3A_1161 : i32
      %get3A_1163 = arith.index_cast %mul3A_1162 : i32 to index
      %get3A_1164 = arith.constant 16 : index
      %get3A_1165 = tpu.vector_load %arg6[%get3A_1163, %get3A_1164] {strides = array<i32>} : memref<128x64xf32, #tpu.memory_space<vmem>>, vector<16xf32>,
      %mul3A_1166 = arith.constant 8 : i32
      %mul3A_1167 = arith.muli %scan3A_1152, %mul3A_1166 : i32
      %get3A_1168 = arith.index_cast %mul3A_1167 : i32 to index
      %get3A_1169 = arith.constant 32 : index
      %get3A_1170 = tpu.vector_load %arg6[%get3A_1168, %get3A_1169] {strides = array<i32>} : memref<128x64xf32, #tpu.memory_space<vmem>>, vector<16xf32>,
      %mul3A_1171 = arith.constant 8 : i32
      %mul3A_1172 = arith.muli %scan3A_1152, %mul3A_1171 : i32
      %get3A_1173 = arith.index_cast %mul3A_1172 : i32 to index
      %get3A_1174 = arith.constant 48 : index
      %get3A_1175 = tpu.vector_load %arg6[%get3A_1173, %get3A_1174] {strides = array<i32>} : memref<128x64xf32, #tpu.memory_space<vmem>>, vector<16xf32>,
      %mul3A_1176 = arith.constant 8 : i32
      %mul3A_1177 = arith.muli %scan3A_1152, %mul3A_1176 : i32
      %add3A_1178 = arith.constant 1 : i32
      %add3A_1179 = arith.addi %mul3A_1177, %add3A_1178 : i32
      %get3A_1180 = arith.index_cast %add3A_1179 : i32 to index
      %get3A_1181 = arith.constant 0 : index
      %get3A_1182 = tpu.vector_load %arg6[%get3A_1180, %get3A_1181] {strides = array<i32>} : memref<128x64xf32, #tpu.memory_space<vmem>>, vector<16xf32>,
      tpu.vector_store_idx %arg10[%shift_right_arithmetic3A_17, %and3A_28, %add3A_1156], %get3A_1160 : memref<8x8x129xf32, #tpu.memory_space<vmem>>[vector<16xi32>, vector<16xi32>, vector<16xi32>], vector<16xf32>,
      %get3A_1183 = arith.index_cast %add3A_1179 : i32 to index
      %get3A_1184 = arith.constant 16 : index
      %get3A_1185 = tpu.vector_load %arg6[%get3A_1183, %get3A_1184] {strides = array<i32>} : memref<128x64xf32, #tpu.memory_space<vmem>>, vector<16xf32>,
      tpu.vector_store_idx %arg10[%shift_right_arithmetic3A_20, %and3A_31, %add3A_1156], %get3A_1165 : memref<8x8x129xf32, #tpu.memory_space<vmem>>[vector<16xi32>, vector<16xi32>, vector<16xi32>], vector<16xf32>,
      %get3A_1186 = arith.index_cast %add3A_1179 : i32 to index
      %get3A_1187 = arith.constant 32 : index
      %get3A_1188 = tpu.vector_load %arg6[%get3A_1186, %get3A_1187] {strides = array<i32>} : memref<128x64xf32, #tpu.memory_space<vmem>>, vector<16xf32>,
      tpu.vector_store_idx %arg10[%shift_right_arithmetic3A_23, %and3A_34, %add3A_1156], %get3A_1170 : memref<8x8x129xf32, #tpu.memory_space<vmem>>[vector<16xi32>, vector<16xi32>, vector<16xi32>], vector<16xf32>,
      %get3A_1189 = arith.index_cast %add3A_1179 : i32 to index
      %get3A_1190 = arith.constant 48 : index
      %get3A_1191 = tpu.vector_load %arg6[%get3A_1189, %get3A_1190] {strides = array<i32>} : memref<128x64xf32, #tpu.memory_space<vmem>>, vector<16xf32>,
      tpu.vector_store_idx %arg10[%shift_right_arithmetic3A_26, %and3A_37, %add3A_1156], %get3A_1175 : memref<8x8x129xf32, #tpu.memory_space<vmem>>[vector<16xi32>, vector<16xi32>, vector<16xi32>], vector<16xf32>,
      %mul3A_1192 = arith.constant 8 : i32
      %mul3A_1193 = arith.muli %scan3A_1152, %mul3A_1192 : i32
      %add3A_1194 = arith.constant 2 : i32
      %add3A_1195 = arith.addi %mul3A_1193, %add3A_1194 : i32
      %add3A_1196 = arith.constant 1 : i32
      %add3A_1197 = vector.broadcast %add3A_1196 : i32 to vector<16xi32>
      %add3A_1198 = arith.addi %add3A_1156, %add3A_1197 : vector<16xi32>
      %get3A_1199 = arith.index_cast %add3A_1195 : i32 to index
      %get3A_1200 = arith.constant 0 : index
      %get3A_1201 = tpu.vector_load %arg6[%get3A_1199, %get3A_1200] {strides = array<i32>} : memref<128x64xf32, #tpu.memory_space<vmem>>, vector<16xf32>,
      tpu.vector_store_idx %arg10[%shift_right_arithmetic3A_17, %and3A_28, %add3A_1198], %get3A_1182 : memref<8x8x129xf32, #tpu.memory_space<vmem>>[vector<16xi32>, vector<16xi32>, vector<16xi32>], vector<16xf32>,
      %get3A_1202 = arith.index_cast %add3A_1195 : i32 to index
      %get3A_1203 = arith.constant 16 : index
      %get3A_1204 = tpu.vector_load %arg6[%get3A_1202, %get3A_1203] {strides = array<i32>} : memref<128x64xf32, #tpu.memory_space<vmem>>, vector<16xf32>,
      tpu.vector_store_idx %arg10[%shift_right_arithmetic3A_20, %and3A_31, %add3A_1198], %get3A_1185 : memref<8x8x129xf32, #tpu.memory_space<vmem>>[vector<16xi32>, vector<16xi32>, vector<16xi32>], vector<16xf32>,
      %get3A_1205 = arith.index_cast %add3A_1195 : i32 to index
      %get3A_1206 = arith.constant 32 : index
      %get3A_1207 = tpu.vector_load %arg6[%get3A_1205, %get3A_1206] {strides = array<i32>} : memref<128x64xf32, #tpu.memory_space<vmem>>, vector<16xf32>,
      tpu.vector_store_idx %arg10[%shift_right_arithmetic3A_23, %and3A_34, %add3A_1198], %get3A_1188 : memref<8x8x129xf32, #tpu.memory_space<vmem>>[vector<16xi32>, vector<16xi32>, vector<16xi32>], vector<16xf32>,
      %get3A_1208 = arith.index_cast %add3A_1195 : i32 to index
      %get3A_1209 = arith.constant 48 : index
      %get3A_1210 = tpu.vector_load %arg6[%get3A_1208, %get3A_1209] {strides = array<i32>} : memref<128x64xf32, #tpu.memory_space<vmem>>, vector<16xf32>,
      tpu.vector_store_idx %arg10[%shift_right_arithmetic3A_26, %and3A_37, %add3A_1198], %get3A_1191 : memref<8x8x129xf32, #tpu.memory_space<vmem>>[vector<16xi32>, vector<16xi32>, vector<16xi32>], vector<16xf32>,
      %mul3A_1211 = arith.constant 8 : i32
      %mul3A_1212 = arith.muli %scan3A_1152, %mul3A_1211 : i32
      %add3A_1213 = arith.constant 3 : i32
      %add3A_1214 = arith.addi %mul3A_1212, %add3A_1213 : i32
      %add3A_1215 = arith.constant 2 : i32
      %add3A_1216 = vector.broadcast %add3A_1215 : i32 to vector<16xi32>
      %add3A_1217 = arith.addi %add3A_1156, %add3A_1216 : vector<16xi32>
      %get3A_1218 = arith.index_cast %add3A_1214 : i32 to index
      %get3A_1219 = arith.constant 0 : index
      %get3A_1220 = tpu.vector_load %arg6[%get3A_1218, %get3A_1219] {strides = array<i32>} : memref<128x64xf32, #tpu.memory_space<vmem>>, vector<16xf32>,
      tpu.vector_store_idx %arg10[%shift_right_arithmetic3A_17, %and3A_28, %add3A_1217], %get3A_1201 : memref<8x8x129xf32, #tpu.memory_space<vmem>>[vector<16xi32>, vector<16xi32>, vector<16xi32>], vector<16xf32>,
      %get3A_1221 = arith.index_cast %add3A_1214 : i32 to index
      %get3A_1222 = arith.constant 16 : index
      %get3A_1223 = tpu.vector_load %arg6[%get3A_1221, %get3A_1222] {strides = array<i32>} : memref<128x64xf32, #tpu.memory_space<vmem>>, vector<16xf32>,
      tpu.vector_store_idx %arg10[%shift_right_arithmetic3A_20, %and3A_31, %add3A_1217], %get3A_1204 : memref<8x8x129xf32, #tpu.memory_space<vmem>>[vector<16xi32>, vector<16xi32>, vector<16xi32>], vector<16xf32>,
      %get3A_1224 = arith.index_cast %add3A_1214 : i32 to index
      %get3A_1225 = arith.constant 32 : index
      %get3A_1226 = tpu.vector_load %arg6[%get3A_1224, %get3A_1225] {strides = array<i32>} : memref<128x64xf32, #tpu.memory_space<vmem>>, vector<16xf32>,
      tpu.vector_store_idx %arg10[%shift_right_arithmetic3A_23, %and3A_34, %add3A_1217], %get3A_1207 : memref<8x8x129xf32, #tpu.memory_space<vmem>>[vector<16xi32>, vector<16xi32>, vector<16xi32>], vector<16xf32>,
      %get3A_1227 = arith.index_cast %add3A_1214 : i32 to index
      %get3A_1228 = arith.constant 48 : index
      %get3A_1229 = tpu.vector_load %arg6[%get3A_1227, %get3A_1228] {strides = array<i32>} : memref<128x64xf32, #tpu.memory_space<vmem>>, vector<16xf32>,
      tpu.vector_store_idx %arg10[%shift_right_arithmetic3A_26, %and3A_37, %add3A_1217], %get3A_1210 : memref<8x8x129xf32, #tpu.memory_space<vmem>>[vector<16xi32>, vector<16xi32>, vector<16xi32>], vector<16xf32>,
      %mul3A_1230 = arith.constant 8 : i32
      %mul3A_1231 = arith.muli %scan3A_1152, %mul3A_1230 : i32
      %add3A_1232 = arith.constant 4 : i32
      %add3A_1233 = arith.addi %mul3A_1231, %add3A_1232 : i32
      %add3A_1234 = arith.constant 3 : i32
      %add3A_1235 = vector.broadcast %add3A_1234 : i32 to vector<16xi32>
      %add3A_1236 = arith.addi %add3A_1156, %add3A_1235 : vector<16xi32>
      %get3A_1237 = arith.index_cast %add3A_1233 : i32 to index
      %get3A_1238 = arith.constant 0 : index
      %get3A_1239 = tpu.vector_load %arg6[%get3A_1237, %get3A_1238] {strides = array<i32>} : memref<128x64xf32, #tpu.memory_space<vmem>>, vector<16xf32>,
      tpu.vector_store_idx %arg10[%shift_right_arithmetic3A_17, %and3A_28, %add3A_1236], %get3A_1220 : memref<8x8x129xf32, #tpu.memory_space<vmem>>[vector<16xi32>, vector<16xi32>, vector<16xi32>], vector<16xf32>,
      %get3A_1240 = arith.index_cast %add3A_1233 : i32 to index
      %get3A_1241 = arith.constant 16 : index
      %get3A_1242 = tpu.vector_load %arg6[%get3A_1240, %get3A_1241] {strides = array<i32>} : memref<128x64xf32, #tpu.memory_space<vmem>>, vector<16xf32>,
      tpu.vector_store_idx %arg10[%shift_right_arithmetic3A_20, %and3A_31, %add3A_1236], %get3A_1223 : memref<8x8x129xf32, #tpu.memory_space<vmem>>[vector<16xi32>, vector<16xi32>, vector<16xi32>], vector<16xf32>,
      %get3A_1243 = arith.index_cast %add3A_1233 : i32 to index
      %get3A_1244 = arith.constant 32 : index
      %get3A_1245 = tpu.vector_load %arg6[%get3A_1243, %get3A_1244] {strides = array<i32>} : memref<128x64xf32, #tpu.memory_space<vmem>>, vector<16xf32>,
      tpu.vector_store_idx %arg10[%shift_right_arithmetic3A_23, %and3A_34, %add3A_1236], %get3A_1226 : memref<8x8x129xf32, #tpu.memory_space<vmem>>[vector<16xi32>, vector<16xi32>, vector<16xi32>], vector<16xf32>,
      %get3A_1246 = arith.index_cast %add3A_1233 : i32 to index
      %get3A_1247 = arith.constant 48 : index
      %get3A_1248 = tpu.vector_load %arg6[%get3A_1246, %get3A_1247] {strides = array<i32>} : memref<128x64xf32, #tpu.memory_space<vmem>>, vector<16xf32>,
      tpu.vector_store_idx %arg10[%shift_right_arithmetic3A_26, %and3A_37, %add3A_1236], %get3A_1229 : memref<8x8x129xf32, #tpu.memory_space<vmem>>[vector<16xi32>, vector<16xi32>, vector<16xi32>], vector<16xf32>,
      %mul3A_1249 = arith.constant 8 : i32
      %mul3A_1250 = arith.muli %scan3A_1152, %mul3A_1249 : i32
      %add3A_1251 = arith.constant 5 : i32
      %add3A_1252 = arith.addi %mul3A_1250, %add3A_1251 : i32
      %add3A_1253 = arith.constant 4 : i32
      %add3A_1254 = vector.broadcast %add3A_1253 : i32 to vector<16xi32>
      %add3A_1255 = arith.addi %add3A_1156, %add3A_1254 : vector<16xi32>
      %get3A_1256 = arith.index_cast %add3A_1252 : i32 to index
      %get3A_1257 = arith.constant 0 : index
      %get3A_1258 = tpu.vector_load %arg6[%get3A_1256, %get3A_1257] {strides = array<i32>} : memref<128x64xf32, #tpu.memory_space<vmem>>, vector<16xf32>,
      tpu.vector_store_idx %arg10[%shift_right_arithmetic3A_17, %and3A_28, %add3A_1255], %get3A_1239 : memref<8x8x129xf32, #tpu.memory_space<vmem>>[vector<16xi32>, vector<16xi32>, vector<16xi32>], vector<16xf32>,
      %get3A_1259 = arith.index_cast %add3A_1252 : i32 to index
      %get3A_1260 = arith.constant 16 : index
      %get3A_1261 = tpu.vector_load %arg6[%get3A_1259, %get3A_1260] {strides = array<i32>} : memref<128x64xf32, #tpu.memory_space<vmem>>, vector<16xf32>,
      tpu.vector_store_idx %arg10[%shift_right_arithmetic3A_20, %and3A_31, %add3A_1255], %get3A_1242 : memref<8x8x129xf32, #tpu.memory_space<vmem>>[vector<16xi32>, vector<16xi32>, vector<16xi32>], vector<16xf32>,
      %get3A_1262 = arith.index_cast %add3A_1252 : i32 to index
      %get3A_1263 = arith.constant 32 : index
      %get3A_1264 = tpu.vector_load %arg6[%get3A_1262, %get3A_1263] {strides = array<i32>} : memref<128x64xf32, #tpu.memory_space<vmem>>, vector<16xf32>,
      tpu.vector_store_idx %arg10[%shift_right_arithmetic3A_23, %and3A_34, %add3A_1255], %get3A_1245 : memref<8x8x129xf32, #tpu.memory_space<vmem>>[vector<16xi32>, vector<16xi32>, vector<16xi32>], vector<16xf32>,
      %get3A_1265 = arith.index_cast %add3A_1252 : i32 to index
      %get3A_1266 = arith.constant 48 : index
      %get3A_1267 = tpu.vector_load %arg6[%get3A_1265, %get3A_1266] {strides = array<i32>} : memref<128x64xf32, #tpu.memory_space<vmem>>, vector<16xf32>,
      tpu.vector_store_idx %arg10[%shift_right_arithmetic3A_26, %and3A_37, %add3A_1255], %get3A_1248 : memref<8x8x129xf32, #tpu.memory_space<vmem>>[vector<16xi32>, vector<16xi32>, vector<16xi32>], vector<16xf32>,
      %mul3A_1268 = arith.constant 8 : i32
      %mul3A_1269 = arith.muli %scan3A_1152, %mul3A_1268 : i32
      %add3A_1270 = arith.constant 6 : i32
      %add3A_1271 = arith.addi %mul3A_1269, %add3A_1270 : i32
      %add3A_1272 = arith.constant 5 : i32
      %add3A_1273 = vector.broadcast %add3A_1272 : i32 to vector<16xi32>
      %add3A_1274 = arith.addi %add3A_1156, %add3A_1273 : vector<16xi32>
      %get3A_1275 = arith.index_cast %add3A_1271 : i32 to index
      %get3A_1276 = arith.constant 0 : index
      %get3A_1277 = tpu.vector_load %arg6[%get3A_1275, %get3A_1276] {strides = array<i32>} : memref<128x64xf32, #tpu.memory_space<vmem>>, vector<16xf32>,
      tpu.vector_store_idx %arg10[%shift_right_arithmetic3A_17, %and3A_28, %add3A_1274], %get3A_1258 : memref<8x8x129xf32, #tpu.memory_space<vmem>>[vector<16xi32>, vector<16xi32>, vector<16xi32>], vector<16xf32>,
      %get3A_1278 = arith.index_cast %add3A_1271 : i32 to index
      %get3A_1279 = arith.constant 16 : index
      %get3A_1280 = tpu.vector_load %arg6[%get3A_1278, %get3A_1279] {strides = array<i32>} : memref<128x64xf32, #tpu.memory_space<vmem>>, vector<16xf32>,
      tpu.vector_store_idx %arg10[%shift_right_arithmetic3A_20, %and3A_31, %add3A_1274], %get3A_1261 : memref<8x8x129xf32, #tpu.memory_space<vmem>>[vector<16xi32>, vector<16xi32>, vector<16xi32>], vector<16xf32>,
      %get3A_1281 = arith.index_cast %add3A_1271 : i32 to index
      %get3A_1282 = arith.constant 32 : index
      %get3A_1283 = tpu.vector_load %arg6[%get3A_1281, %get3A_1282] {strides = array<i32>} : memref<128x64xf32, #tpu.memory_space<vmem>>, vector<16xf32>,
      tpu.vector_store_idx %arg10[%shift_right_arithmetic3A_23, %and3A_34, %add3A_1274], %get3A_1264 : memref<8x8x129xf32, #tpu.memory_space<vmem>>[vector<16xi32>, vector<16xi32>, vector<16xi32>], vector<16xf32>,
      %get3A_1284 = arith.index_cast %add3A_1271 : i32 to index
      %get3A_1285 = arith.constant 48 : index
      %get3A_1286 = tpu.vector_load %arg6[%get3A_1284, %get3A_1285] {strides = array<i32>} : memref<128x64xf32, #tpu.memory_space<vmem>>, vector<16xf32>,
      tpu.vector_store_idx %arg10[%shift_right_arithmetic3A_26, %and3A_37, %add3A_1274], %get3A_1267 : memref<8x8x129xf32, #tpu.memory_space<vmem>>[vector<16xi32>, vector<16xi32>, vector<16xi32>], vector<16xf32>,
      %mul3A_1287 = arith.constant 8 : i32
      %mul3A_1288 = arith.muli %scan3A_1152, %mul3A_1287 : i32
      %add3A_1289 = arith.constant 7 : i32
      %add3A_1290 = arith.addi %mul3A_1288, %add3A_1289 : i32
      %add3A_1291 = arith.constant 6 : i32
      %add3A_1292 = vector.broadcast %add3A_1291 : i32 to vector<16xi32>
      %add3A_1293 = arith.addi %add3A_1156, %add3A_1292 : vector<16xi32>
      %get3A_1294 = arith.index_cast %add3A_1290 : i32 to index
      %get3A_1295 = arith.constant 0 : index
      %get3A_1296 = tpu.vector_load %arg6[%get3A_1294, %get3A_1295] {strides = array<i32>} : memref<128x64xf32, #tpu.memory_space<vmem>>, vector<16xf32>,
      tpu.vector_store_idx %arg10[%shift_right_arithmetic3A_17, %and3A_28, %add3A_1293], %get3A_1277 : memref<8x8x129xf32, #tpu.memory_space<vmem>>[vector<16xi32>, vector<16xi32>, vector<16xi32>], vector<16xf32>,
      %get3A_1297 = arith.index_cast %add3A_1290 : i32 to index
      %get3A_1298 = arith.constant 16 : index
      %get3A_1299 = tpu.vector_load %arg6[%get3A_1297, %get3A_1298] {strides = array<i32>} : memref<128x64xf32, #tpu.memory_space<vmem>>, vector<16xf32>,
      tpu.vector_store_idx %arg10[%shift_right_arithmetic3A_20, %and3A_31, %add3A_1293], %get3A_1280 : memref<8x8x129xf32, #tpu.memory_space<vmem>>[vector<16xi32>, vector<16xi32>, vector<16xi32>], vector<16xf32>,
      %get3A_1300 = arith.index_cast %add3A_1290 : i32 to index
      %get3A_1301 = arith.constant 32 : index
      %get3A_1302 = tpu.vector_load %arg6[%get3A_1300, %get3A_1301] {strides = array<i32>} : memref<128x64xf32, #tpu.memory_space<vmem>>, vector<16xf32>,
      tpu.vector_store_idx %arg10[%shift_right_arithmetic3A_23, %and3A_34, %add3A_1293], %get3A_1283 : memref<8x8x129xf32, #tpu.memory_space<vmem>>[vector<16xi32>, vector<16xi32>, vector<16xi32>], vector<16xf32>,
      %get3A_1303 = arith.index_cast %add3A_1290 : i32 to index
      %get3A_1304 = arith.constant 48 : index
      %get3A_1305 = tpu.vector_load %arg6[%get3A_1303, %get3A_1304] {strides = array<i32>} : memref<128x64xf32, #tpu.memory_space<vmem>>, vector<16xf32>,
      tpu.vector_store_idx %arg10[%shift_right_arithmetic3A_26, %and3A_37, %add3A_1293], %get3A_1286 : memref<8x8x129xf32, #tpu.memory_space<vmem>>[vector<16xi32>, vector<16xi32>, vector<16xi32>], vector<16xf32>,
      %add3A_1306 = arith.constant 7 : i32
      %add3A_1307 = vector.broadcast %add3A_1306 : i32 to vector<16xi32>
      %add3A_1308 = arith.addi %add3A_1156, %add3A_1307 : vector<16xi32>
      tpu.vector_store_idx %arg10[%shift_right_arithmetic3A_17, %and3A_28, %add3A_1308], %get3A_1296 : memref<8x8x129xf32, #tpu.memory_space<vmem>>[vector<16xi32>, vector<16xi32>, vector<16xi32>], vector<16xf32>,
      tpu.vector_store_idx %arg10[%shift_right_arithmetic3A_20, %and3A_31, %add3A_1308], %get3A_1299 : memref<8x8x129xf32, #tpu.memory_space<vmem>>[vector<16xi32>, vector<16xi32>, vector<16xi32>], vector<16xf32>,
      tpu.vector_store_idx %arg10[%shift_right_arithmetic3A_23, %and3A_34, %add3A_1308], %get3A_1302 : memref<8x8x129xf32, #tpu.memory_space<vmem>>[vector<16xi32>, vector<16xi32>, vector<16xi32>], vector<16xf32>,
      tpu.vector_store_idx %arg10[%shift_right_arithmetic3A_26, %and3A_37, %add3A_1308], %get3A_1305 : memref<8x8x129xf32, #tpu.memory_space<vmem>>[vector<16xi32>, vector<16xi32>, vector<16xi32>], vector<16xf32>,
    }
    %scan3A_75 = arith.constant 16 : i32
    %dma_start3A_76 = arith.constant 4 : i32
    %dma_start3A_77 = arith.constant 0 : i32
    %dma_start3A_78 = tpu.memref_slice %arg5[%dma_start3A_76, %dma_start3A_77] : memref<200x128xi32, #tpu.memory_space<vmem>> -> memref<1x128xi32, #tpu.memory_space<vmem>>
    %dma_start3A_79 = tpu.memref_squeeze %dma_start3A_78 : memref<1x128xi32, #tpu.memory_space<vmem>> -> memref<128xi32, #tpu.memory_space<vmem>>
    %dma_start3A_80 = arith.constant 0 : i32
    %dma_start3A_81 = arith.constant 0 : i32
    %dma_start3A_82 = tpu.memref_slice %arg3[%dma_start3A_80, %dma_start3A_81] : memref<100000x64xf32, #tpu.memory_space<hbm>> -> memref<100000x64xf32, #tpu.memory_space<hbm>>
    tpu.enqueue_indirect_dma source(%dma_start3A_82 : memref<100000x64xf32, #tpu.memory_space<hbm>>) target(%arg6 : memref<128x64xf32, #tpu.memory_space<vmem>>) offsets(%dma_start3A_79 : memref<128xi32, #tpu.memory_space<vmem>>) semaphore(%arg14 : memref<!tpu.dma_semaphore, #tpu.memory_space<semaphore_mem>>)
    %add3A_83 = arith.constant 0 : i32
    %add3A_84 = arith.addi %mul3A_2, %add3A_83 : i32
    %jit3A = arith.constant 128 : i32
    %div3A = arith.divsi %add3A_84, %jit3A : i32
    %sign3A = arith.constant 0 : i32
    %sign3A_85 = arith.cmpi sgt, %add3A_84, %sign3A : i32
    %sign3A_86 = arith.extui %sign3A_85 : i1 to i32
    %sign3A_87 = arith.constant 0 : i32
    %sign3A_88 = arith.cmpi slt, %add3A_84, %sign3A_87 : i32
    %sign3A_89 = arith.extui %sign3A_88 : i1 to i32
    %sign3A_90 = arith.subi %sign3A_86, %sign3A_89 : i32
    %sign3A_91 = arith.constant 0 : i32
    %sign3A_92 = arith.cmpi sgt, %jit3A, %sign3A_91 : i32
    %sign3A_93 = arith.extui %sign3A_92 : i1 to i32
    %sign3A_94 = arith.constant 0 : i32
    %sign3A_95 = arith.cmpi slt, %jit3A, %sign3A_94 : i32
    %sign3A_96 = arith.extui %sign3A_95 : i1 to i32
    %sign3A_97 = arith.subi %sign3A_93, %sign3A_96 : i32
    %ne3A = arith.cmpi ne, %sign3A_90, %sign3A_97 : i32
    %rem3A = arith.remsi %add3A_84, %jit3A : i32
    %ne3A_98 = arith.constant 0 : i32
    %ne3A_99 = arith.cmpi ne, %rem3A, %ne3A_98 : i32
    %and3A_100 = arith.andi %ne3A, %ne3A_99 : i1
    %sub3A = arith.constant 1 : i32
    %sub3A_101 = arith.subi %div3A, %sub3A : i32
    %select_n3A = arith.select %and3A_100, %sub3A_101, %div3A : i32
    %jit3A_102 = arith.constant 128 : i32
    %eq3A = arith.constant 0 : i32
    %eq3A_103 = arith.cmpi eq, %jit3A_102, %eq3A : i32
    %jit3A_104 = arith.constant 1 : i32
    %select_n3A_105 = arith.select %eq3A_103, %jit3A_104, %jit3A_102 : i32
    %rem3A_106 = arith.remsi %add3A_84, %select_n3A_105 : i32
    %ne3A_107 = arith.constant 0 : i32
    %ne3A_108 = arith.cmpi ne, %rem3A_106, %ne3A_107 : i32
    %lt3A = arith.constant 0 : i32
    %lt3A_109 = arith.cmpi slt, %rem3A_106, %lt3A : i32
    %lt3A_110 = arith.constant 0 : i32
    %lt3A_111 = arith.cmpi slt, %select_n3A_105, %lt3A_110 : i32
    %ne3A_112 = arith.xori %lt3A_109, %lt3A_111 : i1
    %and3A_113 = arith.andi %ne3A_112, %ne3A_108 : i1
    %add3A_114 = arith.addi %rem3A_106, %select_n3A_105 : i32
    %select_n3A_115 = arith.select %and3A_113, %add3A_114, %rem3A_106 : i32
    %dma_start3A_116 = arith.constant 0 : i32
    %dma_start3A_117 = arith.constant 0 : i32
    %dma_start3A_118 = arith.constant 0 : i32
    %dma_start3A_119 = tpu.memref_slice %arg10[%dma_start3A_116, %dma_start3A_117, %dma_start3A_118] : memref<8x8x129xf32, #tpu.memory_space<vmem>> -> memref<8x8x128xf32, #tpu.memory_space<vmem>>
    %dma_start3A_120 = arith.constant 0 : i32
    %dma_start3A_121 = arith.constant 0 : i32
    %dma_start3A_122 = arith.constant 0 : i32
    %dma_start3A_123 = tpu.memref_slice %arg4[%select_n3A, %dma_start3A_120, %select_n3A_115, %dma_start3A_121, %dma_start3A_122] : memref<50x8x128x8x128xf32, #tpu.memory_space<hbm>> -> memref<1x8x1x8x128xf32, #tpu.memory_space<hbm>>
    %dma_start3A_124 = tpu.memref_squeeze %dma_start3A_123 : memref<1x8x1x8x128xf32, #tpu.memory_space<hbm>> -> memref<8x8x128xf32, #tpu.memory_space<hbm>>
    %dma_start3A_125 = arith.constant 0 : i32
    %dma_start3A_126 = arith.constant 0 : i32
    %dma_start3A_127 = arith.constant 0 : i32
    %dma_start3A_128 = tpu.memref_slice %arg4[%select_n3A, %dma_start3A_125, %select_n3A_115, %dma_start3A_126, %dma_start3A_127] : memref<50x8x128x8x128xf32, #tpu.memory_space<hbm>> -> memref<1x8x1x8x128xf32, #tpu.memory_space<hbm>>
    %dma_start3A_129 = tpu.memref_squeeze %dma_start3A_128 : memref<1x8x1x8x128xf32, #tpu.memory_space<hbm>> -> memref<8x8x128xf32, #tpu.memory_space<hbm>>
    %dma_start3A_130 = arith.constant 0 : i32
    %dma_start3A_131 = arith.constant 0 : i32
    %dma_start3A_132 = arith.constant 0 : i32
    %dma_start3A_133 = tpu.memref_slice %arg10[%dma_start3A_130, %dma_start3A_131, %dma_start3A_132] : memref<8x8x129xf32, #tpu.memory_space<vmem>> -> memref<8x8x128xf32, #tpu.memory_space<vmem>>
    tpu.enqueue_dma source(%dma_start3A_133 : memref<8x8x128xf32, #tpu.memory_space<vmem>>) target(%dma_start3A_129 : memref<8x8x128xf32, #tpu.memory_space<hbm>>) target_semaphore(%arg18 : memref<!tpu.dma_semaphore, #tpu.memory_space<semaphore_mem>>)
    %dma_wait3A_134 = arith.constant 1 : i32
    %dma_wait3A_135 = arith.constant 0 : i32
    %dma_wait3A_136 = tpu.memref_slice %arg5[%dma_wait3A_134, %dma_wait3A_135] : memref<200x128xi32, #tpu.memory_space<vmem>> -> memref<1x128xi32, #tpu.memory_space<vmem>>
    %dma_wait3A_137 = tpu.memref_squeeze %dma_wait3A_136 : memref<1x128xi32, #tpu.memory_space<vmem>> -> memref<128xi32, #tpu.memory_space<vmem>>
    %dma_wait3A_138 = arith.constant 0 : i32
    %dma_wait3A_139 = arith.constant 0 : i32
    %dma_wait3A_140 = tpu.memref_slice %arg3[%dma_wait3A_138, %dma_wait3A_139] : memref<100000x64xf32, #tpu.memory_space<hbm>> -> memref<100000x64xf32, #tpu.memory_space<hbm>>
    tpu.wait_indirect_dma semaphore(%arg15 : memref<!tpu.dma_semaphore, #tpu.memory_space<semaphore_mem>>) src(%dma_wait3A_140 : memref<100000x64xf32, #tpu.memory_space<hbm>>) dst(%arg7 : memref<128x64xf32, #tpu.memory_space<vmem>>)
    %scan3A_141 = arith.constant 0 : i32
    %scan3A_142 = arith.constant 0 : i32
    %scan3A_143 = arith.constant 16 : i32
    %scan3A_144 = arith.addi %scan3A_142, %scan3A_143 : i32
    %scan3A_145 = arith.constant 1 : i32
    scf.for %scan3A_1152 = %scan3A_142 to %scan3A_144 step %scan3A_145  : i32 {
      %mul3A_1153 = arith.constant 8 : i32
      %mul3A_1154 = arith.muli %scan3A_1152, %mul3A_1153 : i32
      %add3A_1155 = vector.broadcast %mul3A_1154 : i32 to vector<16xi32>
      %add3A_1156 = arith.addi %broadcast_in_dim3A_3, %add3A_1155 : vector<16xi32>
      %mul3A_1157 = arith.constant 8 : i32
      %mul3A_1158 = arith.muli %scan3A_1152, %mul3A_1157 : i32
      %get3A = arith.index_cast %mul3A_1158 : i32 to index
      %get3A_1159 = arith.constant 0 : index
      %get3A_1160 = tpu.vector_load %arg7[%get3A, %get3A_1159] {strides = array<i32>} : memref<128x64xf32, #tpu.memory_space<vmem>>, vector<16xf32>,
      %mul3A_1161 = arith.constant 8 : i32
      %mul3A_1162 = arith.muli %scan3A_1152, %mul3A_1161 : i32
      %get3A_1163 = arith.index_cast %mul3A_1162 : i32 to index
      %get3A_1164 = arith.constant 16 : index
      %get3A_1165 = tpu.vector_load %arg7[%get3A_1163, %get3A_1164] {strides = array<i32>} : memref<128x64xf32, #tpu.memory_space<vmem>>, vector<16xf32>,
      %mul3A_1166 = arith.constant 8 : i32
      %mul3A_1167 = arith.muli %scan3A_1152, %mul3A_1166 : i32
      %get3A_1168 = arith.index_cast %mul3A_1167 : i32 to index
      %get3A_1169 = arith.constant 32 : index
      %get3A_1170 = tpu.vector_load %arg7[%get3A_1168, %get3A_1169] {strides = array<i32>} : memref<128x64xf32, #tpu.memory_space<vmem>>, vector<16xf32>,
      %mul3A_1171 = arith.constant 8 : i32
      %mul3A_1172 = arith.muli %scan3A_1152, %mul3A_1171 : i32
      %get3A_1173 = arith.index_cast %mul3A_1172 : i32 to index
      %get3A_1174 = arith.constant 48 : index
      %get3A_1175 = tpu.vector_load %arg7[%get3A_1173, %get3A_1174] {strides = array<i32>} : memref<128x64xf32, #tpu.memory_space<vmem>>, vector<16xf32>,
      %mul3A_1176 = arith.constant 8 : i32
      %mul3A_1177 = arith.muli %scan3A_1152, %mul3A_1176 : i32
      %add3A_1178 = arith.constant 1 : i32
      %add3A_1179 = arith.addi %mul3A_1177, %add3A_1178 : i32
      %get3A_1180 = arith.index_cast %add3A_1179 : i32 to index
      %get3A_1181 = arith.constant 0 : index
      %get3A_1182 = tpu.vector_load %arg7[%get3A_1180, %get3A_1181] {strides = array<i32>} : memref<128x64xf32, #tpu.memory_space<vmem>>, vector<16xf32>,
      tpu.vector_store_idx %arg11[%shift_right_arithmetic3A_17, %and3A_28, %add3A_1156], %get3A_1160 : memref<8x8x129xf32, #tpu.memory_space<vmem>>[vector<16xi32>, vector<16xi32>, vector<16xi32>], vector<16xf32>,
      %get3A_1183 = arith.index_cast %add3A_1179 : i32 to index
      %get3A_1184 = arith.constant 16 : index
      %get3A_1185 = tpu.vector_load %arg7[%get3A_1183, %get3A_1184] {strides = array<i32>} : memref<128x64xf32, #tpu.memory_space<vmem>>, vector<16xf32>,
      tpu.vector_store_idx %arg11[%shift_right_arithmetic3A_20, %and3A_31, %add3A_1156], %get3A_1165 : memref<8x8x129xf32, #tpu.memory_space<vmem>>[vector<16xi32>, vector<16xi32>, vector<16xi32>], vector<16xf32>,
      %get3A_1186 = arith.index_cast %add3A_1179 : i32 to index
      %get3A_1187 = arith.constant 32 : index
      %get3A_1188 = tpu.vector_load %arg7[%get3A_1186, %get3A_1187] {strides = array<i32>} : memref<128x64xf32, #tpu.memory_space<vmem>>, vector<16xf32>,
      tpu.vector_store_idx %arg11[%shift_right_arithmetic3A_23, %and3A_34, %add3A_1156], %get3A_1170 : memref<8x8x129xf32, #tpu.memory_space<vmem>>[vector<16xi32>, vector<16xi32>, vector<16xi32>], vector<16xf32>,
      %get3A_1189 = arith.index_cast %add3A_1179 : i32 to index
      %get3A_1190 = arith.constant 48 : index
      %get3A_1191 = tpu.vector_load %arg7[%get3A_1189, %get3A_1190] {strides = array<i32>} : memref<128x64xf32, #tpu.memory_space<vmem>>, vector<16xf32>,
      tpu.vector_store_idx %arg11[%shift_right_arithmetic3A_26, %and3A_37, %add3A_1156], %get3A_1175 : memref<8x8x129xf32, #tpu.memory_space<vmem>>[vector<16xi32>, vector<16xi32>, vector<16xi32>], vector<16xf32>,
      %mul3A_1192 = arith.constant 8 : i32
      %mul3A_1193 = arith.muli %scan3A_1152, %mul3A_1192 : i32
      %add3A_1194 = arith.constant 2 : i32
      %add3A_1195 = arith.addi %mul3A_1193, %add3A_1194 : i32
      %add3A_1196 = arith.constant 1 : i32
      %add3A_1197 = vector.broadcast %add3A_1196 : i32 to vector<16xi32>
      %add3A_1198 = arith.addi %add3A_1156, %add3A_1197 : vector<16xi32>
      %get3A_1199 = arith.index_cast %add3A_1195 : i32 to index
      %get3A_1200 = arith.constant 0 : index
      %get3A_1201 = tpu.vector_load %arg7[%get3A_1199, %get3A_1200] {strides = array<i32>} : memref<128x64xf32, #tpu.memory_space<vmem>>, vector<16xf32>,
      tpu.vector_store_idx %arg11[%shift_right_arithmetic3A_17, %and3A_28, %add3A_1198], %get3A_1182 : memref<8x8x129xf32, #tpu.memory_space<vmem>>[vector<16xi32>, vector<16xi32>, vector<16xi32>], vector<16xf32>,
      %get3A_1202 = arith.index_cast %add3A_1195 : i32 to index
      %get3A_1203 = arith.constant 16 : index
      %get3A_1204 = tpu.vector_load %arg7[%get3A_1202, %get3A_1203] {strides = array<i32>} : memref<128x64xf32, #tpu.memory_space<vmem>>, vector<16xf32>,
      tpu.vector_store_idx %arg11[%shift_right_arithmetic3A_20, %and3A_31, %add3A_1198], %get3A_1185 : memref<8x8x129xf32, #tpu.memory_space<vmem>>[vector<16xi32>, vector<16xi32>, vector<16xi32>], vector<16xf32>,
      %get3A_1205 = arith.index_cast %add3A_1195 : i32 to index
      %get3A_1206 = arith.constant 32 : index
      %get3A_1207 = tpu.vector_load %arg7[%get3A_1205, %get3A_1206] {strides = array<i32>} : memref<128x64xf32, #tpu.memory_space<vmem>>, vector<16xf32>,
      tpu.vector_store_idx %arg11[%shift_right_arithmetic3A_23, %and3A_34, %add3A_1198], %get3A_1188 : memref<8x8x129xf32, #tpu.memory_space<vmem>>[vector<16xi32>, vector<16xi32>, vector<16xi32>], vector<16xf32>,
      %get3A_1208 = arith.index_cast %add3A_1195 : i32 to index
      %get3A_1209 = arith.constant 48 : index
      %get3A_1210 = tpu.vector_load %arg7[%get3A_1208, %get3A_1209] {strides = array<i32>} : memref<128x64xf32, #tpu.memory_space<vmem>>, vector<16xf32>,
      tpu.vector_store_idx %arg11[%shift_right_arithmetic3A_26, %and3A_37, %add3A_1198], %get3A_1191 : memref<8x8x129xf32, #tpu.memory_space<vmem>>[vector<16xi32>, vector<16xi32>, vector<16xi32>], vector<16xf32>,
      %mul3A_1211 = arith.constant 8 : i32
      %mul3A_1212 = arith.muli %scan3A_1152, %mul3A_1211 : i32
      %add3A_1213 = arith.constant 3 : i32
      %add3A_1214 = arith.addi %mul3A_1212, %add3A_1213 : i32
      %add3A_1215 = arith.constant 2 : i32
      %add3A_1216 = vector.broadcast %add3A_1215 : i32 to vector<16xi32>
      %add3A_1217 = arith.addi %add3A_1156, %add3A_1216 : vector<16xi32>
      %get3A_1218 = arith.index_cast %add3A_1214 : i32 to index
      %get3A_1219 = arith.constant 0 : index
      %get3A_1220 = tpu.vector_load %arg7[%get3A_1218, %get3A_1219] {strides = array<i32>} : memref<128x64xf32, #tpu.memory_space<vmem>>, vector<16xf32>,
      tpu.vector_store_idx %arg11[%shift_right_arithmetic3A_17, %and3A_28, %add3A_1217], %get3A_1201 : memref<8x8x129xf32, #tpu.memory_space<vmem>>[vector<16xi32>, vector<16xi32>, vector<16xi32>], vector<16xf32>,
      %get3A_1221 = arith.index_cast %add3A_1214 : i32 to index
      %get3A_1222 = arith.constant 16 : index
      %get3A_1223 = tpu.vector_load %arg7[%get3A_1221, %get3A_1222] {strides = array<i32>} : memref<128x64xf32, #tpu.memory_space<vmem>>, vector<16xf32>,
      tpu.vector_store_idx %arg11[%shift_right_arithmetic3A_20, %and3A_31, %add3A_1217], %get3A_1204 : memref<8x8x129xf32, #tpu.memory_space<vmem>>[vector<16xi32>, vector<16xi32>, vector<16xi32>], vector<16xf32>,
      %get3A_1224 = arith.index_cast %add3A_1214 : i32 to index
      %get3A_1225 = arith.constant 32 : index
      %get3A_1226 = tpu.vector_load %arg7[%get3A_1224, %get3A_1225] {strides = array<i32>} : memref<128x64xf32, #tpu.memory_space<vmem>>, vector<16xf32>,
      tpu.vector_store_idx %arg11[%shift_right_arithmetic3A_23, %and3A_34, %add3A_1217], %get3A_1207 : memref<8x8x129xf32, #tpu.memory_space<vmem>>[vector<16xi32>, vector<16xi32>, vector<16xi32>], vector<16xf32>,
      %get3A_1227 = arith.index_cast %add3A_1214 : i32 to index
      %get3A_1228 = arith.constant 48 : index
      %get3A_1229 = tpu.vector_load %arg7[%get3A_1227, %get3A_1228] {strides = array<i32>} : memref<128x64xf32, #tpu.memory_space<vmem>>, vector<16xf32>,
      tpu.vector_store_idx %arg11[%shift_right_arithmetic3A_26, %and3A_37, %add3A_1217], %get3A_1210 : memref<8x8x129xf32, #tpu.memory_space<vmem>>[vector<16xi32>, vector<16xi32>, vector<16xi32>], vector<16xf32>,
      %mul3A_1230 = arith.constant 8 : i32
      %mul3A_1231 = arith.muli %scan3A_1152, %mul3A_1230 : i32
      %add3A_1232 = arith.constant 4 : i32
      %add3A_1233 = arith.addi %mul3A_1231, %add3A_1232 : i32
      %add3A_1234 = arith.constant 3 : i32
      %add3A_1235 = vector.broadcast %add3A_1234 : i32 to vector<16xi32>
      %add3A_1236 = arith.addi %add3A_1156, %add3A_1235 : vector<16xi32>
      %get3A_1237 = arith.index_cast %add3A_1233 : i32 to index
      %get3A_1238 = arith.constant 0 : index
      %get3A_1239 = tpu.vector_load %arg7[%get3A_1237, %get3A_1238] {strides = array<i32>} : memref<128x64xf32, #tpu.memory_space<vmem>>, vector<16xf32>,
      tpu.vector_store_idx %arg11[%shift_right_arithmetic3A_17, %and3A_28, %add3A_1236], %get3A_1220 : memref<8x8x129xf32, #tpu.memory_space<vmem>>[vector<16xi32>, vector<16xi32>, vector<16xi32>], vector<16xf32>,
      %get3A_1240 = arith.index_cast %add3A_1233 : i32 to index
      %get3A_1241 = arith.constant 16 : index
      %get3A_1242 = tpu.vector_load %arg7[%get3A_1240, %get3A_1241] {strides = array<i32>} : memref<128x64xf32, #tpu.memory_space<vmem>>, vector<16xf32>,
      tpu.vector_store_idx %arg11[%shift_right_arithmetic3A_20, %and3A_31, %add3A_1236], %get3A_1223 : memref<8x8x129xf32, #tpu.memory_space<vmem>>[vector<16xi32>, vector<16xi32>, vector<16xi32>], vector<16xf32>,
      %get3A_1243 = arith.index_cast %add3A_1233 : i32 to index
      %get3A_1244 = arith.constant 32 : index
      %get3A_1245 = tpu.vector_load %arg7[%get3A_1243, %get3A_1244] {strides = array<i32>} : memref<128x64xf32, #tpu.memory_space<vmem>>, vector<16xf32>,
      tpu.vector_store_idx %arg11[%shift_right_arithmetic3A_23, %and3A_34, %add3A_1236], %get3A_1226 : memref<8x8x129xf32, #tpu.memory_space<vmem>>[vector<16xi32>, vector<16xi32>, vector<16xi32>], vector<16xf32>,
      %get3A_1246 = arith.index_cast %add3A_1233 : i32 to index
      %get3A_1247 = arith.constant 48 : index
      %get3A_1248 = tpu.vector_load %arg7[%get3A_1246, %get3A_1247] {strides = array<i32>} : memref<128x64xf32, #tpu.memory_space<vmem>>, vector<16xf32>,
      tpu.vector_store_idx %arg11[%shift_right_arithmetic3A_26, %and3A_37, %add3A_1236], %get3A_1229 : memref<8x8x129xf32, #tpu.memory_space<vmem>>[vector<16xi32>, vector<16xi32>, vector<16xi32>], vector<16xf32>,
      %mul3A_1249 = arith.constant 8 : i32
      %mul3A_1250 = arith.muli %scan3A_1152, %mul3A_1249 : i32
      %add3A_1251 = arith.constant 5 : i32
      %add3A_1252 = arith.addi %mul3A_1250, %add3A_1251 : i32
      %add3A_1253 = arith.constant 4 : i32
      %add3A_1254 = vector.broadcast %add3A_1253 : i32 to vector<16xi32>
      %add3A_1255 = arith.addi %add3A_1156, %add3A_1254 : vector<16xi32>
      %get3A_1256 = arith.index_cast %add3A_1252 : i32 to index
      %get3A_1257 = arith.constant 0 : index
      %get3A_1258 = tpu.vector_load %arg7[%get3A_1256, %get3A_1257] {strides = array<i32>} : memref<128x64xf32, #tpu.memory_space<vmem>>, vector<16xf32>,
      tpu.vector_store_idx %arg11[%shift_right_arithmetic3A_17, %and3A_28, %add3A_1255], %get3A_1239 : memref<8x8x129xf32, #tpu.memory_space<vmem>>[vector<16xi32>, vector<16xi32>, vector<16xi32>], vector<16xf32>,
      %get3A_1259 = arith.index_cast %add3A_1252 : i32 to index
      %get3A_1260 = arith.constant 16 : index
      %get3A_1261 = tpu.vector_load %arg7[%get3A_1259, %get3A_1260] {strides = array<i32>} : memref<128x64xf32, #tpu.memory_space<vmem>>, vector<16xf32>,
      tpu.vector_store_idx %arg11[%shift_right_arithmetic3A_20, %and3A_31, %add3A_1255], %get3A_1242 : memref<8x8x129xf32, #tpu.memory_space<vmem>>[vector<16xi32>, vector<16xi32>, vector<16xi32>], vector<16xf32>,
      %get3A_1262 = arith.index_cast %add3A_1252 : i32 to index
      %get3A_1263 = arith.constant 32 : index
      %get3A_1264 = tpu.vector_load %arg7[%get3A_1262, %get3A_1263] {strides = array<i32>} : memref<128x64xf32, #tpu.memory_space<vmem>>, vector<16xf32>,
      tpu.vector_store_idx %arg11[%shift_right_arithmetic3A_23, %and3A_34, %add3A_1255], %get3A_1245 : memref<8x8x129xf32, #tpu.memory_space<vmem>>[vector<16xi32>, vector<16xi32>, vector<16xi32>], vector<16xf32>,
      %get3A_1265 = arith.index_cast %add3A_1252 : i32 to index
      %get3A_1266 = arith.constant 48 : index
      %get3A_1267 = tpu.vector_load %arg7[%get3A_1265, %get3A_1266] {strides = array<i32>} : memref<128x64xf32, #tpu.memory_space<vmem>>, vector<16xf32>,
      tpu.vector_store_idx %arg11[%shift_right_arithmetic3A_26, %and3A_37, %add3A_1255], %get3A_1248 : memref<8x8x129xf32, #tpu.memory_space<vmem>>[vector<16xi32>, vector<16xi32>, vector<16xi32>], vector<16xf32>,
      %mul3A_1268 = arith.constant 8 : i32
      %mul3A_1269 = arith.muli %scan3A_1152, %mul3A_1268 : i32
      %add3A_1270 = arith.constant 6 : i32
      %add3A_1271 = arith.addi %mul3A_1269, %add3A_1270 : i32
      %add3A_1272 = arith.constant 5 : i32
      %add3A_1273 = vector.broadcast %add3A_1272 : i32 to vector<16xi32>
      %add3A_1274 = arith.addi %add3A_1156, %add3A_1273 : vector<16xi32>
      %get3A_1275 = arith.index_cast %add3A_1271 : i32 to index
      %get3A_1276 = arith.constant 0 : index
      %get3A_1277 = tpu.vector_load %arg7[%get3A_1275, %get3A_1276] {strides = array<i32>} : memref<128x64xf32, #tpu.memory_space<vmem>>, vector<16xf32>,
      tpu.vector_store_idx %arg11[%shift_right_arithmetic3A_17, %and3A_28, %add3A_1274], %get3A_1258 : memref<8x8x129xf32, #tpu.memory_space<vmem>>[vector<16xi32>, vector<16xi32>, vector<16xi32>], vector<16xf32>,
      %get3A_1278 = arith.index_cast %add3A_1271 : i32 to index
      %get3A_1279 = arith.constant 16 : index
      %get3A_1280 = tpu.vector_load %arg7[%get3A_1278, %get3A_1279] {strides = array<i32>} : memref<128x64xf32, #tpu.memory_space<vmem>>, vector<16xf32>,
      tpu.vector_store_idx %arg11[%shift_right_arithmetic3A_20, %and3A_31, %add3A_1274], %get3A_1261 : memref<8x8x129xf32, #tpu.memory_space<vmem>>[vector<16xi32>, vector<16xi32>, vector<16xi32>], vector<16xf32>,
      %get3A_1281 = arith.index_cast %add3A_1271 : i32 to index
      %get3A_1282 = arith.constant 32 : index
      %get3A_1283 = tpu.vector_load %arg7[%get3A_1281, %get3A_1282] {strides = array<i32>} : memref<128x64xf32, #tpu.memory_space<vmem>>, vector<16xf32>,
      tpu.vector_store_idx %arg11[%shift_right_arithmetic3A_23, %and3A_34, %add3A_1274], %get3A_1264 : memref<8x8x129xf32, #tpu.memory_space<vmem>>[vector<16xi32>, vector<16xi32>, vector<16xi32>], vector<16xf32>,
      %get3A_1284 = arith.index_cast %add3A_1271 : i32 to index
      %get3A_1285 = arith.constant 48 : index
      %get3A_1286 = tpu.vector_load %arg7[%get3A_1284, %get3A_1285] {strides = array<i32>} : memref<128x64xf32, #tpu.memory_space<vmem>>, vector<16xf32>,
      tpu.vector_store_idx %arg11[%shift_right_arithmetic3A_26, %and3A_37, %add3A_1274], %get3A_1267 : memref<8x8x129xf32, #tpu.memory_space<vmem>>[vector<16xi32>, vector<16xi32>, vector<16xi32>], vector<16xf32>,
      %mul3A_1287 = arith.constant 8 : i32
      %mul3A_1288 = arith.muli %scan3A_1152, %mul3A_1287 : i32
      %add3A_1289 = arith.constant 7 : i32
      %add3A_1290 = arith.addi %mul3A_1288, %add3A_1289 : i32
      %add3A_1291 = arith.constant 6 : i32
      %add3A_1292 = vector.broadcast %add3A_1291 : i32 to vector<16xi32>
      %add3A_1293 = arith.addi %add3A_1156, %add3A_1292 : vector<16xi32>
      %get3A_1294 = arith.index_cast %add3A_1290 : i32 to index
      %get3A_1295 = arith.constant 0 : index
      %get3A_1296 = tpu.vector_load %arg7[%get3A_1294, %get3A_1295] {strides = array<i32>} : memref<128x64xf32, #tpu.memory_space<vmem>>, vector<16xf32>,
      tpu.vector_store_idx %arg11[%shift_right_arithmetic3A_17, %and3A_28, %add3A_1293], %get3A_1277 : memref<8x8x129xf32, #tpu.memory_space<vmem>>[vector<16xi32>, vector<16xi32>, vector<16xi32>], vector<16xf32>,
      %get3A_1297 = arith.index_cast %add3A_1290 : i32 to index
      %get3A_1298 = arith.constant 16 : index
      %get3A_1299 = tpu.vector_load %arg7[%get3A_1297, %get3A_1298] {strides = array<i32>} : memref<128x64xf32, #tpu.memory_space<vmem>>, vector<16xf32>,
      tpu.vector_store_idx %arg11[%shift_right_arithmetic3A_20, %and3A_31, %add3A_1293], %get3A_1280 : memref<8x8x129xf32, #tpu.memory_space<vmem>>[vector<16xi32>, vector<16xi32>, vector<16xi32>], vector<16xf32>,
      %get3A_1300 = arith.index_cast %add3A_1290 : i32 to index
      %get3A_1301 = arith.constant 32 : index
      %get3A_1302 = tpu.vector_load %arg7[%get3A_1300, %get3A_1301] {strides = array<i32>} : memref<128x64xf32, #tpu.memory_space<vmem>>, vector<16xf32>,
      tpu.vector_store_idx %arg11[%shift_right_arithmetic3A_23, %and3A_34, %add3A_1293], %get3A_1283 : memref<8x8x129xf32, #tpu.memory_space<vmem>>[vector<16xi32>, vector<16xi32>, vector<16xi32>], vector<16xf32>,
      %get3A_1303 = arith.index_cast %add3A_1290 : i32 to index
      %get3A_1304 = arith.constant 48 : index
      %get3A_1305 = tpu.vector_load %arg7[%get3A_1303, %get3A_1304] {strides = array<i32>} : memref<128x64xf32, #tpu.memory_space<vmem>>, vector<16xf32>,
      tpu.vector_store_idx %arg11[%shift_right_arithmetic3A_26, %and3A_37, %add3A_1293], %get3A_1286 : memref<8x8x129xf32, #tpu.memory_space<vmem>>[vector<16xi32>, vector<16xi32>, vector<16xi32>], vector<16xf32>,
      %add3A_1306 = arith.constant 7 : i32
      %add3A_1307 = vector.broadcast %add3A_1306 : i32 to vector<16xi32>
      %add3A_1308 = arith.addi %add3A_1156, %add3A_1307 : vector<16xi32>
      tpu.vector_store_idx %arg11[%shift_right_arithmetic3A_17, %and3A_28, %add3A_1308], %get3A_1296 : memref<8x8x129xf32, #tpu.memory_space<vmem>>[vector<16xi32>, vector<16xi32>, vector<16xi32>], vector<16xf32>,
      tpu.vector_store_idx %arg11[%shift_right_arithmetic3A_20, %and3A_31, %add3A_1308], %get3A_1299 : memref<8x8x129xf32, #tpu.memory_space<vmem>>[vector<16xi32>, vector<16xi32>, vector<16xi32>], vector<16xf32>,
      tpu.vector_store_idx %arg11[%shift_right_arithmetic3A_23, %and3A_34, %add3A_1308], %get3A_1302 : memref<8x8x129xf32, #tpu.memory_space<vmem>>[vector<16xi32>, vector<16xi32>, vector<16xi32>], vector<16xf32>,
      tpu.vector_store_idx %arg11[%shift_right_arithmetic3A_26, %and3A_37, %add3A_1308], %get3A_1305 : memref<8x8x129xf32, #tpu.memory_space<vmem>>[vector<16xi32>, vector<16xi32>, vector<16xi32>], vector<16xf32>,
    }
    %scan3A_146 = arith.constant 16 : i32
    %dma_start3A_147 = arith.constant 5 : i32
    %dma_start3A_148 = arith.constant 0 : i32
    %dma_start3A_149 = tpu.memref_slice %arg5[%dma_start3A_147, %dma_start3A_148] : memref<200x128xi32, #tpu.memory_space<vmem>> -> memref<1x128xi32, #tpu.memory_space<vmem>>
    %dma_start3A_150 = tpu.memref_squeeze %dma_start3A_149 : memref<1x128xi32, #tpu.memory_space<vmem>> -> memref<128xi32, #tpu.memory_space<vmem>>
    %dma_start3A_151 = arith.constant 0 : i32
    %dma_start3A_152 = arith.constant 0 : i32
    %dma_start3A_153 = tpu.memref_slice %arg3[%dma_start3A_151, %dma_start3A_152] : memref<100000x64xf32, #tpu.memory_space<hbm>> -> memref<100000x64xf32, #tpu.memory_space<hbm>>
    tpu.enqueue_indirect_dma source(%dma_start3A_153 : memref<100000x64xf32, #tpu.memory_space<hbm>>) target(%arg7 : memref<128x64xf32, #tpu.memory_space<vmem>>) offsets(%dma_start3A_150 : memref<128xi32, #tpu.memory_space<vmem>>) semaphore(%arg15 : memref<!tpu.dma_semaphore, #tpu.memory_space<semaphore_mem>>)
    %add3A_154 = arith.constant 1 : i32
    %add3A_155 = arith.addi %mul3A_2, %add3A_154 : i32
    %jit3A_156 = arith.constant 128 : i32
    %div3A_157 = arith.divsi %add3A_155, %jit3A_156 : i32
    %sign3A_158 = arith.constant 0 : i32
    %sign3A_159 = arith.cmpi sgt, %add3A_155, %sign3A_158 : i32
    %sign3A_160 = arith.extui %sign3A_159 : i1 to i32
    %sign3A_161 = arith.constant 0 : i32
    %sign3A_162 = arith.cmpi slt, %add3A_155, %sign3A_161 : i32
    %sign3A_163 = arith.extui %sign3A_162 : i1 to i32
    %sign3A_164 = arith.subi %sign3A_160, %sign3A_163 : i32
    %sign3A_165 = arith.constant 0 : i32
    %sign3A_166 = arith.cmpi sgt, %jit3A_156, %sign3A_165 : i32
    %sign3A_167 = arith.extui %sign3A_166 : i1 to i32
    %sign3A_168 = arith.constant 0 : i32
    %sign3A_169 = arith.cmpi slt, %jit3A_156, %sign3A_168 : i32
    %sign3A_170 = arith.extui %sign3A_169 : i1 to i32
    %sign3A_171 = arith.subi %sign3A_167, %sign3A_170 : i32
    %ne3A_172 = arith.cmpi ne, %sign3A_164, %sign3A_171 : i32
    %rem3A_173 = arith.remsi %add3A_155, %jit3A_156 : i32
    %ne3A_174 = arith.constant 0 : i32
    %ne3A_175 = arith.cmpi ne, %rem3A_173, %ne3A_174 : i32
    %and3A_176 = arith.andi %ne3A_172, %ne3A_175 : i1
    %sub3A_177 = arith.constant 1 : i32
    %sub3A_178 = arith.subi %div3A_157, %sub3A_177 : i32
    %select_n3A_179 = arith.select %and3A_176, %sub3A_178, %div3A_157 : i32
    %jit3A_180 = arith.constant 128 : i32
    %eq3A_181 = arith.constant 0 : i32
    %eq3A_182 = arith.cmpi eq, %jit3A_180, %eq3A_181 : i32
    %jit3A_183 = arith.constant 1 : i32
    %select_n3A_184 = arith.select %eq3A_182, %jit3A_183, %jit3A_180 : i32
    %rem3A_185 = arith.remsi %add3A_155, %select_n3A_184 : i32
    %ne3A_186 = arith.constant 0 : i32
    %ne3A_187 = arith.cmpi ne, %rem3A_185, %ne3A_186 : i32
    %lt3A_188 = arith.constant 0 : i32
    %lt3A_189 = arith.cmpi slt, %rem3A_185, %lt3A_188 : i32
    %lt3A_190 = arith.constant 0 : i32
    %lt3A_191 = arith.cmpi slt, %select_n3A_184, %lt3A_190 : i32
    %ne3A_192 = arith.xori %lt3A_189, %lt3A_191 : i1
    %and3A_193 = arith.andi %ne3A_192, %ne3A_187 : i1
    %add3A_194 = arith.addi %rem3A_185, %select_n3A_184 : i32
    %select_n3A_195 = arith.select %and3A_193, %add3A_194, %rem3A_185 : i32
    %dma_start3A_196 = arith.constant 0 : i32
    %dma_start3A_197 = arith.constant 0 : i32
    %dma_start3A_198 = arith.constant 0 : i32
    %dma_start3A_199 = tpu.memref_slice %arg11[%dma_start3A_196, %dma_start3A_197, %dma_start3A_198] : memref<8x8x129xf32, #tpu.memory_space<vmem>> -> memref<8x8x128xf32, #tpu.memory_space<vmem>>
    %dma_start3A_200 = arith.constant 0 : i32
    %dma_start3A_201 = arith.constant 0 : i32
    %dma_start3A_202 = arith.constant 0 : i32
    %dma_start3A_203 = tpu.memref_slice %arg4[%select_n3A_179, %dma_start3A_200, %select_n3A_195, %dma_start3A_201, %dma_start3A_202] : memref<50x8x128x8x128xf32, #tpu.memory_space<hbm>> -> memref<1x8x1x8x128xf32, #tpu.memory_space<hbm>>
    %dma_start3A_204 = tpu.memref_squeeze %dma_start3A_203 : memref<1x8x1x8x128xf32, #tpu.memory_space<hbm>> -> memref<8x8x128xf32, #tpu.memory_space<hbm>>
    %dma_start3A_205 = arith.constant 0 : i32
    %dma_start3A_206 = arith.constant 0 : i32
    %dma_start3A_207 = arith.constant 0 : i32
    %dma_start3A_208 = tpu.memref_slice %arg4[%select_n3A_179, %dma_start3A_205, %select_n3A_195, %dma_start3A_206, %dma_start3A_207] : memref<50x8x128x8x128xf32, #tpu.memory_space<hbm>> -> memref<1x8x1x8x128xf32, #tpu.memory_space<hbm>>
    %dma_start3A_209 = tpu.memref_squeeze %dma_start3A_208 : memref<1x8x1x8x128xf32, #tpu.memory_space<hbm>> -> memref<8x8x128xf32, #tpu.memory_space<hbm>>
    %dma_start3A_210 = arith.constant 0 : i32
    %dma_start3A_211 = arith.constant 0 : i32
    %dma_start3A_212 = arith.constant 0 : i32
    %dma_start3A_213 = tpu.memref_slice %arg11[%dma_start3A_210, %dma_start3A_211, %dma_start3A_212] : memref<8x8x129xf32, #tpu.memory_space<vmem>> -> memref<8x8x128xf32, #tpu.memory_space<vmem>>
    tpu.enqueue_dma source(%dma_start3A_213 : memref<8x8x128xf32, #tpu.memory_space<vmem>>) target(%dma_start3A_209 : memref<8x8x128xf32, #tpu.memory_space<hbm>>) target_semaphore(%arg19 : memref<!tpu.dma_semaphore, #tpu.memory_space<semaphore_mem>>)
    %dma_wait3A_214 = arith.constant 2 : i32
    %dma_wait3A_215 = arith.constant 0 : i32
    %dma_wait3A_216 = tpu.memref_slice %arg5[%dma_wait3A_214, %dma_wait3A_215] : memref<200x128xi32, #tpu.memory_space<vmem>> -> memref<1x128xi32, #tpu.memory_space<vmem>>
    %dma_wait3A_217 = tpu.memref_squeeze %dma_wait3A_216 : memref<1x128xi32, #tpu.memory_space<vmem>> -> memref<128xi32, #tpu.memory_space<vmem>>
    %dma_wait3A_218 = arith.constant 0 : i32
    %dma_wait3A_219 = arith.constant 0 : i32
    %dma_wait3A_220 = tpu.memref_slice %arg3[%dma_wait3A_218, %dma_wait3A_219] : memref<100000x64xf32, #tpu.memory_space<hbm>> -> memref<100000x64xf32, #tpu.memory_space<hbm>>
    tpu.wait_indirect_dma semaphore(%arg16 : memref<!tpu.dma_semaphore, #tpu.memory_space<semaphore_mem>>) src(%dma_wait3A_220 : memref<100000x64xf32, #tpu.memory_space<hbm>>) dst(%arg8 : memref<128x64xf32, #tpu.memory_space<vmem>>)
    %scan3A_221 = arith.constant 0 : i32
    %scan3A_222 = arith.constant 0 : i32
    %scan3A_223 = arith.constant 16 : i32
    %scan3A_224 = arith.addi %scan3A_222, %scan3A_223 : i32
    %scan3A_225 = arith.constant 1 : i32
    scf.for %scan3A_1152 = %scan3A_222 to %scan3A_224 step %scan3A_225  : i32 {
      %mul3A_1153 = arith.constant 8 : i32
      %mul3A_1154 = arith.muli %scan3A_1152, %mul3A_1153 : i32
      %add3A_1155 = vector.broadcast %mul3A_1154 : i32 to vector<16xi32>
      %add3A_1156 = arith.addi %broadcast_in_dim3A_3, %add3A_1155 : vector<16xi32>
      %mul3A_1157 = arith.constant 8 : i32
      %mul3A_1158 = arith.muli %scan3A_1152, %mul3A_1157 : i32
      %get3A = arith.index_cast %mul3A_1158 : i32 to index
      %get3A_1159 = arith.constant 0 : index
      %get3A_1160 = tpu.vector_load %arg8[%get3A, %get3A_1159] {strides = array<i32>} : memref<128x64xf32, #tpu.memory_space<vmem>>, vector<16xf32>,
      %mul3A_1161 = arith.constant 8 : i32
      %mul3A_1162 = arith.muli %scan3A_1152, %mul3A_1161 : i32
      %get3A_1163 = arith.index_cast %mul3A_1162 : i32 to index
      %get3A_1164 = arith.constant 16 : index
      %get3A_1165 = tpu.vector_load %arg8[%get3A_1163, %get3A_1164] {strides = array<i32>} : memref<128x64xf32, #tpu.memory_space<vmem>>, vector<16xf32>,
      %mul3A_1166 = arith.constant 8 : i32
      %mul3A_1167 = arith.muli %scan3A_1152, %mul3A_1166 : i32
      %get3A_1168 = arith.index_cast %mul3A_1167 : i32 to index
      %get3A_1169 = arith.constant 32 : index
      %get3A_1170 = tpu.vector_load %arg8[%get3A_1168, %get3A_1169] {strides = array<i32>} : memref<128x64xf32, #tpu.memory_space<vmem>>, vector<16xf32>,
      %mul3A_1171 = arith.constant 8 : i32
      %mul3A_1172 = arith.muli %scan3A_1152, %mul3A_1171 : i32
      %get3A_1173 = arith.index_cast %mul3A_1172 : i32 to index
      %get3A_1174 = arith.constant 48 : index
      %get3A_1175 = tpu.vector_load %arg8[%get3A_1173, %get3A_1174] {strides = array<i32>} : memref<128x64xf32, #tpu.memory_space<vmem>>, vector<16xf32>,
      %mul3A_1176 = arith.constant 8 : i32
      %mul3A_1177 = arith.muli %scan3A_1152, %mul3A_1176 : i32
      %add3A_1178 = arith.constant 1 : i32
      %add3A_1179 = arith.addi %mul3A_1177, %add3A_1178 : i32
      %get3A_1180 = arith.index_cast %add3A_1179 : i32 to index
      %get3A_1181 = arith.constant 0 : index
      %get3A_1182 = tpu.vector_load %arg8[%get3A_1180, %get3A_1181] {strides = array<i32>} : memref<128x64xf32, #tpu.memory_space<vmem>>, vector<16xf32>,
      tpu.vector_store_idx %arg12[%shift_right_arithmetic3A_17, %and3A_28, %add3A_1156], %get3A_1160 : memref<8x8x129xf32, #tpu.memory_space<vmem>>[vector<16xi32>, vector<16xi32>, vector<16xi32>], vector<16xf32>,
      %get3A_1183 = arith.index_cast %add3A_1179 : i32 to index
      %get3A_1184 = arith.constant 16 : index
      %get3A_1185 = tpu.vector_load %arg8[%get3A_1183, %get3A_1184] {strides = array<i32>} : memref<128x64xf32, #tpu.memory_space<vmem>>, vector<16xf32>,
      tpu.vector_store_idx %arg12[%shift_right_arithmetic3A_20, %and3A_31, %add3A_1156], %get3A_1165 : memref<8x8x129xf32, #tpu.memory_space<vmem>>[vector<16xi32>, vector<16xi32>, vector<16xi32>], vector<16xf32>,
      %get3A_1186 = arith.index_cast %add3A_1179 : i32 to index
      %get3A_1187 = arith.constant 32 : index
      %get3A_1188 = tpu.vector_load %arg8[%get3A_1186, %get3A_1187] {strides = array<i32>} : memref<128x64xf32, #tpu.memory_space<vmem>>, vector<16xf32>,
      tpu.vector_store_idx %arg12[%shift_right_arithmetic3A_23, %and3A_34, %add3A_1156], %get3A_1170 : memref<8x8x129xf32, #tpu.memory_space<vmem>>[vector<16xi32>, vector<16xi32>, vector<16xi32>], vector<16xf32>,
      %get3A_1189 = arith.index_cast %add3A_1179 : i32 to index
      %get3A_1190 = arith.constant 48 : index
      %get3A_1191 = tpu.vector_load %arg8[%get3A_1189, %get3A_1190] {strides = array<i32>} : memref<128x64xf32, #tpu.memory_space<vmem>>, vector<16xf32>,
      tpu.vector_store_idx %arg12[%shift_right_arithmetic3A_26, %and3A_37, %add3A_1156], %get3A_1175 : memref<8x8x129xf32, #tpu.memory_space<vmem>>[vector<16xi32>, vector<16xi32>, vector<16xi32>], vector<16xf32>,
      %mul3A_1192 = arith.constant 8 : i32
      %mul3A_1193 = arith.muli %scan3A_1152, %mul3A_1192 : i32
      %add3A_1194 = arith.constant 2 : i32
      %add3A_1195 = arith.addi %mul3A_1193, %add3A_1194 : i32
      %add3A_1196 = arith.constant 1 : i32
      %add3A_1197 = vector.broadcast %add3A_1196 : i32 to vector<16xi32>
      %add3A_1198 = arith.addi %add3A_1156, %add3A_1197 : vector<16xi32>
      %get3A_1199 = arith.index_cast %add3A_1195 : i32 to index
      %get3A_1200 = arith.constant 0 : index
      %get3A_1201 = tpu.vector_load %arg8[%get3A_1199, %get3A_1200] {strides = array<i32>} : memref<128x64xf32, #tpu.memory_space<vmem>>, vector<16xf32>,
      tpu.vector_store_idx %arg12[%shift_right_arithmetic3A_17, %and3A_28, %add3A_1198], %get3A_1182 : memref<8x8x129xf32, #tpu.memory_space<vmem>>[vector<16xi32>, vector<16xi32>, vector<16xi32>], vector<16xf32>,
      %get3A_1202 = arith.index_cast %add3A_1195 : i32 to index
      %get3A_1203 = arith.constant 16 : index
      %get3A_1204 = tpu.vector_load %arg8[%get3A_1202, %get3A_1203] {strides = array<i32>} : memref<128x64xf32, #tpu.memory_space<vmem>>, vector<16xf32>,
      tpu.vector_store_idx %arg12[%shift_right_arithmetic3A_20, %and3A_31, %add3A_1198], %get3A_1185 : memref<8x8x129xf32, #tpu.memory_space<vmem>>[vector<16xi32>, vector<16xi32>, vector<16xi32>], vector<16xf32>,
      %get3A_1205 = arith.index_cast %add3A_1195 : i32 to index
      %get3A_1206 = arith.constant 32 : index
      %get3A_1207 = tpu.vector_load %arg8[%get3A_1205, %get3A_1206] {strides = array<i32>} : memref<128x64xf32, #tpu.memory_space<vmem>>, vector<16xf32>,
      tpu.vector_store_idx %arg12[%shift_right_arithmetic3A_23, %and3A_34, %add3A_1198], %get3A_1188 : memref<8x8x129xf32, #tpu.memory_space<vmem>>[vector<16xi32>, vector<16xi32>, vector<16xi32>], vector<16xf32>,
      %get3A_1208 = arith.index_cast %add3A_1195 : i32 to index
      %get3A_1209 = arith.constant 48 : index
      %get3A_1210 = tpu.vector_load %arg8[%get3A_1208, %get3A_1209] {strides = array<i32>} : memref<128x64xf32, #tpu.memory_space<vmem>>, vector<16xf32>,
      tpu.vector_store_idx %arg12[%shift_right_arithmetic3A_26, %and3A_37, %add3A_1198], %get3A_1191 : memref<8x8x129xf32, #tpu.memory_space<vmem>>[vector<16xi32>, vector<16xi32>, vector<16xi32>], vector<16xf32>,
      %mul3A_1211 = arith.constant 8 : i32
      %mul3A_1212 = arith.muli %scan3A_1152, %mul3A_1211 : i32
      %add3A_1213 = arith.constant 3 : i32
      %add3A_1214 = arith.addi %mul3A_1212, %add3A_1213 : i32
      %add3A_1215 = arith.constant 2 : i32
      %add3A_1216 = vector.broadcast %add3A_1215 : i32 to vector<16xi32>
      %add3A_1217 = arith.addi %add3A_1156, %add3A_1216 : vector<16xi32>
      %get3A_1218 = arith.index_cast %add3A_1214 : i32 to index
      %get3A_1219 = arith.constant 0 : index
      %get3A_1220 = tpu.vector_load %arg8[%get3A_1218, %get3A_1219] {strides = array<i32>} : memref<128x64xf32, #tpu.memory_space<vmem>>, vector<16xf32>,
      tpu.vector_store_idx %arg12[%shift_right_arithmetic3A_17, %and3A_28, %add3A_1217], %get3A_1201 : memref<8x8x129xf32, #tpu.memory_space<vmem>>[vector<16xi32>, vector<16xi32>, vector<16xi32>], vector<16xf32>,
      %get3A_1221 = arith.index_cast %add3A_1214 : i32 to index
      %get3A_1222 = arith.constant 16 : index
      %get3A_1223 = tpu.vector_load %arg8[%get3A_1221, %get3A_1222] {strides = array<i32>} : memref<128x64xf32, #tpu.memory_space<vmem>>, vector<16xf32>,
      tpu.vector_store_idx %arg12[%shift_right_arithmetic3A_20, %and3A_31, %add3A_1217], %get3A_1204 : memref<8x8x129xf32, #tpu.memory_space<vmem>>[vector<16xi32>, vector<16xi32>, vector<16xi32>], vector<16xf32>,
      %get3A_1224 = arith.index_cast %add3A_1214 : i32 to index
      %get3A_1225 = arith.constant 32 : index
      %get3A_1226 = tpu.vector_load %arg8[%get3A_1224, %get3A_1225] {strides = array<i32>} : memref<128x64xf32, #tpu.memory_space<vmem>>, vector<16xf32>,
      tpu.vector_store_idx %arg12[%shift_right_arithmetic3A_23, %and3A_34, %add3A_1217], %get3A_1207 : memref<8x8x129xf32, #tpu.memory_space<vmem>>[vector<16xi32>, vector<16xi32>, vector<16xi32>], vector<16xf32>,
      %get3A_1227 = arith.index_cast %add3A_1214 : i32 to index
      %get3A_1228 = arith.constant 48 : index
      %get3A_1229 = tpu.vector_load %arg8[%get3A_1227, %get3A_1228] {strides = array<i32>} : memref<128x64xf32, #tpu.memory_space<vmem>>, vector<16xf32>,
      tpu.vector_store_idx %arg12[%shift_right_arithmetic3A_26, %and3A_37, %add3A_1217], %get3A_1210 : memref<8x8x129xf32, #tpu.memory_space<vmem>>[vector<16xi32>, vector<16xi32>, vector<16xi32>], vector<16xf32>,
      %mul3A_1230 = arith.constant 8 : i32
      %mul3A_1231 = arith.muli %scan3A_1152, %mul3A_1230 : i32
      %add3A_1232 = arith.constant 4 : i32
      %add3A_1233 = arith.addi %mul3A_1231, %add3A_1232 : i32
      %add3A_1234 = arith.constant 3 : i32
      %add3A_1235 = vector.broadcast %add3A_1234 : i32 to vector<16xi32>
      %add3A_1236 = arith.addi %add3A_1156, %add3A_1235 : vector<16xi32>
      %get3A_1237 = arith.index_cast %add3A_1233 : i32 to index
      %get3A_1238 = arith.constant 0 : index
      %get3A_1239 = tpu.vector_load %arg8[%get3A_1237, %get3A_1238] {strides = array<i32>} : memref<128x64xf32, #tpu.memory_space<vmem>>, vector<16xf32>,
      tpu.vector_store_idx %arg12[%shift_right_arithmetic3A_17, %and3A_28, %add3A_1236], %get3A_1220 : memref<8x8x129xf32, #tpu.memory_space<vmem>>[vector<16xi32>, vector<16xi32>, vector<16xi32>], vector<16xf32>,
      %get3A_1240 = arith.index_cast %add3A_1233 : i32 to index
      %get3A_1241 = arith.constant 16 : index
      %get3A_1242 = tpu.vector_load %arg8[%get3A_1240, %get3A_1241] {strides = array<i32>} : memref<128x64xf32, #tpu.memory_space<vmem>>, vector<16xf32>,
      tpu.vector_store_idx %arg12[%shift_right_arithmetic3A_20, %and3A_31, %add3A_1236], %get3A_1223 : memref<8x8x129xf32, #tpu.memory_space<vmem>>[vector<16xi32>, vector<16xi32>, vector<16xi32>], vector<16xf32>,
      %get3A_1243 = arith.index_cast %add3A_1233 : i32 to index
      %get3A_1244 = arith.constant 32 : index
      %get3A_1245 = tpu.vector_load %arg8[%get3A_1243, %get3A_1244] {strides = array<i32>} : memref<128x64xf32, #tpu.memory_space<vmem>>, vector<16xf32>,
      tpu.vector_store_idx %arg12[%shift_right_arithmetic3A_23, %and3A_34, %add3A_1236], %get3A_1226 : memref<8x8x129xf32, #tpu.memory_space<vmem>>[vector<16xi32>, vector<16xi32>, vector<16xi32>], vector<16xf32>,
      %get3A_1246 = arith.index_cast %add3A_1233 : i32 to index
      %get3A_1247 = arith.constant 48 : index
      %get3A_1248 = tpu.vector_load %arg8[%get3A_1246, %get3A_1247] {strides = array<i32>} : memref<128x64xf32, #tpu.memory_space<vmem>>, vector<16xf32>,
      tpu.vector_store_idx %arg12[%shift_right_arithmetic3A_26, %and3A_37, %add3A_1236], %get3A_1229 : memref<8x8x129xf32, #tpu.memory_space<vmem>>[vector<16xi32>, vector<16xi32>, vector<16xi32>], vector<16xf32>,
      %mul3A_1249 = arith.constant 8 : i32
      %mul3A_1250 = arith.muli %scan3A_1152, %mul3A_1249 : i32
      %add3A_1251 = arith.constant 5 : i32
      %add3A_1252 = arith.addi %mul3A_1250, %add3A_1251 : i32
      %add3A_1253 = arith.constant 4 : i32
      %add3A_1254 = vector.broadcast %add3A_1253 : i32 to vector<16xi32>
      %add3A_1255 = arith.addi %add3A_1156, %add3A_1254 : vector<16xi32>
      %get3A_1256 = arith.index_cast %add3A_1252 : i32 to index
      %get3A_1257 = arith.constant 0 : index
      %get3A_1258 = tpu.vector_load %arg8[%get3A_1256, %get3A_1257] {strides = array<i32>} : memref<128x64xf32, #tpu.memory_space<vmem>>, vector<16xf32>,
      tpu.vector_store_idx %arg12[%shift_right_arithmetic3A_17, %and3A_28, %add3A_1255], %get3A_1239 : memref<8x8x129xf32, #tpu.memory_space<vmem>>[vector<16xi32>, vector<16xi32>, vector<16xi32>], vector<16xf32>,
      %get3A_1259 = arith.index_cast %add3A_1252 : i32 to index
      %get3A_1260 = arith.constant 16 : index
      %get3A_1261 = tpu.vector_load %arg8[%get3A_1259, %get3A_1260] {strides = array<i32>} : memref<128x64xf32, #tpu.memory_space<vmem>>, vector<16xf32>,
      tpu.vector_store_idx %arg12[%shift_right_arithmetic3A_20, %and3A_31, %add3A_1255], %get3A_1242 : memref<8x8x129xf32, #tpu.memory_space<vmem>>[vector<16xi32>, vector<16xi32>, vector<16xi32>], vector<16xf32>,
      %get3A_1262 = arith.index_cast %add3A_1252 : i32 to index
      %get3A_1263 = arith.constant 32 : index
      %get3A_1264 = tpu.vector_load %arg8[%get3A_1262, %get3A_1263] {strides = array<i32>} : memref<128x64xf32, #tpu.memory_space<vmem>>, vector<16xf32>,
      tpu.vector_store_idx %arg12[%shift_right_arithmetic3A_23, %and3A_34, %add3A_1255], %get3A_1245 : memref<8x8x129xf32, #tpu.memory_space<vmem>>[vector<16xi32>, vector<16xi32>, vector<16xi32>], vector<16xf32>,
      %get3A_1265 = arith.index_cast %add3A_1252 : i32 to index
      %get3A_1266 = arith.constant 48 : index
      %get3A_1267 = tpu.vector_load %arg8[%get3A_1265, %get3A_1266] {strides = array<i32>} : memref<128x64xf32, #tpu.memory_space<vmem>>, vector<16xf32>,
      tpu.vector_store_idx %arg12[%shift_right_arithmetic3A_26, %and3A_37, %add3A_1255], %get3A_1248 : memref<8x8x129xf32, #tpu.memory_space<vmem>>[vector<16xi32>, vector<16xi32>, vector<16xi32>], vector<16xf32>,
      %mul3A_1268 = arith.constant 8 : i32
      %mul3A_1269 = arith.muli %scan3A_1152, %mul3A_1268 : i32
      %add3A_1270 = arith.constant 6 : i32
      %add3A_1271 = arith.addi %mul3A_1269, %add3A_1270 : i32
      %add3A_1272 = arith.constant 5 : i32
      %add3A_1273 = vector.broadcast %add3A_1272 : i32 to vector<16xi32>
      %add3A_1274 = arith.addi %add3A_1156, %add3A_1273 : vector<16xi32>
      %get3A_1275 = arith.index_cast %add3A_1271 : i32 to index
      %get3A_1276 = arith.constant 0 : index
      %get3A_1277 = tpu.vector_load %arg8[%get3A_1275, %get3A_1276] {strides = array<i32>} : memref<128x64xf32, #tpu.memory_space<vmem>>, vector<16xf32>,
      tpu.vector_store_idx %arg12[%shift_right_arithmetic3A_17, %and3A_28, %add3A_1274], %get3A_1258 : memref<8x8x129xf32, #tpu.memory_space<vmem>>[vector<16xi32>, vector<16xi32>, vector<16xi32>], vector<16xf32>,
      %get3A_1278 = arith.index_cast %add3A_1271 : i32 to index
      %get3A_1279 = arith.constant 16 : index
      %get3A_1280 = tpu.vector_load %arg8[%get3A_1278, %get3A_1279] {strides = array<i32>} : memref<128x64xf32, #tpu.memory_space<vmem>>, vector<16xf32>,
      tpu.vector_store_idx %arg12[%shift_right_arithmetic3A_20, %and3A_31, %add3A_1274], %get3A_1261 : memref<8x8x129xf32, #tpu.memory_space<vmem>>[vector<16xi32>, vector<16xi32>, vector<16xi32>], vector<16xf32>,
      %get3A_1281 = arith.index_cast %add3A_1271 : i32 to index
      %get3A_1282 = arith.constant 32 : index
      %get3A_1283 = tpu.vector_load %arg8[%get3A_1281, %get3A_1282] {strides = array<i32>} : memref<128x64xf32, #tpu.memory_space<vmem>>, vector<16xf32>,
      tpu.vector_store_idx %arg12[%shift_right_arithmetic3A_23, %and3A_34, %add3A_1274], %get3A_1264 : memref<8x8x129xf32, #tpu.memory_space<vmem>>[vector<16xi32>, vector<16xi32>, vector<16xi32>], vector<16xf32>,
      %get3A_1284 = arith.index_cast %add3A_1271 : i32 to index
      %get3A_1285 = arith.constant 48 : index
      %get3A_1286 = tpu.vector_load %arg8[%get3A_1284, %get3A_1285] {strides = array<i32>} : memref<128x64xf32, #tpu.memory_space<vmem>>, vector<16xf32>,
      tpu.vector_store_idx %arg12[%shift_right_arithmetic3A_26, %and3A_37, %add3A_1274], %get3A_1267 : memref<8x8x129xf32, #tpu.memory_space<vmem>>[vector<16xi32>, vector<16xi32>, vector<16xi32>], vector<16xf32>,
      %mul3A_1287 = arith.constant 8 : i32
      %mul3A_1288 = arith.muli %scan3A_1152, %mul3A_1287 : i32
      %add3A_1289 = arith.constant 7 : i32
      %add3A_1290 = arith.addi %mul3A_1288, %add3A_1289 : i32
      %add3A_1291 = arith.constant 6 : i32
      %add3A_1292 = vector.broadcast %add3A_1291 : i32 to vector<16xi32>
      %add3A_1293 = arith.addi %add3A_1156, %add3A_1292 : vector<16xi32>
      %get3A_1294 = arith.index_cast %add3A_1290 : i32 to index
      %get3A_1295 = arith.constant 0 : index
      %get3A_1296 = tpu.vector_load %arg8[%get3A_1294, %get3A_1295] {strides = array<i32>} : memref<128x64xf32, #tpu.memory_space<vmem>>, vector<16xf32>,
      tpu.vector_store_idx %arg12[%shift_right_arithmetic3A_17, %and3A_28, %add3A_1293], %get3A_1277 : memref<8x8x129xf32, #tpu.memory_space<vmem>>[vector<16xi32>, vector<16xi32>, vector<16xi32>], vector<16xf32>,
      %get3A_1297 = arith.index_cast %add3A_1290 : i32 to index
      %get3A_1298 = arith.constant 16 : index
      %get3A_1299 = tpu.vector_load %arg8[%get3A_1297, %get3A_1298] {strides = array<i32>} : memref<128x64xf32, #tpu.memory_space<vmem>>, vector<16xf32>,
      tpu.vector_store_idx %arg12[%shift_right_arithmetic3A_20, %and3A_31, %add3A_1293], %get3A_1280 : memref<8x8x129xf32, #tpu.memory_space<vmem>>[vector<16xi32>, vector<16xi32>, vector<16xi32>], vector<16xf32>,
      %get3A_1300 = arith.index_cast %add3A_1290 : i32 to index
      %get3A_1301 = arith.constant 32 : index
      %get3A_1302 = tpu.vector_load %arg8[%get3A_1300, %get3A_1301] {strides = array<i32>} : memref<128x64xf32, #tpu.memory_space<vmem>>, vector<16xf32>,
      tpu.vector_store_idx %arg12[%shift_right_arithmetic3A_23, %and3A_34, %add3A_1293], %get3A_1283 : memref<8x8x129xf32, #tpu.memory_space<vmem>>[vector<16xi32>, vector<16xi32>, vector<16xi32>], vector<16xf32>,
      %get3A_1303 = arith.index_cast %add3A_1290 : i32 to index
      %get3A_1304 = arith.constant 48 : index
      %get3A_1305 = tpu.vector_load %arg8[%get3A_1303, %get3A_1304] {strides = array<i32>} : memref<128x64xf32, #tpu.memory_space<vmem>>, vector<16xf32>,
      tpu.vector_store_idx %arg12[%shift_right_arithmetic3A_26, %and3A_37, %add3A_1293], %get3A_1286 : memref<8x8x129xf32, #tpu.memory_space<vmem>>[vector<16xi32>, vector<16xi32>, vector<16xi32>], vector<16xf32>,
      %add3A_1306 = arith.constant 7 : i32
      %add3A_1307 = vector.broadcast %add3A_1306 : i32 to vector<16xi32>
      %add3A_1308 = arith.addi %add3A_1156, %add3A_1307 : vector<16xi32>
      tpu.vector_store_idx %arg12[%shift_right_arithmetic3A_17, %and3A_28, %add3A_1308], %get3A_1296 : memref<8x8x129xf32, #tpu.memory_space<vmem>>[vector<16xi32>, vector<16xi32>, vector<16xi32>], vector<16xf32>,
      tpu.vector_store_idx %arg12[%shift_right_arithmetic3A_20, %and3A_31, %add3A_1308], %get3A_1299 : memref<8x8x129xf32, #tpu.memory_space<vmem>>[vector<16xi32>, vector<16xi32>, vector<16xi32>], vector<16xf32>,
      tpu.vector_store_idx %arg12[%shift_right_arithmetic3A_23, %and3A_34, %add3A_1308], %get3A_1302 : memref<8x8x129xf32, #tpu.memory_space<vmem>>[vector<16xi32>, vector<16xi32>, vector<16xi32>], vector<16xf32>,
      tpu.vector_store_idx %arg12[%shift_right_arithmetic3A_26, %and3A_37, %add3A_1308], %get3A_1305 : memref<8x8x129xf32, #tpu.memory_space<vmem>>[vector<16xi32>, vector<16xi32>, vector<16xi32>], vector<16xf32>,
    }
    %scan3A_226 = arith.constant 16 : i32
    %dma_start3A_227 = arith.constant 6 : i32
    %dma_start3A_228 = arith.constant 0 : i32
    %dma_start3A_229 = tpu.memref_slice %arg5[%dma_start3A_227, %dma_start3A_228] : memref<200x128xi32, #tpu.memory_space<vmem>> -> memref<1x128xi32, #tpu.memory_space<vmem>>
    %dma_start3A_230 = tpu.memref_squeeze %dma_start3A_229 : memref<1x128xi32, #tpu.memory_space<vmem>> -> memref<128xi32, #tpu.memory_space<vmem>>
    %dma_start3A_231 = arith.constant 0 : i32
    %dma_start3A_232 = arith.constant 0 : i32
    %dma_start3A_233 = tpu.memref_slice %arg3[%dma_start3A_231, %dma_start3A_232] : memref<100000x64xf32, #tpu.memory_space<hbm>> -> memref<100000x64xf32, #tpu.memory_space<hbm>>
    tpu.enqueue_indirect_dma source(%dma_start3A_233 : memref<100000x64xf32, #tpu.memory_space<hbm>>) target(%arg8 : memref<128x64xf32, #tpu.memory_space<vmem>>) offsets(%dma_start3A_230 : memref<128xi32, #tpu.memory_space<vmem>>) semaphore(%arg16 : memref<!tpu.dma_semaphore, #tpu.memory_space<semaphore_mem>>)
    %add3A_234 = arith.constant 2 : i32
    %add3A_235 = arith.addi %mul3A_2, %add3A_234 : i32
    %jit3A_236 = arith.constant 128 : i32
    %div3A_237 = arith.divsi %add3A_235, %jit3A_236 : i32
    %sign3A_238 = arith.constant 0 : i32
    %sign3A_239 = arith.cmpi sgt, %add3A_235, %sign3A_238 : i32
    %sign3A_240 = arith.extui %sign3A_239 : i1 to i32
    %sign3A_241 = arith.constant 0 : i32
    %sign3A_242 = arith.cmpi slt, %add3A_235, %sign3A_241 : i32
    %sign3A_243 = arith.extui %sign3A_242 : i1 to i32
    %sign3A_244 = arith.subi %sign3A_240, %sign3A_243 : i32
    %sign3A_245 = arith.constant 0 : i32
    %sign3A_246 = arith.cmpi sgt, %jit3A_236, %sign3A_245 : i32
    %sign3A_247 = arith.extui %sign3A_246 : i1 to i32
    %sign3A_248 = arith.constant 0 : i32
    %sign3A_249 = arith.cmpi slt, %jit3A_236, %sign3A_248 : i32
    %sign3A_250 = arith.extui %sign3A_249 : i1 to i32
    %sign3A_251 = arith.subi %sign3A_247, %sign3A_250 : i32
    %ne3A_252 = arith.cmpi ne, %sign3A_244, %sign3A_251 : i32
    %rem3A_253 = arith.remsi %add3A_235, %jit3A_236 : i32
    %ne3A_254 = arith.constant 0 : i32
    %ne3A_255 = arith.cmpi ne, %rem3A_253, %ne3A_254 : i32
    %and3A_256 = arith.andi %ne3A_252, %ne3A_255 : i1
    %sub3A_257 = arith.constant 1 : i32
    %sub3A_258 = arith.subi %div3A_237, %sub3A_257 : i32
    %select_n3A_259 = arith.select %and3A_256, %sub3A_258, %div3A_237 : i32
    %jit3A_260 = arith.constant 128 : i32
    %eq3A_261 = arith.constant 0 : i32
    %eq3A_262 = arith.cmpi eq, %jit3A_260, %eq3A_261 : i32
    %jit3A_263 = arith.constant 1 : i32
    %select_n3A_264 = arith.select %eq3A_262, %jit3A_263, %jit3A_260 : i32
    %rem3A_265 = arith.remsi %add3A_235, %select_n3A_264 : i32
    %ne3A_266 = arith.constant 0 : i32
    %ne3A_267 = arith.cmpi ne, %rem3A_265, %ne3A_266 : i32
    %lt3A_268 = arith.constant 0 : i32
    %lt3A_269 = arith.cmpi slt, %rem3A_265, %lt3A_268 : i32
    %lt3A_270 = arith.constant 0 : i32
    %lt3A_271 = arith.cmpi slt, %select_n3A_264, %lt3A_270 : i32
    %ne3A_272 = arith.xori %lt3A_269, %lt3A_271 : i1
    %and3A_273 = arith.andi %ne3A_272, %ne3A_267 : i1
    %add3A_274 = arith.addi %rem3A_265, %select_n3A_264 : i32
    %select_n3A_275 = arith.select %and3A_273, %add3A_274, %rem3A_265 : i32
    %dma_start3A_276 = arith.constant 0 : i32
    %dma_start3A_277 = arith.constant 0 : i32
    %dma_start3A_278 = arith.constant 0 : i32
    %dma_start3A_279 = tpu.memref_slice %arg12[%dma_start3A_276, %dma_start3A_277, %dma_start3A_278] : memref<8x8x129xf32, #tpu.memory_space<vmem>> -> memref<8x8x128xf32, #tpu.memory_space<vmem>>
    %dma_start3A_280 = arith.constant 0 : i32
    %dma_start3A_281 = arith.constant 0 : i32
    %dma_start3A_282 = arith.constant 0 : i32
    %dma_start3A_283 = tpu.memref_slice %arg4[%select_n3A_259, %dma_start3A_280, %select_n3A_275, %dma_start3A_281, %dma_start3A_282] : memref<50x8x128x8x128xf32, #tpu.memory_space<hbm>> -> memref<1x8x1x8x128xf32, #tpu.memory_space<hbm>>
    %dma_start3A_284 = tpu.memref_squeeze %dma_start3A_283 : memref<1x8x1x8x128xf32, #tpu.memory_space<hbm>> -> memref<8x8x128xf32, #tpu.memory_space<hbm>>
    %dma_start3A_285 = arith.constant 0 : i32
    %dma_start3A_286 = arith.constant 0 : i32
    %dma_start3A_287 = arith.constant 0 : i32
    %dma_start3A_288 = tpu.memref_slice %arg4[%select_n3A_259, %dma_start3A_285, %select_n3A_275, %dma_start3A_286, %dma_start3A_287] : memref<50x8x128x8x128xf32, #tpu.memory_space<hbm>> -> memref<1x8x1x8x128xf32, #tpu.memory_space<hbm>>
    %dma_start3A_289 = tpu.memref_squeeze %dma_start3A_288 : memref<1x8x1x8x128xf32, #tpu.memory_space<hbm>> -> memref<8x8x128xf32, #tpu.memory_space<hbm>>
    %dma_start3A_290 = arith.constant 0 : i32
    %dma_start3A_291 = arith.constant 0 : i32
    %dma_start3A_292 = arith.constant 0 : i32
    %dma_start3A_293 = tpu.memref_slice %arg12[%dma_start3A_290, %dma_start3A_291, %dma_start3A_292] : memref<8x8x129xf32, #tpu.memory_space<vmem>> -> memref<8x8x128xf32, #tpu.memory_space<vmem>>
    tpu.enqueue_dma source(%dma_start3A_293 : memref<8x8x128xf32, #tpu.memory_space<vmem>>) target(%dma_start3A_289 : memref<8x8x128xf32, #tpu.memory_space<hbm>>) target_semaphore(%arg20 : memref<!tpu.dma_semaphore, #tpu.memory_space<semaphore_mem>>)
    %dma_wait3A_294 = arith.constant 3 : i32
    %dma_wait3A_295 = arith.constant 0 : i32
    %dma_wait3A_296 = tpu.memref_slice %arg5[%dma_wait3A_294, %dma_wait3A_295] : memref<200x128xi32, #tpu.memory_space<vmem>> -> memref<1x128xi32, #tpu.memory_space<vmem>>
    %dma_wait3A_297 = tpu.memref_squeeze %dma_wait3A_296 : memref<1x128xi32, #tpu.memory_space<vmem>> -> memref<128xi32, #tpu.memory_space<vmem>>
    %dma_wait3A_298 = arith.constant 0 : i32
    %dma_wait3A_299 = arith.constant 0 : i32
    %dma_wait3A_300 = tpu.memref_slice %arg3[%dma_wait3A_298, %dma_wait3A_299] : memref<100000x64xf32, #tpu.memory_space<hbm>> -> memref<100000x64xf32, #tpu.memory_space<hbm>>
    tpu.wait_indirect_dma semaphore(%arg17 : memref<!tpu.dma_semaphore, #tpu.memory_space<semaphore_mem>>) src(%dma_wait3A_300 : memref<100000x64xf32, #tpu.memory_space<hbm>>) dst(%arg9 : memref<128x64xf32, #tpu.memory_space<vmem>>)
    %scan3A_301 = arith.constant 0 : i32
    %scan3A_302 = arith.constant 0 : i32
    %scan3A_303 = arith.constant 16 : i32
    %scan3A_304 = arith.addi %scan3A_302, %scan3A_303 : i32
    %scan3A_305 = arith.constant 1 : i32
    scf.for %scan3A_1152 = %scan3A_302 to %scan3A_304 step %scan3A_305  : i32 {
      %mul3A_1153 = arith.constant 8 : i32
      %mul3A_1154 = arith.muli %scan3A_1152, %mul3A_1153 : i32
      %add3A_1155 = vector.broadcast %mul3A_1154 : i32 to vector<16xi32>
      %add3A_1156 = arith.addi %broadcast_in_dim3A_3, %add3A_1155 : vector<16xi32>
      %mul3A_1157 = arith.constant 8 : i32
      %mul3A_1158 = arith.muli %scan3A_1152, %mul3A_1157 : i32
      %get3A = arith.index_cast %mul3A_1158 : i32 to index
      %get3A_1159 = arith.constant 0 : index
      %get3A_1160 = tpu.vector_load %arg9[%get3A, %get3A_1159] {strides = array<i32>} : memref<128x64xf32, #tpu.memory_space<vmem>>, vector<16xf32>,
      %mul3A_1161 = arith.constant 8 : i32
      %mul3A_1162 = arith.muli %scan3A_1152, %mul3A_1161 : i32
      %get3A_1163 = arith.index_cast %mul3A_1162 : i32 to index
      %get3A_1164 = arith.constant 16 : index
      %get3A_1165 = tpu.vector_load %arg9[%get3A_1163, %get3A_1164] {strides = array<i32>} : memref<128x64xf32, #tpu.memory_space<vmem>>, vector<16xf32>,
      %mul3A_1166 = arith.constant 8 : i32
      %mul3A_1167 = arith.muli %scan3A_1152, %mul3A_1166 : i32
      %get3A_1168 = arith.index_cast %mul3A_1167 : i32 to index
      %get3A_1169 = arith.constant 32 : index
      %get3A_1170 = tpu.vector_load %arg9[%get3A_1168, %get3A_1169] {strides = array<i32>} : memref<128x64xf32, #tpu.memory_space<vmem>>, vector<16xf32>,
      %mul3A_1171 = arith.constant 8 : i32
      %mul3A_1172 = arith.muli %scan3A_1152, %mul3A_1171 : i32
      %get3A_1173 = arith.index_cast %mul3A_1172 : i32 to index
      %get3A_1174 = arith.constant 48 : index
      %get3A_1175 = tpu.vector_load %arg9[%get3A_1173, %get3A_1174] {strides = array<i32>} : memref<128x64xf32, #tpu.memory_space<vmem>>, vector<16xf32>,
      %mul3A_1176 = arith.constant 8 : i32
      %mul3A_1177 = arith.muli %scan3A_1152, %mul3A_1176 : i32
      %add3A_1178 = arith.constant 1 : i32
      %add3A_1179 = arith.addi %mul3A_1177, %add3A_1178 : i32
      %get3A_1180 = arith.index_cast %add3A_1179 : i32 to index
      %get3A_1181 = arith.constant 0 : index
      %get3A_1182 = tpu.vector_load %arg9[%get3A_1180, %get3A_1181] {strides = array<i32>} : memref<128x64xf32, #tpu.memory_space<vmem>>, vector<16xf32>,
      tpu.vector_store_idx %arg13[%shift_right_arithmetic3A_17, %and3A_28, %add3A_1156], %get3A_1160 : memref<8x8x129xf32, #tpu.memory_space<vmem>>[vector<16xi32>, vector<16xi32>, vector<16xi32>], vector<16xf32>,
      %get3A_1183 = arith.index_cast %add3A_1179 : i32 to index
      %get3A_1184 = arith.constant 16 : index
      %get3A_1185 = tpu.vector_load %arg9[%get3A_1183, %get3A_1184] {strides = array<i32>} : memref<128x64xf32, #tpu.memory_space<vmem>>, vector<16xf32>,
      tpu.vector_store_idx %arg13[%shift_right_arithmetic3A_20, %and3A_31, %add3A_1156], %get3A_1165 : memref<8x8x129xf32, #tpu.memory_space<vmem>>[vector<16xi32>, vector<16xi32>, vector<16xi32>], vector<16xf32>,
      %get3A_1186 = arith.index_cast %add3A_1179 : i32 to index
      %get3A_1187 = arith.constant 32 : index
      %get3A_1188 = tpu.vector_load %arg9[%get3A_1186, %get3A_1187] {strides = array<i32>} : memref<128x64xf32, #tpu.memory_space<vmem>>, vector<16xf32>,
      tpu.vector_store_idx %arg13[%shift_right_arithmetic3A_23, %and3A_34, %add3A_1156], %get3A_1170 : memref<8x8x129xf32, #tpu.memory_space<vmem>>[vector<16xi32>, vector<16xi32>, vector<16xi32>], vector<16xf32>,
      %get3A_1189 = arith.index_cast %add3A_1179 : i32 to index
      %get3A_1190 = arith.constant 48 : index
      %get3A_1191 = tpu.vector_load %arg9[%get3A_1189, %get3A_1190] {strides = array<i32>} : memref<128x64xf32, #tpu.memory_space<vmem>>, vector<16xf32>,
      tpu.vector_store_idx %arg13[%shift_right_arithmetic3A_26, %and3A_37, %add3A_1156], %get3A_1175 : memref<8x8x129xf32, #tpu.memory_space<vmem>>[vector<16xi32>, vector<16xi32>, vector<16xi32>], vector<16xf32>,
      %mul3A_1192 = arith.constant 8 : i32
      %mul3A_1193 = arith.muli %scan3A_1152, %mul3A_1192 : i32
      %add3A_1194 = arith.constant 2 : i32
      %add3A_1195 = arith.addi %mul3A_1193, %add3A_1194 : i32
      %add3A_1196 = arith.constant 1 : i32
      %add3A_1197 = vector.broadcast %add3A_1196 : i32 to vector<16xi32>
      %add3A_1198 = arith.addi %add3A_1156, %add3A_1197 : vector<16xi32>
      %get3A_1199 = arith.index_cast %add3A_1195 : i32 to index
      %get3A_1200 = arith.constant 0 : index
      %get3A_1201 = tpu.vector_load %arg9[%get3A_1199, %get3A_1200] {strides = array<i32>} : memref<128x64xf32, #tpu.memory_space<vmem>>, vector<16xf32>,
      tpu.vector_store_idx %arg13[%shift_right_arithmetic3A_17, %and3A_28, %add3A_1198], %get3A_1182 : memref<8x8x129xf32, #tpu.memory_space<vmem>>[vector<16xi32>, vector<16xi32>, vector<16xi32>], vector<16xf32>,
      %get3A_1202 = arith.index_cast %add3A_1195 : i32 to index
      %get3A_1203 = arith.constant 16 : index
      %get3A_1204 = tpu.vector_load %arg9[%get3A_1202, %get3A_1203] {strides = array<i32>} : memref<128x64xf32, #tpu.memory_space<vmem>>, vector<16xf32>,
      tpu.vector_store_idx %arg13[%shift_right_arithmetic3A_20, %and3A_31, %add3A_1198], %get3A_1185 : memref<8x8x129xf32, #tpu.memory_space<vmem>>[vector<16xi32>, vector<16xi32>, vector<16xi32>], vector<16xf32>,
      %get3A_1205 = arith.index_cast %add3A_1195 : i32 to index
      %get3A_1206 = arith.constant 32 : index
      %get3A_1207 = tpu.vector_load %arg9[%get3A_1205, %get3A_1206] {strides = array<i32>} : memref<128x64xf32, #tpu.memory_space<vmem>>, vector<16xf32>,
      tpu.vector_store_idx %arg13[%shift_right_arithmetic3A_23, %and3A_34, %add3A_1198], %get3A_1188 : memref<8x8x129xf32, #tpu.memory_space<vmem>>[vector<16xi32>, vector<16xi32>, vector<16xi32>], vector<16xf32>,
      %get3A_1208 = arith.index_cast %add3A_1195 : i32 to index
      %get3A_1209 = arith.constant 48 : index
      %get3A_1210 = tpu.vector_load %arg9[%get3A_1208, %get3A_1209] {strides = array<i32>} : memref<128x64xf32, #tpu.memory_space<vmem>>, vector<16xf32>,
      tpu.vector_store_idx %arg13[%shift_right_arithmetic3A_26, %and3A_37, %add3A_1198], %get3A_1191 : memref<8x8x129xf32, #tpu.memory_space<vmem>>[vector<16xi32>, vector<16xi32>, vector<16xi32>], vector<16xf32>,
      %mul3A_1211 = arith.constant 8 : i32
      %mul3A_1212 = arith.muli %scan3A_1152, %mul3A_1211 : i32
      %add3A_1213 = arith.constant 3 : i32
      %add3A_1214 = arith.addi %mul3A_1212, %add3A_1213 : i32
      %add3A_1215 = arith.constant 2 : i32
      %add3A_1216 = vector.broadcast %add3A_1215 : i32 to vector<16xi32>
      %add3A_1217 = arith.addi %add3A_1156, %add3A_1216 : vector<16xi32>
      %get3A_1218 = arith.index_cast %add3A_1214 : i32 to index
      %get3A_1219 = arith.constant 0 : index
      %get3A_1220 = tpu.vector_load %arg9[%get3A_1218, %get3A_1219] {strides = array<i32>} : memref<128x64xf32, #tpu.memory_space<vmem>>, vector<16xf32>,
      tpu.vector_store_idx %arg13[%shift_right_arithmetic3A_17, %and3A_28, %add3A_1217], %get3A_1201 : memref<8x8x129xf32, #tpu.memory_space<vmem>>[vector<16xi32>, vector<16xi32>, vector<16xi32>], vector<16xf32>,
      %get3A_1221 = arith.index_cast %add3A_1214 : i32 to index
      %get3A_1222 = arith.constant 16 : index
      %get3A_1223 = tpu.vector_load %arg9[%get3A_1221, %get3A_1222] {strides = array<i32>} : memref<128x64xf32, #tpu.memory_space<vmem>>, vector<16xf32>,
      tpu.vector_store_idx %arg13[%shift_right_arithmetic3A_20, %and3A_31, %add3A_1217], %get3A_1204 : memref<8x8x129xf32, #tpu.memory_space<vmem>>[vector<16xi32>, vector<16xi32>, vector<16xi32>], vector<16xf32>,
      %get3A_1224 = arith.index_cast %add3A_1214 : i32 to index
      %get3A_1225 = arith.constant 32 : index
      %get3A_1226 = tpu.vector_load %arg9[%get3A_1224, %get3A_1225] {strides = array<i32>} : memref<128x64xf32, #tpu.memory_space<vmem>>, vector<16xf32>,
      tpu.vector_store_idx %arg13[%shift_right_arithmetic3A_23, %and3A_34, %add3A_1217], %get3A_1207 : memref<8x8x129xf32, #tpu.memory_space<vmem>>[vector<16xi32>, vector<16xi32>, vector<16xi32>], vector<16xf32>,
      %get3A_1227 = arith.index_cast %add3A_1214 : i32 to index
      %get3A_1228 = arith.constant 48 : index
      %get3A_1229 = tpu.vector_load %arg9[%get3A_1227, %get3A_1228] {strides = array<i32>} : memref<128x64xf32, #tpu.memory_space<vmem>>, vector<16xf32>,
      tpu.vector_store_idx %arg13[%shift_right_arithmetic3A_26, %and3A_37, %add3A_1217], %get3A_1210 : memref<8x8x129xf32, #tpu.memory_space<vmem>>[vector<16xi32>, vector<16xi32>, vector<16xi32>], vector<16xf32>,
      %mul3A_1230 = arith.constant 8 : i32
      %mul3A_1231 = arith.muli %scan3A_1152, %mul3A_1230 : i32
      %add3A_1232 = arith.constant 4 : i32
      %add3A_1233 = arith.addi %mul3A_1231, %add3A_1232 : i32
      %add3A_1234 = arith.constant 3 : i32
      %add3A_1235 = vector.broadcast %add3A_1234 : i32 to vector<16xi32>
      %add3A_1236 = arith.addi %add3A_1156, %add3A_1235 : vector<16xi32>
      %get3A_1237 = arith.index_cast %add3A_1233 : i32 to index
      %get3A_1238 = arith.constant 0 : index
      %get3A_1239 = tpu.vector_load %arg9[%get3A_1237, %get3A_1238] {strides = array<i32>} : memref<128x64xf32, #tpu.memory_space<vmem>>, vector<16xf32>,
      tpu.vector_store_idx %arg13[%shift_right_arithmetic3A_17, %and3A_28, %add3A_1236], %get3A_1220 : memref<8x8x129xf32, #tpu.memory_space<vmem>>[vector<16xi32>, vector<16xi32>, vector<16xi32>], vector<16xf32>,
      %get3A_1240 = arith.index_cast %add3A_1233 : i32 to index
      %get3A_1241 = arith.constant 16 : index
      %get3A_1242 = tpu.vector_load %arg9[%get3A_1240, %get3A_1241] {strides = array<i32>} : memref<128x64xf32, #tpu.memory_space<vmem>>, vector<16xf32>,
      tpu.vector_store_idx %arg13[%shift_right_arithmetic3A_20, %and3A_31, %add3A_1236], %get3A_1223 : memref<8x8x129xf32, #tpu.memory_space<vmem>>[vector<16xi32>, vector<16xi32>, vector<16xi32>], vector<16xf32>,
      %get3A_1243 = arith.index_cast %add3A_1233 : i32 to index
      %get3A_1244 = arith.constant 32 : index
      %get3A_1245 = tpu.vector_load %arg9[%get3A_1243, %get3A_1244] {strides = array<i32>} : memref<128x64xf32, #tpu.memory_space<vmem>>, vector<16xf32>,
      tpu.vector_store_idx %arg13[%shift_right_arithmetic3A_23, %and3A_34, %add3A_1236], %get3A_1226 : memref<8x8x129xf32, #tpu.memory_space<vmem>>[vector<16xi32>, vector<16xi32>, vector<16xi32>], vector<16xf32>,
      %get3A_1246 = arith.index_cast %add3A_1233 : i32 to index
      %get3A_1247 = arith.constant 48 : index
      %get3A_1248 = tpu.vector_load %arg9[%get3A_1246, %get3A_1247] {strides = array<i32>} : memref<128x64xf32, #tpu.memory_space<vmem>>, vector<16xf32>,
      tpu.vector_store_idx %arg13[%shift_right_arithmetic3A_26, %and3A_37, %add3A_1236], %get3A_1229 : memref<8x8x129xf32, #tpu.memory_space<vmem>>[vector<16xi32>, vector<16xi32>, vector<16xi32>], vector<16xf32>,
      %mul3A_1249 = arith.constant 8 : i32
      %mul3A_1250 = arith.muli %scan3A_1152, %mul3A_1249 : i32
      %add3A_1251 = arith.constant 5 : i32
      %add3A_1252 = arith.addi %mul3A_1250, %add3A_1251 : i32
      %add3A_1253 = arith.constant 4 : i32
      %add3A_1254 = vector.broadcast %add3A_1253 : i32 to vector<16xi32>
      %add3A_1255 = arith.addi %add3A_1156, %add3A_1254 : vector<16xi32>
      %get3A_1256 = arith.index_cast %add3A_1252 : i32 to index
      %get3A_1257 = arith.constant 0 : index
      %get3A_1258 = tpu.vector_load %arg9[%get3A_1256, %get3A_1257] {strides = array<i32>} : memref<128x64xf32, #tpu.memory_space<vmem>>, vector<16xf32>,
      tpu.vector_store_idx %arg13[%shift_right_arithmetic3A_17, %and3A_28, %add3A_1255], %get3A_1239 : memref<8x8x129xf32, #tpu.memory_space<vmem>>[vector<16xi32>, vector<16xi32>, vector<16xi32>], vector<16xf32>,
      %get3A_1259 = arith.index_cast %add3A_1252 : i32 to index
      %get3A_1260 = arith.constant 16 : index
      %get3A_1261 = tpu.vector_load %arg9[%get3A_1259, %get3A_1260] {strides = array<i32>} : memref<128x64xf32, #tpu.memory_space<vmem>>, vector<16xf32>,
      tpu.vector_store_idx %arg13[%shift_right_arithmetic3A_20, %and3A_31, %add3A_1255], %get3A_1242 : memref<8x8x129xf32, #tpu.memory_space<vmem>>[vector<16xi32>, vector<16xi32>, vector<16xi32>], vector<16xf32>,
      %get3A_1262 = arith.index_cast %add3A_1252 : i32 to index
      %get3A_1263 = arith.constant 32 : index
      %get3A_1264 = tpu.vector_load %arg9[%get3A_1262, %get3A_1263] {strides = array<i32>} : memref<128x64xf32, #tpu.memory_space<vmem>>, vector<16xf32>,
      tpu.vector_store_idx %arg13[%shift_right_arithmetic3A_23, %and3A_34, %add3A_1255], %get3A_1245 : memref<8x8x129xf32, #tpu.memory_space<vmem>>[vector<16xi32>, vector<16xi32>, vector<16xi32>], vector<16xf32>,
      %get3A_1265 = arith.index_cast %add3A_1252 : i32 to index
      %get3A_1266 = arith.constant 48 : index
      %get3A_1267 = tpu.vector_load %arg9[%get3A_1265, %get3A_1266] {strides = array<i32>} : memref<128x64xf32, #tpu.memory_space<vmem>>, vector<16xf32>,
      tpu.vector_store_idx %arg13[%shift_right_arithmetic3A_26, %and3A_37, %add3A_1255], %get3A_1248 : memref<8x8x129xf32, #tpu.memory_space<vmem>>[vector<16xi32>, vector<16xi32>, vector<16xi32>], vector<16xf32>,
      %mul3A_1268 = arith.constant 8 : i32
      %mul3A_1269 = arith.muli %scan3A_1152, %mul3A_1268 : i32
      %add3A_1270 = arith.constant 6 : i32
      %add3A_1271 = arith.addi %mul3A_1269, %add3A_1270 : i32
      %add3A_1272 = arith.constant 5 : i32
      %add3A_1273 = vector.broadcast %add3A_1272 : i32 to vector<16xi32>
      %add3A_1274 = arith.addi %add3A_1156, %add3A_1273 : vector<16xi32>
      %get3A_1275 = arith.index_cast %add3A_1271 : i32 to index
      %get3A_1276 = arith.constant 0 : index
      %get3A_1277 = tpu.vector_load %arg9[%get3A_1275, %get3A_1276] {strides = array<i32>} : memref<128x64xf32, #tpu.memory_space<vmem>>, vector<16xf32>,
      tpu.vector_store_idx %arg13[%shift_right_arithmetic3A_17, %and3A_28, %add3A_1274], %get3A_1258 : memref<8x8x129xf32, #tpu.memory_space<vmem>>[vector<16xi32>, vector<16xi32>, vector<16xi32>], vector<16xf32>,
      %get3A_1278 = arith.index_cast %add3A_1271 : i32 to index
      %get3A_1279 = arith.constant 16 : index
      %get3A_1280 = tpu.vector_load %arg9[%get3A_1278, %get3A_1279] {strides = array<i32>} : memref<128x64xf32, #tpu.memory_space<vmem>>, vector<16xf32>,
      tpu.vector_store_idx %arg13[%shift_right_arithmetic3A_20, %and3A_31, %add3A_1274], %get3A_1261 : memref<8x8x129xf32, #tpu.memory_space<vmem>>[vector<16xi32>, vector<16xi32>, vector<16xi32>], vector<16xf32>,
      %get3A_1281 = arith.index_cast %add3A_1271 : i32 to index
      %get3A_1282 = arith.constant 32 : index
      %get3A_1283 = tpu.vector_load %arg9[%get3A_1281, %get3A_1282] {strides = array<i32>} : memref<128x64xf32, #tpu.memory_space<vmem>>, vector<16xf32>,
      tpu.vector_store_idx %arg13[%shift_right_arithmetic3A_23, %and3A_34, %add3A_1274], %get3A_1264 : memref<8x8x129xf32, #tpu.memory_space<vmem>>[vector<16xi32>, vector<16xi32>, vector<16xi32>], vector<16xf32>,
      %get3A_1284 = arith.index_cast %add3A_1271 : i32 to index
      %get3A_1285 = arith.constant 48 : index
      %get3A_1286 = tpu.vector_load %arg9[%get3A_1284, %get3A_1285] {strides = array<i32>} : memref<128x64xf32, #tpu.memory_space<vmem>>, vector<16xf32>,
      tpu.vector_store_idx %arg13[%shift_right_arithmetic3A_26, %and3A_37, %add3A_1274], %get3A_1267 : memref<8x8x129xf32, #tpu.memory_space<vmem>>[vector<16xi32>, vector<16xi32>, vector<16xi32>], vector<16xf32>,
      %mul3A_1287 = arith.constant 8 : i32
      %mul3A_1288 = arith.muli %scan3A_1152, %mul3A_1287 : i32
      %add3A_1289 = arith.constant 7 : i32
      %add3A_1290 = arith.addi %mul3A_1288, %add3A_1289 : i32
      %add3A_1291 = arith.constant 6 : i32
      %add3A_1292 = vector.broadcast %add3A_1291 : i32 to vector<16xi32>
      %add3A_1293 = arith.addi %add3A_1156, %add3A_1292 : vector<16xi32>
      %get3A_1294 = arith.index_cast %add3A_1290 : i32 to index
      %get3A_1295 = arith.constant 0 : index
      %get3A_1296 = tpu.vector_load %arg9[%get3A_1294, %get3A_1295] {strides = array<i32>} : memref<128x64xf32, #tpu.memory_space<vmem>>, vector<16xf32>,
      tpu.vector_store_idx %arg13[%shift_right_arithmetic3A_17, %and3A_28, %add3A_1293], %get3A_1277 : memref<8x8x129xf32, #tpu.memory_space<vmem>>[vector<16xi32>, vector<16xi32>, vector<16xi32>], vector<16xf32>,
      %get3A_1297 = arith.index_cast %add3A_1290 : i32 to index
      %get3A_1298 = arith.constant 16 : index
      %get3A_1299 = tpu.vector_load %arg9[%get3A_1297, %get3A_1298] {strides = array<i32>} : memref<128x64xf32, #tpu.memory_space<vmem>>, vector<16xf32>,
      tpu.vector_store_idx %arg13[%shift_right_arithmetic3A_20, %and3A_31, %add3A_1293], %get3A_1280 : memref<8x8x129xf32, #tpu.memory_space<vmem>>[vector<16xi32>, vector<16xi32>, vector<16xi32>], vector<16xf32>,
      %get3A_1300 = arith.index_cast %add3A_1290 : i32 to index
      %get3A_1301 = arith.constant 32 : index
      %get3A_1302 = tpu.vector_load %arg9[%get3A_1300, %get3A_1301] {strides = array<i32>} : memref<128x64xf32, #tpu.memory_space<vmem>>, vector<16xf32>,
      tpu.vector_store_idx %arg13[%shift_right_arithmetic3A_23, %and3A_34, %add3A_1293], %get3A_1283 : memref<8x8x129xf32, #tpu.memory_space<vmem>>[vector<16xi32>, vector<16xi32>, vector<16xi32>], vector<16xf32>,
      %get3A_1303 = arith.index_cast %add3A_1290 : i32 to index
      %get3A_1304 = arith.constant 48 : index
      %get3A_1305 = tpu.vector_load %arg9[%get3A_1303, %get3A_1304] {strides = array<i32>} : memref<128x64xf32, #tpu.memory_space<vmem>>, vector<16xf32>,
      tpu.vector_store_idx %arg13[%shift_right_arithmetic3A_26, %and3A_37, %add3A_1293], %get3A_1286 : memref<8x8x129xf32, #tpu.memory_space<vmem>>[vector<16xi32>, vector<16xi32>, vector<16xi32>], vector<16xf32>,
      %add3A_1306 = arith.constant 7 : i32
      %add3A_1307 = vector.broadcast %add3A_1306 : i32 to vector<16xi32>
      %add3A_1308 = arith.addi %add3A_1156, %add3A_1307 : vector<16xi32>
      tpu.vector_store_idx %arg13[%shift_right_arithmetic3A_17, %and3A_28, %add3A_1308], %get3A_1296 : memref<8x8x129xf32, #tpu.memory_space<vmem>>[vector<16xi32>, vector<16xi32>, vector<16xi32>], vector<16xf32>,
      tpu.vector_store_idx %arg13[%shift_right_arithmetic3A_20, %and3A_31, %add3A_1308], %get3A_1299 : memref<8x8x129xf32, #tpu.memory_space<vmem>>[vector<16xi32>, vector<16xi32>, vector<16xi32>], vector<16xf32>,
      tpu.vector_store_idx %arg13[%shift_right_arithmetic3A_23, %and3A_34, %add3A_1308], %get3A_1302 : memref<8x8x129xf32, #tpu.memory_space<vmem>>[vector<16xi32>, vector<16xi32>, vector<16xi32>], vector<16xf32>,
      tpu.vector_store_idx %arg13[%shift_right_arithmetic3A_26, %and3A_37, %add3A_1308], %get3A_1305 : memref<8x8x129xf32, #tpu.memory_space<vmem>>[vector<16xi32>, vector<16xi32>, vector<16xi32>], vector<16xf32>,
    }
    %scan3A_306 = arith.constant 16 : i32
    %dma_start3A_307 = arith.constant 7 : i32
    %dma_start3A_308 = arith.constant 0 : i32
    %dma_start3A_309 = tpu.memref_slice %arg5[%dma_start3A_307, %dma_start3A_308] : memref<200x128xi32, #tpu.memory_space<vmem>> -> memref<1x128xi32, #tpu.memory_space<vmem>>
    %dma_start3A_310 = tpu.memref_squeeze %dma_start3A_309 : memref<1x128xi32, #tpu.memory_space<vmem>> -> memref<128xi32, #tpu.memory_space<vmem>>
    %dma_start3A_311 = arith.constant 0 : i32
    %dma_start3A_312 = arith.constant 0 : i32
    %dma_start3A_313 = tpu.memref_slice %arg3[%dma_start3A_311, %dma_start3A_312] : memref<100000x64xf32, #tpu.memory_space<hbm>> -> memref<100000x64xf32, #tpu.memory_space<hbm>>
    tpu.enqueue_indirect_dma source(%dma_start3A_313 : memref<100000x64xf32, #tpu.memory_space<hbm>>) target(%arg9 : memref<128x64xf32, #tpu.memory_space<vmem>>) offsets(%dma_start3A_310 : memref<128xi32, #tpu.memory_space<vmem>>) semaphore(%arg17 : memref<!tpu.dma_semaphore, #tpu.memory_space<semaphore_mem>>)
    %add3A_314 = arith.constant 3 : i32
    %add3A_315 = arith.addi %mul3A_2, %add3A_314 : i32
    %jit3A_316 = arith.constant 128 : i32
    %div3A_317 = arith.divsi %add3A_315, %jit3A_316 : i32
    %sign3A_318 = arith.constant 0 : i32
    %sign3A_319 = arith.cmpi sgt, %add3A_315, %sign3A_318 : i32
    %sign3A_320 = arith.extui %sign3A_319 : i1 to i32
    %sign3A_321 = arith.constant 0 : i32
    %sign3A_322 = arith.cmpi slt, %add3A_315, %sign3A_321 : i32
    %sign3A_323 = arith.extui %sign3A_322 : i1 to i32
    %sign3A_324 = arith.subi %sign3A_320, %sign3A_323 : i32
    %sign3A_325 = arith.constant 0 : i32
    %sign3A_326 = arith.cmpi sgt, %jit3A_316, %sign3A_325 : i32
    %sign3A_327 = arith.extui %sign3A_326 : i1 to i32
    %sign3A_328 = arith.constant 0 : i32
    %sign3A_329 = arith.cmpi slt, %jit3A_316, %sign3A_328 : i32
    %sign3A_330 = arith.extui %sign3A_329 : i1 to i32
    %sign3A_331 = arith.subi %sign3A_327, %sign3A_330 : i32
    %ne3A_332 = arith.cmpi ne, %sign3A_324, %sign3A_331 : i32
    %rem3A_333 = arith.remsi %add3A_315, %jit3A_316 : i32
    %ne3A_334 = arith.constant 0 : i32
    %ne3A_335 = arith.cmpi ne, %rem3A_333, %ne3A_334 : i32
    %and3A_336 = arith.andi %ne3A_332, %ne3A_335 : i1
    %sub3A_337 = arith.constant 1 : i32
    %sub3A_338 = arith.subi %div3A_317, %sub3A_337 : i32
    %select_n3A_339 = arith.select %and3A_336, %sub3A_338, %div3A_317 : i32
    %jit3A_340 = arith.constant 128 : i32
    %eq3A_341 = arith.constant 0 : i32
    %eq3A_342 = arith.cmpi eq, %jit3A_340, %eq3A_341 : i32
    %jit3A_343 = arith.constant 1 : i32
    %select_n3A_344 = arith.select %eq3A_342, %jit3A_343, %jit3A_340 : i32
    %rem3A_345 = arith.remsi %add3A_315, %select_n3A_344 : i32
    %ne3A_346 = arith.constant 0 : i32
    %ne3A_347 = arith.cmpi ne, %rem3A_345, %ne3A_346 : i32
    %lt3A_348 = arith.constant 0 : i32
    %lt3A_349 = arith.cmpi slt, %rem3A_345, %lt3A_348 : i32
    %lt3A_350 = arith.constant 0 : i32
    %lt3A_351 = arith.cmpi slt, %select_n3A_344, %lt3A_350 : i32
    %ne3A_352 = arith.xori %lt3A_349, %lt3A_351 : i1
    %and3A_353 = arith.andi %ne3A_352, %ne3A_347 : i1
    %add3A_354 = arith.addi %rem3A_345, %select_n3A_344 : i32
    %select_n3A_355 = arith.select %and3A_353, %add3A_354, %rem3A_345 : i32
    %dma_start3A_356 = arith.constant 0 : i32
    %dma_start3A_357 = arith.constant 0 : i32
    %dma_start3A_358 = arith.constant 0 : i32
    %dma_start3A_359 = tpu.memref_slice %arg13[%dma_start3A_356, %dma_start3A_357, %dma_start3A_358] : memref<8x8x129xf32, #tpu.memory_space<vmem>> -> memref<8x8x128xf32, #tpu.memory_space<vmem>>
    %dma_start3A_360 = arith.constant 0 : i32
    %dma_start3A_361 = arith.constant 0 : i32
    %dma_start3A_362 = arith.constant 0 : i32
    %dma_start3A_363 = tpu.memref_slice %arg4[%select_n3A_339, %dma_start3A_360, %select_n3A_355, %dma_start3A_361, %dma_start3A_362] : memref<50x8x128x8x128xf32, #tpu.memory_space<hbm>> -> memref<1x8x1x8x128xf32, #tpu.memory_space<hbm>>
    %dma_start3A_364 = tpu.memref_squeeze %dma_start3A_363 : memref<1x8x1x8x128xf32, #tpu.memory_space<hbm>> -> memref<8x8x128xf32, #tpu.memory_space<hbm>>
    %dma_start3A_365 = arith.constant 0 : i32
    %dma_start3A_366 = arith.constant 0 : i32
    %dma_start3A_367 = arith.constant 0 : i32
    %dma_start3A_368 = tpu.memref_slice %arg4[%select_n3A_339, %dma_start3A_365, %select_n3A_355, %dma_start3A_366, %dma_start3A_367] : memref<50x8x128x8x128xf32, #tpu.memory_space<hbm>> -> memref<1x8x1x8x128xf32, #tpu.memory_space<hbm>>
    %dma_start3A_369 = tpu.memref_squeeze %dma_start3A_368 : memref<1x8x1x8x128xf32, #tpu.memory_space<hbm>> -> memref<8x8x128xf32, #tpu.memory_space<hbm>>
    %dma_start3A_370 = arith.constant 0 : i32
    %dma_start3A_371 = arith.constant 0 : i32
    %dma_start3A_372 = arith.constant 0 : i32
    %dma_start3A_373 = tpu.memref_slice %arg13[%dma_start3A_370, %dma_start3A_371, %dma_start3A_372] : memref<8x8x129xf32, #tpu.memory_space<vmem>> -> memref<8x8x128xf32, #tpu.memory_space<vmem>>
    tpu.enqueue_dma source(%dma_start3A_373 : memref<8x8x128xf32, #tpu.memory_space<vmem>>) target(%dma_start3A_369 : memref<8x8x128xf32, #tpu.memory_space<hbm>>) target_semaphore(%arg21 : memref<!tpu.dma_semaphore, #tpu.memory_space<semaphore_mem>>)
    %scan3A_374 = arith.constant 0 : i32
    %scan3A_375 = arith.constant 1 : i32
    %scan3A_376 = arith.constant 48 : i32
    %scan3A_377 = arith.addi %scan3A_375, %scan3A_376 : i32
    %scan3A_378 = arith.constant 1 : i32
    scf.for %scan3A_1152 = %scan3A_375 to %scan3A_377 step %scan3A_378  : i32 {
      %mul3A_1153 = arith.constant 4 : i32
      %mul3A_1154 = arith.muli %mul3A_1153, %scan3A_1152 : i32
      %add3A_1155 = arith.constant 0 : i32
      %add3A_1156 = arith.addi %mul3A_1154, %add3A_1155 : i32
      %sub3A_1157 = arith.constant 4 : i32
      %sub3A_1158 = arith.subi %add3A_1156, %sub3A_1157 : i32
      %add3A_1159 = arith.addi %mul3A_2, %sub3A_1158 : i32
      %jit3A_1160 = arith.constant 128 : i32
      %div3A_1161 = arith.divsi %add3A_1159, %jit3A_1160 : i32
      %sign3A_1162 = arith.constant 0 : i32
      %sign3A_1163 = arith.cmpi sgt, %add3A_1159, %sign3A_1162 : i32
      %sign3A_1164 = arith.extui %sign3A_1163 : i1 to i32
      %sign3A_1165 = arith.constant 0 : i32
      %sign3A_1166 = arith.cmpi slt, %add3A_1159, %sign3A_1165 : i32
      %sign3A_1167 = arith.extui %sign3A_1166 : i1 to i32
      %sign3A_1168 = arith.subi %sign3A_1164, %sign3A_1167 : i32
      %sign3A_1169 = arith.constant 0 : i32
      %sign3A_1170 = arith.cmpi sgt, %jit3A_1160, %sign3A_1169 : i32
      %sign3A_1171 = arith.extui %sign3A_1170 : i1 to i32
      %sign3A_1172 = arith.constant 0 : i32
      %sign3A_1173 = arith.cmpi slt, %jit3A_1160, %sign3A_1172 : i32
      %sign3A_1174 = arith.extui %sign3A_1173 : i1 to i32
      %sign3A_1175 = arith.subi %sign3A_1171, %sign3A_1174 : i32
      %ne3A_1176 = arith.cmpi ne, %sign3A_1168, %sign3A_1175 : i32
      %rem3A_1177 = arith.remsi %add3A_1159, %jit3A_1160 : i32
      %ne3A_1178 = arith.constant 0 : i32
      %ne3A_1179 = arith.cmpi ne, %rem3A_1177, %ne3A_1178 : i32
      %and3A_1180 = arith.andi %ne3A_1176, %ne3A_1179 : i1
      %sub3A_1181 = arith.constant 1 : i32
      %sub3A_1182 = arith.subi %div3A_1161, %sub3A_1181 : i32
      %select_n3A_1183 = arith.select %and3A_1180, %sub3A_1182, %div3A_1161 : i32
      %jit3A_1184 = arith.constant 128 : i32
      %eq3A_1185 = arith.constant 0 : i32
      %eq3A_1186 = arith.cmpi eq, %jit3A_1184, %eq3A_1185 : i32
      %jit3A_1187 = arith.constant 1 : i32
      %select_n3A_1188 = arith.select %eq3A_1186, %jit3A_1187, %jit3A_1184 : i32
      %rem3A_1189 = arith.remsi %add3A_1159, %select_n3A_1188 : i32
      %ne3A_1190 = arith.constant 0 : i32
      %ne3A_1191 = arith.cmpi ne, %rem3A_1189, %ne3A_1190 : i32
      %lt3A_1192 = arith.constant 0 : i32
      %lt3A_1193 = arith.cmpi slt, %rem3A_1189, %lt3A_1192 : i32
      %lt3A_1194 = arith.constant 0 : i32
      %lt3A_1195 = arith.cmpi slt, %select_n3A_1188, %lt3A_1194 : i32
      %ne3A_1196 = arith.xori %lt3A_1193, %lt3A_1195 : i1
      %and3A_1197 = arith.andi %ne3A_1196, %ne3A_1191 : i1
      %add3A_1198 = arith.addi %rem3A_1189, %select_n3A_1188 : i32
      %select_n3A_1199 = arith.select %and3A_1197, %add3A_1198, %rem3A_1189 : i32
      %dma_wait3A_1200 = arith.constant 0 : i32
      %dma_wait3A_1201 = arith.constant 0 : i32
      %dma_wait3A_1202 = arith.constant 0 : i32
      %dma_wait3A_1203 = tpu.memref_slice %arg10[%dma_wait3A_1200, %dma_wait3A_1201, %dma_wait3A_1202] : memref<8x8x129xf32, #tpu.memory_space<vmem>> -> memref<8x8x128xf32, #tpu.memory_space<vmem>>
      %dma_wait3A_1204 = arith.constant 0 : i32
      %dma_wait3A_1205 = arith.constant 0 : i32
      %dma_wait3A_1206 = arith.constant 0 : i32
      %dma_wait3A_1207 = tpu.memref_slice %arg4[%select_n3A_1183, %dma_wait3A_1204, %select_n3A_1199, %dma_wait3A_1205, %dma_wait3A_1206] : memref<50x8x128x8x128xf32, #tpu.memory_space<hbm>> -> memref<1x8x1x8x128xf32, #tpu.memory_space<hbm>>
      %dma_wait3A_1208 = tpu.memref_squeeze %dma_wait3A_1207 : memref<1x8x1x8x128xf32, #tpu.memory_space<hbm>> -> memref<8x8x128xf32, #tpu.memory_space<hbm>>
      %dma_wait3A_1209 = arith.constant 0 : i32
      %dma_wait3A_1210 = arith.constant 0 : i32
      %dma_wait3A_1211 = arith.constant 0 : i32
      %dma_wait3A_1212 = tpu.memref_slice %arg4[%select_n3A_1183, %dma_wait3A_1209, %select_n3A_1199, %dma_wait3A_1210, %dma_wait3A_1211] : memref<50x8x128x8x128xf32, #tpu.memory_space<hbm>> -> memref<1x8x1x8x128xf32, #tpu.memory_space<hbm>>
      %dma_wait3A_1213 = tpu.memref_squeeze %dma_wait3A_1212 : memref<1x8x1x8x128xf32, #tpu.memory_space<hbm>> -> memref<8x8x128xf32, #tpu.memory_space<hbm>>
      %dma_wait3A_1214 = arith.constant 0 : i32
      %dma_wait3A_1215 = arith.constant 0 : i32
      %dma_wait3A_1216 = arith.constant 0 : i32
      %dma_wait3A_1217 = tpu.memref_slice %arg10[%dma_wait3A_1214, %dma_wait3A_1215, %dma_wait3A_1216] : memref<8x8x129xf32, #tpu.memory_space<vmem>> -> memref<8x8x128xf32, #tpu.memory_space<vmem>>
      tpu.wait_dma2 semaphore(%arg18 : memref<!tpu.dma_semaphore, #tpu.memory_space<semaphore_mem>>) src(%dma_wait3A_1217 : memref<8x8x128xf32, #tpu.memory_space<vmem>>) dst(%dma_wait3A_1213 : memref<8x8x128xf32, #tpu.memory_space<hbm>>)
      %dma_wait3A_1218 = arith.constant 0 : i32
      %dma_wait3A_1219 = tpu.memref_slice %arg5[%add3A_1156, %dma_wait3A_1218] : memref<200x128xi32, #tpu.memory_space<vmem>> -> memref<1x128xi32, #tpu.memory_space<vmem>>
      %dma_wait3A_1220 = tpu.memref_squeeze %dma_wait3A_1219 : memref<1x128xi32, #tpu.memory_space<vmem>> -> memref<128xi32, #tpu.memory_space<vmem>>
      %dma_wait3A_1221 = arith.constant 0 : i32
      %dma_wait3A_1222 = arith.constant 0 : i32
      %dma_wait3A_1223 = tpu.memref_slice %arg3[%dma_wait3A_1221, %dma_wait3A_1222] : memref<100000x64xf32, #tpu.memory_space<hbm>> -> memref<100000x64xf32, #tpu.memory_space<hbm>>
      tpu.wait_indirect_dma semaphore(%arg14 : memref<!tpu.dma_semaphore, #tpu.memory_space<semaphore_mem>>) src(%dma_wait3A_1223 : memref<100000x64xf32, #tpu.memory_space<hbm>>) dst(%arg6 : memref<128x64xf32, #tpu.memory_space<vmem>>)
      %scan3A_1224 = arith.constant 0 : i32
      %scan3A_1225 = arith.constant 0 : i32
      %scan3A_1226 = arith.constant 16 : i32
      %scan3A_1227 = arith.addi %scan3A_1225, %scan3A_1226 : i32
      %scan3A_1228 = arith.constant 1 : i32
      scf.for %scan3A_1729 = %scan3A_1225 to %scan3A_1227 step %scan3A_1228  : i32 {
        %mul3A_1730 = arith.constant 8 : i32
        %mul3A_1731 = arith.muli %scan3A_1729, %mul3A_1730 : i32
        %add3A_1732 = vector.broadcast %mul3A_1731 : i32 to vector<16xi32>
        %add3A_1733 = arith.addi %broadcast_in_dim3A_3, %add3A_1732 : vector<16xi32>
        %mul3A_1734 = arith.constant 8 : i32
        %mul3A_1735 = arith.muli %scan3A_1729, %mul3A_1734 : i32
        %get3A = arith.index_cast %mul3A_1735 : i32 to index
        %get3A_1736 = arith.constant 0 : index
        %get3A_1737 = tpu.vector_load %arg6[%get3A, %get3A_1736] {strides = array<i32>} : memref<128x64xf32, #tpu.memory_space<vmem>>, vector<16xf32>,
        %mul3A_1738 = arith.constant 8 : i32
        %mul3A_1739 = arith.muli %scan3A_1729, %mul3A_1738 : i32
        %get3A_1740 = arith.index_cast %mul3A_1739 : i32 to index
        %get3A_1741 = arith.constant 16 : index
        %get3A_1742 = tpu.vector_load %arg6[%get3A_1740, %get3A_1741] {strides = array<i32>} : memref<128x64xf32, #tpu.memory_space<vmem>>, vector<16xf32>,
        %mul3A_1743 = arith.constant 8 : i32
        %mul3A_1744 = arith.muli %scan3A_1729, %mul3A_1743 : i32
        %get3A_1745 = arith.index_cast %mul3A_1744 : i32 to index
        %get3A_1746 = arith.constant 32 : index
        %get3A_1747 = tpu.vector_load %arg6[%get3A_1745, %get3A_1746] {strides = array<i32>} : memref<128x64xf32, #tpu.memory_space<vmem>>, vector<16xf32>,
        %mul3A_1748 = arith.constant 8 : i32
        %mul3A_1749 = arith.muli %scan3A_1729, %mul3A_1748 : i32
        %get3A_1750 = arith.index_cast %mul3A_1749 : i32 to index
        %get3A_1751 = arith.constant 48 : index
        %get3A_1752 = tpu.vector_load %arg6[%get3A_1750, %get3A_1751] {strides = array<i32>} : memref<128x64xf32, #tpu.memory_space<vmem>>, vector<16xf32>,
        %mul3A_1753 = arith.constant 8 : i32
        %mul3A_1754 = arith.muli %scan3A_1729, %mul3A_1753 : i32
        %add3A_1755 = arith.constant 1 : i32
        %add3A_1756 = arith.addi %mul3A_1754, %add3A_1755 : i32
        %get3A_1757 = arith.index_cast %add3A_1756 : i32 to index
        %get3A_1758 = arith.constant 0 : index
        %get3A_1759 = tpu.vector_load %arg6[%get3A_1757, %get3A_1758] {strides = array<i32>} : memref<128x64xf32, #tpu.memory_space<vmem>>, vector<16xf32>,
        tpu.vector_store_idx %arg10[%shift_right_arithmetic3A_17, %and3A_28, %add3A_1733], %get3A_1737 : memref<8x8x129xf32, #tpu.memory_space<vmem>>[vector<16xi32>, vector<16xi32>, vector<16xi32>], vector<16xf32>,
        %get3A_1760 = arith.index_cast %add3A_1756 : i32 to index
        %get3A_1761 = arith.constant 16 : index
        %get3A_1762 = tpu.vector_load %arg6[%get3A_1760, %get3A_1761] {strides = array<i32>} : memref<128x64xf32, #tpu.memory_space<vmem>>, vector<16xf32>,
        tpu.vector_store_idx %arg10[%shift_right_arithmetic3A_20, %and3A_31, %add3A_1733], %get3A_1742 : memref<8x8x129xf32, #tpu.memory_space<vmem>>[vector<16xi32>, vector<16xi32>, vector<16xi32>], vector<16xf32>,
        %get3A_1763 = arith.index_cast %add3A_1756 : i32 to index
        %get3A_1764 = arith.constant 32 : index
        %get3A_1765 = tpu.vector_load %arg6[%get3A_1763, %get3A_1764] {strides = array<i32>} : memref<128x64xf32, #tpu.memory_space<vmem>>, vector<16xf32>,
        tpu.vector_store_idx %arg10[%shift_right_arithmetic3A_23, %and3A_34, %add3A_1733], %get3A_1747 : memref<8x8x129xf32, #tpu.memory_space<vmem>>[vector<16xi32>, vector<16xi32>, vector<16xi32>], vector<16xf32>,
        %get3A_1766 = arith.index_cast %add3A_1756 : i32 to index
        %get3A_1767 = arith.constant 48 : index
        %get3A_1768 = tpu.vector_load %arg6[%get3A_1766, %get3A_1767] {strides = array<i32>} : memref<128x64xf32, #tpu.memory_space<vmem>>, vector<16xf32>,
        tpu.vector_store_idx %arg10[%shift_right_arithmetic3A_26, %and3A_37, %add3A_1733], %get3A_1752 : memref<8x8x129xf32, #tpu.memory_space<vmem>>[vector<16xi32>, vector<16xi32>, vector<16xi32>], vector<16xf32>,
        %mul3A_1769 = arith.constant 8 : i32
        %mul3A_1770 = arith.muli %scan3A_1729, %mul3A_1769 : i32
        %add3A_1771 = arith.constant 2 : i32
        %add3A_1772 = arith.addi %mul3A_1770, %add3A_1771 : i32
        %add3A_1773 = arith.constant 1 : i32
        %add3A_1774 = vector.broadcast %add3A_1773 : i32 to vector<16xi32>
        %add3A_1775 = arith.addi %add3A_1733, %add3A_1774 : vector<16xi32>
        %get3A_1776 = arith.index_cast %add3A_1772 : i32 to index
        %get3A_1777 = arith.constant 0 : index
        %get3A_1778 = tpu.vector_load %arg6[%get3A_1776, %get3A_1777] {strides = array<i32>} : memref<128x64xf32, #tpu.memory_space<vmem>>, vector<16xf32>,
        tpu.vector_store_idx %arg10[%shift_right_arithmetic3A_17, %and3A_28, %add3A_1775], %get3A_1759 : memref<8x8x129xf32, #tpu.memory_space<vmem>>[vector<16xi32>, vector<16xi32>, vector<16xi32>], vector<16xf32>,
        %get3A_1779 = arith.index_cast %add3A_1772 : i32 to index
        %get3A_1780 = arith.constant 16 : index
        %get3A_1781 = tpu.vector_load %arg6[%get3A_1779, %get3A_1780] {strides = array<i32>} : memref<128x64xf32, #tpu.memory_space<vmem>>, vector<16xf32>,
        tpu.vector_store_idx %arg10[%shift_right_arithmetic3A_20, %and3A_31, %add3A_1775], %get3A_1762 : memref<8x8x129xf32, #tpu.memory_space<vmem>>[vector<16xi32>, vector<16xi32>, vector<16xi32>], vector<16xf32>,
        %get3A_1782 = arith.index_cast %add3A_1772 : i32 to index
        %get3A_1783 = arith.constant 32 : index
        %get3A_1784 = tpu.vector_load %arg6[%get3A_1782, %get3A_1783] {strides = array<i32>} : memref<128x64xf32, #tpu.memory_space<vmem>>, vector<16xf32>,
        tpu.vector_store_idx %arg10[%shift_right_arithmetic3A_23, %and3A_34, %add3A_1775], %get3A_1765 : memref<8x8x129xf32, #tpu.memory_space<vmem>>[vector<16xi32>, vector<16xi32>, vector<16xi32>], vector<16xf32>,
        %get3A_1785 = arith.index_cast %add3A_1772 : i32 to index
        %get3A_1786 = arith.constant 48 : index
        %get3A_1787 = tpu.vector_load %arg6[%get3A_1785, %get3A_1786] {strides = array<i32>} : memref<128x64xf32, #tpu.memory_space<vmem>>, vector<16xf32>,
        tpu.vector_store_idx %arg10[%shift_right_arithmetic3A_26, %and3A_37, %add3A_1775], %get3A_1768 : memref<8x8x129xf32, #tpu.memory_space<vmem>>[vector<16xi32>, vector<16xi32>, vector<16xi32>], vector<16xf32>,
        %mul3A_1788 = arith.constant 8 : i32
        %mul3A_1789 = arith.muli %scan3A_1729, %mul3A_1788 : i32
        %add3A_1790 = arith.constant 3 : i32
        %add3A_1791 = arith.addi %mul3A_1789, %add3A_1790 : i32
        %add3A_1792 = arith.constant 2 : i32
        %add3A_1793 = vector.broadcast %add3A_1792 : i32 to vector<16xi32>
        %add3A_1794 = arith.addi %add3A_1733, %add3A_1793 : vector<16xi32>
        %get3A_1795 = arith.index_cast %add3A_1791 : i32 to index
        %get3A_1796 = arith.constant 0 : index
        %get3A_1797 = tpu.vector_load %arg6[%get3A_1795, %get3A_1796] {strides = array<i32>} : memref<128x64xf32, #tpu.memory_space<vmem>>, vector<16xf32>,
        tpu.vector_store_idx %arg10[%shift_right_arithmetic3A_17, %and3A_28, %add3A_1794], %get3A_1778 : memref<8x8x129xf32, #tpu.memory_space<vmem>>[vector<16xi32>, vector<16xi32>, vector<16xi32>], vector<16xf32>,
        %get3A_1798 = arith.index_cast %add3A_1791 : i32 to index
        %get3A_1799 = arith.constant 16 : index
        %get3A_1800 = tpu.vector_load %arg6[%get3A_1798, %get3A_1799] {strides = array<i32>} : memref<128x64xf32, #tpu.memory_space<vmem>>, vector<16xf32>,
        tpu.vector_store_idx %arg10[%shift_right_arithmetic3A_20, %and3A_31, %add3A_1794], %get3A_1781 : memref<8x8x129xf32, #tpu.memory_space<vmem>>[vector<16xi32>, vector<16xi32>, vector<16xi32>], vector<16xf32>,
        %get3A_1801 = arith.index_cast %add3A_1791 : i32 to index
        %get3A_1802 = arith.constant 32 : index
        %get3A_1803 = tpu.vector_load %arg6[%get3A_1801, %get3A_1802] {strides = array<i32>} : memref<128x64xf32, #tpu.memory_space<vmem>>, vector<16xf32>,
        tpu.vector_store_idx %arg10[%shift_right_arithmetic3A_23, %and3A_34, %add3A_1794], %get3A_1784 : memref<8x8x129xf32, #tpu.memory_space<vmem>>[vector<16xi32>, vector<16xi32>, vector<16xi32>], vector<16xf32>,
        %get3A_1804 = arith.index_cast %add3A_1791 : i32 to index
        %get3A_1805 = arith.constant 48 : index
        %get3A_1806 = tpu.vector_load %arg6[%get3A_1804, %get3A_1805] {strides = array<i32>} : memref<128x64xf32, #tpu.memory_space<vmem>>, vector<16xf32>,
        tpu.vector_store_idx %arg10[%shift_right_arithmetic3A_26, %and3A_37, %add3A_1794], %get3A_1787 : memref<8x8x129xf32, #tpu.memory_space<vmem>>[vector<16xi32>, vector<16xi32>, vector<16xi32>], vector<16xf32>,
        %mul3A_1807 = arith.constant 8 : i32
        %mul3A_1808 = arith.muli %scan3A_1729, %mul3A_1807 : i32
        %add3A_1809 = arith.constant 4 : i32
        %add3A_1810 = arith.addi %mul3A_1808, %add3A_1809 : i32
        %add3A_1811 = arith.constant 3 : i32
        %add3A_1812 = vector.broadcast %add3A_1811 : i32 to vector<16xi32>
        %add3A_1813 = arith.addi %add3A_1733, %add3A_1812 : vector<16xi32>
        %get3A_1814 = arith.index_cast %add3A_1810 : i32 to index
        %get3A_1815 = arith.constant 0 : index
        %get3A_1816 = tpu.vector_load %arg6[%get3A_1814, %get3A_1815] {strides = array<i32>} : memref<128x64xf32, #tpu.memory_space<vmem>>, vector<16xf32>,
        tpu.vector_store_idx %arg10[%shift_right_arithmetic3A_17, %and3A_28, %add3A_1813], %get3A_1797 : memref<8x8x129xf32, #tpu.memory_space<vmem>>[vector<16xi32>, vector<16xi32>, vector<16xi32>], vector<16xf32>,
        %get3A_1817 = arith.index_cast %add3A_1810 : i32 to index
        %get3A_1818 = arith.constant 16 : index
        %get3A_1819 = tpu.vector_load %arg6[%get3A_1817, %get3A_1818] {strides = array<i32>} : memref<128x64xf32, #tpu.memory_space<vmem>>, vector<16xf32>,
        tpu.vector_store_idx %arg10[%shift_right_arithmetic3A_20, %and3A_31, %add3A_1813], %get3A_1800 : memref<8x8x129xf32, #tpu.memory_space<vmem>>[vector<16xi32>, vector<16xi32>, vector<16xi32>], vector<16xf32>,
        %get3A_1820 = arith.index_cast %add3A_1810 : i32 to index
        %get3A_1821 = arith.constant 32 : index
        %get3A_1822 = tpu.vector_load %arg6[%get3A_1820, %get3A_1821] {strides = array<i32>} : memref<128x64xf32, #tpu.memory_space<vmem>>, vector<16xf32>,
        tpu.vector_store_idx %arg10[%shift_right_arithmetic3A_23, %and3A_34, %add3A_1813], %get3A_1803 : memref<8x8x129xf32, #tpu.memory_space<vmem>>[vector<16xi32>, vector<16xi32>, vector<16xi32>], vector<16xf32>,
        %get3A_1823 = arith.index_cast %add3A_1810 : i32 to index
        %get3A_1824 = arith.constant 48 : index
        %get3A_1825 = tpu.vector_load %arg6[%get3A_1823, %get3A_1824] {strides = array<i32>} : memref<128x64xf32, #tpu.memory_space<vmem>>, vector<16xf32>,
        tpu.vector_store_idx %arg10[%shift_right_arithmetic3A_26, %and3A_37, %add3A_1813], %get3A_1806 : memref<8x8x129xf32, #tpu.memory_space<vmem>>[vector<16xi32>, vector<16xi32>, vector<16xi32>], vector<16xf32>,
        %mul3A_1826 = arith.constant 8 : i32
        %mul3A_1827 = arith.muli %scan3A_1729, %mul3A_1826 : i32
        %add3A_1828 = arith.constant 5 : i32
        %add3A_1829 = arith.addi %mul3A_1827, %add3A_1828 : i32
        %add3A_1830 = arith.constant 4 : i32
        %add3A_1831 = vector.broadcast %add3A_1830 : i32 to vector<16xi32>
        %add3A_1832 = arith.addi %add3A_1733, %add3A_1831 : vector<16xi32>
        %get3A_1833 = arith.index_cast %add3A_1829 : i32 to index
        %get3A_1834 = arith.constant 0 : index
        %get3A_1835 = tpu.vector_load %arg6[%get3A_1833, %get3A_1834] {strides = array<i32>} : memref<128x64xf32, #tpu.memory_space<vmem>>, vector<16xf32>,
        tpu.vector_store_idx %arg10[%shift_right_arithmetic3A_17, %and3A_28, %add3A_1832], %get3A_1816 : memref<8x8x129xf32, #tpu.memory_space<vmem>>[vector<16xi32>, vector<16xi32>, vector<16xi32>], vector<16xf32>,
        %get3A_1836 = arith.index_cast %add3A_1829 : i32 to index
        %get3A_1837 = arith.constant 16 : index
        %get3A_1838 = tpu.vector_load %arg6[%get3A_1836, %get3A_1837] {strides = array<i32>} : memref<128x64xf32, #tpu.memory_space<vmem>>, vector<16xf32>,
        tpu.vector_store_idx %arg10[%shift_right_arithmetic3A_20, %and3A_31, %add3A_1832], %get3A_1819 : memref<8x8x129xf32, #tpu.memory_space<vmem>>[vector<16xi32>, vector<16xi32>, vector<16xi32>], vector<16xf32>,
        %get3A_1839 = arith.index_cast %add3A_1829 : i32 to index
        %get3A_1840 = arith.constant 32 : index
        %get3A_1841 = tpu.vector_load %arg6[%get3A_1839, %get3A_1840] {strides = array<i32>} : memref<128x64xf32, #tpu.memory_space<vmem>>, vector<16xf32>,
        tpu.vector_store_idx %arg10[%shift_right_arithmetic3A_23, %and3A_34, %add3A_1832], %get3A_1822 : memref<8x8x129xf32, #tpu.memory_space<vmem>>[vector<16xi32>, vector<16xi32>, vector<16xi32>], vector<16xf32>,
        %get3A_1842 = arith.index_cast %add3A_1829 : i32 to index
        %get3A_1843 = arith.constant 48 : index
        %get3A_1844 = tpu.vector_load %arg6[%get3A_1842, %get3A_1843] {strides = array<i32>} : memref<128x64xf32, #tpu.memory_space<vmem>>, vector<16xf32>,
        tpu.vector_store_idx %arg10[%shift_right_arithmetic3A_26, %and3A_37, %add3A_1832], %get3A_1825 : memref<8x8x129xf32, #tpu.memory_space<vmem>>[vector<16xi32>, vector<16xi32>, vector<16xi32>], vector<16xf32>,
        %mul3A_1845 = arith.constant 8 : i32
        %mul3A_1846 = arith.muli %scan3A_1729, %mul3A_1845 : i32
        %add3A_1847 = arith.constant 6 : i32
        %add3A_1848 = arith.addi %mul3A_1846, %add3A_1847 : i32
        %add3A_1849 = arith.constant 5 : i32
        %add3A_1850 = vector.broadcast %add3A_1849 : i32 to vector<16xi32>
        %add3A_1851 = arith.addi %add3A_1733, %add3A_1850 : vector<16xi32>
        %get3A_1852 = arith.index_cast %add3A_1848 : i32 to index
        %get3A_1853 = arith.constant 0 : index
        %get3A_1854 = tpu.vector_load %arg6[%get3A_1852, %get3A_1853] {strides = array<i32>} : memref<128x64xf32, #tpu.memory_space<vmem>>, vector<16xf32>,
        tpu.vector_store_idx %arg10[%shift_right_arithmetic3A_17, %and3A_28, %add3A_1851], %get3A_1835 : memref<8x8x129xf32, #tpu.memory_space<vmem>>[vector<16xi32>, vector<16xi32>, vector<16xi32>], vector<16xf32>,
        %get3A_1855 = arith.index_cast %add3A_1848 : i32 to index
        %get3A_1856 = arith.constant 16 : index
        %get3A_1857 = tpu.vector_load %arg6[%get3A_1855, %get3A_1856] {strides = array<i32>} : memref<128x64xf32, #tpu.memory_space<vmem>>, vector<16xf32>,
        tpu.vector_store_idx %arg10[%shift_right_arithmetic3A_20, %and3A_31, %add3A_1851], %get3A_1838 : memref<8x8x129xf32, #tpu.memory_space<vmem>>[vector<16xi32>, vector<16xi32>, vector<16xi32>], vector<16xf32>,
        %get3A_1858 = arith.index_cast %add3A_1848 : i32 to index
        %get3A_1859 = arith.constant 32 : index
        %get3A_1860 = tpu.vector_load %arg6[%get3A_1858, %get3A_1859] {strides = array<i32>} : memref<128x64xf32, #tpu.memory_space<vmem>>, vector<16xf32>,
        tpu.vector_store_idx %arg10[%shift_right_arithmetic3A_23, %and3A_34, %add3A_1851], %get3A_1841 : memref<8x8x129xf32, #tpu.memory_space<vmem>>[vector<16xi32>, vector<16xi32>, vector<16xi32>], vector<16xf32>,
        %get3A_1861 = arith.index_cast %add3A_1848 : i32 to index
        %get3A_1862 = arith.constant 48 : index
        %get3A_1863 = tpu.vector_load %arg6[%get3A_1861, %get3A_1862] {strides = array<i32>} : memref<128x64xf32, #tpu.memory_space<vmem>>, vector<16xf32>,
        tpu.vector_store_idx %arg10[%shift_right_arithmetic3A_26, %and3A_37, %add3A_1851], %get3A_1844 : memref<8x8x129xf32, #tpu.memory_space<vmem>>[vector<16xi32>, vector<16xi32>, vector<16xi32>], vector<16xf32>,
        %mul3A_1864 = arith.constant 8 : i32
        %mul3A_1865 = arith.muli %scan3A_1729, %mul3A_1864 : i32
        %add3A_1866 = arith.constant 7 : i32
        %add3A_1867 = arith.addi %mul3A_1865, %add3A_1866 : i32
        %add3A_1868 = arith.constant 6 : i32
        %add3A_1869 = vector.broadcast %add3A_1868 : i32 to vector<16xi32>
        %add3A_1870 = arith.addi %add3A_1733, %add3A_1869 : vector<16xi32>
        %get3A_1871 = arith.index_cast %add3A_1867 : i32 to index
        %get3A_1872 = arith.constant 0 : index
        %get3A_1873 = tpu.vector_load %arg6[%get3A_1871, %get3A_1872] {strides = array<i32>} : memref<128x64xf32, #tpu.memory_space<vmem>>, vector<16xf32>,
        tpu.vector_store_idx %arg10[%shift_right_arithmetic3A_17, %and3A_28, %add3A_1870], %get3A_1854 : memref<8x8x129xf32, #tpu.memory_space<vmem>>[vector<16xi32>, vector<16xi32>, vector<16xi32>], vector<16xf32>,
        %get3A_1874 = arith.index_cast %add3A_1867 : i32 to index
        %get3A_1875 = arith.constant 16 : index
        %get3A_1876 = tpu.vector_load %arg6[%get3A_1874, %get3A_1875] {strides = array<i32>} : memref<128x64xf32, #tpu.memory_space<vmem>>, vector<16xf32>,
        tpu.vector_store_idx %arg10[%shift_right_arithmetic3A_20, %and3A_31, %add3A_1870], %get3A_1857 : memref<8x8x129xf32, #tpu.memory_space<vmem>>[vector<16xi32>, vector<16xi32>, vector<16xi32>], vector<16xf32>,
        %get3A_1877 = arith.index_cast %add3A_1867 : i32 to index
        %get3A_1878 = arith.constant 32 : index
        %get3A_1879 = tpu.vector_load %arg6[%get3A_1877, %get3A_1878] {strides = array<i32>} : memref<128x64xf32, #tpu.memory_space<vmem>>, vector<16xf32>,
        tpu.vector_store_idx %arg10[%shift_right_arithmetic3A_23, %and3A_34, %add3A_1870], %get3A_1860 : memref<8x8x129xf32, #tpu.memory_space<vmem>>[vector<16xi32>, vector<16xi32>, vector<16xi32>], vector<16xf32>,
        %get3A_1880 = arith.index_cast %add3A_1867 : i32 to index
        %get3A_1881 = arith.constant 48 : index
        %get3A_1882 = tpu.vector_load %arg6[%get3A_1880, %get3A_1881] {strides = array<i32>} : memref<128x64xf32, #tpu.memory_space<vmem>>, vector<16xf32>,
        tpu.vector_store_idx %arg10[%shift_right_arithmetic3A_26, %and3A_37, %add3A_1870], %get3A_1863 : memref<8x8x129xf32, #tpu.memory_space<vmem>>[vector<16xi32>, vector<16xi32>, vector<16xi32>], vector<16xf32>,
        %add3A_1883 = arith.constant 7 : i32
        %add3A_1884 = vector.broadcast %add3A_1883 : i32 to vector<16xi32>
        %add3A_1885 = arith.addi %add3A_1733, %add3A_1884 : vector<16xi32>
        tpu.vector_store_idx %arg10[%shift_right_arithmetic3A_17, %and3A_28, %add3A_1885], %get3A_1873 : memref<8x8x129xf32, #tpu.memory_space<vmem>>[vector<16xi32>, vector<16xi32>, vector<16xi32>], vector<16xf32>,
        tpu.vector_store_idx %arg10[%shift_right_arithmetic3A_20, %and3A_31, %add3A_1885], %get3A_1876 : memref<8x8x129xf32, #tpu.memory_space<vmem>>[vector<16xi32>, vector<16xi32>, vector<16xi32>], vector<16xf32>,
        tpu.vector_store_idx %arg10[%shift_right_arithmetic3A_23, %and3A_34, %add3A_1885], %get3A_1879 : memref<8x8x129xf32, #tpu.memory_space<vmem>>[vector<16xi32>, vector<16xi32>, vector<16xi32>], vector<16xf32>,
        tpu.vector_store_idx %arg10[%shift_right_arithmetic3A_26, %and3A_37, %add3A_1885], %get3A_1882 : memref<8x8x129xf32, #tpu.memory_space<vmem>>[vector<16xi32>, vector<16xi32>, vector<16xi32>], vector<16xf32>,
      }
      %scan3A_1229 = arith.constant 16 : i32
      %add3A_1230 = arith.constant 4 : i32
      %add3A_1231 = arith.addi %add3A_1156, %add3A_1230 : i32
      %dma_start3A_1232 = arith.constant 0 : i32
      %dma_start3A_1233 = tpu.memref_slice %arg5[%add3A_1231, %dma_start3A_1232] : memref<200x128xi32, #tpu.memory_space<vmem>> -> memref<1x128xi32, #tpu.memory_space<vmem>>
      %dma_start3A_1234 = tpu.memref_squeeze %dma_start3A_1233 : memref<1x128xi32, #tpu.memory_space<vmem>> -> memref<128xi32, #tpu.memory_space<vmem>>
      %dma_start3A_1235 = arith.constant 0 : i32
      %dma_start3A_1236 = arith.constant 0 : i32
      %dma_start3A_1237 = tpu.memref_slice %arg3[%dma_start3A_1235, %dma_start3A_1236] : memref<100000x64xf32, #tpu.memory_space<hbm>> -> memref<100000x64xf32, #tpu.memory_space<hbm>>
      tpu.enqueue_indirect_dma source(%dma_start3A_1237 : memref<100000x64xf32, #tpu.memory_space<hbm>>) target(%arg6 : memref<128x64xf32, #tpu.memory_space<vmem>>) offsets(%dma_start3A_1234 : memref<128xi32, #tpu.memory_space<vmem>>) semaphore(%arg14 : memref<!tpu.dma_semaphore, #tpu.memory_space<semaphore_mem>>)
      %add3A_1238 = arith.addi %mul3A_2, %add3A_1156 : i32
      %jit3A_1239 = arith.constant 128 : i32
      %div3A_1240 = arith.divsi %add3A_1238, %jit3A_1239 : i32
      %sign3A_1241 = arith.constant 0 : i32
      %sign3A_1242 = arith.cmpi sgt, %add3A_1238, %sign3A_1241 : i32
      %sign3A_1243 = arith.extui %sign3A_1242 : i1 to i32
      %sign3A_1244 = arith.constant 0 : i32
      %sign3A_1245 = arith.cmpi slt, %add3A_1238, %sign3A_1244 : i32
      %sign3A_1246 = arith.extui %sign3A_1245 : i1 to i32
      %sign3A_1247 = arith.subi %sign3A_1243, %sign3A_1246 : i32
      %sign3A_1248 = arith.constant 0 : i32
      %sign3A_1249 = arith.cmpi sgt, %jit3A_1239, %sign3A_1248 : i32
      %sign3A_1250 = arith.extui %sign3A_1249 : i1 to i32
      %sign3A_1251 = arith.constant 0 : i32
      %sign3A_1252 = arith.cmpi slt, %jit3A_1239, %sign3A_1251 : i32
      %sign3A_1253 = arith.extui %sign3A_1252 : i1 to i32
      %sign3A_1254 = arith.subi %sign3A_1250, %sign3A_1253 : i32
      %ne3A_1255 = arith.cmpi ne, %sign3A_1247, %sign3A_1254 : i32
      %rem3A_1256 = arith.remsi %add3A_1238, %jit3A_1239 : i32
      %ne3A_1257 = arith.constant 0 : i32
      %ne3A_1258 = arith.cmpi ne, %rem3A_1256, %ne3A_1257 : i32
      %and3A_1259 = arith.andi %ne3A_1255, %ne3A_1258 : i1
      %sub3A_1260 = arith.constant 1 : i32
      %sub3A_1261 = arith.subi %div3A_1240, %sub3A_1260 : i32
      %select_n3A_1262 = arith.select %and3A_1259, %sub3A_1261, %div3A_1240 : i32
      %jit3A_1263 = arith.constant 128 : i32
      %eq3A_1264 = arith.constant 0 : i32
      %eq3A_1265 = arith.cmpi eq, %jit3A_1263, %eq3A_1264 : i32
      %jit3A_1266 = arith.constant 1 : i32
      %select_n3A_1267 = arith.select %eq3A_1265, %jit3A_1266, %jit3A_1263 : i32
      %rem3A_1268 = arith.remsi %add3A_1238, %select_n3A_1267 : i32
      %ne3A_1269 = arith.constant 0 : i32
      %ne3A_1270 = arith.cmpi ne, %rem3A_1268, %ne3A_1269 : i32
      %lt3A_1271 = arith.constant 0 : i32
      %lt3A_1272 = arith.cmpi slt, %rem3A_1268, %lt3A_1271 : i32
      %lt3A_1273 = arith.constant 0 : i32
      %lt3A_1274 = arith.cmpi slt, %select_n3A_1267, %lt3A_1273 : i32
      %ne3A_1275 = arith.xori %lt3A_1272, %lt3A_1274 : i1
      %and3A_1276 = arith.andi %ne3A_1275, %ne3A_1270 : i1
      %add3A_1277 = arith.addi %rem3A_1268, %select_n3A_1267 : i32
      %select_n3A_1278 = arith.select %and3A_1276, %add3A_1277, %rem3A_1268 : i32
      %dma_start3A_1279 = arith.constant 0 : i32
      %dma_start3A_1280 = arith.constant 0 : i32
      %dma_start3A_1281 = arith.constant 0 : i32
      %dma_start3A_1282 = tpu.memref_slice %arg10[%dma_start3A_1279, %dma_start3A_1280, %dma_start3A_1281] : memref<8x8x129xf32, #tpu.memory_space<vmem>> -> memref<8x8x128xf32, #tpu.memory_space<vmem>>
      %dma_start3A_1283 = arith.constant 0 : i32
      %dma_start3A_1284 = arith.constant 0 : i32
      %dma_start3A_1285 = arith.constant 0 : i32
      %dma_start3A_1286 = tpu.memref_slice %arg4[%select_n3A_1262, %dma_start3A_1283, %select_n3A_1278, %dma_start3A_1284, %dma_start3A_1285] : memref<50x8x128x8x128xf32, #tpu.memory_space<hbm>> -> memref<1x8x1x8x128xf32, #tpu.memory_space<hbm>>
      %dma_start3A_1287 = tpu.memref_squeeze %dma_start3A_1286 : memref<1x8x1x8x128xf32, #tpu.memory_space<hbm>> -> memref<8x8x128xf32, #tpu.memory_space<hbm>>
      %dma_start3A_1288 = arith.constant 0 : i32
      %dma_start3A_1289 = arith.constant 0 : i32
      %dma_start3A_1290 = arith.constant 0 : i32
      %dma_start3A_1291 = tpu.memref_slice %arg4[%select_n3A_1262, %dma_start3A_1288, %select_n3A_1278, %dma_start3A_1289, %dma_start3A_1290] : memref<50x8x128x8x128xf32, #tpu.memory_space<hbm>> -> memref<1x8x1x8x128xf32, #tpu.memory_space<hbm>>
      %dma_start3A_1292 = tpu.memref_squeeze %dma_start3A_1291 : memref<1x8x1x8x128xf32, #tpu.memory_space<hbm>> -> memref<8x8x128xf32, #tpu.memory_space<hbm>>
      %dma_start3A_1293 = arith.constant 0 : i32
      %dma_start3A_1294 = arith.constant 0 : i32
      %dma_start3A_1295 = arith.constant 0 : i32
      %dma_start3A_1296 = tpu.memref_slice %arg10[%dma_start3A_1293, %dma_start3A_1294, %dma_start3A_1295] : memref<8x8x129xf32, #tpu.memory_space<vmem>> -> memref<8x8x128xf32, #tpu.memory_space<vmem>>
      tpu.enqueue_dma source(%dma_start3A_1296 : memref<8x8x128xf32, #tpu.memory_space<vmem>>) target(%dma_start3A_1292 : memref<8x8x128xf32, #tpu.memory_space<hbm>>) target_semaphore(%arg18 : memref<!tpu.dma_semaphore, #tpu.memory_space<semaphore_mem>>)
      %mul3A_1297 = arith.constant 4 : i32
      %mul3A_1298 = arith.muli %mul3A_1297, %scan3A_1152 : i32
      %add3A_1299 = arith.constant 1 : i32
      %add3A_1300 = arith.addi %mul3A_1298, %add3A_1299 : i32
      %sub3A_1301 = arith.constant 4 : i32
      %sub3A_1302 = arith.subi %add3A_1300, %sub3A_1301 : i32
      %add3A_1303 = arith.addi %mul3A_2, %sub3A_1302 : i32
      %jit3A_1304 = arith.constant 128 : i32
      %div3A_1305 = arith.divsi %add3A_1303, %jit3A_1304 : i32
      %sign3A_1306 = arith.constant 0 : i32
      %sign3A_1307 = arith.cmpi sgt, %add3A_1303, %sign3A_1306 : i32
      %sign3A_1308 = arith.extui %sign3A_1307 : i1 to i32
      %sign3A_1309 = arith.constant 0 : i32
      %sign3A_1310 = arith.cmpi slt, %add3A_1303, %sign3A_1309 : i32
      %sign3A_1311 = arith.extui %sign3A_1310 : i1 to i32
      %sign3A_1312 = arith.subi %sign3A_1308, %sign3A_1311 : i32
      %sign3A_1313 = arith.constant 0 : i32
      %sign3A_1314 = arith.cmpi sgt, %jit3A_1304, %sign3A_1313 : i32
      %sign3A_1315 = arith.extui %sign3A_1314 : i1 to i32
      %sign3A_1316 = arith.constant 0 : i32
      %sign3A_1317 = arith.cmpi slt, %jit3A_1304, %sign3A_1316 : i32
      %sign3A_1318 = arith.extui %sign3A_1317 : i1 to i32
      %sign3A_1319 = arith.subi %sign3A_1315, %sign3A_1318 : i32
      %ne3A_1320 = arith.cmpi ne, %sign3A_1312, %sign3A_1319 : i32
      %rem3A_1321 = arith.remsi %add3A_1303, %jit3A_1304 : i32
      %ne3A_1322 = arith.constant 0 : i32
      %ne3A_1323 = arith.cmpi ne, %rem3A_1321, %ne3A_1322 : i32
      %and3A_1324 = arith.andi %ne3A_1320, %ne3A_1323 : i1
      %sub3A_1325 = arith.constant 1 : i32
      %sub3A_1326 = arith.subi %div3A_1305, %sub3A_1325 : i32
      %select_n3A_1327 = arith.select %and3A_1324, %sub3A_1326, %div3A_1305 : i32
      %jit3A_1328 = arith.constant 128 : i32
      %eq3A_1329 = arith.constant 0 : i32
      %eq3A_1330 = arith.cmpi eq, %jit3A_1328, %eq3A_1329 : i32
      %jit3A_1331 = arith.constant 1 : i32
      %select_n3A_1332 = arith.select %eq3A_1330, %jit3A_1331, %jit3A_1328 : i32
      %rem3A_1333 = arith.remsi %add3A_1303, %select_n3A_1332 : i32
      %ne3A_1334 = arith.constant 0 : i32
      %ne3A_1335 = arith.cmpi ne, %rem3A_1333, %ne3A_1334 : i32
      %lt3A_1336 = arith.constant 0 : i32
      %lt3A_1337 = arith.cmpi slt, %rem3A_1333, %lt3A_1336 : i32
      %lt3A_1338 = arith.constant 0 : i32
      %lt3A_1339 = arith.cmpi slt, %select_n3A_1332, %lt3A_1338 : i32
      %ne3A_1340 = arith.xori %lt3A_1337, %lt3A_1339 : i1
      %and3A_1341 = arith.andi %ne3A_1340, %ne3A_1335 : i1
      %add3A_1342 = arith.addi %rem3A_1333, %select_n3A_1332 : i32
      %select_n3A_1343 = arith.select %and3A_1341, %add3A_1342, %rem3A_1333 : i32
      %dma_wait3A_1344 = arith.constant 0 : i32
      %dma_wait3A_1345 = arith.constant 0 : i32
      %dma_wait3A_1346 = arith.constant 0 : i32
      %dma_wait3A_1347 = tpu.memref_slice %arg11[%dma_wait3A_1344, %dma_wait3A_1345, %dma_wait3A_1346] : memref<8x8x129xf32, #tpu.memory_space<vmem>> -> memref<8x8x128xf32, #tpu.memory_space<vmem>>
      %dma_wait3A_1348 = arith.constant 0 : i32
      %dma_wait3A_1349 = arith.constant 0 : i32
      %dma_wait3A_1350 = arith.constant 0 : i32
      %dma_wait3A_1351 = tpu.memref_slice %arg4[%select_n3A_1327, %dma_wait3A_1348, %select_n3A_1343, %dma_wait3A_1349, %dma_wait3A_1350] : memref<50x8x128x8x128xf32, #tpu.memory_space<hbm>> -> memref<1x8x1x8x128xf32, #tpu.memory_space<hbm>>
      %dma_wait3A_1352 = tpu.memref_squeeze %dma_wait3A_1351 : memref<1x8x1x8x128xf32, #tpu.memory_space<hbm>> -> memref<8x8x128xf32, #tpu.memory_space<hbm>>
      %dma_wait3A_1353 = arith.constant 0 : i32
      %dma_wait3A_1354 = arith.constant 0 : i32
      %dma_wait3A_1355 = arith.constant 0 : i32
      %dma_wait3A_1356 = tpu.memref_slice %arg4[%select_n3A_1327, %dma_wait3A_1353, %select_n3A_1343, %dma_wait3A_1354, %dma_wait3A_1355] : memref<50x8x128x8x128xf32, #tpu.memory_space<hbm>> -> memref<1x8x1x8x128xf32, #tpu.memory_space<hbm>>
      %dma_wait3A_1357 = tpu.memref_squeeze %dma_wait3A_1356 : memref<1x8x1x8x128xf32, #tpu.memory_space<hbm>> -> memref<8x8x128xf32, #tpu.memory_space<hbm>>
      %dma_wait3A_1358 = arith.constant 0 : i32
      %dma_wait3A_1359 = arith.constant 0 : i32
      %dma_wait3A_1360 = arith.constant 0 : i32
      %dma_wait3A_1361 = tpu.memref_slice %arg11[%dma_wait3A_1358, %dma_wait3A_1359, %dma_wait3A_1360] : memref<8x8x129xf32, #tpu.memory_space<vmem>> -> memref<8x8x128xf32, #tpu.memory_space<vmem>>
      tpu.wait_dma2 semaphore(%arg19 : memref<!tpu.dma_semaphore, #tpu.memory_space<semaphore_mem>>) src(%dma_wait3A_1361 : memref<8x8x128xf32, #tpu.memory_space<vmem>>) dst(%dma_wait3A_1357 : memref<8x8x128xf32, #tpu.memory_space<hbm>>)
      %dma_wait3A_1362 = arith.constant 0 : i32
      %dma_wait3A_1363 = tpu.memref_slice %arg5[%add3A_1300, %dma_wait3A_1362] : memref<200x128xi32, #tpu.memory_space<vmem>> -> memref<1x128xi32, #tpu.memory_space<vmem>>
      %dma_wait3A_1364 = tpu.memref_squeeze %dma_wait3A_1363 : memref<1x128xi32, #tpu.memory_space<vmem>> -> memref<128xi32, #tpu.memory_space<vmem>>
      %dma_wait3A_1365 = arith.constant 0 : i32
      %dma_wait3A_1366 = arith.constant 0 : i32
      %dma_wait3A_1367 = tpu.memref_slice %arg3[%dma_wait3A_1365, %dma_wait3A_1366] : memref<100000x64xf32, #tpu.memory_space<hbm>> -> memref<100000x64xf32, #tpu.memory_space<hbm>>
      tpu.wait_indirect_dma semaphore(%arg15 : memref<!tpu.dma_semaphore, #tpu.memory_space<semaphore_mem>>) src(%dma_wait3A_1367 : memref<100000x64xf32, #tpu.memory_space<hbm>>) dst(%arg7 : memref<128x64xf32, #tpu.memory_space<vmem>>)
      %scan3A_1368 = arith.constant 0 : i32
      %scan3A_1369 = arith.constant 0 : i32
      %scan3A_1370 = arith.constant 16 : i32
      %scan3A_1371 = arith.addi %scan3A_1369, %scan3A_1370 : i32
      %scan3A_1372 = arith.constant 1 : i32
      scf.for %scan3A_1729 = %scan3A_1369 to %scan3A_1371 step %scan3A_1372  : i32 {
        %mul3A_1730 = arith.constant 8 : i32
        %mul3A_1731 = arith.muli %scan3A_1729, %mul3A_1730 : i32
        %add3A_1732 = vector.broadcast %mul3A_1731 : i32 to vector<16xi32>
        %add3A_1733 = arith.addi %broadcast_in_dim3A_3, %add3A_1732 : vector<16xi32>
        %mul3A_1734 = arith.constant 8 : i32
        %mul3A_1735 = arith.muli %scan3A_1729, %mul3A_1734 : i32
        %get3A = arith.index_cast %mul3A_1735 : i32 to index
        %get3A_1736 = arith.constant 0 : index
        %get3A_1737 = tpu.vector_load %arg7[%get3A, %get3A_1736] {strides = array<i32>} : memref<128x64xf32, #tpu.memory_space<vmem>>, vector<16xf32>,
        %mul3A_1738 = arith.constant 8 : i32
        %mul3A_1739 = arith.muli %scan3A_1729, %mul3A_1738 : i32
        %get3A_1740 = arith.index_cast %mul3A_1739 : i32 to index
        %get3A_1741 = arith.constant 16 : index
        %get3A_1742 = tpu.vector_load %arg7[%get3A_1740, %get3A_1741] {strides = array<i32>} : memref<128x64xf32, #tpu.memory_space<vmem>>, vector<16xf32>,
        %mul3A_1743 = arith.constant 8 : i32
        %mul3A_1744 = arith.muli %scan3A_1729, %mul3A_1743 : i32
        %get3A_1745 = arith.index_cast %mul3A_1744 : i32 to index
        %get3A_1746 = arith.constant 32 : index
        %get3A_1747 = tpu.vector_load %arg7[%get3A_1745, %get3A_1746] {strides = array<i32>} : memref<128x64xf32, #tpu.memory_space<vmem>>, vector<16xf32>,
        %mul3A_1748 = arith.constant 8 : i32
        %mul3A_1749 = arith.muli %scan3A_1729, %mul3A_1748 : i32
        %get3A_1750 = arith.index_cast %mul3A_1749 : i32 to index
        %get3A_1751 = arith.constant 48 : index
        %get3A_1752 = tpu.vector_load %arg7[%get3A_1750, %get3A_1751] {strides = array<i32>} : memref<128x64xf32, #tpu.memory_space<vmem>>, vector<16xf32>,
        %mul3A_1753 = arith.constant 8 : i32
        %mul3A_1754 = arith.muli %scan3A_1729, %mul3A_1753 : i32
        %add3A_1755 = arith.constant 1 : i32
        %add3A_1756 = arith.addi %mul3A_1754, %add3A_1755 : i32
        %get3A_1757 = arith.index_cast %add3A_1756 : i32 to index
        %get3A_1758 = arith.constant 0 : index
        %get3A_1759 = tpu.vector_load %arg7[%get3A_1757, %get3A_1758] {strides = array<i32>} : memref<128x64xf32, #tpu.memory_space<vmem>>, vector<16xf32>,
        tpu.vector_store_idx %arg11[%shift_right_arithmetic3A_17, %and3A_28, %add3A_1733], %get3A_1737 : memref<8x8x129xf32, #tpu.memory_space<vmem>>[vector<16xi32>, vector<16xi32>, vector<16xi32>], vector<16xf32>,
        %get3A_1760 = arith.index_cast %add3A_1756 : i32 to index
        %get3A_1761 = arith.constant 16 : index
        %get3A_1762 = tpu.vector_load %arg7[%get3A_1760, %get3A_1761] {strides = array<i32>} : memref<128x64xf32, #tpu.memory_space<vmem>>, vector<16xf32>,
        tpu.vector_store_idx %arg11[%shift_right_arithmetic3A_20, %and3A_31, %add3A_1733], %get3A_1742 : memref<8x8x129xf32, #tpu.memory_space<vmem>>[vector<16xi32>, vector<16xi32>, vector<16xi32>], vector<16xf32>,
        %get3A_1763 = arith.index_cast %add3A_1756 : i32 to index
        %get3A_1764 = arith.constant 32 : index
        %get3A_1765 = tpu.vector_load %arg7[%get3A_1763, %get3A_1764] {strides = array<i32>} : memref<128x64xf32, #tpu.memory_space<vmem>>, vector<16xf32>,
        tpu.vector_store_idx %arg11[%shift_right_arithmetic3A_23, %and3A_34, %add3A_1733], %get3A_1747 : memref<8x8x129xf32, #tpu.memory_space<vmem>>[vector<16xi32>, vector<16xi32>, vector<16xi32>], vector<16xf32>,
        %get3A_1766 = arith.index_cast %add3A_1756 : i32 to index
        %get3A_1767 = arith.constant 48 : index
        %get3A_1768 = tpu.vector_load %arg7[%get3A_1766, %get3A_1767] {strides = array<i32>} : memref<128x64xf32, #tpu.memory_space<vmem>>, vector<16xf32>,
        tpu.vector_store_idx %arg11[%shift_right_arithmetic3A_26, %and3A_37, %add3A_1733], %get3A_1752 : memref<8x8x129xf32, #tpu.memory_space<vmem>>[vector<16xi32>, vector<16xi32>, vector<16xi32>], vector<16xf32>,
        %mul3A_1769 = arith.constant 8 : i32
        %mul3A_1770 = arith.muli %scan3A_1729, %mul3A_1769 : i32
        %add3A_1771 = arith.constant 2 : i32
        %add3A_1772 = arith.addi %mul3A_1770, %add3A_1771 : i32
        %add3A_1773 = arith.constant 1 : i32
        %add3A_1774 = vector.broadcast %add3A_1773 : i32 to vector<16xi32>
        %add3A_1775 = arith.addi %add3A_1733, %add3A_1774 : vector<16xi32>
        %get3A_1776 = arith.index_cast %add3A_1772 : i32 to index
        %get3A_1777 = arith.constant 0 : index
        %get3A_1778 = tpu.vector_load %arg7[%get3A_1776, %get3A_1777] {strides = array<i32>} : memref<128x64xf32, #tpu.memory_space<vmem>>, vector<16xf32>,
        tpu.vector_store_idx %arg11[%shift_right_arithmetic3A_17, %and3A_28, %add3A_1775], %get3A_1759 : memref<8x8x129xf32, #tpu.memory_space<vmem>>[vector<16xi32>, vector<16xi32>, vector<16xi32>], vector<16xf32>,
        %get3A_1779 = arith.index_cast %add3A_1772 : i32 to index
        %get3A_1780 = arith.constant 16 : index
        %get3A_1781 = tpu.vector_load %arg7[%get3A_1779, %get3A_1780] {strides = array<i32>} : memref<128x64xf32, #tpu.memory_space<vmem>>, vector<16xf32>,
        tpu.vector_store_idx %arg11[%shift_right_arithmetic3A_20, %and3A_31, %add3A_1775], %get3A_1762 : memref<8x8x129xf32, #tpu.memory_space<vmem>>[vector<16xi32>, vector<16xi32>, vector<16xi32>], vector<16xf32>,
        %get3A_1782 = arith.index_cast %add3A_1772 : i32 to index
        %get3A_1783 = arith.constant 32 : index
        %get3A_1784 = tpu.vector_load %arg7[%get3A_1782, %get3A_1783] {strides = array<i32>} : memref<128x64xf32, #tpu.memory_space<vmem>>, vector<16xf32>,
        tpu.vector_store_idx %arg11[%shift_right_arithmetic3A_23, %and3A_34, %add3A_1775], %get3A_1765 : memref<8x8x129xf32, #tpu.memory_space<vmem>>[vector<16xi32>, vector<16xi32>, vector<16xi32>], vector<16xf32>,
        %get3A_1785 = arith.index_cast %add3A_1772 : i32 to index
        %get3A_1786 = arith.constant 48 : index
        %get3A_1787 = tpu.vector_load %arg7[%get3A_1785, %get3A_1786] {strides = array<i32>} : memref<128x64xf32, #tpu.memory_space<vmem>>, vector<16xf32>,
        tpu.vector_store_idx %arg11[%shift_right_arithmetic3A_26, %and3A_37, %add3A_1775], %get3A_1768 : memref<8x8x129xf32, #tpu.memory_space<vmem>>[vector<16xi32>, vector<16xi32>, vector<16xi32>], vector<16xf32>,
        %mul3A_1788 = arith.constant 8 : i32
        %mul3A_1789 = arith.muli %scan3A_1729, %mul3A_1788 : i32
        %add3A_1790 = arith.constant 3 : i32
        %add3A_1791 = arith.addi %mul3A_1789, %add3A_1790 : i32
        %add3A_1792 = arith.constant 2 : i32
        %add3A_1793 = vector.broadcast %add3A_1792 : i32 to vector<16xi32>
        %add3A_1794 = arith.addi %add3A_1733, %add3A_1793 : vector<16xi32>
        %get3A_1795 = arith.index_cast %add3A_1791 : i32 to index
        %get3A_1796 = arith.constant 0 : index
        %get3A_1797 = tpu.vector_load %arg7[%get3A_1795, %get3A_1796] {strides = array<i32>} : memref<128x64xf32, #tpu.memory_space<vmem>>, vector<16xf32>,
        tpu.vector_store_idx %arg11[%shift_right_arithmetic3A_17, %and3A_28, %add3A_1794], %get3A_1778 : memref<8x8x129xf32, #tpu.memory_space<vmem>>[vector<16xi32>, vector<16xi32>, vector<16xi32>], vector<16xf32>,
        %get3A_1798 = arith.index_cast %add3A_1791 : i32 to index
        %get3A_1799 = arith.constant 16 : index
        %get3A_1800 = tpu.vector_load %arg7[%get3A_1798, %get3A_1799] {strides = array<i32>} : memref<128x64xf32, #tpu.memory_space<vmem>>, vector<16xf32>,
        tpu.vector_store_idx %arg11[%shift_right_arithmetic3A_20, %and3A_31, %add3A_1794], %get3A_1781 : memref<8x8x129xf32, #tpu.memory_space<vmem>>[vector<16xi32>, vector<16xi32>, vector<16xi32>], vector<16xf32>,
        %get3A_1801 = arith.index_cast %add3A_1791 : i32 to index
        %get3A_1802 = arith.constant 32 : index
        %get3A_1803 = tpu.vector_load %arg7[%get3A_1801, %get3A_1802] {strides = array<i32>} : memref<128x64xf32, #tpu.memory_space<vmem>>, vector<16xf32>,
        tpu.vector_store_idx %arg11[%shift_right_arithmetic3A_23, %and3A_34, %add3A_1794], %get3A_1784 : memref<8x8x129xf32, #tpu.memory_space<vmem>>[vector<16xi32>, vector<16xi32>, vector<16xi32>], vector<16xf32>,
        %get3A_1804 = arith.index_cast %add3A_1791 : i32 to index
        %get3A_1805 = arith.constant 48 : index
        %get3A_1806 = tpu.vector_load %arg7[%get3A_1804, %get3A_1805] {strides = array<i32>} : memref<128x64xf32, #tpu.memory_space<vmem>>, vector<16xf32>,
        tpu.vector_store_idx %arg11[%shift_right_arithmetic3A_26, %and3A_37, %add3A_1794], %get3A_1787 : memref<8x8x129xf32, #tpu.memory_space<vmem>>[vector<16xi32>, vector<16xi32>, vector<16xi32>], vector<16xf32>,
        %mul3A_1807 = arith.constant 8 : i32
        %mul3A_1808 = arith.muli %scan3A_1729, %mul3A_1807 : i32
        %add3A_1809 = arith.constant 4 : i32
        %add3A_1810 = arith.addi %mul3A_1808, %add3A_1809 : i32
        %add3A_1811 = arith.constant 3 : i32
        %add3A_1812 = vector.broadcast %add3A_1811 : i32 to vector<16xi32>
        %add3A_1813 = arith.addi %add3A_1733, %add3A_1812 : vector<16xi32>
        %get3A_1814 = arith.index_cast %add3A_1810 : i32 to index
        %get3A_1815 = arith.constant 0 : index
        %get3A_1816 = tpu.vector_load %arg7[%get3A_1814, %get3A_1815] {strides = array<i32>} : memref<128x64xf32, #tpu.memory_space<vmem>>, vector<16xf32>,
        tpu.vector_store_idx %arg11[%shift_right_arithmetic3A_17, %and3A_28, %add3A_1813], %get3A_1797 : memref<8x8x129xf32, #tpu.memory_space<vmem>>[vector<16xi32>, vector<16xi32>, vector<16xi32>], vector<16xf32>,
        %get3A_1817 = arith.index_cast %add3A_1810 : i32 to index
        %get3A_1818 = arith.constant 16 : index
        %get3A_1819 = tpu.vector_load %arg7[%get3A_1817, %get3A_1818] {strides = array<i32>} : memref<128x64xf32, #tpu.memory_space<vmem>>, vector<16xf32>,
        tpu.vector_store_idx %arg11[%shift_right_arithmetic3A_20, %and3A_31, %add3A_1813], %get3A_1800 : memref<8x8x129xf32, #tpu.memory_space<vmem>>[vector<16xi32>, vector<16xi32>, vector<16xi32>], vector<16xf32>,
        %get3A_1820 = arith.index_cast %add3A_1810 : i32 to index
        %get3A_1821 = arith.constant 32 : index
        %get3A_1822 = tpu.vector_load %arg7[%get3A_1820, %get3A_1821] {strides = array<i32>} : memref<128x64xf32, #tpu.memory_space<vmem>>, vector<16xf32>,
        tpu.vector_store_idx %arg11[%shift_right_arithmetic3A_23, %and3A_34, %add3A_1813], %get3A_1803 : memref<8x8x129xf32, #tpu.memory_space<vmem>>[vector<16xi32>, vector<16xi32>, vector<16xi32>], vector<16xf32>,
        %get3A_1823 = arith.index_cast %add3A_1810 : i32 to index
        %get3A_1824 = arith.constant 48 : index
        %get3A_1825 = tpu.vector_load %arg7[%get3A_1823, %get3A_1824] {strides = array<i32>} : memref<128x64xf32, #tpu.memory_space<vmem>>, vector<16xf32>,
        tpu.vector_store_idx %arg11[%shift_right_arithmetic3A_26, %and3A_37, %add3A_1813], %get3A_1806 : memref<8x8x129xf32, #tpu.memory_space<vmem>>[vector<16xi32>, vector<16xi32>, vector<16xi32>], vector<16xf32>,
        %mul3A_1826 = arith.constant 8 : i32
        %mul3A_1827 = arith.muli %scan3A_1729, %mul3A_1826 : i32
        %add3A_1828 = arith.constant 5 : i32
        %add3A_1829 = arith.addi %mul3A_1827, %add3A_1828 : i32
        %add3A_1830 = arith.constant 4 : i32
        %add3A_1831 = vector.broadcast %add3A_1830 : i32 to vector<16xi32>
        %add3A_1832 = arith.addi %add3A_1733, %add3A_1831 : vector<16xi32>
        %get3A_1833 = arith.index_cast %add3A_1829 : i32 to index
        %get3A_1834 = arith.constant 0 : index
        %get3A_1835 = tpu.vector_load %arg7[%get3A_1833, %get3A_1834] {strides = array<i32>} : memref<128x64xf32, #tpu.memory_space<vmem>>, vector<16xf32>,
        tpu.vector_store_idx %arg11[%shift_right_arithmetic3A_17, %and3A_28, %add3A_1832], %get3A_1816 : memref<8x8x129xf32, #tpu.memory_space<vmem>>[vector<16xi32>, vector<16xi32>, vector<16xi32>], vector<16xf32>,
        %get3A_1836 = arith.index_cast %add3A_1829 : i32 to index
        %get3A_1837 = arith.constant 16 : index
        %get3A_1838 = tpu.vector_load %arg7[%get3A_1836, %get3A_1837] {strides = array<i32>} : memref<128x64xf32, #tpu.memory_space<vmem>>, vector<16xf32>,
        tpu.vector_store_idx %arg11[%shift_right_arithmetic3A_20, %and3A_31, %add3A_1832], %get3A_1819 : memref<8x8x129xf32, #tpu.memory_space<vmem>>[vector<16xi32>, vector<16xi32>, vector<16xi32>], vector<16xf32>,
        %get3A_1839 = arith.index_cast %add3A_1829 : i32 to index
        %get3A_1840 = arith.constant 32 : index
        %get3A_1841 = tpu.vector_load %arg7[%get3A_1839, %get3A_1840] {strides = array<i32>} : memref<128x64xf32, #tpu.memory_space<vmem>>, vector<16xf32>,
        tpu.vector_store_idx %arg11[%shift_right_arithmetic3A_23, %and3A_34, %add3A_1832], %get3A_1822 : memref<8x8x129xf32, #tpu.memory_space<vmem>>[vector<16xi32>, vector<16xi32>, vector<16xi32>], vector<16xf32>,
        %get3A_1842 = arith.index_cast %add3A_1829 : i32 to index
        %get3A_1843 = arith.constant 48 : index
        %get3A_1844 = tpu.vector_load %arg7[%get3A_1842, %get3A_1843] {strides = array<i32>} : memref<128x64xf32, #tpu.memory_space<vmem>>, vector<16xf32>,
        tpu.vector_store_idx %arg11[%shift_right_arithmetic3A_26, %and3A_37, %add3A_1832], %get3A_1825 : memref<8x8x129xf32, #tpu.memory_space<vmem>>[vector<16xi32>, vector<16xi32>, vector<16xi32>], vector<16xf32>,
        %mul3A_1845 = arith.constant 8 : i32
        %mul3A_1846 = arith.muli %scan3A_1729, %mul3A_1845 : i32
        %add3A_1847 = arith.constant 6 : i32
        %add3A_1848 = arith.addi %mul3A_1846, %add3A_1847 : i32
        %add3A_1849 = arith.constant 5 : i32
        %add3A_1850 = vector.broadcast %add3A_1849 : i32 to vector<16xi32>
        %add3A_1851 = arith.addi %add3A_1733, %add3A_1850 : vector<16xi32>
        %get3A_1852 = arith.index_cast %add3A_1848 : i32 to index
        %get3A_1853 = arith.constant 0 : index
        %get3A_1854 = tpu.vector_load %arg7[%get3A_1852, %get3A_1853] {strides = array<i32>} : memref<128x64xf32, #tpu.memory_space<vmem>>, vector<16xf32>,
        tpu.vector_store_idx %arg11[%shift_right_arithmetic3A_17, %and3A_28, %add3A_1851], %get3A_1835 : memref<8x8x129xf32, #tpu.memory_space<vmem>>[vector<16xi32>, vector<16xi32>, vector<16xi32>], vector<16xf32>,
        %get3A_1855 = arith.index_cast %add3A_1848 : i32 to index
        %get3A_1856 = arith.constant 16 : index
        %get3A_1857 = tpu.vector_load %arg7[%get3A_1855, %get3A_1856] {strides = array<i32>} : memref<128x64xf32, #tpu.memory_space<vmem>>, vector<16xf32>,
        tpu.vector_store_idx %arg11[%shift_right_arithmetic3A_20, %and3A_31, %add3A_1851], %get3A_1838 : memref<8x8x129xf32, #tpu.memory_space<vmem>>[vector<16xi32>, vector<16xi32>, vector<16xi32>], vector<16xf32>,
        %get3A_1858 = arith.index_cast %add3A_1848 : i32 to index
        %get3A_1859 = arith.constant 32 : index
        %get3A_1860 = tpu.vector_load %arg7[%get3A_1858, %get3A_1859] {strides = array<i32>} : memref<128x64xf32, #tpu.memory_space<vmem>>, vector<16xf32>,
        tpu.vector_store_idx %arg11[%shift_right_arithmetic3A_23, %and3A_34, %add3A_1851], %get3A_1841 : memref<8x8x129xf32, #tpu.memory_space<vmem>>[vector<16xi32>, vector<16xi32>, vector<16xi32>], vector<16xf32>,
        %get3A_1861 = arith.index_cast %add3A_1848 : i32 to index
        %get3A_1862 = arith.constant 48 : index
        %get3A_1863 = tpu.vector_load %arg7[%get3A_1861, %get3A_1862] {strides = array<i32>} : memref<128x64xf32, #tpu.memory_space<vmem>>, vector<16xf32>,
        tpu.vector_store_idx %arg11[%shift_right_arithmetic3A_26, %and3A_37, %add3A_1851], %get3A_1844 : memref<8x8x129xf32, #tpu.memory_space<vmem>>[vector<16xi32>, vector<16xi32>, vector<16xi32>], vector<16xf32>,
        %mul3A_1864 = arith.constant 8 : i32
        %mul3A_1865 = arith.muli %scan3A_1729, %mul3A_1864 : i32
        %add3A_1866 = arith.constant 7 : i32
        %add3A_1867 = arith.addi %mul3A_1865, %add3A_1866 : i32
        %add3A_1868 = arith.constant 6 : i32
        %add3A_1869 = vector.broadcast %add3A_1868 : i32 to vector<16xi32>
        %add3A_1870 = arith.addi %add3A_1733, %add3A_1869 : vector<16xi32>
        %get3A_1871 = arith.index_cast %add3A_1867 : i32 to index
        %get3A_1872 = arith.constant 0 : index
        %get3A_1873 = tpu.vector_load %arg7[%get3A_1871, %get3A_1872] {strides = array<i32>} : memref<128x64xf32, #tpu.memory_space<vmem>>, vector<16xf32>,
        tpu.vector_store_idx %arg11[%shift_right_arithmetic3A_17, %and3A_28, %add3A_1870], %get3A_1854 : memref<8x8x129xf32, #tpu.memory_space<vmem>>[vector<16xi32>, vector<16xi32>, vector<16xi32>], vector<16xf32>,
        %get3A_1874 = arith.index_cast %add3A_1867 : i32 to index
        %get3A_1875 = arith.constant 16 : index
        %get3A_1876 = tpu.vector_load %arg7[%get3A_1874, %get3A_1875] {strides = array<i32>} : memref<128x64xf32, #tpu.memory_space<vmem>>, vector<16xf32>,
        tpu.vector_store_idx %arg11[%shift_right_arithmetic3A_20, %and3A_31, %add3A_1870], %get3A_1857 : memref<8x8x129xf32, #tpu.memory_space<vmem>>[vector<16xi32>, vector<16xi32>, vector<16xi32>], vector<16xf32>,
        %get3A_1877 = arith.index_cast %add3A_1867 : i32 to index
        %get3A_1878 = arith.constant 32 : index
        %get3A_1879 = tpu.vector_load %arg7[%get3A_1877, %get3A_1878] {strides = array<i32>} : memref<128x64xf32, #tpu.memory_space<vmem>>, vector<16xf32>,
        tpu.vector_store_idx %arg11[%shift_right_arithmetic3A_23, %and3A_34, %add3A_1870], %get3A_1860 : memref<8x8x129xf32, #tpu.memory_space<vmem>>[vector<16xi32>, vector<16xi32>, vector<16xi32>], vector<16xf32>,
        %get3A_1880 = arith.index_cast %add3A_1867 : i32 to index
        %get3A_1881 = arith.constant 48 : index
        %get3A_1882 = tpu.vector_load %arg7[%get3A_1880, %get3A_1881] {strides = array<i32>} : memref<128x64xf32, #tpu.memory_space<vmem>>, vector<16xf32>,
        tpu.vector_store_idx %arg11[%shift_right_arithmetic3A_26, %and3A_37, %add3A_1870], %get3A_1863 : memref<8x8x129xf32, #tpu.memory_space<vmem>>[vector<16xi32>, vector<16xi32>, vector<16xi32>], vector<16xf32>,
        %add3A_1883 = arith.constant 7 : i32
        %add3A_1884 = vector.broadcast %add3A_1883 : i32 to vector<16xi32>
        %add3A_1885 = arith.addi %add3A_1733, %add3A_1884 : vector<16xi32>
        tpu.vector_store_idx %arg11[%shift_right_arithmetic3A_17, %and3A_28, %add3A_1885], %get3A_1873 : memref<8x8x129xf32, #tpu.memory_space<vmem>>[vector<16xi32>, vector<16xi32>, vector<16xi32>], vector<16xf32>,
        tpu.vector_store_idx %arg11[%shift_right_arithmetic3A_20, %and3A_31, %add3A_1885], %get3A_1876 : memref<8x8x129xf32, #tpu.memory_space<vmem>>[vector<16xi32>, vector<16xi32>, vector<16xi32>], vector<16xf32>,
        tpu.vector_store_idx %arg11[%shift_right_arithmetic3A_23, %and3A_34, %add3A_1885], %get3A_1879 : memref<8x8x129xf32, #tpu.memory_space<vmem>>[vector<16xi32>, vector<16xi32>, vector<16xi32>], vector<16xf32>,
        tpu.vector_store_idx %arg11[%shift_right_arithmetic3A_26, %and3A_37, %add3A_1885], %get3A_1882 : memref<8x8x129xf32, #tpu.memory_space<vmem>>[vector<16xi32>, vector<16xi32>, vector<16xi32>], vector<16xf32>,
      }
      %scan3A_1373 = arith.constant 16 : i32
      %add3A_1374 = arith.constant 4 : i32
      %add3A_1375 = arith.addi %add3A_1300, %add3A_1374 : i32
      %dma_start3A_1376 = arith.constant 0 : i32
      %dma_start3A_1377 = tpu.memref_slice %arg5[%add3A_1375, %dma_start3A_1376] : memref<200x128xi32, #tpu.memory_space<vmem>> -> memref<1x128xi32, #tpu.memory_space<vmem>>
      %dma_start3A_1378 = tpu.memref_squeeze %dma_start3A_1377 : memref<1x128xi32, #tpu.memory_space<vmem>> -> memref<128xi32, #tpu.memory_space<vmem>>
      %dma_start3A_1379 = arith.constant 0 : i32
      %dma_start3A_1380 = arith.constant 0 : i32
      %dma_start3A_1381 = tpu.memref_slice %arg3[%dma_start3A_1379, %dma_start3A_1380] : memref<100000x64xf32, #tpu.memory_space<hbm>> -> memref<100000x64xf32, #tpu.memory_space<hbm>>
      tpu.enqueue_indirect_dma source(%dma_start3A_1381 : memref<100000x64xf32, #tpu.memory_space<hbm>>) target(%arg7 : memref<128x64xf32, #tpu.memory_space<vmem>>) offsets(%dma_start3A_1378 : memref<128xi32, #tpu.memory_space<vmem>>) semaphore(%arg15 : memref<!tpu.dma_semaphore, #tpu.memory_space<semaphore_mem>>)
      %add3A_1382 = arith.addi %mul3A_2, %add3A_1300 : i32
      %jit3A_1383 = arith.constant 128 : i32
      %div3A_1384 = arith.divsi %add3A_1382, %jit3A_1383 : i32
      %sign3A_1385 = arith.constant 0 : i32
      %sign3A_1386 = arith.cmpi sgt, %add3A_1382, %sign3A_1385 : i32
      %sign3A_1387 = arith.extui %sign3A_1386 : i1 to i32
      %sign3A_1388 = arith.constant 0 : i32
      %sign3A_1389 = arith.cmpi slt, %add3A_1382, %sign3A_1388 : i32
      %sign3A_1390 = arith.extui %sign3A_1389 : i1 to i32
      %sign3A_1391 = arith.subi %sign3A_1387, %sign3A_1390 : i32
      %sign3A_1392 = arith.constant 0 : i32
      %sign3A_1393 = arith.cmpi sgt, %jit3A_1383, %sign3A_1392 : i32
      %sign3A_1394 = arith.extui %sign3A_1393 : i1 to i32
      %sign3A_1395 = arith.constant 0 : i32
      %sign3A_1396 = arith.cmpi slt, %jit3A_1383, %sign3A_1395 : i32
      %sign3A_1397 = arith.extui %sign3A_1396 : i1 to i32
      %sign3A_1398 = arith.subi %sign3A_1394, %sign3A_1397 : i32
      %ne3A_1399 = arith.cmpi ne, %sign3A_1391, %sign3A_1398 : i32
      %rem3A_1400 = arith.remsi %add3A_1382, %jit3A_1383 : i32
      %ne3A_1401 = arith.constant 0 : i32
      %ne3A_1402 = arith.cmpi ne, %rem3A_1400, %ne3A_1401 : i32
      %and3A_1403 = arith.andi %ne3A_1399, %ne3A_1402 : i1
      %sub3A_1404 = arith.constant 1 : i32
      %sub3A_1405 = arith.subi %div3A_1384, %sub3A_1404 : i32
      %select_n3A_1406 = arith.select %and3A_1403, %sub3A_1405, %div3A_1384 : i32
      %jit3A_1407 = arith.constant 128 : i32
      %eq3A_1408 = arith.constant 0 : i32
      %eq3A_1409 = arith.cmpi eq, %jit3A_1407, %eq3A_1408 : i32
      %jit3A_1410 = arith.constant 1 : i32
      %select_n3A_1411 = arith.select %eq3A_1409, %jit3A_1410, %jit3A_1407 : i32
      %rem3A_1412 = arith.remsi %add3A_1382, %select_n3A_1411 : i32
      %ne3A_1413 = arith.constant 0 : i32
      %ne3A_1414 = arith.cmpi ne, %rem3A_1412, %ne3A_1413 : i32
      %lt3A_1415 = arith.constant 0 : i32
      %lt3A_1416 = arith.cmpi slt, %rem3A_1412, %lt3A_1415 : i32
      %lt3A_1417 = arith.constant 0 : i32
      %lt3A_1418 = arith.cmpi slt, %select_n3A_1411, %lt3A_1417 : i32
      %ne3A_1419 = arith.xori %lt3A_1416, %lt3A_1418 : i1
      %and3A_1420 = arith.andi %ne3A_1419, %ne3A_1414 : i1
      %add3A_1421 = arith.addi %rem3A_1412, %select_n3A_1411 : i32
      %select_n3A_1422 = arith.select %and3A_1420, %add3A_1421, %rem3A_1412 : i32
      %dma_start3A_1423 = arith.constant 0 : i32
      %dma_start3A_1424 = arith.constant 0 : i32
      %dma_start3A_1425 = arith.constant 0 : i32
      %dma_start3A_1426 = tpu.memref_slice %arg11[%dma_start3A_1423, %dma_start3A_1424, %dma_start3A_1425] : memref<8x8x129xf32, #tpu.memory_space<vmem>> -> memref<8x8x128xf32, #tpu.memory_space<vmem>>
      %dma_start3A_1427 = arith.constant 0 : i32
      %dma_start3A_1428 = arith.constant 0 : i32
      %dma_start3A_1429 = arith.constant 0 : i32
      %dma_start3A_1430 = tpu.memref_slice %arg4[%select_n3A_1406, %dma_start3A_1427, %select_n3A_1422, %dma_start3A_1428, %dma_start3A_1429] : memref<50x8x128x8x128xf32, #tpu.memory_space<hbm>> -> memref<1x8x1x8x128xf32, #tpu.memory_space<hbm>>
      %dma_start3A_1431 = tpu.memref_squeeze %dma_start3A_1430 : memref<1x8x1x8x128xf32, #tpu.memory_space<hbm>> -> memref<8x8x128xf32, #tpu.memory_space<hbm>>
      %dma_start3A_1432 = arith.constant 0 : i32
      %dma_start3A_1433 = arith.constant 0 : i32
      %dma_start3A_1434 = arith.constant 0 : i32
      %dma_start3A_1435 = tpu.memref_slice %arg4[%select_n3A_1406, %dma_start3A_1432, %select_n3A_1422, %dma_start3A_1433, %dma_start3A_1434] : memref<50x8x128x8x128xf32, #tpu.memory_space<hbm>> -> memref<1x8x1x8x128xf32, #tpu.memory_space<hbm>>
      %dma_start3A_1436 = tpu.memref_squeeze %dma_start3A_1435 : memref<1x8x1x8x128xf32, #tpu.memory_space<hbm>> -> memref<8x8x128xf32, #tpu.memory_space<hbm>>
      %dma_start3A_1437 = arith.constant 0 : i32
      %dma_start3A_1438 = arith.constant 0 : i32
      %dma_start3A_1439 = arith.constant 0 : i32
      %dma_start3A_1440 = tpu.memref_slice %arg11[%dma_start3A_1437, %dma_start3A_1438, %dma_start3A_1439] : memref<8x8x129xf32, #tpu.memory_space<vmem>> -> memref<8x8x128xf32, #tpu.memory_space<vmem>>
      tpu.enqueue_dma source(%dma_start3A_1440 : memref<8x8x128xf32, #tpu.memory_space<vmem>>) target(%dma_start3A_1436 : memref<8x8x128xf32, #tpu.memory_space<hbm>>) target_semaphore(%arg19 : memref<!tpu.dma_semaphore, #tpu.memory_space<semaphore_mem>>)
      %mul3A_1441 = arith.constant 4 : i32
      %mul3A_1442 = arith.muli %mul3A_1441, %scan3A_1152 : i32
      %add3A_1443 = arith.constant 2 : i32
      %add3A_1444 = arith.addi %mul3A_1442, %add3A_1443 : i32
      %sub3A_1445 = arith.constant 4 : i32
      %sub3A_1446 = arith.subi %add3A_1444, %sub3A_1445 : i32
      %add3A_1447 = arith.addi %mul3A_2, %sub3A_1446 : i32
      %jit3A_1448 = arith.constant 128 : i32
      %div3A_1449 = arith.divsi %add3A_1447, %jit3A_1448 : i32
      %sign3A_1450 = arith.constant 0 : i32
      %sign3A_1451 = arith.cmpi sgt, %add3A_1447, %sign3A_1450 : i32
      %sign3A_1452 = arith.extui %sign3A_1451 : i1 to i32
      %sign3A_1453 = arith.constant 0 : i32
      %sign3A_1454 = arith.cmpi slt, %add3A_1447, %sign3A_1453 : i32
      %sign3A_1455 = arith.extui %sign3A_1454 : i1 to i32
      %sign3A_1456 = arith.subi %sign3A_1452, %sign3A_1455 : i32
      %sign3A_1457 = arith.constant 0 : i32
      %sign3A_1458 = arith.cmpi sgt, %jit3A_1448, %sign3A_1457 : i32
      %sign3A_1459 = arith.extui %sign3A_1458 : i1 to i32
      %sign3A_1460 = arith.constant 0 : i32
      %sign3A_1461 = arith.cmpi slt, %jit3A_1448, %sign3A_1460 : i32
      %sign3A_1462 = arith.extui %sign3A_1461 : i1 to i32
      %sign3A_1463 = arith.subi %sign3A_1459, %sign3A_1462 : i32
      %ne3A_1464 = arith.cmpi ne, %sign3A_1456, %sign3A_1463 : i32
      %rem3A_1465 = arith.remsi %add3A_1447, %jit3A_1448 : i32
      %ne3A_1466 = arith.constant 0 : i32
      %ne3A_1467 = arith.cmpi ne, %rem3A_1465, %ne3A_1466 : i32
      %and3A_1468 = arith.andi %ne3A_1464, %ne3A_1467 : i1
      %sub3A_1469 = arith.constant 1 : i32
      %sub3A_1470 = arith.subi %div3A_1449, %sub3A_1469 : i32
      %select_n3A_1471 = arith.select %and3A_1468, %sub3A_1470, %div3A_1449 : i32
      %jit3A_1472 = arith.constant 128 : i32
      %eq3A_1473 = arith.constant 0 : i32
      %eq3A_1474 = arith.cmpi eq, %jit3A_1472, %eq3A_1473 : i32
      %jit3A_1475 = arith.constant 1 : i32
      %select_n3A_1476 = arith.select %eq3A_1474, %jit3A_1475, %jit3A_1472 : i32
      %rem3A_1477 = arith.remsi %add3A_1447, %select_n3A_1476 : i32
      %ne3A_1478 = arith.constant 0 : i32
      %ne3A_1479 = arith.cmpi ne, %rem3A_1477, %ne3A_1478 : i32
      %lt3A_1480 = arith.constant 0 : i32
      %lt3A_1481 = arith.cmpi slt, %rem3A_1477, %lt3A_1480 : i32
      %lt3A_1482 = arith.constant 0 : i32
      %lt3A_1483 = arith.cmpi slt, %select_n3A_1476, %lt3A_1482 : i32
      %ne3A_1484 = arith.xori %lt3A_1481, %lt3A_1483 : i1
      %and3A_1485 = arith.andi %ne3A_1484, %ne3A_1479 : i1
      %add3A_1486 = arith.addi %rem3A_1477, %select_n3A_1476 : i32
      %select_n3A_1487 = arith.select %and3A_1485, %add3A_1486, %rem3A_1477 : i32
      %dma_wait3A_1488 = arith.constant 0 : i32
      %dma_wait3A_1489 = arith.constant 0 : i32
      %dma_wait3A_1490 = arith.constant 0 : i32
      %dma_wait3A_1491 = tpu.memref_slice %arg12[%dma_wait3A_1488, %dma_wait3A_1489, %dma_wait3A_1490] : memref<8x8x129xf32, #tpu.memory_space<vmem>> -> memref<8x8x128xf32, #tpu.memory_space<vmem>>
      %dma_wait3A_1492 = arith.constant 0 : i32
      %dma_wait3A_1493 = arith.constant 0 : i32
      %dma_wait3A_1494 = arith.constant 0 : i32
      %dma_wait3A_1495 = tpu.memref_slice %arg4[%select_n3A_1471, %dma_wait3A_1492, %select_n3A_1487, %dma_wait3A_1493, %dma_wait3A_1494] : memref<50x8x128x8x128xf32, #tpu.memory_space<hbm>> -> memref<1x8x1x8x128xf32, #tpu.memory_space<hbm>>
      %dma_wait3A_1496 = tpu.memref_squeeze %dma_wait3A_1495 : memref<1x8x1x8x128xf32, #tpu.memory_space<hbm>> -> memref<8x8x128xf32, #tpu.memory_space<hbm>>
      %dma_wait3A_1497 = arith.constant 0 : i32
      %dma_wait3A_1498 = arith.constant 0 : i32
      %dma_wait3A_1499 = arith.constant 0 : i32
      %dma_wait3A_1500 = tpu.memref_slice %arg4[%select_n3A_1471, %dma_wait3A_1497, %select_n3A_1487, %dma_wait3A_1498, %dma_wait3A_1499] : memref<50x8x128x8x128xf32, #tpu.memory_space<hbm>> -> memref<1x8x1x8x128xf32, #tpu.memory_space<hbm>>
      %dma_wait3A_1501 = tpu.memref_squeeze %dma_wait3A_1500 : memref<1x8x1x8x128xf32, #tpu.memory_space<hbm>> -> memref<8x8x128xf32, #tpu.memory_space<hbm>>
      %dma_wait3A_1502 = arith.constant 0 : i32
      %dma_wait3A_1503 = arith.constant 0 : i32
      %dma_wait3A_1504 = arith.constant 0 : i32
      %dma_wait3A_1505 = tpu.memref_slice %arg12[%dma_wait3A_1502, %dma_wait3A_1503, %dma_wait3A_1504] : memref<8x8x129xf32, #tpu.memory_space<vmem>> -> memref<8x8x128xf32, #tpu.memory_space<vmem>>
      tpu.wait_dma2 semaphore(%arg20 : memref<!tpu.dma_semaphore, #tpu.memory_space<semaphore_mem>>) src(%dma_wait3A_1505 : memref<8x8x128xf32, #tpu.memory_space<vmem>>) dst(%dma_wait3A_1501 : memref<8x8x128xf32, #tpu.memory_space<hbm>>)
      %dma_wait3A_1506 = arith.constant 0 : i32
      %dma_wait3A_1507 = tpu.memref_slice %arg5[%add3A_1444, %dma_wait3A_1506] : memref<200x128xi32, #tpu.memory_space<vmem>> -> memref<1x128xi32, #tpu.memory_space<vmem>>
      %dma_wait3A_1508 = tpu.memref_squeeze %dma_wait3A_1507 : memref<1x128xi32, #tpu.memory_space<vmem>> -> memref<128xi32, #tpu.memory_space<vmem>>
      %dma_wait3A_1509 = arith.constant 0 : i32
      %dma_wait3A_1510 = arith.constant 0 : i32
      %dma_wait3A_1511 = tpu.memref_slice %arg3[%dma_wait3A_1509, %dma_wait3A_1510] : memref<100000x64xf32, #tpu.memory_space<hbm>> -> memref<100000x64xf32, #tpu.memory_space<hbm>>
      tpu.wait_indirect_dma semaphore(%arg16 : memref<!tpu.dma_semaphore, #tpu.memory_space<semaphore_mem>>) src(%dma_wait3A_1511 : memref<100000x64xf32, #tpu.memory_space<hbm>>) dst(%arg8 : memref<128x64xf32, #tpu.memory_space<vmem>>)
      %scan3A_1512 = arith.constant 0 : i32
      %scan3A_1513 = arith.constant 0 : i32
      %scan3A_1514 = arith.constant 16 : i32
      %scan3A_1515 = arith.addi %scan3A_1513, %scan3A_1514 : i32
      %scan3A_1516 = arith.constant 1 : i32
      scf.for %scan3A_1729 = %scan3A_1513 to %scan3A_1515 step %scan3A_1516  : i32 {
        %mul3A_1730 = arith.constant 8 : i32
        %mul3A_1731 = arith.muli %scan3A_1729, %mul3A_1730 : i32
        %add3A_1732 = vector.broadcast %mul3A_1731 : i32 to vector<16xi32>
        %add3A_1733 = arith.addi %broadcast_in_dim3A_3, %add3A_1732 : vector<16xi32>
        %mul3A_1734 = arith.constant 8 : i32
        %mul3A_1735 = arith.muli %scan3A_1729, %mul3A_1734 : i32
        %get3A = arith.index_cast %mul3A_1735 : i32 to index
        %get3A_1736 = arith.constant 0 : index
        %get3A_1737 = tpu.vector_load %arg8[%get3A, %get3A_1736] {strides = array<i32>} : memref<128x64xf32, #tpu.memory_space<vmem>>, vector<16xf32>,
        %mul3A_1738 = arith.constant 8 : i32
        %mul3A_1739 = arith.muli %scan3A_1729, %mul3A_1738 : i32
        %get3A_1740 = arith.index_cast %mul3A_1739 : i32 to index
        %get3A_1741 = arith.constant 16 : index
        %get3A_1742 = tpu.vector_load %arg8[%get3A_1740, %get3A_1741] {strides = array<i32>} : memref<128x64xf32, #tpu.memory_space<vmem>>, vector<16xf32>,
        %mul3A_1743 = arith.constant 8 : i32
        %mul3A_1744 = arith.muli %scan3A_1729, %mul3A_1743 : i32
        %get3A_1745 = arith.index_cast %mul3A_1744 : i32 to index
        %get3A_1746 = arith.constant 32 : index
        %get3A_1747 = tpu.vector_load %arg8[%get3A_1745, %get3A_1746] {strides = array<i32>} : memref<128x64xf32, #tpu.memory_space<vmem>>, vector<16xf32>,
        %mul3A_1748 = arith.constant 8 : i32
        %mul3A_1749 = arith.muli %scan3A_1729, %mul3A_1748 : i32
        %get3A_1750 = arith.index_cast %mul3A_1749 : i32 to index
        %get3A_1751 = arith.constant 48 : index
        %get3A_1752 = tpu.vector_load %arg8[%get3A_1750, %get3A_1751] {strides = array<i32>} : memref<128x64xf32, #tpu.memory_space<vmem>>, vector<16xf32>,
        %mul3A_1753 = arith.constant 8 : i32
        %mul3A_1754 = arith.muli %scan3A_1729, %mul3A_1753 : i32
        %add3A_1755 = arith.constant 1 : i32
        %add3A_1756 = arith.addi %mul3A_1754, %add3A_1755 : i32
        %get3A_1757 = arith.index_cast %add3A_1756 : i32 to index
        %get3A_1758 = arith.constant 0 : index
        %get3A_1759 = tpu.vector_load %arg8[%get3A_1757, %get3A_1758] {strides = array<i32>} : memref<128x64xf32, #tpu.memory_space<vmem>>, vector<16xf32>,
        tpu.vector_store_idx %arg12[%shift_right_arithmetic3A_17, %and3A_28, %add3A_1733], %get3A_1737 : memref<8x8x129xf32, #tpu.memory_space<vmem>>[vector<16xi32>, vector<16xi32>, vector<16xi32>], vector<16xf32>,
        %get3A_1760 = arith.index_cast %add3A_1756 : i32 to index
        %get3A_1761 = arith.constant 16 : index
        %get3A_1762 = tpu.vector_load %arg8[%get3A_1760, %get3A_1761] {strides = array<i32>} : memref<128x64xf32, #tpu.memory_space<vmem>>, vector<16xf32>,
        tpu.vector_store_idx %arg12[%shift_right_arithmetic3A_20, %and3A_31, %add3A_1733], %get3A_1742 : memref<8x8x129xf32, #tpu.memory_space<vmem>>[vector<16xi32>, vector<16xi32>, vector<16xi32>], vector<16xf32>,
        %get3A_1763 = arith.index_cast %add3A_1756 : i32 to index
        %get3A_1764 = arith.constant 32 : index
        %get3A_1765 = tpu.vector_load %arg8[%get3A_1763, %get3A_1764] {strides = array<i32>} : memref<128x64xf32, #tpu.memory_space<vmem>>, vector<16xf32>,
        tpu.vector_store_idx %arg12[%shift_right_arithmetic3A_23, %and3A_34, %add3A_1733], %get3A_1747 : memref<8x8x129xf32, #tpu.memory_space<vmem>>[vector<16xi32>, vector<16xi32>, vector<16xi32>], vector<16xf32>,
        %get3A_1766 = arith.index_cast %add3A_1756 : i32 to index
        %get3A_1767 = arith.constant 48 : index
        %get3A_1768 = tpu.vector_load %arg8[%get3A_1766, %get3A_1767] {strides = array<i32>} : memref<128x64xf32, #tpu.memory_space<vmem>>, vector<16xf32>,
        tpu.vector_store_idx %arg12[%shift_right_arithmetic3A_26, %and3A_37, %add3A_1733], %get3A_1752 : memref<8x8x129xf32, #tpu.memory_space<vmem>>[vector<16xi32>, vector<16xi32>, vector<16xi32>], vector<16xf32>,
        %mul3A_1769 = arith.constant 8 : i32
        %mul3A_1770 = arith.muli %scan3A_1729, %mul3A_1769 : i32
        %add3A_1771 = arith.constant 2 : i32
        %add3A_1772 = arith.addi %mul3A_1770, %add3A_1771 : i32
        %add3A_1773 = arith.constant 1 : i32
        %add3A_1774 = vector.broadcast %add3A_1773 : i32 to vector<16xi32>
        %add3A_1775 = arith.addi %add3A_1733, %add3A_1774 : vector<16xi32>
        %get3A_1776 = arith.index_cast %add3A_1772 : i32 to index
        %get3A_1777 = arith.constant 0 : index
        %get3A_1778 = tpu.vector_load %arg8[%get3A_1776, %get3A_1777] {strides = array<i32>} : memref<128x64xf32, #tpu.memory_space<vmem>>, vector<16xf32>,
        tpu.vector_store_idx %arg12[%shift_right_arithmetic3A_17, %and3A_28, %add3A_1775], %get3A_1759 : memref<8x8x129xf32, #tpu.memory_space<vmem>>[vector<16xi32>, vector<16xi32>, vector<16xi32>], vector<16xf32>,
        %get3A_1779 = arith.index_cast %add3A_1772 : i32 to index
        %get3A_1780 = arith.constant 16 : index
        %get3A_1781 = tpu.vector_load %arg8[%get3A_1779, %get3A_1780] {strides = array<i32>} : memref<128x64xf32, #tpu.memory_space<vmem>>, vector<16xf32>,
        tpu.vector_store_idx %arg12[%shift_right_arithmetic3A_20, %and3A_31, %add3A_1775], %get3A_1762 : memref<8x8x129xf32, #tpu.memory_space<vmem>>[vector<16xi32>, vector<16xi32>, vector<16xi32>], vector<16xf32>,
        %get3A_1782 = arith.index_cast %add3A_1772 : i32 to index
        %get3A_1783 = arith.constant 32 : index
        %get3A_1784 = tpu.vector_load %arg8[%get3A_1782, %get3A_1783] {strides = array<i32>} : memref<128x64xf32, #tpu.memory_space<vmem>>, vector<16xf32>,
        tpu.vector_store_idx %arg12[%shift_right_arithmetic3A_23, %and3A_34, %add3A_1775], %get3A_1765 : memref<8x8x129xf32, #tpu.memory_space<vmem>>[vector<16xi32>, vector<16xi32>, vector<16xi32>], vector<16xf32>,
        %get3A_1785 = arith.index_cast %add3A_1772 : i32 to index
        %get3A_1786 = arith.constant 48 : index
        %get3A_1787 = tpu.vector_load %arg8[%get3A_1785, %get3A_1786] {strides = array<i32>} : memref<128x64xf32, #tpu.memory_space<vmem>>, vector<16xf32>,
        tpu.vector_store_idx %arg12[%shift_right_arithmetic3A_26, %and3A_37, %add3A_1775], %get3A_1768 : memref<8x8x129xf32, #tpu.memory_space<vmem>>[vector<16xi32>, vector<16xi32>, vector<16xi32>], vector<16xf32>,
        %mul3A_1788 = arith.constant 8 : i32
        %mul3A_1789 = arith.muli %scan3A_1729, %mul3A_1788 : i32
        %add3A_1790 = arith.constant 3 : i32
        %add3A_1791 = arith.addi %mul3A_1789, %add3A_1790 : i32
        %add3A_1792 = arith.constant 2 : i32
        %add3A_1793 = vector.broadcast %add3A_1792 : i32 to vector<16xi32>
        %add3A_1794 = arith.addi %add3A_1733, %add3A_1793 : vector<16xi32>
        %get3A_1795 = arith.index_cast %add3A_1791 : i32 to index
        %get3A_1796 = arith.constant 0 : index
        %get3A_1797 = tpu.vector_load %arg8[%get3A_1795, %get3A_1796] {strides = array<i32>} : memref<128x64xf32, #tpu.memory_space<vmem>>, vector<16xf32>,
        tpu.vector_store_idx %arg12[%shift_right_arithmetic3A_17, %and3A_28, %add3A_1794], %get3A_1778 : memref<8x8x129xf32, #tpu.memory_space<vmem>>[vector<16xi32>, vector<16xi32>, vector<16xi32>], vector<16xf32>,
        %get3A_1798 = arith.index_cast %add3A_1791 : i32 to index
        %get3A_1799 = arith.constant 16 : index
        %get3A_1800 = tpu.vector_load %arg8[%get3A_1798, %get3A_1799] {strides = array<i32>} : memref<128x64xf32, #tpu.memory_space<vmem>>, vector<16xf32>,
        tpu.vector_store_idx %arg12[%shift_right_arithmetic3A_20, %and3A_31, %add3A_1794], %get3A_1781 : memref<8x8x129xf32, #tpu.memory_space<vmem>>[vector<16xi32>, vector<16xi32>, vector<16xi32>], vector<16xf32>,
        %get3A_1801 = arith.index_cast %add3A_1791 : i32 to index
        %get3A_1802 = arith.constant 32 : index
        %get3A_1803 = tpu.vector_load %arg8[%get3A_1801, %get3A_1802] {strides = array<i32>} : memref<128x64xf32, #tpu.memory_space<vmem>>, vector<16xf32>,
        tpu.vector_store_idx %arg12[%shift_right_arithmetic3A_23, %and3A_34, %add3A_1794], %get3A_1784 : memref<8x8x129xf32, #tpu.memory_space<vmem>>[vector<16xi32>, vector<16xi32>, vector<16xi32>], vector<16xf32>,
        %get3A_1804 = arith.index_cast %add3A_1791 : i32 to index
        %get3A_1805 = arith.constant 48 : index
        %get3A_1806 = tpu.vector_load %arg8[%get3A_1804, %get3A_1805] {strides = array<i32>} : memref<128x64xf32, #tpu.memory_space<vmem>>, vector<16xf32>,
        tpu.vector_store_idx %arg12[%shift_right_arithmetic3A_26, %and3A_37, %add3A_1794], %get3A_1787 : memref<8x8x129xf32, #tpu.memory_space<vmem>>[vector<16xi32>, vector<16xi32>, vector<16xi32>], vector<16xf32>,
        %mul3A_1807 = arith.constant 8 : i32
        %mul3A_1808 = arith.muli %scan3A_1729, %mul3A_1807 : i32
        %add3A_1809 = arith.constant 4 : i32
        %add3A_1810 = arith.addi %mul3A_1808, %add3A_1809 : i32
        %add3A_1811 = arith.constant 3 : i32
        %add3A_1812 = vector.broadcast %add3A_1811 : i32 to vector<16xi32>
        %add3A_1813 = arith.addi %add3A_1733, %add3A_1812 : vector<16xi32>
        %get3A_1814 = arith.index_cast %add3A_1810 : i32 to index
        %get3A_1815 = arith.constant 0 : index
        %get3A_1816 = tpu.vector_load %arg8[%get3A_1814, %get3A_1815] {strides = array<i32>} : memref<128x64xf32, #tpu.memory_space<vmem>>, vector<16xf32>,
        tpu.vector_store_idx %arg12[%shift_right_arithmetic3A_17, %and3A_28, %add3A_1813], %get3A_1797 : memref<8x8x129xf32, #tpu.memory_space<vmem>>[vector<16xi32>, vector<16xi32>, vector<16xi32>], vector<16xf32>,
        %get3A_1817 = arith.index_cast %add3A_1810 : i32 to index
        %get3A_1818 = arith.constant 16 : index
        %get3A_1819 = tpu.vector_load %arg8[%get3A_1817, %get3A_1818] {strides = array<i32>} : memref<128x64xf32, #tpu.memory_space<vmem>>, vector<16xf32>,
        tpu.vector_store_idx %arg12[%shift_right_arithmetic3A_20, %and3A_31, %add3A_1813], %get3A_1800 : memref<8x8x129xf32, #tpu.memory_space<vmem>>[vector<16xi32>, vector<16xi32>, vector<16xi32>], vector<16xf32>,
        %get3A_1820 = arith.index_cast %add3A_1810 : i32 to index
        %get3A_1821 = arith.constant 32 : index
        %get3A_1822 = tpu.vector_load %arg8[%get3A_1820, %get3A_1821] {strides = array<i32>} : memref<128x64xf32, #tpu.memory_space<vmem>>, vector<16xf32>,
        tpu.vector_store_idx %arg12[%shift_right_arithmetic3A_23, %and3A_34, %add3A_1813], %get3A_1803 : memref<8x8x129xf32, #tpu.memory_space<vmem>>[vector<16xi32>, vector<16xi32>, vector<16xi32>], vector<16xf32>,
        %get3A_1823 = arith.index_cast %add3A_1810 : i32 to index
        %get3A_1824 = arith.constant 48 : index
        %get3A_1825 = tpu.vector_load %arg8[%get3A_1823, %get3A_1824] {strides = array<i32>} : memref<128x64xf32, #tpu.memory_space<vmem>>, vector<16xf32>,
        tpu.vector_store_idx %arg12[%shift_right_arithmetic3A_26, %and3A_37, %add3A_1813], %get3A_1806 : memref<8x8x129xf32, #tpu.memory_space<vmem>>[vector<16xi32>, vector<16xi32>, vector<16xi32>], vector<16xf32>,
        %mul3A_1826 = arith.constant 8 : i32
        %mul3A_1827 = arith.muli %scan3A_1729, %mul3A_1826 : i32
        %add3A_1828 = arith.constant 5 : i32
        %add3A_1829 = arith.addi %mul3A_1827, %add3A_1828 : i32
        %add3A_1830 = arith.constant 4 : i32
        %add3A_1831 = vector.broadcast %add3A_1830 : i32 to vector<16xi32>
        %add3A_1832 = arith.addi %add3A_1733, %add3A_1831 : vector<16xi32>
        %get3A_1833 = arith.index_cast %add3A_1829 : i32 to index
        %get3A_1834 = arith.constant 0 : index
        %get3A_1835 = tpu.vector_load %arg8[%get3A_1833, %get3A_1834] {strides = array<i32>} : memref<128x64xf32, #tpu.memory_space<vmem>>, vector<16xf32>,
        tpu.vector_store_idx %arg12[%shift_right_arithmetic3A_17, %and3A_28, %add3A_1832], %get3A_1816 : memref<8x8x129xf32, #tpu.memory_space<vmem>>[vector<16xi32>, vector<16xi32>, vector<16xi32>], vector<16xf32>,
        %get3A_1836 = arith.index_cast %add3A_1829 : i32 to index
        %get3A_1837 = arith.constant 16 : index
        %get3A_1838 = tpu.vector_load %arg8[%get3A_1836, %get3A_1837] {strides = array<i32>} : memref<128x64xf32, #tpu.memory_space<vmem>>, vector<16xf32>,
        tpu.vector_store_idx %arg12[%shift_right_arithmetic3A_20, %and3A_31, %add3A_1832], %get3A_1819 : memref<8x8x129xf32, #tpu.memory_space<vmem>>[vector<16xi32>, vector<16xi32>, vector<16xi32>], vector<16xf32>,
        %get3A_1839 = arith.index_cast %add3A_1829 : i32 to index
        %get3A_1840 = arith.constant 32 : index
        %get3A_1841 = tpu.vector_load %arg8[%get3A_1839, %get3A_1840] {strides = array<i32>} : memref<128x64xf32, #tpu.memory_space<vmem>>, vector<16xf32>,
        tpu.vector_store_idx %arg12[%shift_right_arithmetic3A_23, %and3A_34, %add3A_1832], %get3A_1822 : memref<8x8x129xf32, #tpu.memory_space<vmem>>[vector<16xi32>, vector<16xi32>, vector<16xi32>], vector<16xf32>,
        %get3A_1842 = arith.index_cast %add3A_1829 : i32 to index
        %get3A_1843 = arith.constant 48 : index
        %get3A_1844 = tpu.vector_load %arg8[%get3A_1842, %get3A_1843] {strides = array<i32>} : memref<128x64xf32, #tpu.memory_space<vmem>>, vector<16xf32>,
        tpu.vector_store_idx %arg12[%shift_right_arithmetic3A_26, %and3A_37, %add3A_1832], %get3A_1825 : memref<8x8x129xf32, #tpu.memory_space<vmem>>[vector<16xi32>, vector<16xi32>, vector<16xi32>], vector<16xf32>,
        %mul3A_1845 = arith.constant 8 : i32
        %mul3A_1846 = arith.muli %scan3A_1729, %mul3A_1845 : i32
        %add3A_1847 = arith.constant 6 : i32
        %add3A_1848 = arith.addi %mul3A_1846, %add3A_1847 : i32
        %add3A_1849 = arith.constant 5 : i32
        %add3A_1850 = vector.broadcast %add3A_1849 : i32 to vector<16xi32>
        %add3A_1851 = arith.addi %add3A_1733, %add3A_1850 : vector<16xi32>
        %get3A_1852 = arith.index_cast %add3A_1848 : i32 to index
        %get3A_1853 = arith.constant 0 : index
        %get3A_1854 = tpu.vector_load %arg8[%get3A_1852, %get3A_1853] {strides = array<i32>} : memref<128x64xf32, #tpu.memory_space<vmem>>, vector<16xf32>,
        tpu.vector_store_idx %arg12[%shift_right_arithmetic3A_17, %and3A_28, %add3A_1851], %get3A_1835 : memref<8x8x129xf32, #tpu.memory_space<vmem>>[vector<16xi32>, vector<16xi32>, vector<16xi32>], vector<16xf32>,
        %get3A_1855 = arith.index_cast %add3A_1848 : i32 to index
        %get3A_1856 = arith.constant 16 : index
        %get3A_1857 = tpu.vector_load %arg8[%get3A_1855, %get3A_1856] {strides = array<i32>} : memref<128x64xf32, #tpu.memory_space<vmem>>, vector<16xf32>,
        tpu.vector_store_idx %arg12[%shift_right_arithmetic3A_20, %and3A_31, %add3A_1851], %get3A_1838 : memref<8x8x129xf32, #tpu.memory_space<vmem>>[vector<16xi32>, vector<16xi32>, vector<16xi32>], vector<16xf32>,
        %get3A_1858 = arith.index_cast %add3A_1848 : i32 to index
        %get3A_1859 = arith.constant 32 : index
        %get3A_1860 = tpu.vector_load %arg8[%get3A_1858, %get3A_1859] {strides = array<i32>} : memref<128x64xf32, #tpu.memory_space<vmem>>, vector<16xf32>,
        tpu.vector_store_idx %arg12[%shift_right_arithmetic3A_23, %and3A_34, %add3A_1851], %get3A_1841 : memref<8x8x129xf32, #tpu.memory_space<vmem>>[vector<16xi32>, vector<16xi32>, vector<16xi32>], vector<16xf32>,
        %get3A_1861 = arith.index_cast %add3A_1848 : i32 to index
        %get3A_1862 = arith.constant 48 : index
        %get3A_1863 = tpu.vector_load %arg8[%get3A_1861, %get3A_1862] {strides = array<i32>} : memref<128x64xf32, #tpu.memory_space<vmem>>, vector<16xf32>,
        tpu.vector_store_idx %arg12[%shift_right_arithmetic3A_26, %and3A_37, %add3A_1851], %get3A_1844 : memref<8x8x129xf32, #tpu.memory_space<vmem>>[vector<16xi32>, vector<16xi32>, vector<16xi32>], vector<16xf32>,
        %mul3A_1864 = arith.constant 8 : i32
        %mul3A_1865 = arith.muli %scan3A_1729, %mul3A_1864 : i32
        %add3A_1866 = arith.constant 7 : i32
        %add3A_1867 = arith.addi %mul3A_1865, %add3A_1866 : i32
        %add3A_1868 = arith.constant 6 : i32
        %add3A_1869 = vector.broadcast %add3A_1868 : i32 to vector<16xi32>
        %add3A_1870 = arith.addi %add3A_1733, %add3A_1869 : vector<16xi32>
        %get3A_1871 = arith.index_cast %add3A_1867 : i32 to index
        %get3A_1872 = arith.constant 0 : index
        %get3A_1873 = tpu.vector_load %arg8[%get3A_1871, %get3A_1872] {strides = array<i32>} : memref<128x64xf32, #tpu.memory_space<vmem>>, vector<16xf32>,
        tpu.vector_store_idx %arg12[%shift_right_arithmetic3A_17, %and3A_28, %add3A_1870], %get3A_1854 : memref<8x8x129xf32, #tpu.memory_space<vmem>>[vector<16xi32>, vector<16xi32>, vector<16xi32>], vector<16xf32>,
        %get3A_1874 = arith.index_cast %add3A_1867 : i32 to index
        %get3A_1875 = arith.constant 16 : index
        %get3A_1876 = tpu.vector_load %arg8[%get3A_1874, %get3A_1875] {strides = array<i32>} : memref<128x64xf32, #tpu.memory_space<vmem>>, vector<16xf32>,
        tpu.vector_store_idx %arg12[%shift_right_arithmetic3A_20, %and3A_31, %add3A_1870], %get3A_1857 : memref<8x8x129xf32, #tpu.memory_space<vmem>>[vector<16xi32>, vector<16xi32>, vector<16xi32>], vector<16xf32>,
        %get3A_1877 = arith.index_cast %add3A_1867 : i32 to index
        %get3A_1878 = arith.constant 32 : index
        %get3A_1879 = tpu.vector_load %arg8[%get3A_1877, %get3A_1878] {strides = array<i32>} : memref<128x64xf32, #tpu.memory_space<vmem>>, vector<16xf32>,
        tpu.vector_store_idx %arg12[%shift_right_arithmetic3A_23, %and3A_34, %add3A_1870], %get3A_1860 : memref<8x8x129xf32, #tpu.memory_space<vmem>>[vector<16xi32>, vector<16xi32>, vector<16xi32>], vector<16xf32>,
        %get3A_1880 = arith.index_cast %add3A_1867 : i32 to index
        %get3A_1881 = arith.constant 48 : index
        %get3A_1882 = tpu.vector_load %arg8[%get3A_1880, %get3A_1881] {strides = array<i32>} : memref<128x64xf32, #tpu.memory_space<vmem>>, vector<16xf32>,
        tpu.vector_store_idx %arg12[%shift_right_arithmetic3A_26, %and3A_37, %add3A_1870], %get3A_1863 : memref<8x8x129xf32, #tpu.memory_space<vmem>>[vector<16xi32>, vector<16xi32>, vector<16xi32>], vector<16xf32>,
        %add3A_1883 = arith.constant 7 : i32
        %add3A_1884 = vector.broadcast %add3A_1883 : i32 to vector<16xi32>
        %add3A_1885 = arith.addi %add3A_1733, %add3A_1884 : vector<16xi32>
        tpu.vector_store_idx %arg12[%shift_right_arithmetic3A_17, %and3A_28, %add3A_1885], %get3A_1873 : memref<8x8x129xf32, #tpu.memory_space<vmem>>[vector<16xi32>, vector<16xi32>, vector<16xi32>], vector<16xf32>,
        tpu.vector_store_idx %arg12[%shift_right_arithmetic3A_20, %and3A_31, %add3A_1885], %get3A_1876 : memref<8x8x129xf32, #tpu.memory_space<vmem>>[vector<16xi32>, vector<16xi32>, vector<16xi32>], vector<16xf32>,
        tpu.vector_store_idx %arg12[%shift_right_arithmetic3A_23, %and3A_34, %add3A_1885], %get3A_1879 : memref<8x8x129xf32, #tpu.memory_space<vmem>>[vector<16xi32>, vector<16xi32>, vector<16xi32>], vector<16xf32>,
        tpu.vector_store_idx %arg12[%shift_right_arithmetic3A_26, %and3A_37, %add3A_1885], %get3A_1882 : memref<8x8x129xf32, #tpu.memory_space<vmem>>[vector<16xi32>, vector<16xi32>, vector<16xi32>], vector<16xf32>,
      }
      %scan3A_1517 = arith.constant 16 : i32
      %add3A_1518 = arith.constant 4 : i32
      %add3A_1519 = arith.addi %add3A_1444, %add3A_1518 : i32
      %dma_start3A_1520 = arith.constant 0 : i32
      %dma_start3A_1521 = tpu.memref_slice %arg5[%add3A_1519, %dma_start3A_1520] : memref<200x128xi32, #tpu.memory_space<vmem>> -> memref<1x128xi32, #tpu.memory_space<vmem>>
      %dma_start3A_1522 = tpu.memref_squeeze %dma_start3A_1521 : memref<1x128xi32, #tpu.memory_space<vmem>> -> memref<128xi32, #tpu.memory_space<vmem>>
      %dma_start3A_1523 = arith.constant 0 : i32
      %dma_start3A_1524 = arith.constant 0 : i32
      %dma_start3A_1525 = tpu.memref_slice %arg3[%dma_start3A_1523, %dma_start3A_1524] : memref<100000x64xf32, #tpu.memory_space<hbm>> -> memref<100000x64xf32, #tpu.memory_space<hbm>>
      tpu.enqueue_indirect_dma source(%dma_start3A_1525 : memref<100000x64xf32, #tpu.memory_space<hbm>>) target(%arg8 : memref<128x64xf32, #tpu.memory_space<vmem>>) offsets(%dma_start3A_1522 : memref<128xi32, #tpu.memory_space<vmem>>) semaphore(%arg16 : memref<!tpu.dma_semaphore, #tpu.memory_space<semaphore_mem>>)
      %add3A_1526 = arith.addi %mul3A_2, %add3A_1444 : i32
      %jit3A_1527 = arith.constant 128 : i32
      %div3A_1528 = arith.divsi %add3A_1526, %jit3A_1527 : i32
      %sign3A_1529 = arith.constant 0 : i32
      %sign3A_1530 = arith.cmpi sgt, %add3A_1526, %sign3A_1529 : i32
      %sign3A_1531 = arith.extui %sign3A_1530 : i1 to i32
      %sign3A_1532 = arith.constant 0 : i32
      %sign3A_1533 = arith.cmpi slt, %add3A_1526, %sign3A_1532 : i32
      %sign3A_1534 = arith.extui %sign3A_1533 : i1 to i32
      %sign3A_1535 = arith.subi %sign3A_1531, %sign3A_1534 : i32
      %sign3A_1536 = arith.constant 0 : i32
      %sign3A_1537 = arith.cmpi sgt, %jit3A_1527, %sign3A_1536 : i32
      %sign3A_1538 = arith.extui %sign3A_1537 : i1 to i32
      %sign3A_1539 = arith.constant 0 : i32
      %sign3A_1540 = arith.cmpi slt, %jit3A_1527, %sign3A_1539 : i32
      %sign3A_1541 = arith.extui %sign3A_1540 : i1 to i32
      %sign3A_1542 = arith.subi %sign3A_1538, %sign3A_1541 : i32
      %ne3A_1543 = arith.cmpi ne, %sign3A_1535, %sign3A_1542 : i32
      %rem3A_1544 = arith.remsi %add3A_1526, %jit3A_1527 : i32
      %ne3A_1545 = arith.constant 0 : i32
      %ne3A_1546 = arith.cmpi ne, %rem3A_1544, %ne3A_1545 : i32
      %and3A_1547 = arith.andi %ne3A_1543, %ne3A_1546 : i1
      %sub3A_1548 = arith.constant 1 : i32
      %sub3A_1549 = arith.subi %div3A_1528, %sub3A_1548 : i32
      %select_n3A_1550 = arith.select %and3A_1547, %sub3A_1549, %div3A_1528 : i32
      %jit3A_1551 = arith.constant 128 : i32
      %eq3A_1552 = arith.constant 0 : i32
      %eq3A_1553 = arith.cmpi eq, %jit3A_1551, %eq3A_1552 : i32
      %jit3A_1554 = arith.constant 1 : i32
      %select_n3A_1555 = arith.select %eq3A_1553, %jit3A_1554, %jit3A_1551 : i32
      %rem3A_1556 = arith.remsi %add3A_1526, %select_n3A_1555 : i32
      %ne3A_1557 = arith.constant 0 : i32
      %ne3A_1558 = arith.cmpi ne, %rem3A_1556, %ne3A_1557 : i32
      %lt3A_1559 = arith.constant 0 : i32
      %lt3A_1560 = arith.cmpi slt, %rem3A_1556, %lt3A_1559 : i32
      %lt3A_1561 = arith.constant 0 : i32
      %lt3A_1562 = arith.cmpi slt, %select_n3A_1555, %lt3A_1561 : i32
      %ne3A_1563 = arith.xori %lt3A_1560, %lt3A_1562 : i1
      %and3A_1564 = arith.andi %ne3A_1563, %ne3A_1558 : i1
      %add3A_1565 = arith.addi %rem3A_1556, %select_n3A_1555 : i32
      %select_n3A_1566 = arith.select %and3A_1564, %add3A_1565, %rem3A_1556 : i32
      %dma_start3A_1567 = arith.constant 0 : i32
      %dma_start3A_1568 = arith.constant 0 : i32
      %dma_start3A_1569 = arith.constant 0 : i32
      %dma_start3A_1570 = tpu.memref_slice %arg12[%dma_start3A_1567, %dma_start3A_1568, %dma_start3A_1569] : memref<8x8x129xf32, #tpu.memory_space<vmem>> -> memref<8x8x128xf32, #tpu.memory_space<vmem>>
      %dma_start3A_1571 = arith.constant 0 : i32
      %dma_start3A_1572 = arith.constant 0 : i32
      %dma_start3A_1573 = arith.constant 0 : i32
      %dma_start3A_1574 = tpu.memref_slice %arg4[%select_n3A_1550, %dma_start3A_1571, %select_n3A_1566, %dma_start3A_1572, %dma_start3A_1573] : memref<50x8x128x8x128xf32, #tpu.memory_space<hbm>> -> memref<1x8x1x8x128xf32, #tpu.memory_space<hbm>>
      %dma_start3A_1575 = tpu.memref_squeeze %dma_start3A_1574 : memref<1x8x1x8x128xf32, #tpu.memory_space<hbm>> -> memref<8x8x128xf32, #tpu.memory_space<hbm>>
      %dma_start3A_1576 = arith.constant 0 : i32
      %dma_start3A_1577 = arith.constant 0 : i32
      %dma_start3A_1578 = arith.constant 0 : i32
      %dma_start3A_1579 = tpu.memref_slice %arg4[%select_n3A_1550, %dma_start3A_1576, %select_n3A_1566, %dma_start3A_1577, %dma_start3A_1578] : memref<50x8x128x8x128xf32, #tpu.memory_space<hbm>> -> memref<1x8x1x8x128xf32, #tpu.memory_space<hbm>>
      %dma_start3A_1580 = tpu.memref_squeeze %dma_start3A_1579 : memref<1x8x1x8x128xf32, #tpu.memory_space<hbm>> -> memref<8x8x128xf32, #tpu.memory_space<hbm>>
      %dma_start3A_1581 = arith.constant 0 : i32
      %dma_start3A_1582 = arith.constant 0 : i32
      %dma_start3A_1583 = arith.constant 0 : i32
      %dma_start3A_1584 = tpu.memref_slice %arg12[%dma_start3A_1581, %dma_start3A_1582, %dma_start3A_1583] : memref<8x8x129xf32, #tpu.memory_space<vmem>> -> memref<8x8x128xf32, #tpu.memory_space<vmem>>
      tpu.enqueue_dma source(%dma_start3A_1584 : memref<8x8x128xf32, #tpu.memory_space<vmem>>) target(%dma_start3A_1580 : memref<8x8x128xf32, #tpu.memory_space<hbm>>) target_semaphore(%arg20 : memref<!tpu.dma_semaphore, #tpu.memory_space<semaphore_mem>>)
      %mul3A_1585 = arith.constant 4 : i32
      %mul3A_1586 = arith.muli %mul3A_1585, %scan3A_1152 : i32
      %add3A_1587 = arith.constant 3 : i32
      %add3A_1588 = arith.addi %mul3A_1586, %add3A_1587 : i32
      %sub3A_1589 = arith.constant 4 : i32
      %sub3A_1590 = arith.subi %add3A_1588, %sub3A_1589 : i32
      %add3A_1591 = arith.addi %mul3A_2, %sub3A_1590 : i32
      %jit3A_1592 = arith.constant 128 : i32
      %div3A_1593 = arith.divsi %add3A_1591, %jit3A_1592 : i32
      %sign3A_1594 = arith.constant 0 : i32
      %sign3A_1595 = arith.cmpi sgt, %add3A_1591, %sign3A_1594 : i32
      %sign3A_1596 = arith.extui %sign3A_1595 : i1 to i32
      %sign3A_1597 = arith.constant 0 : i32
      %sign3A_1598 = arith.cmpi slt, %add3A_1591, %sign3A_1597 : i32
      %sign3A_1599 = arith.extui %sign3A_1598 : i1 to i32
      %sign3A_1600 = arith.subi %sign3A_1596, %sign3A_1599 : i32
      %sign3A_1601 = arith.constant 0 : i32
      %sign3A_1602 = arith.cmpi sgt, %jit3A_1592, %sign3A_1601 : i32
      %sign3A_1603 = arith.extui %sign3A_1602 : i1 to i32
      %sign3A_1604 = arith.constant 0 : i32
      %sign3A_1605 = arith.cmpi slt, %jit3A_1592, %sign3A_1604 : i32
      %sign3A_1606 = arith.extui %sign3A_1605 : i1 to i32
      %sign3A_1607 = arith.subi %sign3A_1603, %sign3A_1606 : i32
      %ne3A_1608 = arith.cmpi ne, %sign3A_1600, %sign3A_1607 : i32
      %rem3A_1609 = arith.remsi %add3A_1591, %jit3A_1592 : i32
      %ne3A_1610 = arith.constant 0 : i32
      %ne3A_1611 = arith.cmpi ne, %rem3A_1609, %ne3A_1610 : i32
      %and3A_1612 = arith.andi %ne3A_1608, %ne3A_1611 : i1
      %sub3A_1613 = arith.constant 1 : i32
      %sub3A_1614 = arith.subi %div3A_1593, %sub3A_1613 : i32
      %select_n3A_1615 = arith.select %and3A_1612, %sub3A_1614, %div3A_1593 : i32
      %jit3A_1616 = arith.constant 128 : i32
      %eq3A_1617 = arith.constant 0 : i32
      %eq3A_1618 = arith.cmpi eq, %jit3A_1616, %eq3A_1617 : i32
      %jit3A_1619 = arith.constant 1 : i32
      %select_n3A_1620 = arith.select %eq3A_1618, %jit3A_1619, %jit3A_1616 : i32
      %rem3A_1621 = arith.remsi %add3A_1591, %select_n3A_1620 : i32
      %ne3A_1622 = arith.constant 0 : i32
      %ne3A_1623 = arith.cmpi ne, %rem3A_1621, %ne3A_1622 : i32
      %lt3A_1624 = arith.constant 0 : i32
      %lt3A_1625 = arith.cmpi slt, %rem3A_1621, %lt3A_1624 : i32
      %lt3A_1626 = arith.constant 0 : i32
      %lt3A_1627 = arith.cmpi slt, %select_n3A_1620, %lt3A_1626 : i32
      %ne3A_1628 = arith.xori %lt3A_1625, %lt3A_1627 : i1
      %and3A_1629 = arith.andi %ne3A_1628, %ne3A_1623 : i1
      %add3A_1630 = arith.addi %rem3A_1621, %select_n3A_1620 : i32
      %select_n3A_1631 = arith.select %and3A_1629, %add3A_1630, %rem3A_1621 : i32
      %dma_wait3A_1632 = arith.constant 0 : i32
      %dma_wait3A_1633 = arith.constant 0 : i32
      %dma_wait3A_1634 = arith.constant 0 : i32
      %dma_wait3A_1635 = tpu.memref_slice %arg13[%dma_wait3A_1632, %dma_wait3A_1633, %dma_wait3A_1634] : memref<8x8x129xf32, #tpu.memory_space<vmem>> -> memref<8x8x128xf32, #tpu.memory_space<vmem>>
      %dma_wait3A_1636 = arith.constant 0 : i32
      %dma_wait3A_1637 = arith.constant 0 : i32
      %dma_wait3A_1638 = arith.constant 0 : i32
      %dma_wait3A_1639 = tpu.memref_slice %arg4[%select_n3A_1615, %dma_wait3A_1636, %select_n3A_1631, %dma_wait3A_1637, %dma_wait3A_1638] : memref<50x8x128x8x128xf32, #tpu.memory_space<hbm>> -> memref<1x8x1x8x128xf32, #tpu.memory_space<hbm>>
      %dma_wait3A_1640 = tpu.memref_squeeze %dma_wait3A_1639 : memref<1x8x1x8x128xf32, #tpu.memory_space<hbm>> -> memref<8x8x128xf32, #tpu.memory_space<hbm>>
      %dma_wait3A_1641 = arith.constant 0 : i32
      %dma_wait3A_1642 = arith.constant 0 : i32
      %dma_wait3A_1643 = arith.constant 0 : i32
      %dma_wait3A_1644 = tpu.memref_slice %arg4[%select_n3A_1615, %dma_wait3A_1641, %select_n3A_1631, %dma_wait3A_1642, %dma_wait3A_1643] : memref<50x8x128x8x128xf32, #tpu.memory_space<hbm>> -> memref<1x8x1x8x128xf32, #tpu.memory_space<hbm>>
      %dma_wait3A_1645 = tpu.memref_squeeze %dma_wait3A_1644 : memref<1x8x1x8x128xf32, #tpu.memory_space<hbm>> -> memref<8x8x128xf32, #tpu.memory_space<hbm>>
      %dma_wait3A_1646 = arith.constant 0 : i32
      %dma_wait3A_1647 = arith.constant 0 : i32
      %dma_wait3A_1648 = arith.constant 0 : i32
      %dma_wait3A_1649 = tpu.memref_slice %arg13[%dma_wait3A_1646, %dma_wait3A_1647, %dma_wait3A_1648] : memref<8x8x129xf32, #tpu.memory_space<vmem>> -> memref<8x8x128xf32, #tpu.memory_space<vmem>>
      tpu.wait_dma2 semaphore(%arg21 : memref<!tpu.dma_semaphore, #tpu.memory_space<semaphore_mem>>) src(%dma_wait3A_1649 : memref<8x8x128xf32, #tpu.memory_space<vmem>>) dst(%dma_wait3A_1645 : memref<8x8x128xf32, #tpu.memory_space<hbm>>)
      %dma_wait3A_1650 = arith.constant 0 : i32
      %dma_wait3A_1651 = tpu.memref_slice %arg5[%add3A_1588, %dma_wait3A_1650] : memref<200x128xi32, #tpu.memory_space<vmem>> -> memref<1x128xi32, #tpu.memory_space<vmem>>
      %dma_wait3A_1652 = tpu.memref_squeeze %dma_wait3A_1651 : memref<1x128xi32, #tpu.memory_space<vmem>> -> memref<128xi32, #tpu.memory_space<vmem>>
      %dma_wait3A_1653 = arith.constant 0 : i32
      %dma_wait3A_1654 = arith.constant 0 : i32
      %dma_wait3A_1655 = tpu.memref_slice %arg3[%dma_wait3A_1653, %dma_wait3A_1654] : memref<100000x64xf32, #tpu.memory_space<hbm>> -> memref<100000x64xf32, #tpu.memory_space<hbm>>
      tpu.wait_indirect_dma semaphore(%arg17 : memref<!tpu.dma_semaphore, #tpu.memory_space<semaphore_mem>>) src(%dma_wait3A_1655 : memref<100000x64xf32, #tpu.memory_space<hbm>>) dst(%arg9 : memref<128x64xf32, #tpu.memory_space<vmem>>)
      %scan3A_1656 = arith.constant 0 : i32
      %scan3A_1657 = arith.constant 0 : i32
      %scan3A_1658 = arith.constant 16 : i32
      %scan3A_1659 = arith.addi %scan3A_1657, %scan3A_1658 : i32
      %scan3A_1660 = arith.constant 1 : i32
      scf.for %scan3A_1729 = %scan3A_1657 to %scan3A_1659 step %scan3A_1660  : i32 {
        %mul3A_1730 = arith.constant 8 : i32
        %mul3A_1731 = arith.muli %scan3A_1729, %mul3A_1730 : i32
        %add3A_1732 = vector.broadcast %mul3A_1731 : i32 to vector<16xi32>
        %add3A_1733 = arith.addi %broadcast_in_dim3A_3, %add3A_1732 : vector<16xi32>
        %mul3A_1734 = arith.constant 8 : i32
        %mul3A_1735 = arith.muli %scan3A_1729, %mul3A_1734 : i32
        %get3A = arith.index_cast %mul3A_1735 : i32 to index
        %get3A_1736 = arith.constant 0 : index
        %get3A_1737 = tpu.vector_load %arg9[%get3A, %get3A_1736] {strides = array<i32>} : memref<128x64xf32, #tpu.memory_space<vmem>>, vector<16xf32>,
        %mul3A_1738 = arith.constant 8 : i32
        %mul3A_1739 = arith.muli %scan3A_1729, %mul3A_1738 : i32
        %get3A_1740 = arith.index_cast %mul3A_1739 : i32 to index
        %get3A_1741 = arith.constant 16 : index
        %get3A_1742 = tpu.vector_load %arg9[%get3A_1740, %get3A_1741] {strides = array<i32>} : memref<128x64xf32, #tpu.memory_space<vmem>>, vector<16xf32>,
        %mul3A_1743 = arith.constant 8 : i32
        %mul3A_1744 = arith.muli %scan3A_1729, %mul3A_1743 : i32
        %get3A_1745 = arith.index_cast %mul3A_1744 : i32 to index
        %get3A_1746 = arith.constant 32 : index
        %get3A_1747 = tpu.vector_load %arg9[%get3A_1745, %get3A_1746] {strides = array<i32>} : memref<128x64xf32, #tpu.memory_space<vmem>>, vector<16xf32>,
        %mul3A_1748 = arith.constant 8 : i32
        %mul3A_1749 = arith.muli %scan3A_1729, %mul3A_1748 : i32
        %get3A_1750 = arith.index_cast %mul3A_1749 : i32 to index
        %get3A_1751 = arith.constant 48 : index
        %get3A_1752 = tpu.vector_load %arg9[%get3A_1750, %get3A_1751] {strides = array<i32>} : memref<128x64xf32, #tpu.memory_space<vmem>>, vector<16xf32>,
        %mul3A_1753 = arith.constant 8 : i32
        %mul3A_1754 = arith.muli %scan3A_1729, %mul3A_1753 : i32
        %add3A_1755 = arith.constant 1 : i32
        %add3A_1756 = arith.addi %mul3A_1754, %add3A_1755 : i32
        %get3A_1757 = arith.index_cast %add3A_1756 : i32 to index
        %get3A_1758 = arith.constant 0 : index
        %get3A_1759 = tpu.vector_load %arg9[%get3A_1757, %get3A_1758] {strides = array<i32>} : memref<128x64xf32, #tpu.memory_space<vmem>>, vector<16xf32>,
        tpu.vector_store_idx %arg13[%shift_right_arithmetic3A_17, %and3A_28, %add3A_1733], %get3A_1737 : memref<8x8x129xf32, #tpu.memory_space<vmem>>[vector<16xi32>, vector<16xi32>, vector<16xi32>], vector<16xf32>,
        %get3A_1760 = arith.index_cast %add3A_1756 : i32 to index
        %get3A_1761 = arith.constant 16 : index
        %get3A_1762 = tpu.vector_load %arg9[%get3A_1760, %get3A_1761] {strides = array<i32>} : memref<128x64xf32, #tpu.memory_space<vmem>>, vector<16xf32>,
        tpu.vector_store_idx %arg13[%shift_right_arithmetic3A_20, %and3A_31, %add3A_1733], %get3A_1742 : memref<8x8x129xf32, #tpu.memory_space<vmem>>[vector<16xi32>, vector<16xi32>, vector<16xi32>], vector<16xf32>,
        %get3A_1763 = arith.index_cast %add3A_1756 : i32 to index
        %get3A_1764 = arith.constant 32 : index
        %get3A_1765 = tpu.vector_load %arg9[%get3A_1763, %get3A_1764] {strides = array<i32>} : memref<128x64xf32, #tpu.memory_space<vmem>>, vector<16xf32>,
        tpu.vector_store_idx %arg13[%shift_right_arithmetic3A_23, %and3A_34, %add3A_1733], %get3A_1747 : memref<8x8x129xf32, #tpu.memory_space<vmem>>[vector<16xi32>, vector<16xi32>, vector<16xi32>], vector<16xf32>,
        %get3A_1766 = arith.index_cast %add3A_1756 : i32 to index
        %get3A_1767 = arith.constant 48 : index
        %get3A_1768 = tpu.vector_load %arg9[%get3A_1766, %get3A_1767] {strides = array<i32>} : memref<128x64xf32, #tpu.memory_space<vmem>>, vector<16xf32>,
        tpu.vector_store_idx %arg13[%shift_right_arithmetic3A_26, %and3A_37, %add3A_1733], %get3A_1752 : memref<8x8x129xf32, #tpu.memory_space<vmem>>[vector<16xi32>, vector<16xi32>, vector<16xi32>], vector<16xf32>,
        %mul3A_1769 = arith.constant 8 : i32
        %mul3A_1770 = arith.muli %scan3A_1729, %mul3A_1769 : i32
        %add3A_1771 = arith.constant 2 : i32
        %add3A_1772 = arith.addi %mul3A_1770, %add3A_1771 : i32
        %add3A_1773 = arith.constant 1 : i32
        %add3A_1774 = vector.broadcast %add3A_1773 : i32 to vector<16xi32>
        %add3A_1775 = arith.addi %add3A_1733, %add3A_1774 : vector<16xi32>
        %get3A_1776 = arith.index_cast %add3A_1772 : i32 to index
        %get3A_1777 = arith.constant 0 : index
        %get3A_1778 = tpu.vector_load %arg9[%get3A_1776, %get3A_1777] {strides = array<i32>} : memref<128x64xf32, #tpu.memory_space<vmem>>, vector<16xf32>,
        tpu.vector_store_idx %arg13[%shift_right_arithmetic3A_17, %and3A_28, %add3A_1775], %get3A_1759 : memref<8x8x129xf32, #tpu.memory_space<vmem>>[vector<16xi32>, vector<16xi32>, vector<16xi32>], vector<16xf32>,
        %get3A_1779 = arith.index_cast %add3A_1772 : i32 to index
        %get3A_1780 = arith.constant 16 : index
        %get3A_1781 = tpu.vector_load %arg9[%get3A_1779, %get3A_1780] {strides = array<i32>} : memref<128x64xf32, #tpu.memory_space<vmem>>, vector<16xf32>,
        tpu.vector_store_idx %arg13[%shift_right_arithmetic3A_20, %and3A_31, %add3A_1775], %get3A_1762 : memref<8x8x129xf32, #tpu.memory_space<vmem>>[vector<16xi32>, vector<16xi32>, vector<16xi32>], vector<16xf32>,
        %get3A_1782 = arith.index_cast %add3A_1772 : i32 to index
        %get3A_1783 = arith.constant 32 : index
        %get3A_1784 = tpu.vector_load %arg9[%get3A_1782, %get3A_1783] {strides = array<i32>} : memref<128x64xf32, #tpu.memory_space<vmem>>, vector<16xf32>,
        tpu.vector_store_idx %arg13[%shift_right_arithmetic3A_23, %and3A_34, %add3A_1775], %get3A_1765 : memref<8x8x129xf32, #tpu.memory_space<vmem>>[vector<16xi32>, vector<16xi32>, vector<16xi32>], vector<16xf32>,
        %get3A_1785 = arith.index_cast %add3A_1772 : i32 to index
        %get3A_1786 = arith.constant 48 : index
        %get3A_1787 = tpu.vector_load %arg9[%get3A_1785, %get3A_1786] {strides = array<i32>} : memref<128x64xf32, #tpu.memory_space<vmem>>, vector<16xf32>,
        tpu.vector_store_idx %arg13[%shift_right_arithmetic3A_26, %and3A_37, %add3A_1775], %get3A_1768 : memref<8x8x129xf32, #tpu.memory_space<vmem>>[vector<16xi32>, vector<16xi32>, vector<16xi32>], vector<16xf32>,
        %mul3A_1788 = arith.constant 8 : i32
        %mul3A_1789 = arith.muli %scan3A_1729, %mul3A_1788 : i32
        %add3A_1790 = arith.constant 3 : i32
        %add3A_1791 = arith.addi %mul3A_1789, %add3A_1790 : i32
        %add3A_1792 = arith.constant 2 : i32
        %add3A_1793 = vector.broadcast %add3A_1792 : i32 to vector<16xi32>
        %add3A_1794 = arith.addi %add3A_1733, %add3A_1793 : vector<16xi32>
        %get3A_1795 = arith.index_cast %add3A_1791 : i32 to index
        %get3A_1796 = arith.constant 0 : index
        %get3A_1797 = tpu.vector_load %arg9[%get3A_1795, %get3A_1796] {strides = array<i32>} : memref<128x64xf32, #tpu.memory_space<vmem>>, vector<16xf32>,
        tpu.vector_store_idx %arg13[%shift_right_arithmetic3A_17, %and3A_28, %add3A_1794], %get3A_1778 : memref<8x8x129xf32, #tpu.memory_space<vmem>>[vector<16xi32>, vector<16xi32>, vector<16xi32>], vector<16xf32>,
        %get3A_1798 = arith.index_cast %add3A_1791 : i32 to index
        %get3A_1799 = arith.constant 16 : index
        %get3A_1800 = tpu.vector_load %arg9[%get3A_1798, %get3A_1799] {strides = array<i32>} : memref<128x64xf32, #tpu.memory_space<vmem>>, vector<16xf32>,
        tpu.vector_store_idx %arg13[%shift_right_arithmetic3A_20, %and3A_31, %add3A_1794], %get3A_1781 : memref<8x8x129xf32, #tpu.memory_space<vmem>>[vector<16xi32>, vector<16xi32>, vector<16xi32>], vector<16xf32>,
        %get3A_1801 = arith.index_cast %add3A_1791 : i32 to index
        %get3A_1802 = arith.constant 32 : index
        %get3A_1803 = tpu.vector_load %arg9[%get3A_1801, %get3A_1802] {strides = array<i32>} : memref<128x64xf32, #tpu.memory_space<vmem>>, vector<16xf32>,
        tpu.vector_store_idx %arg13[%shift_right_arithmetic3A_23, %and3A_34, %add3A_1794], %get3A_1784 : memref<8x8x129xf32, #tpu.memory_space<vmem>>[vector<16xi32>, vector<16xi32>, vector<16xi32>], vector<16xf32>,
        %get3A_1804 = arith.index_cast %add3A_1791 : i32 to index
        %get3A_1805 = arith.constant 48 : index
        %get3A_1806 = tpu.vector_load %arg9[%get3A_1804, %get3A_1805] {strides = array<i32>} : memref<128x64xf32, #tpu.memory_space<vmem>>, vector<16xf32>,
        tpu.vector_store_idx %arg13[%shift_right_arithmetic3A_26, %and3A_37, %add3A_1794], %get3A_1787 : memref<8x8x129xf32, #tpu.memory_space<vmem>>[vector<16xi32>, vector<16xi32>, vector<16xi32>], vector<16xf32>,
        %mul3A_1807 = arith.constant 8 : i32
        %mul3A_1808 = arith.muli %scan3A_1729, %mul3A_1807 : i32
        %add3A_1809 = arith.constant 4 : i32
        %add3A_1810 = arith.addi %mul3A_1808, %add3A_1809 : i32
        %add3A_1811 = arith.constant 3 : i32
        %add3A_1812 = vector.broadcast %add3A_1811 : i32 to vector<16xi32>
        %add3A_1813 = arith.addi %add3A_1733, %add3A_1812 : vector<16xi32>
        %get3A_1814 = arith.index_cast %add3A_1810 : i32 to index
        %get3A_1815 = arith.constant 0 : index
        %get3A_1816 = tpu.vector_load %arg9[%get3A_1814, %get3A_1815] {strides = array<i32>} : memref<128x64xf32, #tpu.memory_space<vmem>>, vector<16xf32>,
        tpu.vector_store_idx %arg13[%shift_right_arithmetic3A_17, %and3A_28, %add3A_1813], %get3A_1797 : memref<8x8x129xf32, #tpu.memory_space<vmem>>[vector<16xi32>, vector<16xi32>, vector<16xi32>], vector<16xf32>,
        %get3A_1817 = arith.index_cast %add3A_1810 : i32 to index
        %get3A_1818 = arith.constant 16 : index
        %get3A_1819 = tpu.vector_load %arg9[%get3A_1817, %get3A_1818] {strides = array<i32>} : memref<128x64xf32, #tpu.memory_space<vmem>>, vector<16xf32>,
        tpu.vector_store_idx %arg13[%shift_right_arithmetic3A_20, %and3A_31, %add3A_1813], %get3A_1800 : memref<8x8x129xf32, #tpu.memory_space<vmem>>[vector<16xi32>, vector<16xi32>, vector<16xi32>], vector<16xf32>,
        %get3A_1820 = arith.index_cast %add3A_1810 : i32 to index
        %get3A_1821 = arith.constant 32 : index
        %get3A_1822 = tpu.vector_load %arg9[%get3A_1820, %get3A_1821] {strides = array<i32>} : memref<128x64xf32, #tpu.memory_space<vmem>>, vector<16xf32>,
        tpu.vector_store_idx %arg13[%shift_right_arithmetic3A_23, %and3A_34, %add3A_1813], %get3A_1803 : memref<8x8x129xf32, #tpu.memory_space<vmem>>[vector<16xi32>, vector<16xi32>, vector<16xi32>], vector<16xf32>,
        %get3A_1823 = arith.index_cast %add3A_1810 : i32 to index
        %get3A_1824 = arith.constant 48 : index
        %get3A_1825 = tpu.vector_load %arg9[%get3A_1823, %get3A_1824] {strides = array<i32>} : memref<128x64xf32, #tpu.memory_space<vmem>>, vector<16xf32>,
        tpu.vector_store_idx %arg13[%shift_right_arithmetic3A_26, %and3A_37, %add3A_1813], %get3A_1806 : memref<8x8x129xf32, #tpu.memory_space<vmem>>[vector<16xi32>, vector<16xi32>, vector<16xi32>], vector<16xf32>,
        %mul3A_1826 = arith.constant 8 : i32
        %mul3A_1827 = arith.muli %scan3A_1729, %mul3A_1826 : i32
        %add3A_1828 = arith.constant 5 : i32
        %add3A_1829 = arith.addi %mul3A_1827, %add3A_1828 : i32
        %add3A_1830 = arith.constant 4 : i32
        %add3A_1831 = vector.broadcast %add3A_1830 : i32 to vector<16xi32>
        %add3A_1832 = arith.addi %add3A_1733, %add3A_1831 : vector<16xi32>
        %get3A_1833 = arith.index_cast %add3A_1829 : i32 to index
        %get3A_1834 = arith.constant 0 : index
        %get3A_1835 = tpu.vector_load %arg9[%get3A_1833, %get3A_1834] {strides = array<i32>} : memref<128x64xf32, #tpu.memory_space<vmem>>, vector<16xf32>,
        tpu.vector_store_idx %arg13[%shift_right_arithmetic3A_17, %and3A_28, %add3A_1832], %get3A_1816 : memref<8x8x129xf32, #tpu.memory_space<vmem>>[vector<16xi32>, vector<16xi32>, vector<16xi32>], vector<16xf32>,
        %get3A_1836 = arith.index_cast %add3A_1829 : i32 to index
        %get3A_1837 = arith.constant 16 : index
        %get3A_1838 = tpu.vector_load %arg9[%get3A_1836, %get3A_1837] {strides = array<i32>} : memref<128x64xf32, #tpu.memory_space<vmem>>, vector<16xf32>,
        tpu.vector_store_idx %arg13[%shift_right_arithmetic3A_20, %and3A_31, %add3A_1832], %get3A_1819 : memref<8x8x129xf32, #tpu.memory_space<vmem>>[vector<16xi32>, vector<16xi32>, vector<16xi32>], vector<16xf32>,
        %get3A_1839 = arith.index_cast %add3A_1829 : i32 to index
        %get3A_1840 = arith.constant 32 : index
        %get3A_1841 = tpu.vector_load %arg9[%get3A_1839, %get3A_1840] {strides = array<i32>} : memref<128x64xf32, #tpu.memory_space<vmem>>, vector<16xf32>,
        tpu.vector_store_idx %arg13[%shift_right_arithmetic3A_23, %and3A_34, %add3A_1832], %get3A_1822 : memref<8x8x129xf32, #tpu.memory_space<vmem>>[vector<16xi32>, vector<16xi32>, vector<16xi32>], vector<16xf32>,
        %get3A_1842 = arith.index_cast %add3A_1829 : i32 to index
        %get3A_1843 = arith.constant 48 : index
        %get3A_1844 = tpu.vector_load %arg9[%get3A_1842, %get3A_1843] {strides = array<i32>} : memref<128x64xf32, #tpu.memory_space<vmem>>, vector<16xf32>,
        tpu.vector_store_idx %arg13[%shift_right_arithmetic3A_26, %and3A_37, %add3A_1832], %get3A_1825 : memref<8x8x129xf32, #tpu.memory_space<vmem>>[vector<16xi32>, vector<16xi32>, vector<16xi32>], vector<16xf32>,
        %mul3A_1845 = arith.constant 8 : i32
        %mul3A_1846 = arith.muli %scan3A_1729, %mul3A_1845 : i32
        %add3A_1847 = arith.constant 6 : i32
        %add3A_1848 = arith.addi %mul3A_1846, %add3A_1847 : i32
        %add3A_1849 = arith.constant 5 : i32
        %add3A_1850 = vector.broadcast %add3A_1849 : i32 to vector<16xi32>
        %add3A_1851 = arith.addi %add3A_1733, %add3A_1850 : vector<16xi32>
        %get3A_1852 = arith.index_cast %add3A_1848 : i32 to index
        %get3A_1853 = arith.constant 0 : index
        %get3A_1854 = tpu.vector_load %arg9[%get3A_1852, %get3A_1853] {strides = array<i32>} : memref<128x64xf32, #tpu.memory_space<vmem>>, vector<16xf32>,
        tpu.vector_store_idx %arg13[%shift_right_arithmetic3A_17, %and3A_28, %add3A_1851], %get3A_1835 : memref<8x8x129xf32, #tpu.memory_space<vmem>>[vector<16xi32>, vector<16xi32>, vector<16xi32>], vector<16xf32>,
        %get3A_1855 = arith.index_cast %add3A_1848 : i32 to index
        %get3A_1856 = arith.constant 16 : index
        %get3A_1857 = tpu.vector_load %arg9[%get3A_1855, %get3A_1856] {strides = array<i32>} : memref<128x64xf32, #tpu.memory_space<vmem>>, vector<16xf32>,
        tpu.vector_store_idx %arg13[%shift_right_arithmetic3A_20, %and3A_31, %add3A_1851], %get3A_1838 : memref<8x8x129xf32, #tpu.memory_space<vmem>>[vector<16xi32>, vector<16xi32>, vector<16xi32>], vector<16xf32>,
        %get3A_1858 = arith.index_cast %add3A_1848 : i32 to index
        %get3A_1859 = arith.constant 32 : index
        %get3A_1860 = tpu.vector_load %arg9[%get3A_1858, %get3A_1859] {strides = array<i32>} : memref<128x64xf32, #tpu.memory_space<vmem>>, vector<16xf32>,
        tpu.vector_store_idx %arg13[%shift_right_arithmetic3A_23, %and3A_34, %add3A_1851], %get3A_1841 : memref<8x8x129xf32, #tpu.memory_space<vmem>>[vector<16xi32>, vector<16xi32>, vector<16xi32>], vector<16xf32>,
        %get3A_1861 = arith.index_cast %add3A_1848 : i32 to index
        %get3A_1862 = arith.constant 48 : index
        %get3A_1863 = tpu.vector_load %arg9[%get3A_1861, %get3A_1862] {strides = array<i32>} : memref<128x64xf32, #tpu.memory_space<vmem>>, vector<16xf32>,
        tpu.vector_store_idx %arg13[%shift_right_arithmetic3A_26, %and3A_37, %add3A_1851], %get3A_1844 : memref<8x8x129xf32, #tpu.memory_space<vmem>>[vector<16xi32>, vector<16xi32>, vector<16xi32>], vector<16xf32>,
        %mul3A_1864 = arith.constant 8 : i32
        %mul3A_1865 = arith.muli %scan3A_1729, %mul3A_1864 : i32
        %add3A_1866 = arith.constant 7 : i32
        %add3A_1867 = arith.addi %mul3A_1865, %add3A_1866 : i32
        %add3A_1868 = arith.constant 6 : i32
        %add3A_1869 = vector.broadcast %add3A_1868 : i32 to vector<16xi32>
        %add3A_1870 = arith.addi %add3A_1733, %add3A_1869 : vector<16xi32>
        %get3A_1871 = arith.index_cast %add3A_1867 : i32 to index
        %get3A_1872 = arith.constant 0 : index
        %get3A_1873 = tpu.vector_load %arg9[%get3A_1871, %get3A_1872] {strides = array<i32>} : memref<128x64xf32, #tpu.memory_space<vmem>>, vector<16xf32>,
        tpu.vector_store_idx %arg13[%shift_right_arithmetic3A_17, %and3A_28, %add3A_1870], %get3A_1854 : memref<8x8x129xf32, #tpu.memory_space<vmem>>[vector<16xi32>, vector<16xi32>, vector<16xi32>], vector<16xf32>,
        %get3A_1874 = arith.index_cast %add3A_1867 : i32 to index
        %get3A_1875 = arith.constant 16 : index
        %get3A_1876 = tpu.vector_load %arg9[%get3A_1874, %get3A_1875] {strides = array<i32>} : memref<128x64xf32, #tpu.memory_space<vmem>>, vector<16xf32>,
        tpu.vector_store_idx %arg13[%shift_right_arithmetic3A_20, %and3A_31, %add3A_1870], %get3A_1857 : memref<8x8x129xf32, #tpu.memory_space<vmem>>[vector<16xi32>, vector<16xi32>, vector<16xi32>], vector<16xf32>,
        %get3A_1877 = arith.index_cast %add3A_1867 : i32 to index
        %get3A_1878 = arith.constant 32 : index
        %get3A_1879 = tpu.vector_load %arg9[%get3A_1877, %get3A_1878] {strides = array<i32>} : memref<128x64xf32, #tpu.memory_space<vmem>>, vector<16xf32>,
        tpu.vector_store_idx %arg13[%shift_right_arithmetic3A_23, %and3A_34, %add3A_1870], %get3A_1860 : memref<8x8x129xf32, #tpu.memory_space<vmem>>[vector<16xi32>, vector<16xi32>, vector<16xi32>], vector<16xf32>,
        %get3A_1880 = arith.index_cast %add3A_1867 : i32 to index
        %get3A_1881 = arith.constant 48 : index
        %get3A_1882 = tpu.vector_load %arg9[%get3A_1880, %get3A_1881] {strides = array<i32>} : memref<128x64xf32, #tpu.memory_space<vmem>>, vector<16xf32>,
        tpu.vector_store_idx %arg13[%shift_right_arithmetic3A_26, %and3A_37, %add3A_1870], %get3A_1863 : memref<8x8x129xf32, #tpu.memory_space<vmem>>[vector<16xi32>, vector<16xi32>, vector<16xi32>], vector<16xf32>,
        %add3A_1883 = arith.constant 7 : i32
        %add3A_1884 = vector.broadcast %add3A_1883 : i32 to vector<16xi32>
        %add3A_1885 = arith.addi %add3A_1733, %add3A_1884 : vector<16xi32>
        tpu.vector_store_idx %arg13[%shift_right_arithmetic3A_17, %and3A_28, %add3A_1885], %get3A_1873 : memref<8x8x129xf32, #tpu.memory_space<vmem>>[vector<16xi32>, vector<16xi32>, vector<16xi32>], vector<16xf32>,
        tpu.vector_store_idx %arg13[%shift_right_arithmetic3A_20, %and3A_31, %add3A_1885], %get3A_1876 : memref<8x8x129xf32, #tpu.memory_space<vmem>>[vector<16xi32>, vector<16xi32>, vector<16xi32>], vector<16xf32>,
        tpu.vector_store_idx %arg13[%shift_right_arithmetic3A_23, %and3A_34, %add3A_1885], %get3A_1879 : memref<8x8x129xf32, #tpu.memory_space<vmem>>[vector<16xi32>, vector<16xi32>, vector<16xi32>], vector<16xf32>,
        tpu.vector_store_idx %arg13[%shift_right_arithmetic3A_26, %and3A_37, %add3A_1885], %get3A_1882 : memref<8x8x129xf32, #tpu.memory_space<vmem>>[vector<16xi32>, vector<16xi32>, vector<16xi32>], vector<16xf32>,
      }
      %scan3A_1661 = arith.constant 16 : i32
      %add3A_1662 = arith.constant 4 : i32
      %add3A_1663 = arith.addi %add3A_1588, %add3A_1662 : i32
      %dma_start3A_1664 = arith.constant 0 : i32
      %dma_start3A_1665 = tpu.memref_slice %arg5[%add3A_1663, %dma_start3A_1664] : memref<200x128xi32, #tpu.memory_space<vmem>> -> memref<1x128xi32, #tpu.memory_space<vmem>>
      %dma_start3A_1666 = tpu.memref_squeeze %dma_start3A_1665 : memref<1x128xi32, #tpu.memory_space<vmem>> -> memref<128xi32, #tpu.memory_space<vmem>>
      %dma_start3A_1667 = arith.constant 0 : i32
      %dma_start3A_1668 = arith.constant 0 : i32
      %dma_start3A_1669 = tpu.memref_slice %arg3[%dma_start3A_1667, %dma_start3A_1668] : memref<100000x64xf32, #tpu.memory_space<hbm>> -> memref<100000x64xf32, #tpu.memory_space<hbm>>
      tpu.enqueue_indirect_dma source(%dma_start3A_1669 : memref<100000x64xf32, #tpu.memory_space<hbm>>) target(%arg9 : memref<128x64xf32, #tpu.memory_space<vmem>>) offsets(%dma_start3A_1666 : memref<128xi32, #tpu.memory_space<vmem>>) semaphore(%arg17 : memref<!tpu.dma_semaphore, #tpu.memory_space<semaphore_mem>>)
      %add3A_1670 = arith.addi %mul3A_2, %add3A_1588 : i32
      %jit3A_1671 = arith.constant 128 : i32
      %div3A_1672 = arith.divsi %add3A_1670, %jit3A_1671 : i32
      %sign3A_1673 = arith.constant 0 : i32
      %sign3A_1674 = arith.cmpi sgt, %add3A_1670, %sign3A_1673 : i32
      %sign3A_1675 = arith.extui %sign3A_1674 : i1 to i32
      %sign3A_1676 = arith.constant 0 : i32
      %sign3A_1677 = arith.cmpi slt, %add3A_1670, %sign3A_1676 : i32
      %sign3A_1678 = arith.extui %sign3A_1677 : i1 to i32
      %sign3A_1679 = arith.subi %sign3A_1675, %sign3A_1678 : i32
      %sign3A_1680 = arith.constant 0 : i32
      %sign3A_1681 = arith.cmpi sgt, %jit3A_1671, %sign3A_1680 : i32
      %sign3A_1682 = arith.extui %sign3A_1681 : i1 to i32
      %sign3A_1683 = arith.constant 0 : i32
      %sign3A_1684 = arith.cmpi slt, %jit3A_1671, %sign3A_1683 : i32
      %sign3A_1685 = arith.extui %sign3A_1684 : i1 to i32
      %sign3A_1686 = arith.subi %sign3A_1682, %sign3A_1685 : i32
      %ne3A_1687 = arith.cmpi ne, %sign3A_1679, %sign3A_1686 : i32
      %rem3A_1688 = arith.remsi %add3A_1670, %jit3A_1671 : i32
      %ne3A_1689 = arith.constant 0 : i32
      %ne3A_1690 = arith.cmpi ne, %rem3A_1688, %ne3A_1689 : i32
      %and3A_1691 = arith.andi %ne3A_1687, %ne3A_1690 : i1
      %sub3A_1692 = arith.constant 1 : i32
      %sub3A_1693 = arith.subi %div3A_1672, %sub3A_1692 : i32
      %select_n3A_1694 = arith.select %and3A_1691, %sub3A_1693, %div3A_1672 : i32
      %jit3A_1695 = arith.constant 128 : i32
      %eq3A_1696 = arith.constant 0 : i32
      %eq3A_1697 = arith.cmpi eq, %jit3A_1695, %eq3A_1696 : i32
      %jit3A_1698 = arith.constant 1 : i32
      %select_n3A_1699 = arith.select %eq3A_1697, %jit3A_1698, %jit3A_1695 : i32
      %rem3A_1700 = arith.remsi %add3A_1670, %select_n3A_1699 : i32
      %ne3A_1701 = arith.constant 0 : i32
      %ne3A_1702 = arith.cmpi ne, %rem3A_1700, %ne3A_1701 : i32
      %lt3A_1703 = arith.constant 0 : i32
      %lt3A_1704 = arith.cmpi slt, %rem3A_1700, %lt3A_1703 : i32
      %lt3A_1705 = arith.constant 0 : i32
      %lt3A_1706 = arith.cmpi slt, %select_n3A_1699, %lt3A_1705 : i32
      %ne3A_1707 = arith.xori %lt3A_1704, %lt3A_1706 : i1
      %and3A_1708 = arith.andi %ne3A_1707, %ne3A_1702 : i1
      %add3A_1709 = arith.addi %rem3A_1700, %select_n3A_1699 : i32
      %select_n3A_1710 = arith.select %and3A_1708, %add3A_1709, %rem3A_1700 : i32
      %dma_start3A_1711 = arith.constant 0 : i32
      %dma_start3A_1712 = arith.constant 0 : i32
      %dma_start3A_1713 = arith.constant 0 : i32
      %dma_start3A_1714 = tpu.memref_slice %arg13[%dma_start3A_1711, %dma_start3A_1712, %dma_start3A_1713] : memref<8x8x129xf32, #tpu.memory_space<vmem>> -> memref<8x8x128xf32, #tpu.memory_space<vmem>>
      %dma_start3A_1715 = arith.constant 0 : i32
      %dma_start3A_1716 = arith.constant 0 : i32
      %dma_start3A_1717 = arith.constant 0 : i32
      %dma_start3A_1718 = tpu.memref_slice %arg4[%select_n3A_1694, %dma_start3A_1715, %select_n3A_1710, %dma_start3A_1716, %dma_start3A_1717] : memref<50x8x128x8x128xf32, #tpu.memory_space<hbm>> -> memref<1x8x1x8x128xf32, #tpu.memory_space<hbm>>
      %dma_start3A_1719 = tpu.memref_squeeze %dma_start3A_1718 : memref<1x8x1x8x128xf32, #tpu.memory_space<hbm>> -> memref<8x8x128xf32, #tpu.memory_space<hbm>>
      %dma_start3A_1720 = arith.constant 0 : i32
      %dma_start3A_1721 = arith.constant 0 : i32
      %dma_start3A_1722 = arith.constant 0 : i32
      %dma_start3A_1723 = tpu.memref_slice %arg4[%select_n3A_1694, %dma_start3A_1720, %select_n3A_1710, %dma_start3A_1721, %dma_start3A_1722] : memref<50x8x128x8x128xf32, #tpu.memory_space<hbm>> -> memref<1x8x1x8x128xf32, #tpu.memory_space<hbm>>
      %dma_start3A_1724 = tpu.memref_squeeze %dma_start3A_1723 : memref<1x8x1x8x128xf32, #tpu.memory_space<hbm>> -> memref<8x8x128xf32, #tpu.memory_space<hbm>>
      %dma_start3A_1725 = arith.constant 0 : i32
      %dma_start3A_1726 = arith.constant 0 : i32
      %dma_start3A_1727 = arith.constant 0 : i32
      %dma_start3A_1728 = tpu.memref_slice %arg13[%dma_start3A_1725, %dma_start3A_1726, %dma_start3A_1727] : memref<8x8x129xf32, #tpu.memory_space<vmem>> -> memref<8x8x128xf32, #tpu.memory_space<vmem>>
      tpu.enqueue_dma source(%dma_start3A_1728 : memref<8x8x128xf32, #tpu.memory_space<vmem>>) target(%dma_start3A_1724 : memref<8x8x128xf32, #tpu.memory_space<hbm>>) target_semaphore(%arg21 : memref<!tpu.dma_semaphore, #tpu.memory_space<semaphore_mem>>)
    }
    %scan3A_379 = arith.constant 48 : i32
    %add3A_380 = arith.constant 192 : i32
    %add3A_381 = arith.addi %mul3A_2, %add3A_380 : i32
    %jit3A_382 = arith.constant 128 : i32
    %div3A_383 = arith.divsi %add3A_381, %jit3A_382 : i32
    %sign3A_384 = arith.constant 0 : i32
    %sign3A_385 = arith.cmpi sgt, %add3A_381, %sign3A_384 : i32
    %sign3A_386 = arith.extui %sign3A_385 : i1 to i32
    %sign3A_387 = arith.constant 0 : i32
    %sign3A_388 = arith.cmpi slt, %add3A_381, %sign3A_387 : i32
    %sign3A_389 = arith.extui %sign3A_388 : i1 to i32
    %sign3A_390 = arith.subi %sign3A_386, %sign3A_389 : i32
    %sign3A_391 = arith.constant 0 : i32
    %sign3A_392 = arith.cmpi sgt, %jit3A_382, %sign3A_391 : i32
    %sign3A_393 = arith.extui %sign3A_392 : i1 to i32
    %sign3A_394 = arith.constant 0 : i32
    %sign3A_395 = arith.cmpi slt, %jit3A_382, %sign3A_394 : i32
    %sign3A_396 = arith.extui %sign3A_395 : i1 to i32
    %sign3A_397 = arith.subi %sign3A_393, %sign3A_396 : i32
    %ne3A_398 = arith.cmpi ne, %sign3A_390, %sign3A_397 : i32
    %rem3A_399 = arith.remsi %add3A_381, %jit3A_382 : i32
    %ne3A_400 = arith.constant 0 : i32
    %ne3A_401 = arith.cmpi ne, %rem3A_399, %ne3A_400 : i32
    %and3A_402 = arith.andi %ne3A_398, %ne3A_401 : i1
    %sub3A_403 = arith.constant 1 : i32
    %sub3A_404 = arith.subi %div3A_383, %sub3A_403 : i32
    %select_n3A_405 = arith.select %and3A_402, %sub3A_404, %div3A_383 : i32
    %jit3A_406 = arith.constant 128 : i32
    %eq3A_407 = arith.constant 0 : i32
    %eq3A_408 = arith.cmpi eq, %jit3A_406, %eq3A_407 : i32
    %jit3A_409 = arith.constant 1 : i32
    %select_n3A_410 = arith.select %eq3A_408, %jit3A_409, %jit3A_406 : i32
    %rem3A_411 = arith.remsi %add3A_381, %select_n3A_410 : i32
    %ne3A_412 = arith.constant 0 : i32
    %ne3A_413 = arith.cmpi ne, %rem3A_411, %ne3A_412 : i32
    %lt3A_414 = arith.constant 0 : i32
    %lt3A_415 = arith.cmpi slt, %rem3A_411, %lt3A_414 : i32
    %lt3A_416 = arith.constant 0 : i32
    %lt3A_417 = arith.cmpi slt, %select_n3A_410, %lt3A_416 : i32
    %ne3A_418 = arith.xori %lt3A_415, %lt3A_417 : i1
    %and3A_419 = arith.andi %ne3A_418, %ne3A_413 : i1
    %add3A_420 = arith.addi %rem3A_411, %select_n3A_410 : i32
    %select_n3A_421 = arith.select %and3A_419, %add3A_420, %rem3A_411 : i32
    %dma_wait3A_422 = arith.constant 0 : i32
    %dma_wait3A_423 = arith.constant 0 : i32
    %dma_wait3A_424 = arith.constant 0 : i32
    %dma_wait3A_425 = tpu.memref_slice %arg10[%dma_wait3A_422, %dma_wait3A_423, %dma_wait3A_424] : memref<8x8x129xf32, #tpu.memory_space<vmem>> -> memref<8x8x128xf32, #tpu.memory_space<vmem>>
    %dma_wait3A_426 = arith.constant 0 : i32
    %dma_wait3A_427 = arith.constant 0 : i32
    %dma_wait3A_428 = arith.constant 0 : i32
    %dma_wait3A_429 = tpu.memref_slice %arg4[%select_n3A_405, %dma_wait3A_426, %select_n3A_421, %dma_wait3A_427, %dma_wait3A_428] : memref<50x8x128x8x128xf32, #tpu.memory_space<hbm>> -> memref<1x8x1x8x128xf32, #tpu.memory_space<hbm>>
    %dma_wait3A_430 = tpu.memref_squeeze %dma_wait3A_429 : memref<1x8x1x8x128xf32, #tpu.memory_space<hbm>> -> memref<8x8x128xf32, #tpu.memory_space<hbm>>
    %dma_wait3A_431 = arith.constant 0 : i32
    %dma_wait3A_432 = arith.constant 0 : i32
    %dma_wait3A_433 = arith.constant 0 : i32
    %dma_wait3A_434 = tpu.memref_slice %arg4[%select_n3A_405, %dma_wait3A_431, %select_n3A_421, %dma_wait3A_432, %dma_wait3A_433] : memref<50x8x128x8x128xf32, #tpu.memory_space<hbm>> -> memref<1x8x1x8x128xf32, #tpu.memory_space<hbm>>
    %dma_wait3A_435 = tpu.memref_squeeze %dma_wait3A_434 : memref<1x8x1x8x128xf32, #tpu.memory_space<hbm>> -> memref<8x8x128xf32, #tpu.memory_space<hbm>>
    %dma_wait3A_436 = arith.constant 0 : i32
    %dma_wait3A_437 = arith.constant 0 : i32
    %dma_wait3A_438 = arith.constant 0 : i32
    %dma_wait3A_439 = tpu.memref_slice %arg10[%dma_wait3A_436, %dma_wait3A_437, %dma_wait3A_438] : memref<8x8x129xf32, #tpu.memory_space<vmem>> -> memref<8x8x128xf32, #tpu.memory_space<vmem>>
    tpu.wait_dma2 semaphore(%arg18 : memref<!tpu.dma_semaphore, #tpu.memory_space<semaphore_mem>>) src(%dma_wait3A_439 : memref<8x8x128xf32, #tpu.memory_space<vmem>>) dst(%dma_wait3A_435 : memref<8x8x128xf32, #tpu.memory_space<hbm>>)
    %dma_wait3A_440 = arith.constant 196 : i32
    %dma_wait3A_441 = arith.constant 0 : i32
    %dma_wait3A_442 = tpu.memref_slice %arg5[%dma_wait3A_440, %dma_wait3A_441] : memref<200x128xi32, #tpu.memory_space<vmem>> -> memref<1x128xi32, #tpu.memory_space<vmem>>
    %dma_wait3A_443 = tpu.memref_squeeze %dma_wait3A_442 : memref<1x128xi32, #tpu.memory_space<vmem>> -> memref<128xi32, #tpu.memory_space<vmem>>
    %dma_wait3A_444 = arith.constant 0 : i32
    %dma_wait3A_445 = arith.constant 0 : i32
    %dma_wait3A_446 = tpu.memref_slice %arg3[%dma_wait3A_444, %dma_wait3A_445] : memref<100000x64xf32, #tpu.memory_space<hbm>> -> memref<100000x64xf32, #tpu.memory_space<hbm>>
    tpu.wait_indirect_dma semaphore(%arg14 : memref<!tpu.dma_semaphore, #tpu.memory_space<semaphore_mem>>) src(%dma_wait3A_446 : memref<100000x64xf32, #tpu.memory_space<hbm>>) dst(%arg6 : memref<128x64xf32, #tpu.memory_space<vmem>>)
    %scan3A_447 = arith.constant 0 : i32
    %scan3A_448 = arith.constant 0 : i32
    %scan3A_449 = arith.constant 16 : i32
    %scan3A_450 = arith.addi %scan3A_448, %scan3A_449 : i32
    %scan3A_451 = arith.constant 1 : i32
    scf.for %scan3A_1152 = %scan3A_448 to %scan3A_450 step %scan3A_451  : i32 {
      %mul3A_1153 = arith.constant 8 : i32
      %mul3A_1154 = arith.muli %scan3A_1152, %mul3A_1153 : i32
      %add3A_1155 = vector.broadcast %mul3A_1154 : i32 to vector<16xi32>
      %add3A_1156 = arith.addi %broadcast_in_dim3A_3, %add3A_1155 : vector<16xi32>
      %mul3A_1157 = arith.constant 8 : i32
      %mul3A_1158 = arith.muli %scan3A_1152, %mul3A_1157 : i32
      %get3A = arith.index_cast %mul3A_1158 : i32 to index
      %get3A_1159 = arith.constant 0 : index
      %get3A_1160 = tpu.vector_load %arg6[%get3A, %get3A_1159] {strides = array<i32>} : memref<128x64xf32, #tpu.memory_space<vmem>>, vector<16xf32>,
      %mul3A_1161 = arith.constant 8 : i32
      %mul3A_1162 = arith.muli %scan3A_1152, %mul3A_1161 : i32
      %get3A_1163 = arith.index_cast %mul3A_1162 : i32 to index
      %get3A_1164 = arith.constant 16 : index
      %get3A_1165 = tpu.vector_load %arg6[%get3A_1163, %get3A_1164] {strides = array<i32>} : memref<128x64xf32, #tpu.memory_space<vmem>>, vector<16xf32>,
      %mul3A_1166 = arith.constant 8 : i32
      %mul3A_1167 = arith.muli %scan3A_1152, %mul3A_1166 : i32
      %get3A_1168 = arith.index_cast %mul3A_1167 : i32 to index
      %get3A_1169 = arith.constant 32 : index
      %get3A_1170 = tpu.vector_load %arg6[%get3A_1168, %get3A_1169] {strides = array<i32>} : memref<128x64xf32, #tpu.memory_space<vmem>>, vector<16xf32>,
      %mul3A_1171 = arith.constant 8 : i32
      %mul3A_1172 = arith.muli %scan3A_1152, %mul3A_1171 : i32
      %get3A_1173 = arith.index_cast %mul3A_1172 : i32 to index
      %get3A_1174 = arith.constant 48 : index
      %get3A_1175 = tpu.vector_load %arg6[%get3A_1173, %get3A_1174] {strides = array<i32>} : memref<128x64xf32, #tpu.memory_space<vmem>>, vector<16xf32>,
      %mul3A_1176 = arith.constant 8 : i32
      %mul3A_1177 = arith.muli %scan3A_1152, %mul3A_1176 : i32
      %add3A_1178 = arith.constant 1 : i32
      %add3A_1179 = arith.addi %mul3A_1177, %add3A_1178 : i32
      %get3A_1180 = arith.index_cast %add3A_1179 : i32 to index
      %get3A_1181 = arith.constant 0 : index
      %get3A_1182 = tpu.vector_load %arg6[%get3A_1180, %get3A_1181] {strides = array<i32>} : memref<128x64xf32, #tpu.memory_space<vmem>>, vector<16xf32>,
      tpu.vector_store_idx %arg10[%shift_right_arithmetic3A_17, %and3A_28, %add3A_1156], %get3A_1160 : memref<8x8x129xf32, #tpu.memory_space<vmem>>[vector<16xi32>, vector<16xi32>, vector<16xi32>], vector<16xf32>,
      %get3A_1183 = arith.index_cast %add3A_1179 : i32 to index
      %get3A_1184 = arith.constant 16 : index
      %get3A_1185 = tpu.vector_load %arg6[%get3A_1183, %get3A_1184] {strides = array<i32>} : memref<128x64xf32, #tpu.memory_space<vmem>>, vector<16xf32>,
      tpu.vector_store_idx %arg10[%shift_right_arithmetic3A_20, %and3A_31, %add3A_1156], %get3A_1165 : memref<8x8x129xf32, #tpu.memory_space<vmem>>[vector<16xi32>, vector<16xi32>, vector<16xi32>], vector<16xf32>,
      %get3A_1186 = arith.index_cast %add3A_1179 : i32 to index
      %get3A_1187 = arith.constant 32 : index
      %get3A_1188 = tpu.vector_load %arg6[%get3A_1186, %get3A_1187] {strides = array<i32>} : memref<128x64xf32, #tpu.memory_space<vmem>>, vector<16xf32>,
      tpu.vector_store_idx %arg10[%shift_right_arithmetic3A_23, %and3A_34, %add3A_1156], %get3A_1170 : memref<8x8x129xf32, #tpu.memory_space<vmem>>[vector<16xi32>, vector<16xi32>, vector<16xi32>], vector<16xf32>,
      %get3A_1189 = arith.index_cast %add3A_1179 : i32 to index
      %get3A_1190 = arith.constant 48 : index
      %get3A_1191 = tpu.vector_load %arg6[%get3A_1189, %get3A_1190] {strides = array<i32>} : memref<128x64xf32, #tpu.memory_space<vmem>>, vector<16xf32>,
      tpu.vector_store_idx %arg10[%shift_right_arithmetic3A_26, %and3A_37, %add3A_1156], %get3A_1175 : memref<8x8x129xf32, #tpu.memory_space<vmem>>[vector<16xi32>, vector<16xi32>, vector<16xi32>], vector<16xf32>,
      %mul3A_1192 = arith.constant 8 : i32
      %mul3A_1193 = arith.muli %scan3A_1152, %mul3A_1192 : i32
      %add3A_1194 = arith.constant 2 : i32
      %add3A_1195 = arith.addi %mul3A_1193, %add3A_1194 : i32
      %add3A_1196 = arith.constant 1 : i32
      %add3A_1197 = vector.broadcast %add3A_1196 : i32 to vector<16xi32>
      %add3A_1198 = arith.addi %add3A_1156, %add3A_1197 : vector<16xi32>
      %get3A_1199 = arith.index_cast %add3A_1195 : i32 to index
      %get3A_1200 = arith.constant 0 : index
      %get3A_1201 = tpu.vector_load %arg6[%get3A_1199, %get3A_1200] {strides = array<i32>} : memref<128x64xf32, #tpu.memory_space<vmem>>, vector<16xf32>,
      tpu.vector_store_idx %arg10[%shift_right_arithmetic3A_17, %and3A_28, %add3A_1198], %get3A_1182 : memref<8x8x129xf32, #tpu.memory_space<vmem>>[vector<16xi32>, vector<16xi32>, vector<16xi32>], vector<16xf32>,
      %get3A_1202 = arith.index_cast %add3A_1195 : i32 to index
      %get3A_1203 = arith.constant 16 : index
      %get3A_1204 = tpu.vector_load %arg6[%get3A_1202, %get3A_1203] {strides = array<i32>} : memref<128x64xf32, #tpu.memory_space<vmem>>, vector<16xf32>,
      tpu.vector_store_idx %arg10[%shift_right_arithmetic3A_20, %and3A_31, %add3A_1198], %get3A_1185 : memref<8x8x129xf32, #tpu.memory_space<vmem>>[vector<16xi32>, vector<16xi32>, vector<16xi32>], vector<16xf32>,
      %get3A_1205 = arith.index_cast %add3A_1195 : i32 to index
      %get3A_1206 = arith.constant 32 : index
      %get3A_1207 = tpu.vector_load %arg6[%get3A_1205, %get3A_1206] {strides = array<i32>} : memref<128x64xf32, #tpu.memory_space<vmem>>, vector<16xf32>,
      tpu.vector_store_idx %arg10[%shift_right_arithmetic3A_23, %and3A_34, %add3A_1198], %get3A_1188 : memref<8x8x129xf32, #tpu.memory_space<vmem>>[vector<16xi32>, vector<16xi32>, vector<16xi32>], vector<16xf32>,
      %get3A_1208 = arith.index_cast %add3A_1195 : i32 to index
      %get3A_1209 = arith.constant 48 : index
      %get3A_1210 = tpu.vector_load %arg6[%get3A_1208, %get3A_1209] {strides = array<i32>} : memref<128x64xf32, #tpu.memory_space<vmem>>, vector<16xf32>,
      tpu.vector_store_idx %arg10[%shift_right_arithmetic3A_26, %and3A_37, %add3A_1198], %get3A_1191 : memref<8x8x129xf32, #tpu.memory_space<vmem>>[vector<16xi32>, vector<16xi32>, vector<16xi32>], vector<16xf32>,
      %mul3A_1211 = arith.constant 8 : i32
      %mul3A_1212 = arith.muli %scan3A_1152, %mul3A_1211 : i32
      %add3A_1213 = arith.constant 3 : i32
      %add3A_1214 = arith.addi %mul3A_1212, %add3A_1213 : i32
      %add3A_1215 = arith.constant 2 : i32
      %add3A_1216 = vector.broadcast %add3A_1215 : i32 to vector<16xi32>
      %add3A_1217 = arith.addi %add3A_1156, %add3A_1216 : vector<16xi32>
      %get3A_1218 = arith.index_cast %add3A_1214 : i32 to index
      %get3A_1219 = arith.constant 0 : index
      %get3A_1220 = tpu.vector_load %arg6[%get3A_1218, %get3A_1219] {strides = array<i32>} : memref<128x64xf32, #tpu.memory_space<vmem>>, vector<16xf32>,
      tpu.vector_store_idx %arg10[%shift_right_arithmetic3A_17, %and3A_28, %add3A_1217], %get3A_1201 : memref<8x8x129xf32, #tpu.memory_space<vmem>>[vector<16xi32>, vector<16xi32>, vector<16xi32>], vector<16xf32>,
      %get3A_1221 = arith.index_cast %add3A_1214 : i32 to index
      %get3A_1222 = arith.constant 16 : index
      %get3A_1223 = tpu.vector_load %arg6[%get3A_1221, %get3A_1222] {strides = array<i32>} : memref<128x64xf32, #tpu.memory_space<vmem>>, vector<16xf32>,
      tpu.vector_store_idx %arg10[%shift_right_arithmetic3A_20, %and3A_31, %add3A_1217], %get3A_1204 : memref<8x8x129xf32, #tpu.memory_space<vmem>>[vector<16xi32>, vector<16xi32>, vector<16xi32>], vector<16xf32>,
      %get3A_1224 = arith.index_cast %add3A_1214 : i32 to index
      %get3A_1225 = arith.constant 32 : index
      %get3A_1226 = tpu.vector_load %arg6[%get3A_1224, %get3A_1225] {strides = array<i32>} : memref<128x64xf32, #tpu.memory_space<vmem>>, vector<16xf32>,
      tpu.vector_store_idx %arg10[%shift_right_arithmetic3A_23, %and3A_34, %add3A_1217], %get3A_1207 : memref<8x8x129xf32, #tpu.memory_space<vmem>>[vector<16xi32>, vector<16xi32>, vector<16xi32>], vector<16xf32>,
      %get3A_1227 = arith.index_cast %add3A_1214 : i32 to index
      %get3A_1228 = arith.constant 48 : index
      %get3A_1229 = tpu.vector_load %arg6[%get3A_1227, %get3A_1228] {strides = array<i32>} : memref<128x64xf32, #tpu.memory_space<vmem>>, vector<16xf32>,
      tpu.vector_store_idx %arg10[%shift_right_arithmetic3A_26, %and3A_37, %add3A_1217], %get3A_1210 : memref<8x8x129xf32, #tpu.memory_space<vmem>>[vector<16xi32>, vector<16xi32>, vector<16xi32>], vector<16xf32>,
      %mul3A_1230 = arith.constant 8 : i32
      %mul3A_1231 = arith.muli %scan3A_1152, %mul3A_1230 : i32
      %add3A_1232 = arith.constant 4 : i32
      %add3A_1233 = arith.addi %mul3A_1231, %add3A_1232 : i32
      %add3A_1234 = arith.constant 3 : i32
      %add3A_1235 = vector.broadcast %add3A_1234 : i32 to vector<16xi32>
      %add3A_1236 = arith.addi %add3A_1156, %add3A_1235 : vector<16xi32>
      %get3A_1237 = arith.index_cast %add3A_1233 : i32 to index
      %get3A_1238 = arith.constant 0 : index
      %get3A_1239 = tpu.vector_load %arg6[%get3A_1237, %get3A_1238] {strides = array<i32>} : memref<128x64xf32, #tpu.memory_space<vmem>>, vector<16xf32>,
      tpu.vector_store_idx %arg10[%shift_right_arithmetic3A_17, %and3A_28, %add3A_1236], %get3A_1220 : memref<8x8x129xf32, #tpu.memory_space<vmem>>[vector<16xi32>, vector<16xi32>, vector<16xi32>], vector<16xf32>,
      %get3A_1240 = arith.index_cast %add3A_1233 : i32 to index
      %get3A_1241 = arith.constant 16 : index
      %get3A_1242 = tpu.vector_load %arg6[%get3A_1240, %get3A_1241] {strides = array<i32>} : memref<128x64xf32, #tpu.memory_space<vmem>>, vector<16xf32>,
      tpu.vector_store_idx %arg10[%shift_right_arithmetic3A_20, %and3A_31, %add3A_1236], %get3A_1223 : memref<8x8x129xf32, #tpu.memory_space<vmem>>[vector<16xi32>, vector<16xi32>, vector<16xi32>], vector<16xf32>,
      %get3A_1243 = arith.index_cast %add3A_1233 : i32 to index
      %get3A_1244 = arith.constant 32 : index
      %get3A_1245 = tpu.vector_load %arg6[%get3A_1243, %get3A_1244] {strides = array<i32>} : memref<128x64xf32, #tpu.memory_space<vmem>>, vector<16xf32>,
      tpu.vector_store_idx %arg10[%shift_right_arithmetic3A_23, %and3A_34, %add3A_1236], %get3A_1226 : memref<8x8x129xf32, #tpu.memory_space<vmem>>[vector<16xi32>, vector<16xi32>, vector<16xi32>], vector<16xf32>,
      %get3A_1246 = arith.index_cast %add3A_1233 : i32 to index
      %get3A_1247 = arith.constant 48 : index
      %get3A_1248 = tpu.vector_load %arg6[%get3A_1246, %get3A_1247] {strides = array<i32>} : memref<128x64xf32, #tpu.memory_space<vmem>>, vector<16xf32>,
      tpu.vector_store_idx %arg10[%shift_right_arithmetic3A_26, %and3A_37, %add3A_1236], %get3A_1229 : memref<8x8x129xf32, #tpu.memory_space<vmem>>[vector<16xi32>, vector<16xi32>, vector<16xi32>], vector<16xf32>,
      %mul3A_1249 = arith.constant 8 : i32
      %mul3A_1250 = arith.muli %scan3A_1152, %mul3A_1249 : i32
      %add3A_1251 = arith.constant 5 : i32
      %add3A_1252 = arith.addi %mul3A_1250, %add3A_1251 : i32
      %add3A_1253 = arith.constant 4 : i32
      %add3A_1254 = vector.broadcast %add3A_1253 : i32 to vector<16xi32>
      %add3A_1255 = arith.addi %add3A_1156, %add3A_1254 : vector<16xi32>
      %get3A_1256 = arith.index_cast %add3A_1252 : i32 to index
      %get3A_1257 = arith.constant 0 : index
      %get3A_1258 = tpu.vector_load %arg6[%get3A_1256, %get3A_1257] {strides = array<i32>} : memref<128x64xf32, #tpu.memory_space<vmem>>, vector<16xf32>,
      tpu.vector_store_idx %arg10[%shift_right_arithmetic3A_17, %and3A_28, %add3A_1255], %get3A_1239 : memref<8x8x129xf32, #tpu.memory_space<vmem>>[vector<16xi32>, vector<16xi32>, vector<16xi32>], vector<16xf32>,
      %get3A_1259 = arith.index_cast %add3A_1252 : i32 to index
      %get3A_1260 = arith.constant 16 : index
      %get3A_1261 = tpu.vector_load %arg6[%get3A_1259, %get3A_1260] {strides = array<i32>} : memref<128x64xf32, #tpu.memory_space<vmem>>, vector<16xf32>,
      tpu.vector_store_idx %arg10[%shift_right_arithmetic3A_20, %and3A_31, %add3A_1255], %get3A_1242 : memref<8x8x129xf32, #tpu.memory_space<vmem>>[vector<16xi32>, vector<16xi32>, vector<16xi32>], vector<16xf32>,
      %get3A_1262 = arith.index_cast %add3A_1252 : i32 to index
      %get3A_1263 = arith.constant 32 : index
      %get3A_1264 = tpu.vector_load %arg6[%get3A_1262, %get3A_1263] {strides = array<i32>} : memref<128x64xf32, #tpu.memory_space<vmem>>, vector<16xf32>,
      tpu.vector_store_idx %arg10[%shift_right_arithmetic3A_23, %and3A_34, %add3A_1255], %get3A_1245 : memref<8x8x129xf32, #tpu.memory_space<vmem>>[vector<16xi32>, vector<16xi32>, vector<16xi32>], vector<16xf32>,
      %get3A_1265 = arith.index_cast %add3A_1252 : i32 to index
      %get3A_1266 = arith.constant 48 : index
      %get3A_1267 = tpu.vector_load %arg6[%get3A_1265, %get3A_1266] {strides = array<i32>} : memref<128x64xf32, #tpu.memory_space<vmem>>, vector<16xf32>,
      tpu.vector_store_idx %arg10[%shift_right_arithmetic3A_26, %and3A_37, %add3A_1255], %get3A_1248 : memref<8x8x129xf32, #tpu.memory_space<vmem>>[vector<16xi32>, vector<16xi32>, vector<16xi32>], vector<16xf32>,
      %mul3A_1268 = arith.constant 8 : i32
      %mul3A_1269 = arith.muli %scan3A_1152, %mul3A_1268 : i32
      %add3A_1270 = arith.constant 6 : i32
      %add3A_1271 = arith.addi %mul3A_1269, %add3A_1270 : i32
      %add3A_1272 = arith.constant 5 : i32
      %add3A_1273 = vector.broadcast %add3A_1272 : i32 to vector<16xi32>
      %add3A_1274 = arith.addi %add3A_1156, %add3A_1273 : vector<16xi32>
      %get3A_1275 = arith.index_cast %add3A_1271 : i32 to index
      %get3A_1276 = arith.constant 0 : index
      %get3A_1277 = tpu.vector_load %arg6[%get3A_1275, %get3A_1276] {strides = array<i32>} : memref<128x64xf32, #tpu.memory_space<vmem>>, vector<16xf32>,
      tpu.vector_store_idx %arg10[%shift_right_arithmetic3A_17, %and3A_28, %add3A_1274], %get3A_1258 : memref<8x8x129xf32, #tpu.memory_space<vmem>>[vector<16xi32>, vector<16xi32>, vector<16xi32>], vector<16xf32>,
      %get3A_1278 = arith.index_cast %add3A_1271 : i32 to index
      %get3A_1279 = arith.constant 16 : index
      %get3A_1280 = tpu.vector_load %arg6[%get3A_1278, %get3A_1279] {strides = array<i32>} : memref<128x64xf32, #tpu.memory_space<vmem>>, vector<16xf32>,
      tpu.vector_store_idx %arg10[%shift_right_arithmetic3A_20, %and3A_31, %add3A_1274], %get3A_1261 : memref<8x8x129xf32, #tpu.memory_space<vmem>>[vector<16xi32>, vector<16xi32>, vector<16xi32>], vector<16xf32>,
      %get3A_1281 = arith.index_cast %add3A_1271 : i32 to index
      %get3A_1282 = arith.constant 32 : index
      %get3A_1283 = tpu.vector_load %arg6[%get3A_1281, %get3A_1282] {strides = array<i32>} : memref<128x64xf32, #tpu.memory_space<vmem>>, vector<16xf32>,
      tpu.vector_store_idx %arg10[%shift_right_arithmetic3A_23, %and3A_34, %add3A_1274], %get3A_1264 : memref<8x8x129xf32, #tpu.memory_space<vmem>>[vector<16xi32>, vector<16xi32>, vector<16xi32>], vector<16xf32>,
      %get3A_1284 = arith.index_cast %add3A_1271 : i32 to index
      %get3A_1285 = arith.constant 48 : index
      %get3A_1286 = tpu.vector_load %arg6[%get3A_1284, %get3A_1285] {strides = array<i32>} : memref<128x64xf32, #tpu.memory_space<vmem>>, vector<16xf32>,
      tpu.vector_store_idx %arg10[%shift_right_arithmetic3A_26, %and3A_37, %add3A_1274], %get3A_1267 : memref<8x8x129xf32, #tpu.memory_space<vmem>>[vector<16xi32>, vector<16xi32>, vector<16xi32>], vector<16xf32>,
      %mul3A_1287 = arith.constant 8 : i32
      %mul3A_1288 = arith.muli %scan3A_1152, %mul3A_1287 : i32
      %add3A_1289 = arith.constant 7 : i32
      %add3A_1290 = arith.addi %mul3A_1288, %add3A_1289 : i32
      %add3A_1291 = arith.constant 6 : i32
      %add3A_1292 = vector.broadcast %add3A_1291 : i32 to vector<16xi32>
      %add3A_1293 = arith.addi %add3A_1156, %add3A_1292 : vector<16xi32>
      %get3A_1294 = arith.index_cast %add3A_1290 : i32 to index
      %get3A_1295 = arith.constant 0 : index
      %get3A_1296 = tpu.vector_load %arg6[%get3A_1294, %get3A_1295] {strides = array<i32>} : memref<128x64xf32, #tpu.memory_space<vmem>>, vector<16xf32>,
      tpu.vector_store_idx %arg10[%shift_right_arithmetic3A_17, %and3A_28, %add3A_1293], %get3A_1277 : memref<8x8x129xf32, #tpu.memory_space<vmem>>[vector<16xi32>, vector<16xi32>, vector<16xi32>], vector<16xf32>,
      %get3A_1297 = arith.index_cast %add3A_1290 : i32 to index
      %get3A_1298 = arith.constant 16 : index
      %get3A_1299 = tpu.vector_load %arg6[%get3A_1297, %get3A_1298] {strides = array<i32>} : memref<128x64xf32, #tpu.memory_space<vmem>>, vector<16xf32>,
      tpu.vector_store_idx %arg10[%shift_right_arithmetic3A_20, %and3A_31, %add3A_1293], %get3A_1280 : memref<8x8x129xf32, #tpu.memory_space<vmem>>[vector<16xi32>, vector<16xi32>, vector<16xi32>], vector<16xf32>,
      %get3A_1300 = arith.index_cast %add3A_1290 : i32 to index
      %get3A_1301 = arith.constant 32 : index
      %get3A_1302 = tpu.vector_load %arg6[%get3A_1300, %get3A_1301] {strides = array<i32>} : memref<128x64xf32, #tpu.memory_space<vmem>>, vector<16xf32>,
      tpu.vector_store_idx %arg10[%shift_right_arithmetic3A_23, %and3A_34, %add3A_1293], %get3A_1283 : memref<8x8x129xf32, #tpu.memory_space<vmem>>[vector<16xi32>, vector<16xi32>, vector<16xi32>], vector<16xf32>,
      %get3A_1303 = arith.index_cast %add3A_1290 : i32 to index
      %get3A_1304 = arith.constant 48 : index
      %get3A_1305 = tpu.vector_load %arg6[%get3A_1303, %get3A_1304] {strides = array<i32>} : memref<128x64xf32, #tpu.memory_space<vmem>>, vector<16xf32>,
      tpu.vector_store_idx %arg10[%shift_right_arithmetic3A_26, %and3A_37, %add3A_1293], %get3A_1286 : memref<8x8x129xf32, #tpu.memory_space<vmem>>[vector<16xi32>, vector<16xi32>, vector<16xi32>], vector<16xf32>,
      %add3A_1306 = arith.constant 7 : i32
      %add3A_1307 = vector.broadcast %add3A_1306 : i32 to vector<16xi32>
      %add3A_1308 = arith.addi %add3A_1156, %add3A_1307 : vector<16xi32>
      tpu.vector_store_idx %arg10[%shift_right_arithmetic3A_17, %and3A_28, %add3A_1308], %get3A_1296 : memref<8x8x129xf32, #tpu.memory_space<vmem>>[vector<16xi32>, vector<16xi32>, vector<16xi32>], vector<16xf32>,
      tpu.vector_store_idx %arg10[%shift_right_arithmetic3A_20, %and3A_31, %add3A_1308], %get3A_1299 : memref<8x8x129xf32, #tpu.memory_space<vmem>>[vector<16xi32>, vector<16xi32>, vector<16xi32>], vector<16xf32>,
      tpu.vector_store_idx %arg10[%shift_right_arithmetic3A_23, %and3A_34, %add3A_1308], %get3A_1302 : memref<8x8x129xf32, #tpu.memory_space<vmem>>[vector<16xi32>, vector<16xi32>, vector<16xi32>], vector<16xf32>,
      tpu.vector_store_idx %arg10[%shift_right_arithmetic3A_26, %and3A_37, %add3A_1308], %get3A_1305 : memref<8x8x129xf32, #tpu.memory_space<vmem>>[vector<16xi32>, vector<16xi32>, vector<16xi32>], vector<16xf32>,
    }
    %scan3A_452 = arith.constant 16 : i32
    %add3A_453 = arith.constant 196 : i32
    %add3A_454 = arith.addi %mul3A_2, %add3A_453 : i32
    %jit3A_455 = arith.constant 128 : i32
    %div3A_456 = arith.divsi %add3A_454, %jit3A_455 : i32
    %sign3A_457 = arith.constant 0 : i32
    %sign3A_458 = arith.cmpi sgt, %add3A_454, %sign3A_457 : i32
    %sign3A_459 = arith.extui %sign3A_458 : i1 to i32
    %sign3A_460 = arith.constant 0 : i32
    %sign3A_461 = arith.cmpi slt, %add3A_454, %sign3A_460 : i32
    %sign3A_462 = arith.extui %sign3A_461 : i1 to i32
    %sign3A_463 = arith.subi %sign3A_459, %sign3A_462 : i32
    %sign3A_464 = arith.constant 0 : i32
    %sign3A_465 = arith.cmpi sgt, %jit3A_455, %sign3A_464 : i32
    %sign3A_466 = arith.extui %sign3A_465 : i1 to i32
    %sign3A_467 = arith.constant 0 : i32
    %sign3A_468 = arith.cmpi slt, %jit3A_455, %sign3A_467 : i32
    %sign3A_469 = arith.extui %sign3A_468 : i1 to i32
    %sign3A_470 = arith.subi %sign3A_466, %sign3A_469 : i32
    %ne3A_471 = arith.cmpi ne, %sign3A_463, %sign3A_470 : i32
    %rem3A_472 = arith.remsi %add3A_454, %jit3A_455 : i32
    %ne3A_473 = arith.constant 0 : i32
    %ne3A_474 = arith.cmpi ne, %rem3A_472, %ne3A_473 : i32
    %and3A_475 = arith.andi %ne3A_471, %ne3A_474 : i1
    %sub3A_476 = arith.constant 1 : i32
    %sub3A_477 = arith.subi %div3A_456, %sub3A_476 : i32
    %select_n3A_478 = arith.select %and3A_475, %sub3A_477, %div3A_456 : i32
    %jit3A_479 = arith.constant 128 : i32
    %eq3A_480 = arith.constant 0 : i32
    %eq3A_481 = arith.cmpi eq, %jit3A_479, %eq3A_480 : i32
    %jit3A_482 = arith.constant 1 : i32
    %select_n3A_483 = arith.select %eq3A_481, %jit3A_482, %jit3A_479 : i32
    %rem3A_484 = arith.remsi %add3A_454, %select_n3A_483 : i32
    %ne3A_485 = arith.constant 0 : i32
    %ne3A_486 = arith.cmpi ne, %rem3A_484, %ne3A_485 : i32
    %lt3A_487 = arith.constant 0 : i32
    %lt3A_488 = arith.cmpi slt, %rem3A_484, %lt3A_487 : i32
    %lt3A_489 = arith.constant 0 : i32
    %lt3A_490 = arith.cmpi slt, %select_n3A_483, %lt3A_489 : i32
    %ne3A_491 = arith.xori %lt3A_488, %lt3A_490 : i1
    %and3A_492 = arith.andi %ne3A_491, %ne3A_486 : i1
    %add3A_493 = arith.addi %rem3A_484, %select_n3A_483 : i32
    %select_n3A_494 = arith.select %and3A_492, %add3A_493, %rem3A_484 : i32
    %dma_start3A_495 = arith.constant 0 : i32
    %dma_start3A_496 = arith.constant 0 : i32
    %dma_start3A_497 = arith.constant 0 : i32
    %dma_start3A_498 = tpu.memref_slice %arg10[%dma_start3A_495, %dma_start3A_496, %dma_start3A_497] : memref<8x8x129xf32, #tpu.memory_space<vmem>> -> memref<8x8x128xf32, #tpu.memory_space<vmem>>
    %dma_start3A_499 = arith.constant 0 : i32
    %dma_start3A_500 = arith.constant 0 : i32
    %dma_start3A_501 = arith.constant 0 : i32
    %dma_start3A_502 = tpu.memref_slice %arg4[%select_n3A_478, %dma_start3A_499, %select_n3A_494, %dma_start3A_500, %dma_start3A_501] : memref<50x8x128x8x128xf32, #tpu.memory_space<hbm>> -> memref<1x8x1x8x128xf32, #tpu.memory_space<hbm>>
    %dma_start3A_503 = tpu.memref_squeeze %dma_start3A_502 : memref<1x8x1x8x128xf32, #tpu.memory_space<hbm>> -> memref<8x8x128xf32, #tpu.memory_space<hbm>>
    %dma_start3A_504 = arith.constant 0 : i32
    %dma_start3A_505 = arith.constant 0 : i32
    %dma_start3A_506 = arith.constant 0 : i32
    %dma_start3A_507 = tpu.memref_slice %arg4[%select_n3A_478, %dma_start3A_504, %select_n3A_494, %dma_start3A_505, %dma_start3A_506] : memref<50x8x128x8x128xf32, #tpu.memory_space<hbm>> -> memref<1x8x1x8x128xf32, #tpu.memory_space<hbm>>
    %dma_start3A_508 = tpu.memref_squeeze %dma_start3A_507 : memref<1x8x1x8x128xf32, #tpu.memory_space<hbm>> -> memref<8x8x128xf32, #tpu.memory_space<hbm>>
    %dma_start3A_509 = arith.constant 0 : i32
    %dma_start3A_510 = arith.constant 0 : i32
    %dma_start3A_511 = arith.constant 0 : i32
    %dma_start3A_512 = tpu.memref_slice %arg10[%dma_start3A_509, %dma_start3A_510, %dma_start3A_511] : memref<8x8x129xf32, #tpu.memory_space<vmem>> -> memref<8x8x128xf32, #tpu.memory_space<vmem>>
    tpu.enqueue_dma source(%dma_start3A_512 : memref<8x8x128xf32, #tpu.memory_space<vmem>>) target(%dma_start3A_508 : memref<8x8x128xf32, #tpu.memory_space<hbm>>) target_semaphore(%arg18 : memref<!tpu.dma_semaphore, #tpu.memory_space<semaphore_mem>>)
    %add3A_513 = arith.constant 193 : i32
    %add3A_514 = arith.addi %mul3A_2, %add3A_513 : i32
    %jit3A_515 = arith.constant 128 : i32
    %div3A_516 = arith.divsi %add3A_514, %jit3A_515 : i32
    %sign3A_517 = arith.constant 0 : i32
    %sign3A_518 = arith.cmpi sgt, %add3A_514, %sign3A_517 : i32
    %sign3A_519 = arith.extui %sign3A_518 : i1 to i32
    %sign3A_520 = arith.constant 0 : i32
    %sign3A_521 = arith.cmpi slt, %add3A_514, %sign3A_520 : i32
    %sign3A_522 = arith.extui %sign3A_521 : i1 to i32
    %sign3A_523 = arith.subi %sign3A_519, %sign3A_522 : i32
    %sign3A_524 = arith.constant 0 : i32
    %sign3A_525 = arith.cmpi sgt, %jit3A_515, %sign3A_524 : i32
    %sign3A_526 = arith.extui %sign3A_525 : i1 to i32
    %sign3A_527 = arith.constant 0 : i32
    %sign3A_528 = arith.cmpi slt, %jit3A_515, %sign3A_527 : i32
    %sign3A_529 = arith.extui %sign3A_528 : i1 to i32
    %sign3A_530 = arith.subi %sign3A_526, %sign3A_529 : i32
    %ne3A_531 = arith.cmpi ne, %sign3A_523, %sign3A_530 : i32
    %rem3A_532 = arith.remsi %add3A_514, %jit3A_515 : i32
    %ne3A_533 = arith.constant 0 : i32
    %ne3A_534 = arith.cmpi ne, %rem3A_532, %ne3A_533 : i32
    %and3A_535 = arith.andi %ne3A_531, %ne3A_534 : i1
    %sub3A_536 = arith.constant 1 : i32
    %sub3A_537 = arith.subi %div3A_516, %sub3A_536 : i32
    %select_n3A_538 = arith.select %and3A_535, %sub3A_537, %div3A_516 : i32
    %jit3A_539 = arith.constant 128 : i32
    %eq3A_540 = arith.constant 0 : i32
    %eq3A_541 = arith.cmpi eq, %jit3A_539, %eq3A_540 : i32
    %jit3A_542 = arith.constant 1 : i32
    %select_n3A_543 = arith.select %eq3A_541, %jit3A_542, %jit3A_539 : i32
    %rem3A_544 = arith.remsi %add3A_514, %select_n3A_543 : i32
    %ne3A_545 = arith.constant 0 : i32
    %ne3A_546 = arith.cmpi ne, %rem3A_544, %ne3A_545 : i32
    %lt3A_547 = arith.constant 0 : i32
    %lt3A_548 = arith.cmpi slt, %rem3A_544, %lt3A_547 : i32
    %lt3A_549 = arith.constant 0 : i32
    %lt3A_550 = arith.cmpi slt, %select_n3A_543, %lt3A_549 : i32
    %ne3A_551 = arith.xori %lt3A_548, %lt3A_550 : i1
    %and3A_552 = arith.andi %ne3A_551, %ne3A_546 : i1
    %add3A_553 = arith.addi %rem3A_544, %select_n3A_543 : i32
    %select_n3A_554 = arith.select %and3A_552, %add3A_553, %rem3A_544 : i32
    %dma_wait3A_555 = arith.constant 0 : i32
    %dma_wait3A_556 = arith.constant 0 : i32
    %dma_wait3A_557 = arith.constant 0 : i32
    %dma_wait3A_558 = tpu.memref_slice %arg11[%dma_wait3A_555, %dma_wait3A_556, %dma_wait3A_557] : memref<8x8x129xf32, #tpu.memory_space<vmem>> -> memref<8x8x128xf32, #tpu.memory_space<vmem>>
    %dma_wait3A_559 = arith.constant 0 : i32
    %dma_wait3A_560 = arith.constant 0 : i32
    %dma_wait3A_561 = arith.constant 0 : i32
    %dma_wait3A_562 = tpu.memref_slice %arg4[%select_n3A_538, %dma_wait3A_559, %select_n3A_554, %dma_wait3A_560, %dma_wait3A_561] : memref<50x8x128x8x128xf32, #tpu.memory_space<hbm>> -> memref<1x8x1x8x128xf32, #tpu.memory_space<hbm>>
    %dma_wait3A_563 = tpu.memref_squeeze %dma_wait3A_562 : memref<1x8x1x8x128xf32, #tpu.memory_space<hbm>> -> memref<8x8x128xf32, #tpu.memory_space<hbm>>
    %dma_wait3A_564 = arith.constant 0 : i32
    %dma_wait3A_565 = arith.constant 0 : i32
    %dma_wait3A_566 = arith.constant 0 : i32
    %dma_wait3A_567 = tpu.memref_slice %arg4[%select_n3A_538, %dma_wait3A_564, %select_n3A_554, %dma_wait3A_565, %dma_wait3A_566] : memref<50x8x128x8x128xf32, #tpu.memory_space<hbm>> -> memref<1x8x1x8x128xf32, #tpu.memory_space<hbm>>
    %dma_wait3A_568 = tpu.memref_squeeze %dma_wait3A_567 : memref<1x8x1x8x128xf32, #tpu.memory_space<hbm>> -> memref<8x8x128xf32, #tpu.memory_space<hbm>>
    %dma_wait3A_569 = arith.constant 0 : i32
    %dma_wait3A_570 = arith.constant 0 : i32
    %dma_wait3A_571 = arith.constant 0 : i32
    %dma_wait3A_572 = tpu.memref_slice %arg11[%dma_wait3A_569, %dma_wait3A_570, %dma_wait3A_571] : memref<8x8x129xf32, #tpu.memory_space<vmem>> -> memref<8x8x128xf32, #tpu.memory_space<vmem>>
    tpu.wait_dma2 semaphore(%arg19 : memref<!tpu.dma_semaphore, #tpu.memory_space<semaphore_mem>>) src(%dma_wait3A_572 : memref<8x8x128xf32, #tpu.memory_space<vmem>>) dst(%dma_wait3A_568 : memref<8x8x128xf32, #tpu.memory_space<hbm>>)
    %dma_wait3A_573 = arith.constant 197 : i32
    %dma_wait3A_574 = arith.constant 0 : i32
    %dma_wait3A_575 = tpu.memref_slice %arg5[%dma_wait3A_573, %dma_wait3A_574] : memref<200x128xi32, #tpu.memory_space<vmem>> -> memref<1x128xi32, #tpu.memory_space<vmem>>
    %dma_wait3A_576 = tpu.memref_squeeze %dma_wait3A_575 : memref<1x128xi32, #tpu.memory_space<vmem>> -> memref<128xi32, #tpu.memory_space<vmem>>
    %dma_wait3A_577 = arith.constant 0 : i32
    %dma_wait3A_578 = arith.constant 0 : i32
    %dma_wait3A_579 = tpu.memref_slice %arg3[%dma_wait3A_577, %dma_wait3A_578] : memref<100000x64xf32, #tpu.memory_space<hbm>> -> memref<100000x64xf32, #tpu.memory_space<hbm>>
    tpu.wait_indirect_dma semaphore(%arg15 : memref<!tpu.dma_semaphore, #tpu.memory_space<semaphore_mem>>) src(%dma_wait3A_579 : memref<100000x64xf32, #tpu.memory_space<hbm>>) dst(%arg7 : memref<128x64xf32, #tpu.memory_space<vmem>>)
    %scan3A_580 = arith.constant 0 : i32
    %scan3A_581 = arith.constant 0 : i32
    %scan3A_582 = arith.constant 16 : i32
    %scan3A_583 = arith.addi %scan3A_581, %scan3A_582 : i32
    %scan3A_584 = arith.constant 1 : i32
    scf.for %scan3A_1152 = %scan3A_581 to %scan3A_583 step %scan3A_584  : i32 {
      %mul3A_1153 = arith.constant 8 : i32
      %mul3A_1154 = arith.muli %scan3A_1152, %mul3A_1153 : i32
      %add3A_1155 = vector.broadcast %mul3A_1154 : i32 to vector<16xi32>
      %add3A_1156 = arith.addi %broadcast_in_dim3A_3, %add3A_1155 : vector<16xi32>
      %mul3A_1157 = arith.constant 8 : i32
      %mul3A_1158 = arith.muli %scan3A_1152, %mul3A_1157 : i32
      %get3A = arith.index_cast %mul3A_1158 : i32 to index
      %get3A_1159 = arith.constant 0 : index
      %get3A_1160 = tpu.vector_load %arg7[%get3A, %get3A_1159] {strides = array<i32>} : memref<128x64xf32, #tpu.memory_space<vmem>>, vector<16xf32>,
      %mul3A_1161 = arith.constant 8 : i32
      %mul3A_1162 = arith.muli %scan3A_1152, %mul3A_1161 : i32
      %get3A_1163 = arith.index_cast %mul3A_1162 : i32 to index
      %get3A_1164 = arith.constant 16 : index
      %get3A_1165 = tpu.vector_load %arg7[%get3A_1163, %get3A_1164] {strides = array<i32>} : memref<128x64xf32, #tpu.memory_space<vmem>>, vector<16xf32>,
      %mul3A_1166 = arith.constant 8 : i32
      %mul3A_1167 = arith.muli %scan3A_1152, %mul3A_1166 : i32
      %get3A_1168 = arith.index_cast %mul3A_1167 : i32 to index
      %get3A_1169 = arith.constant 32 : index
      %get3A_1170 = tpu.vector_load %arg7[%get3A_1168, %get3A_1169] {strides = array<i32>} : memref<128x64xf32, #tpu.memory_space<vmem>>, vector<16xf32>,
      %mul3A_1171 = arith.constant 8 : i32
      %mul3A_1172 = arith.muli %scan3A_1152, %mul3A_1171 : i32
      %get3A_1173 = arith.index_cast %mul3A_1172 : i32 to index
      %get3A_1174 = arith.constant 48 : index
      %get3A_1175 = tpu.vector_load %arg7[%get3A_1173, %get3A_1174] {strides = array<i32>} : memref<128x64xf32, #tpu.memory_space<vmem>>, vector<16xf32>,
      %mul3A_1176 = arith.constant 8 : i32
      %mul3A_1177 = arith.muli %scan3A_1152, %mul3A_1176 : i32
      %add3A_1178 = arith.constant 1 : i32
      %add3A_1179 = arith.addi %mul3A_1177, %add3A_1178 : i32
      %get3A_1180 = arith.index_cast %add3A_1179 : i32 to index
      %get3A_1181 = arith.constant 0 : index
      %get3A_1182 = tpu.vector_load %arg7[%get3A_1180, %get3A_1181] {strides = array<i32>} : memref<128x64xf32, #tpu.memory_space<vmem>>, vector<16xf32>,
      tpu.vector_store_idx %arg11[%shift_right_arithmetic3A_17, %and3A_28, %add3A_1156], %get3A_1160 : memref<8x8x129xf32, #tpu.memory_space<vmem>>[vector<16xi32>, vector<16xi32>, vector<16xi32>], vector<16xf32>,
      %get3A_1183 = arith.index_cast %add3A_1179 : i32 to index
      %get3A_1184 = arith.constant 16 : index
      %get3A_1185 = tpu.vector_load %arg7[%get3A_1183, %get3A_1184] {strides = array<i32>} : memref<128x64xf32, #tpu.memory_space<vmem>>, vector<16xf32>,
      tpu.vector_store_idx %arg11[%shift_right_arithmetic3A_20, %and3A_31, %add3A_1156], %get3A_1165 : memref<8x8x129xf32, #tpu.memory_space<vmem>>[vector<16xi32>, vector<16xi32>, vector<16xi32>], vector<16xf32>,
      %get3A_1186 = arith.index_cast %add3A_1179 : i32 to index
      %get3A_1187 = arith.constant 32 : index
      %get3A_1188 = tpu.vector_load %arg7[%get3A_1186, %get3A_1187] {strides = array<i32>} : memref<128x64xf32, #tpu.memory_space<vmem>>, vector<16xf32>,
      tpu.vector_store_idx %arg11[%shift_right_arithmetic3A_23, %and3A_34, %add3A_1156], %get3A_1170 : memref<8x8x129xf32, #tpu.memory_space<vmem>>[vector<16xi32>, vector<16xi32>, vector<16xi32>], vector<16xf32>,
      %get3A_1189 = arith.index_cast %add3A_1179 : i32 to index
      %get3A_1190 = arith.constant 48 : index
      %get3A_1191 = tpu.vector_load %arg7[%get3A_1189, %get3A_1190] {strides = array<i32>} : memref<128x64xf32, #tpu.memory_space<vmem>>, vector<16xf32>,
      tpu.vector_store_idx %arg11[%shift_right_arithmetic3A_26, %and3A_37, %add3A_1156], %get3A_1175 : memref<8x8x129xf32, #tpu.memory_space<vmem>>[vector<16xi32>, vector<16xi32>, vector<16xi32>], vector<16xf32>,
      %mul3A_1192 = arith.constant 8 : i32
      %mul3A_1193 = arith.muli %scan3A_1152, %mul3A_1192 : i32
      %add3A_1194 = arith.constant 2 : i32
      %add3A_1195 = arith.addi %mul3A_1193, %add3A_1194 : i32
      %add3A_1196 = arith.constant 1 : i32
      %add3A_1197 = vector.broadcast %add3A_1196 : i32 to vector<16xi32>
      %add3A_1198 = arith.addi %add3A_1156, %add3A_1197 : vector<16xi32>
      %get3A_1199 = arith.index_cast %add3A_1195 : i32 to index
      %get3A_1200 = arith.constant 0 : index
      %get3A_1201 = tpu.vector_load %arg7[%get3A_1199, %get3A_1200] {strides = array<i32>} : memref<128x64xf32, #tpu.memory_space<vmem>>, vector<16xf32>,
      tpu.vector_store_idx %arg11[%shift_right_arithmetic3A_17, %and3A_28, %add3A_1198], %get3A_1182 : memref<8x8x129xf32, #tpu.memory_space<vmem>>[vector<16xi32>, vector<16xi32>, vector<16xi32>], vector<16xf32>,
      %get3A_1202 = arith.index_cast %add3A_1195 : i32 to index
      %get3A_1203 = arith.constant 16 : index
      %get3A_1204 = tpu.vector_load %arg7[%get3A_1202, %get3A_1203] {strides = array<i32>} : memref<128x64xf32, #tpu.memory_space<vmem>>, vector<16xf32>,
      tpu.vector_store_idx %arg11[%shift_right_arithmetic3A_20, %and3A_31, %add3A_1198], %get3A_1185 : memref<8x8x129xf32, #tpu.memory_space<vmem>>[vector<16xi32>, vector<16xi32>, vector<16xi32>], vector<16xf32>,
      %get3A_1205 = arith.index_cast %add3A_1195 : i32 to index
      %get3A_1206 = arith.constant 32 : index
      %get3A_1207 = tpu.vector_load %arg7[%get3A_1205, %get3A_1206] {strides = array<i32>} : memref<128x64xf32, #tpu.memory_space<vmem>>, vector<16xf32>,
      tpu.vector_store_idx %arg11[%shift_right_arithmetic3A_23, %and3A_34, %add3A_1198], %get3A_1188 : memref<8x8x129xf32, #tpu.memory_space<vmem>>[vector<16xi32>, vector<16xi32>, vector<16xi32>], vector<16xf32>,
      %get3A_1208 = arith.index_cast %add3A_1195 : i32 to index
      %get3A_1209 = arith.constant 48 : index
      %get3A_1210 = tpu.vector_load %arg7[%get3A_1208, %get3A_1209] {strides = array<i32>} : memref<128x64xf32, #tpu.memory_space<vmem>>, vector<16xf32>,
      tpu.vector_store_idx %arg11[%shift_right_arithmetic3A_26, %and3A_37, %add3A_1198], %get3A_1191 : memref<8x8x129xf32, #tpu.memory_space<vmem>>[vector<16xi32>, vector<16xi32>, vector<16xi32>], vector<16xf32>,
      %mul3A_1211 = arith.constant 8 : i32
      %mul3A_1212 = arith.muli %scan3A_1152, %mul3A_1211 : i32
      %add3A_1213 = arith.constant 3 : i32
      %add3A_1214 = arith.addi %mul3A_1212, %add3A_1213 : i32
      %add3A_1215 = arith.constant 2 : i32
      %add3A_1216 = vector.broadcast %add3A_1215 : i32 to vector<16xi32>
      %add3A_1217 = arith.addi %add3A_1156, %add3A_1216 : vector<16xi32>
      %get3A_1218 = arith.index_cast %add3A_1214 : i32 to index
      %get3A_1219 = arith.constant 0 : index
      %get3A_1220 = tpu.vector_load %arg7[%get3A_1218, %get3A_1219] {strides = array<i32>} : memref<128x64xf32, #tpu.memory_space<vmem>>, vector<16xf32>,
      tpu.vector_store_idx %arg11[%shift_right_arithmetic3A_17, %and3A_28, %add3A_1217], %get3A_1201 : memref<8x8x129xf32, #tpu.memory_space<vmem>>[vector<16xi32>, vector<16xi32>, vector<16xi32>], vector<16xf32>,
      %get3A_1221 = arith.index_cast %add3A_1214 : i32 to index
      %get3A_1222 = arith.constant 16 : index
      %get3A_1223 = tpu.vector_load %arg7[%get3A_1221, %get3A_1222] {strides = array<i32>} : memref<128x64xf32, #tpu.memory_space<vmem>>, vector<16xf32>,
      tpu.vector_store_idx %arg11[%shift_right_arithmetic3A_20, %and3A_31, %add3A_1217], %get3A_1204 : memref<8x8x129xf32, #tpu.memory_space<vmem>>[vector<16xi32>, vector<16xi32>, vector<16xi32>], vector<16xf32>,
      %get3A_1224 = arith.index_cast %add3A_1214 : i32 to index
      %get3A_1225 = arith.constant 32 : index
      %get3A_1226 = tpu.vector_load %arg7[%get3A_1224, %get3A_1225] {strides = array<i32>} : memref<128x64xf32, #tpu.memory_space<vmem>>, vector<16xf32>,
      tpu.vector_store_idx %arg11[%shift_right_arithmetic3A_23, %and3A_34, %add3A_1217], %get3A_1207 : memref<8x8x129xf32, #tpu.memory_space<vmem>>[vector<16xi32>, vector<16xi32>, vector<16xi32>], vector<16xf32>,
      %get3A_1227 = arith.index_cast %add3A_1214 : i32 to index
      %get3A_1228 = arith.constant 48 : index
      %get3A_1229 = tpu.vector_load %arg7[%get3A_1227, %get3A_1228] {strides = array<i32>} : memref<128x64xf32, #tpu.memory_space<vmem>>, vector<16xf32>,
      tpu.vector_store_idx %arg11[%shift_right_arithmetic3A_26, %and3A_37, %add3A_1217], %get3A_1210 : memref<8x8x129xf32, #tpu.memory_space<vmem>>[vector<16xi32>, vector<16xi32>, vector<16xi32>], vector<16xf32>,
      %mul3A_1230 = arith.constant 8 : i32
      %mul3A_1231 = arith.muli %scan3A_1152, %mul3A_1230 : i32
      %add3A_1232 = arith.constant 4 : i32
      %add3A_1233 = arith.addi %mul3A_1231, %add3A_1232 : i32
      %add3A_1234 = arith.constant 3 : i32
      %add3A_1235 = vector.broadcast %add3A_1234 : i32 to vector<16xi32>
      %add3A_1236 = arith.addi %add3A_1156, %add3A_1235 : vector<16xi32>
      %get3A_1237 = arith.index_cast %add3A_1233 : i32 to index
      %get3A_1238 = arith.constant 0 : index
      %get3A_1239 = tpu.vector_load %arg7[%get3A_1237, %get3A_1238] {strides = array<i32>} : memref<128x64xf32, #tpu.memory_space<vmem>>, vector<16xf32>,
      tpu.vector_store_idx %arg11[%shift_right_arithmetic3A_17, %and3A_28, %add3A_1236], %get3A_1220 : memref<8x8x129xf32, #tpu.memory_space<vmem>>[vector<16xi32>, vector<16xi32>, vector<16xi32>], vector<16xf32>,
      %get3A_1240 = arith.index_cast %add3A_1233 : i32 to index
      %get3A_1241 = arith.constant 16 : index
      %get3A_1242 = tpu.vector_load %arg7[%get3A_1240, %get3A_1241] {strides = array<i32>} : memref<128x64xf32, #tpu.memory_space<vmem>>, vector<16xf32>,
      tpu.vector_store_idx %arg11[%shift_right_arithmetic3A_20, %and3A_31, %add3A_1236], %get3A_1223 : memref<8x8x129xf32, #tpu.memory_space<vmem>>[vector<16xi32>, vector<16xi32>, vector<16xi32>], vector<16xf32>,
      %get3A_1243 = arith.index_cast %add3A_1233 : i32 to index
      %get3A_1244 = arith.constant 32 : index
      %get3A_1245 = tpu.vector_load %arg7[%get3A_1243, %get3A_1244] {strides = array<i32>} : memref<128x64xf32, #tpu.memory_space<vmem>>, vector<16xf32>,
      tpu.vector_store_idx %arg11[%shift_right_arithmetic3A_23, %and3A_34, %add3A_1236], %get3A_1226 : memref<8x8x129xf32, #tpu.memory_space<vmem>>[vector<16xi32>, vector<16xi32>, vector<16xi32>], vector<16xf32>,
      %get3A_1246 = arith.index_cast %add3A_1233 : i32 to index
      %get3A_1247 = arith.constant 48 : index
      %get3A_1248 = tpu.vector_load %arg7[%get3A_1246, %get3A_1247] {strides = array<i32>} : memref<128x64xf32, #tpu.memory_space<vmem>>, vector<16xf32>,
      tpu.vector_store_idx %arg11[%shift_right_arithmetic3A_26, %and3A_37, %add3A_1236], %get3A_1229 : memref<8x8x129xf32, #tpu.memory_space<vmem>>[vector<16xi32>, vector<16xi32>, vector<16xi32>], vector<16xf32>,
      %mul3A_1249 = arith.constant 8 : i32
      %mul3A_1250 = arith.muli %scan3A_1152, %mul3A_1249 : i32
      %add3A_1251 = arith.constant 5 : i32
      %add3A_1252 = arith.addi %mul3A_1250, %add3A_1251 : i32
      %add3A_1253 = arith.constant 4 : i32
      %add3A_1254 = vector.broadcast %add3A_1253 : i32 to vector<16xi32>
      %add3A_1255 = arith.addi %add3A_1156, %add3A_1254 : vector<16xi32>
      %get3A_1256 = arith.index_cast %add3A_1252 : i32 to index
      %get3A_1257 = arith.constant 0 : index
      %get3A_1258 = tpu.vector_load %arg7[%get3A_1256, %get3A_1257] {strides = array<i32>} : memref<128x64xf32, #tpu.memory_space<vmem>>, vector<16xf32>,
      tpu.vector_store_idx %arg11[%shift_right_arithmetic3A_17, %and3A_28, %add3A_1255], %get3A_1239 : memref<8x8x129xf32, #tpu.memory_space<vmem>>[vector<16xi32>, vector<16xi32>, vector<16xi32>], vector<16xf32>,
      %get3A_1259 = arith.index_cast %add3A_1252 : i32 to index
      %get3A_1260 = arith.constant 16 : index
      %get3A_1261 = tpu.vector_load %arg7[%get3A_1259, %get3A_1260] {strides = array<i32>} : memref<128x64xf32, #tpu.memory_space<vmem>>, vector<16xf32>,
      tpu.vector_store_idx %arg11[%shift_right_arithmetic3A_20, %and3A_31, %add3A_1255], %get3A_1242 : memref<8x8x129xf32, #tpu.memory_space<vmem>>[vector<16xi32>, vector<16xi32>, vector<16xi32>], vector<16xf32>,
      %get3A_1262 = arith.index_cast %add3A_1252 : i32 to index
      %get3A_1263 = arith.constant 32 : index
      %get3A_1264 = tpu.vector_load %arg7[%get3A_1262, %get3A_1263] {strides = array<i32>} : memref<128x64xf32, #tpu.memory_space<vmem>>, vector<16xf32>,
      tpu.vector_store_idx %arg11[%shift_right_arithmetic3A_23, %and3A_34, %add3A_1255], %get3A_1245 : memref<8x8x129xf32, #tpu.memory_space<vmem>>[vector<16xi32>, vector<16xi32>, vector<16xi32>], vector<16xf32>,
      %get3A_1265 = arith.index_cast %add3A_1252 : i32 to index
      %get3A_1266 = arith.constant 48 : index
      %get3A_1267 = tpu.vector_load %arg7[%get3A_1265, %get3A_1266] {strides = array<i32>} : memref<128x64xf32, #tpu.memory_space<vmem>>, vector<16xf32>,
      tpu.vector_store_idx %arg11[%shift_right_arithmetic3A_26, %and3A_37, %add3A_1255], %get3A_1248 : memref<8x8x129xf32, #tpu.memory_space<vmem>>[vector<16xi32>, vector<16xi32>, vector<16xi32>], vector<16xf32>,
      %mul3A_1268 = arith.constant 8 : i32
      %mul3A_1269 = arith.muli %scan3A_1152, %mul3A_1268 : i32
      %add3A_1270 = arith.constant 6 : i32
      %add3A_1271 = arith.addi %mul3A_1269, %add3A_1270 : i32
      %add3A_1272 = arith.constant 5 : i32
      %add3A_1273 = vector.broadcast %add3A_1272 : i32 to vector<16xi32>
      %add3A_1274 = arith.addi %add3A_1156, %add3A_1273 : vector<16xi32>
      %get3A_1275 = arith.index_cast %add3A_1271 : i32 to index
      %get3A_1276 = arith.constant 0 : index
      %get3A_1277 = tpu.vector_load %arg7[%get3A_1275, %get3A_1276] {strides = array<i32>} : memref<128x64xf32, #tpu.memory_space<vmem>>, vector<16xf32>,
      tpu.vector_store_idx %arg11[%shift_right_arithmetic3A_17, %and3A_28, %add3A_1274], %get3A_1258 : memref<8x8x129xf32, #tpu.memory_space<vmem>>[vector<16xi32>, vector<16xi32>, vector<16xi32>], vector<16xf32>,
      %get3A_1278 = arith.index_cast %add3A_1271 : i32 to index
      %get3A_1279 = arith.constant 16 : index
      %get3A_1280 = tpu.vector_load %arg7[%get3A_1278, %get3A_1279] {strides = array<i32>} : memref<128x64xf32, #tpu.memory_space<vmem>>, vector<16xf32>,
      tpu.vector_store_idx %arg11[%shift_right_arithmetic3A_20, %and3A_31, %add3A_1274], %get3A_1261 : memref<8x8x129xf32, #tpu.memory_space<vmem>>[vector<16xi32>, vector<16xi32>, vector<16xi32>], vector<16xf32>,
      %get3A_1281 = arith.index_cast %add3A_1271 : i32 to index
      %get3A_1282 = arith.constant 32 : index
      %get3A_1283 = tpu.vector_load %arg7[%get3A_1281, %get3A_1282] {strides = array<i32>} : memref<128x64xf32, #tpu.memory_space<vmem>>, vector<16xf32>,
      tpu.vector_store_idx %arg11[%shift_right_arithmetic3A_23, %and3A_34, %add3A_1274], %get3A_1264 : memref<8x8x129xf32, #tpu.memory_space<vmem>>[vector<16xi32>, vector<16xi32>, vector<16xi32>], vector<16xf32>,
      %get3A_1284 = arith.index_cast %add3A_1271 : i32 to index
      %get3A_1285 = arith.constant 48 : index
      %get3A_1286 = tpu.vector_load %arg7[%get3A_1284, %get3A_1285] {strides = array<i32>} : memref<128x64xf32, #tpu.memory_space<vmem>>, vector<16xf32>,
      tpu.vector_store_idx %arg11[%shift_right_arithmetic3A_26, %and3A_37, %add3A_1274], %get3A_1267 : memref<8x8x129xf32, #tpu.memory_space<vmem>>[vector<16xi32>, vector<16xi32>, vector<16xi32>], vector<16xf32>,
      %mul3A_1287 = arith.constant 8 : i32
      %mul3A_1288 = arith.muli %scan3A_1152, %mul3A_1287 : i32
      %add3A_1289 = arith.constant 7 : i32
      %add3A_1290 = arith.addi %mul3A_1288, %add3A_1289 : i32
      %add3A_1291 = arith.constant 6 : i32
      %add3A_1292 = vector.broadcast %add3A_1291 : i32 to vector<16xi32>
      %add3A_1293 = arith.addi %add3A_1156, %add3A_1292 : vector<16xi32>
      %get3A_1294 = arith.index_cast %add3A_1290 : i32 to index
      %get3A_1295 = arith.constant 0 : index
      %get3A_1296 = tpu.vector_load %arg7[%get3A_1294, %get3A_1295] {strides = array<i32>} : memref<128x64xf32, #tpu.memory_space<vmem>>, vector<16xf32>,
      tpu.vector_store_idx %arg11[%shift_right_arithmetic3A_17, %and3A_28, %add3A_1293], %get3A_1277 : memref<8x8x129xf32, #tpu.memory_space<vmem>>[vector<16xi32>, vector<16xi32>, vector<16xi32>], vector<16xf32>,
      %get3A_1297 = arith.index_cast %add3A_1290 : i32 to index
      %get3A_1298 = arith.constant 16 : index
      %get3A_1299 = tpu.vector_load %arg7[%get3A_1297, %get3A_1298] {strides = array<i32>} : memref<128x64xf32, #tpu.memory_space<vmem>>, vector<16xf32>,
      tpu.vector_store_idx %arg11[%shift_right_arithmetic3A_20, %and3A_31, %add3A_1293], %get3A_1280 : memref<8x8x129xf32, #tpu.memory_space<vmem>>[vector<16xi32>, vector<16xi32>, vector<16xi32>], vector<16xf32>,
      %get3A_1300 = arith.index_cast %add3A_1290 : i32 to index
      %get3A_1301 = arith.constant 32 : index
      %get3A_1302 = tpu.vector_load %arg7[%get3A_1300, %get3A_1301] {strides = array<i32>} : memref<128x64xf32, #tpu.memory_space<vmem>>, vector<16xf32>,
      tpu.vector_store_idx %arg11[%shift_right_arithmetic3A_23, %and3A_34, %add3A_1293], %get3A_1283 : memref<8x8x129xf32, #tpu.memory_space<vmem>>[vector<16xi32>, vector<16xi32>, vector<16xi32>], vector<16xf32>,
      %get3A_1303 = arith.index_cast %add3A_1290 : i32 to index
      %get3A_1304 = arith.constant 48 : index
      %get3A_1305 = tpu.vector_load %arg7[%get3A_1303, %get3A_1304] {strides = array<i32>} : memref<128x64xf32, #tpu.memory_space<vmem>>, vector<16xf32>,
      tpu.vector_store_idx %arg11[%shift_right_arithmetic3A_26, %and3A_37, %add3A_1293], %get3A_1286 : memref<8x8x129xf32, #tpu.memory_space<vmem>>[vector<16xi32>, vector<16xi32>, vector<16xi32>], vector<16xf32>,
      %add3A_1306 = arith.constant 7 : i32
      %add3A_1307 = vector.broadcast %add3A_1306 : i32 to vector<16xi32>
      %add3A_1308 = arith.addi %add3A_1156, %add3A_1307 : vector<16xi32>
      tpu.vector_store_idx %arg11[%shift_right_arithmetic3A_17, %and3A_28, %add3A_1308], %get3A_1296 : memref<8x8x129xf32, #tpu.memory_space<vmem>>[vector<16xi32>, vector<16xi32>, vector<16xi32>], vector<16xf32>,
      tpu.vector_store_idx %arg11[%shift_right_arithmetic3A_20, %and3A_31, %add3A_1308], %get3A_1299 : memref<8x8x129xf32, #tpu.memory_space<vmem>>[vector<16xi32>, vector<16xi32>, vector<16xi32>], vector<16xf32>,
      tpu.vector_store_idx %arg11[%shift_right_arithmetic3A_23, %and3A_34, %add3A_1308], %get3A_1302 : memref<8x8x129xf32, #tpu.memory_space<vmem>>[vector<16xi32>, vector<16xi32>, vector<16xi32>], vector<16xf32>,
      tpu.vector_store_idx %arg11[%shift_right_arithmetic3A_26, %and3A_37, %add3A_1308], %get3A_1305 : memref<8x8x129xf32, #tpu.memory_space<vmem>>[vector<16xi32>, vector<16xi32>, vector<16xi32>], vector<16xf32>,
    }
    %scan3A_585 = arith.constant 16 : i32
    %add3A_586 = arith.constant 197 : i32
    %add3A_587 = arith.addi %mul3A_2, %add3A_586 : i32
    %jit3A_588 = arith.constant 128 : i32
    %div3A_589 = arith.divsi %add3A_587, %jit3A_588 : i32
    %sign3A_590 = arith.constant 0 : i32
    %sign3A_591 = arith.cmpi sgt, %add3A_587, %sign3A_590 : i32
    %sign3A_592 = arith.extui %sign3A_591 : i1 to i32
    %sign3A_593 = arith.constant 0 : i32
    %sign3A_594 = arith.cmpi slt, %add3A_587, %sign3A_593 : i32
    %sign3A_595 = arith.extui %sign3A_594 : i1 to i32
    %sign3A_596 = arith.subi %sign3A_592, %sign3A_595 : i32
    %sign3A_597 = arith.constant 0 : i32
    %sign3A_598 = arith.cmpi sgt, %jit3A_588, %sign3A_597 : i32
    %sign3A_599 = arith.extui %sign3A_598 : i1 to i32
    %sign3A_600 = arith.constant 0 : i32
    %sign3A_601 = arith.cmpi slt, %jit3A_588, %sign3A_600 : i32
    %sign3A_602 = arith.extui %sign3A_601 : i1 to i32
    %sign3A_603 = arith.subi %sign3A_599, %sign3A_602 : i32
    %ne3A_604 = arith.cmpi ne, %sign3A_596, %sign3A_603 : i32
    %rem3A_605 = arith.remsi %add3A_587, %jit3A_588 : i32
    %ne3A_606 = arith.constant 0 : i32
    %ne3A_607 = arith.cmpi ne, %rem3A_605, %ne3A_606 : i32
    %and3A_608 = arith.andi %ne3A_604, %ne3A_607 : i1
    %sub3A_609 = arith.constant 1 : i32
    %sub3A_610 = arith.subi %div3A_589, %sub3A_609 : i32
    %select_n3A_611 = arith.select %and3A_608, %sub3A_610, %div3A_589 : i32
    %jit3A_612 = arith.constant 128 : i32
    %eq3A_613 = arith.constant 0 : i32
    %eq3A_614 = arith.cmpi eq, %jit3A_612, %eq3A_613 : i32
    %jit3A_615 = arith.constant 1 : i32
    %select_n3A_616 = arith.select %eq3A_614, %jit3A_615, %jit3A_612 : i32
    %rem3A_617 = arith.remsi %add3A_587, %select_n3A_616 : i32
    %ne3A_618 = arith.constant 0 : i32
    %ne3A_619 = arith.cmpi ne, %rem3A_617, %ne3A_618 : i32
    %lt3A_620 = arith.constant 0 : i32
    %lt3A_621 = arith.cmpi slt, %rem3A_617, %lt3A_620 : i32
    %lt3A_622 = arith.constant 0 : i32
    %lt3A_623 = arith.cmpi slt, %select_n3A_616, %lt3A_622 : i32
    %ne3A_624 = arith.xori %lt3A_621, %lt3A_623 : i1
    %and3A_625 = arith.andi %ne3A_624, %ne3A_619 : i1
    %add3A_626 = arith.addi %rem3A_617, %select_n3A_616 : i32
    %select_n3A_627 = arith.select %and3A_625, %add3A_626, %rem3A_617 : i32
    %dma_start3A_628 = arith.constant 0 : i32
    %dma_start3A_629 = arith.constant 0 : i32
    %dma_start3A_630 = arith.constant 0 : i32
    %dma_start3A_631 = tpu.memref_slice %arg11[%dma_start3A_628, %dma_start3A_629, %dma_start3A_630] : memref<8x8x129xf32, #tpu.memory_space<vmem>> -> memref<8x8x128xf32, #tpu.memory_space<vmem>>
    %dma_start3A_632 = arith.constant 0 : i32
    %dma_start3A_633 = arith.constant 0 : i32
    %dma_start3A_634 = arith.constant 0 : i32
    %dma_start3A_635 = tpu.memref_slice %arg4[%select_n3A_611, %dma_start3A_632, %select_n3A_627, %dma_start3A_633, %dma_start3A_634] : memref<50x8x128x8x128xf32, #tpu.memory_space<hbm>> -> memref<1x8x1x8x128xf32, #tpu.memory_space<hbm>>
    %dma_start3A_636 = tpu.memref_squeeze %dma_start3A_635 : memref<1x8x1x8x128xf32, #tpu.memory_space<hbm>> -> memref<8x8x128xf32, #tpu.memory_space<hbm>>
    %dma_start3A_637 = arith.constant 0 : i32
    %dma_start3A_638 = arith.constant 0 : i32
    %dma_start3A_639 = arith.constant 0 : i32
    %dma_start3A_640 = tpu.memref_slice %arg4[%select_n3A_611, %dma_start3A_637, %select_n3A_627, %dma_start3A_638, %dma_start3A_639] : memref<50x8x128x8x128xf32, #tpu.memory_space<hbm>> -> memref<1x8x1x8x128xf32, #tpu.memory_space<hbm>>
    %dma_start3A_641 = tpu.memref_squeeze %dma_start3A_640 : memref<1x8x1x8x128xf32, #tpu.memory_space<hbm>> -> memref<8x8x128xf32, #tpu.memory_space<hbm>>
    %dma_start3A_642 = arith.constant 0 : i32
    %dma_start3A_643 = arith.constant 0 : i32
    %dma_start3A_644 = arith.constant 0 : i32
    %dma_start3A_645 = tpu.memref_slice %arg11[%dma_start3A_642, %dma_start3A_643, %dma_start3A_644] : memref<8x8x129xf32, #tpu.memory_space<vmem>> -> memref<8x8x128xf32, #tpu.memory_space<vmem>>
    tpu.enqueue_dma source(%dma_start3A_645 : memref<8x8x128xf32, #tpu.memory_space<vmem>>) target(%dma_start3A_641 : memref<8x8x128xf32, #tpu.memory_space<hbm>>) target_semaphore(%arg19 : memref<!tpu.dma_semaphore, #tpu.memory_space<semaphore_mem>>)
    %add3A_646 = arith.constant 194 : i32
    %add3A_647 = arith.addi %mul3A_2, %add3A_646 : i32
    %jit3A_648 = arith.constant 128 : i32
    %div3A_649 = arith.divsi %add3A_647, %jit3A_648 : i32
    %sign3A_650 = arith.constant 0 : i32
    %sign3A_651 = arith.cmpi sgt, %add3A_647, %sign3A_650 : i32
    %sign3A_652 = arith.extui %sign3A_651 : i1 to i32
    %sign3A_653 = arith.constant 0 : i32
    %sign3A_654 = arith.cmpi slt, %add3A_647, %sign3A_653 : i32
    %sign3A_655 = arith.extui %sign3A_654 : i1 to i32
    %sign3A_656 = arith.subi %sign3A_652, %sign3A_655 : i32
    %sign3A_657 = arith.constant 0 : i32
    %sign3A_658 = arith.cmpi sgt, %jit3A_648, %sign3A_657 : i32
    %sign3A_659 = arith.extui %sign3A_658 : i1 to i32
    %sign3A_660 = arith.constant 0 : i32
    %sign3A_661 = arith.cmpi slt, %jit3A_648, %sign3A_660 : i32
    %sign3A_662 = arith.extui %sign3A_661 : i1 to i32
    %sign3A_663 = arith.subi %sign3A_659, %sign3A_662 : i32
    %ne3A_664 = arith.cmpi ne, %sign3A_656, %sign3A_663 : i32
    %rem3A_665 = arith.remsi %add3A_647, %jit3A_648 : i32
    %ne3A_666 = arith.constant 0 : i32
    %ne3A_667 = arith.cmpi ne, %rem3A_665, %ne3A_666 : i32
    %and3A_668 = arith.andi %ne3A_664, %ne3A_667 : i1
    %sub3A_669 = arith.constant 1 : i32
    %sub3A_670 = arith.subi %div3A_649, %sub3A_669 : i32
    %select_n3A_671 = arith.select %and3A_668, %sub3A_670, %div3A_649 : i32
    %jit3A_672 = arith.constant 128 : i32
    %eq3A_673 = arith.constant 0 : i32
    %eq3A_674 = arith.cmpi eq, %jit3A_672, %eq3A_673 : i32
    %jit3A_675 = arith.constant 1 : i32
    %select_n3A_676 = arith.select %eq3A_674, %jit3A_675, %jit3A_672 : i32
    %rem3A_677 = arith.remsi %add3A_647, %select_n3A_676 : i32
    %ne3A_678 = arith.constant 0 : i32
    %ne3A_679 = arith.cmpi ne, %rem3A_677, %ne3A_678 : i32
    %lt3A_680 = arith.constant 0 : i32
    %lt3A_681 = arith.cmpi slt, %rem3A_677, %lt3A_680 : i32
    %lt3A_682 = arith.constant 0 : i32
    %lt3A_683 = arith.cmpi slt, %select_n3A_676, %lt3A_682 : i32
    %ne3A_684 = arith.xori %lt3A_681, %lt3A_683 : i1
    %and3A_685 = arith.andi %ne3A_684, %ne3A_679 : i1
    %add3A_686 = arith.addi %rem3A_677, %select_n3A_676 : i32
    %select_n3A_687 = arith.select %and3A_685, %add3A_686, %rem3A_677 : i32
    %dma_wait3A_688 = arith.constant 0 : i32
    %dma_wait3A_689 = arith.constant 0 : i32
    %dma_wait3A_690 = arith.constant 0 : i32
    %dma_wait3A_691 = tpu.memref_slice %arg12[%dma_wait3A_688, %dma_wait3A_689, %dma_wait3A_690] : memref<8x8x129xf32, #tpu.memory_space<vmem>> -> memref<8x8x128xf32, #tpu.memory_space<vmem>>
    %dma_wait3A_692 = arith.constant 0 : i32
    %dma_wait3A_693 = arith.constant 0 : i32
    %dma_wait3A_694 = arith.constant 0 : i32
    %dma_wait3A_695 = tpu.memref_slice %arg4[%select_n3A_671, %dma_wait3A_692, %select_n3A_687, %dma_wait3A_693, %dma_wait3A_694] : memref<50x8x128x8x128xf32, #tpu.memory_space<hbm>> -> memref<1x8x1x8x128xf32, #tpu.memory_space<hbm>>
    %dma_wait3A_696 = tpu.memref_squeeze %dma_wait3A_695 : memref<1x8x1x8x128xf32, #tpu.memory_space<hbm>> -> memref<8x8x128xf32, #tpu.memory_space<hbm>>
    %dma_wait3A_697 = arith.constant 0 : i32
    %dma_wait3A_698 = arith.constant 0 : i32
    %dma_wait3A_699 = arith.constant 0 : i32
    %dma_wait3A_700 = tpu.memref_slice %arg4[%select_n3A_671, %dma_wait3A_697, %select_n3A_687, %dma_wait3A_698, %dma_wait3A_699] : memref<50x8x128x8x128xf32, #tpu.memory_space<hbm>> -> memref<1x8x1x8x128xf32, #tpu.memory_space<hbm>>
    %dma_wait3A_701 = tpu.memref_squeeze %dma_wait3A_700 : memref<1x8x1x8x128xf32, #tpu.memory_space<hbm>> -> memref<8x8x128xf32, #tpu.memory_space<hbm>>
    %dma_wait3A_702 = arith.constant 0 : i32
    %dma_wait3A_703 = arith.constant 0 : i32
    %dma_wait3A_704 = arith.constant 0 : i32
    %dma_wait3A_705 = tpu.memref_slice %arg12[%dma_wait3A_702, %dma_wait3A_703, %dma_wait3A_704] : memref<8x8x129xf32, #tpu.memory_space<vmem>> -> memref<8x8x128xf32, #tpu.memory_space<vmem>>
    tpu.wait_dma2 semaphore(%arg20 : memref<!tpu.dma_semaphore, #tpu.memory_space<semaphore_mem>>) src(%dma_wait3A_705 : memref<8x8x128xf32, #tpu.memory_space<vmem>>) dst(%dma_wait3A_701 : memref<8x8x128xf32, #tpu.memory_space<hbm>>)
    %dma_wait3A_706 = arith.constant 198 : i32
    %dma_wait3A_707 = arith.constant 0 : i32
    %dma_wait3A_708 = tpu.memref_slice %arg5[%dma_wait3A_706, %dma_wait3A_707] : memref<200x128xi32, #tpu.memory_space<vmem>> -> memref<1x128xi32, #tpu.memory_space<vmem>>
    %dma_wait3A_709 = tpu.memref_squeeze %dma_wait3A_708 : memref<1x128xi32, #tpu.memory_space<vmem>> -> memref<128xi32, #tpu.memory_space<vmem>>
    %dma_wait3A_710 = arith.constant 0 : i32
    %dma_wait3A_711 = arith.constant 0 : i32
    %dma_wait3A_712 = tpu.memref_slice %arg3[%dma_wait3A_710, %dma_wait3A_711] : memref<100000x64xf32, #tpu.memory_space<hbm>> -> memref<100000x64xf32, #tpu.memory_space<hbm>>
    tpu.wait_indirect_dma semaphore(%arg16 : memref<!tpu.dma_semaphore, #tpu.memory_space<semaphore_mem>>) src(%dma_wait3A_712 : memref<100000x64xf32, #tpu.memory_space<hbm>>) dst(%arg8 : memref<128x64xf32, #tpu.memory_space<vmem>>)
    %scan3A_713 = arith.constant 0 : i32
    %scan3A_714 = arith.constant 0 : i32
    %scan3A_715 = arith.constant 16 : i32
    %scan3A_716 = arith.addi %scan3A_714, %scan3A_715 : i32
    %scan3A_717 = arith.constant 1 : i32
    scf.for %scan3A_1152 = %scan3A_714 to %scan3A_716 step %scan3A_717  : i32 {
      %mul3A_1153 = arith.constant 8 : i32
      %mul3A_1154 = arith.muli %scan3A_1152, %mul3A_1153 : i32
      %add3A_1155 = vector.broadcast %mul3A_1154 : i32 to vector<16xi32>
      %add3A_1156 = arith.addi %broadcast_in_dim3A_3, %add3A_1155 : vector<16xi32>
      %mul3A_1157 = arith.constant 8 : i32
      %mul3A_1158 = arith.muli %scan3A_1152, %mul3A_1157 : i32
      %get3A = arith.index_cast %mul3A_1158 : i32 to index
      %get3A_1159 = arith.constant 0 : index
      %get3A_1160 = tpu.vector_load %arg8[%get3A, %get3A_1159] {strides = array<i32>} : memref<128x64xf32, #tpu.memory_space<vmem>>, vector<16xf32>,
      %mul3A_1161 = arith.constant 8 : i32
      %mul3A_1162 = arith.muli %scan3A_1152, %mul3A_1161 : i32
      %get3A_1163 = arith.index_cast %mul3A_1162 : i32 to index
      %get3A_1164 = arith.constant 16 : index
      %get3A_1165 = tpu.vector_load %arg8[%get3A_1163, %get3A_1164] {strides = array<i32>} : memref<128x64xf32, #tpu.memory_space<vmem>>, vector<16xf32>,
      %mul3A_1166 = arith.constant 8 : i32
      %mul3A_1167 = arith.muli %scan3A_1152, %mul3A_1166 : i32
      %get3A_1168 = arith.index_cast %mul3A_1167 : i32 to index
      %get3A_1169 = arith.constant 32 : index
      %get3A_1170 = tpu.vector_load %arg8[%get3A_1168, %get3A_1169] {strides = array<i32>} : memref<128x64xf32, #tpu.memory_space<vmem>>, vector<16xf32>,
      %mul3A_1171 = arith.constant 8 : i32
      %mul3A_1172 = arith.muli %scan3A_1152, %mul3A_1171 : i32
      %get3A_1173 = arith.index_cast %mul3A_1172 : i32 to index
      %get3A_1174 = arith.constant 48 : index
      %get3A_1175 = tpu.vector_load %arg8[%get3A_1173, %get3A_1174] {strides = array<i32>} : memref<128x64xf32, #tpu.memory_space<vmem>>, vector<16xf32>,
      %mul3A_1176 = arith.constant 8 : i32
      %mul3A_1177 = arith.muli %scan3A_1152, %mul3A_1176 : i32
      %add3A_1178 = arith.constant 1 : i32
      %add3A_1179 = arith.addi %mul3A_1177, %add3A_1178 : i32
      %get3A_1180 = arith.index_cast %add3A_1179 : i32 to index
      %get3A_1181 = arith.constant 0 : index
      %get3A_1182 = tpu.vector_load %arg8[%get3A_1180, %get3A_1181] {strides = array<i32>} : memref<128x64xf32, #tpu.memory_space<vmem>>, vector<16xf32>,
      tpu.vector_store_idx %arg12[%shift_right_arithmetic3A_17, %and3A_28, %add3A_1156], %get3A_1160 : memref<8x8x129xf32, #tpu.memory_space<vmem>>[vector<16xi32>, vector<16xi32>, vector<16xi32>], vector<16xf32>,
      %get3A_1183 = arith.index_cast %add3A_1179 : i32 to index
      %get3A_1184 = arith.constant 16 : index
      %get3A_1185 = tpu.vector_load %arg8[%get3A_1183, %get3A_1184] {strides = array<i32>} : memref<128x64xf32, #tpu.memory_space<vmem>>, vector<16xf32>,
      tpu.vector_store_idx %arg12[%shift_right_arithmetic3A_20, %and3A_31, %add3A_1156], %get3A_1165 : memref<8x8x129xf32, #tpu.memory_space<vmem>>[vector<16xi32>, vector<16xi32>, vector<16xi32>], vector<16xf32>,
      %get3A_1186 = arith.index_cast %add3A_1179 : i32 to index
      %get3A_1187 = arith.constant 32 : index
      %get3A_1188 = tpu.vector_load %arg8[%get3A_1186, %get3A_1187] {strides = array<i32>} : memref<128x64xf32, #tpu.memory_space<vmem>>, vector<16xf32>,
      tpu.vector_store_idx %arg12[%shift_right_arithmetic3A_23, %and3A_34, %add3A_1156], %get3A_1170 : memref<8x8x129xf32, #tpu.memory_space<vmem>>[vector<16xi32>, vector<16xi32>, vector<16xi32>], vector<16xf32>,
      %get3A_1189 = arith.index_cast %add3A_1179 : i32 to index
      %get3A_1190 = arith.constant 48 : index
      %get3A_1191 = tpu.vector_load %arg8[%get3A_1189, %get3A_1190] {strides = array<i32>} : memref<128x64xf32, #tpu.memory_space<vmem>>, vector<16xf32>,
      tpu.vector_store_idx %arg12[%shift_right_arithmetic3A_26, %and3A_37, %add3A_1156], %get3A_1175 : memref<8x8x129xf32, #tpu.memory_space<vmem>>[vector<16xi32>, vector<16xi32>, vector<16xi32>], vector<16xf32>,
      %mul3A_1192 = arith.constant 8 : i32
      %mul3A_1193 = arith.muli %scan3A_1152, %mul3A_1192 : i32
      %add3A_1194 = arith.constant 2 : i32
      %add3A_1195 = arith.addi %mul3A_1193, %add3A_1194 : i32
      %add3A_1196 = arith.constant 1 : i32
      %add3A_1197 = vector.broadcast %add3A_1196 : i32 to vector<16xi32>
      %add3A_1198 = arith.addi %add3A_1156, %add3A_1197 : vector<16xi32>
      %get3A_1199 = arith.index_cast %add3A_1195 : i32 to index
      %get3A_1200 = arith.constant 0 : index
      %get3A_1201 = tpu.vector_load %arg8[%get3A_1199, %get3A_1200] {strides = array<i32>} : memref<128x64xf32, #tpu.memory_space<vmem>>, vector<16xf32>,
      tpu.vector_store_idx %arg12[%shift_right_arithmetic3A_17, %and3A_28, %add3A_1198], %get3A_1182 : memref<8x8x129xf32, #tpu.memory_space<vmem>>[vector<16xi32>, vector<16xi32>, vector<16xi32>], vector<16xf32>,
      %get3A_1202 = arith.index_cast %add3A_1195 : i32 to index
      %get3A_1203 = arith.constant 16 : index
      %get3A_1204 = tpu.vector_load %arg8[%get3A_1202, %get3A_1203] {strides = array<i32>} : memref<128x64xf32, #tpu.memory_space<vmem>>, vector<16xf32>,
      tpu.vector_store_idx %arg12[%shift_right_arithmetic3A_20, %and3A_31, %add3A_1198], %get3A_1185 : memref<8x8x129xf32, #tpu.memory_space<vmem>>[vector<16xi32>, vector<16xi32>, vector<16xi32>], vector<16xf32>,
      %get3A_1205 = arith.index_cast %add3A_1195 : i32 to index
      %get3A_1206 = arith.constant 32 : index
      %get3A_1207 = tpu.vector_load %arg8[%get3A_1205, %get3A_1206] {strides = array<i32>} : memref<128x64xf32, #tpu.memory_space<vmem>>, vector<16xf32>,
      tpu.vector_store_idx %arg12[%shift_right_arithmetic3A_23, %and3A_34, %add3A_1198], %get3A_1188 : memref<8x8x129xf32, #tpu.memory_space<vmem>>[vector<16xi32>, vector<16xi32>, vector<16xi32>], vector<16xf32>,
      %get3A_1208 = arith.index_cast %add3A_1195 : i32 to index
      %get3A_1209 = arith.constant 48 : index
      %get3A_1210 = tpu.vector_load %arg8[%get3A_1208, %get3A_1209] {strides = array<i32>} : memref<128x64xf32, #tpu.memory_space<vmem>>, vector<16xf32>,
      tpu.vector_store_idx %arg12[%shift_right_arithmetic3A_26, %and3A_37, %add3A_1198], %get3A_1191 : memref<8x8x129xf32, #tpu.memory_space<vmem>>[vector<16xi32>, vector<16xi32>, vector<16xi32>], vector<16xf32>,
      %mul3A_1211 = arith.constant 8 : i32
      %mul3A_1212 = arith.muli %scan3A_1152, %mul3A_1211 : i32
      %add3A_1213 = arith.constant 3 : i32
      %add3A_1214 = arith.addi %mul3A_1212, %add3A_1213 : i32
      %add3A_1215 = arith.constant 2 : i32
      %add3A_1216 = vector.broadcast %add3A_1215 : i32 to vector<16xi32>
      %add3A_1217 = arith.addi %add3A_1156, %add3A_1216 : vector<16xi32>
      %get3A_1218 = arith.index_cast %add3A_1214 : i32 to index
      %get3A_1219 = arith.constant 0 : index
      %get3A_1220 = tpu.vector_load %arg8[%get3A_1218, %get3A_1219] {strides = array<i32>} : memref<128x64xf32, #tpu.memory_space<vmem>>, vector<16xf32>,
      tpu.vector_store_idx %arg12[%shift_right_arithmetic3A_17, %and3A_28, %add3A_1217], %get3A_1201 : memref<8x8x129xf32, #tpu.memory_space<vmem>>[vector<16xi32>, vector<16xi32>, vector<16xi32>], vector<16xf32>,
      %get3A_1221 = arith.index_cast %add3A_1214 : i32 to index
      %get3A_1222 = arith.constant 16 : index
      %get3A_1223 = tpu.vector_load %arg8[%get3A_1221, %get3A_1222] {strides = array<i32>} : memref<128x64xf32, #tpu.memory_space<vmem>>, vector<16xf32>,
      tpu.vector_store_idx %arg12[%shift_right_arithmetic3A_20, %and3A_31, %add3A_1217], %get3A_1204 : memref<8x8x129xf32, #tpu.memory_space<vmem>>[vector<16xi32>, vector<16xi32>, vector<16xi32>], vector<16xf32>,
      %get3A_1224 = arith.index_cast %add3A_1214 : i32 to index
      %get3A_1225 = arith.constant 32 : index
      %get3A_1226 = tpu.vector_load %arg8[%get3A_1224, %get3A_1225] {strides = array<i32>} : memref<128x64xf32, #tpu.memory_space<vmem>>, vector<16xf32>,
      tpu.vector_store_idx %arg12[%shift_right_arithmetic3A_23, %and3A_34, %add3A_1217], %get3A_1207 : memref<8x8x129xf32, #tpu.memory_space<vmem>>[vector<16xi32>, vector<16xi32>, vector<16xi32>], vector<16xf32>,
      %get3A_1227 = arith.index_cast %add3A_1214 : i32 to index
      %get3A_1228 = arith.constant 48 : index
      %get3A_1229 = tpu.vector_load %arg8[%get3A_1227, %get3A_1228] {strides = array<i32>} : memref<128x64xf32, #tpu.memory_space<vmem>>, vector<16xf32>,
      tpu.vector_store_idx %arg12[%shift_right_arithmetic3A_26, %and3A_37, %add3A_1217], %get3A_1210 : memref<8x8x129xf32, #tpu.memory_space<vmem>>[vector<16xi32>, vector<16xi32>, vector<16xi32>], vector<16xf32>,
      %mul3A_1230 = arith.constant 8 : i32
      %mul3A_1231 = arith.muli %scan3A_1152, %mul3A_1230 : i32
      %add3A_1232 = arith.constant 4 : i32
      %add3A_1233 = arith.addi %mul3A_1231, %add3A_1232 : i32
      %add3A_1234 = arith.constant 3 : i32
      %add3A_1235 = vector.broadcast %add3A_1234 : i32 to vector<16xi32>
      %add3A_1236 = arith.addi %add3A_1156, %add3A_1235 : vector<16xi32>
      %get3A_1237 = arith.index_cast %add3A_1233 : i32 to index
      %get3A_1238 = arith.constant 0 : index
      %get3A_1239 = tpu.vector_load %arg8[%get3A_1237, %get3A_1238] {strides = array<i32>} : memref<128x64xf32, #tpu.memory_space<vmem>>, vector<16xf32>,
      tpu.vector_store_idx %arg12[%shift_right_arithmetic3A_17, %and3A_28, %add3A_1236], %get3A_1220 : memref<8x8x129xf32, #tpu.memory_space<vmem>>[vector<16xi32>, vector<16xi32>, vector<16xi32>], vector<16xf32>,
      %get3A_1240 = arith.index_cast %add3A_1233 : i32 to index
      %get3A_1241 = arith.constant 16 : index
      %get3A_1242 = tpu.vector_load %arg8[%get3A_1240, %get3A_1241] {strides = array<i32>} : memref<128x64xf32, #tpu.memory_space<vmem>>, vector<16xf32>,
      tpu.vector_store_idx %arg12[%shift_right_arithmetic3A_20, %and3A_31, %add3A_1236], %get3A_1223 : memref<8x8x129xf32, #tpu.memory_space<vmem>>[vector<16xi32>, vector<16xi32>, vector<16xi32>], vector<16xf32>,
      %get3A_1243 = arith.index_cast %add3A_1233 : i32 to index
      %get3A_1244 = arith.constant 32 : index
      %get3A_1245 = tpu.vector_load %arg8[%get3A_1243, %get3A_1244] {strides = array<i32>} : memref<128x64xf32, #tpu.memory_space<vmem>>, vector<16xf32>,
      tpu.vector_store_idx %arg12[%shift_right_arithmetic3A_23, %and3A_34, %add3A_1236], %get3A_1226 : memref<8x8x129xf32, #tpu.memory_space<vmem>>[vector<16xi32>, vector<16xi32>, vector<16xi32>], vector<16xf32>,
      %get3A_1246 = arith.index_cast %add3A_1233 : i32 to index
      %get3A_1247 = arith.constant 48 : index
      %get3A_1248 = tpu.vector_load %arg8[%get3A_1246, %get3A_1247] {strides = array<i32>} : memref<128x64xf32, #tpu.memory_space<vmem>>, vector<16xf32>,
      tpu.vector_store_idx %arg12[%shift_right_arithmetic3A_26, %and3A_37, %add3A_1236], %get3A_1229 : memref<8x8x129xf32, #tpu.memory_space<vmem>>[vector<16xi32>, vector<16xi32>, vector<16xi32>], vector<16xf32>,
      %mul3A_1249 = arith.constant 8 : i32
      %mul3A_1250 = arith.muli %scan3A_1152, %mul3A_1249 : i32
      %add3A_1251 = arith.constant 5 : i32
      %add3A_1252 = arith.addi %mul3A_1250, %add3A_1251 : i32
      %add3A_1253 = arith.constant 4 : i32
      %add3A_1254 = vector.broadcast %add3A_1253 : i32 to vector<16xi32>
      %add3A_1255 = arith.addi %add3A_1156, %add3A_1254 : vector<16xi32>
      %get3A_1256 = arith.index_cast %add3A_1252 : i32 to index
      %get3A_1257 = arith.constant 0 : index
      %get3A_1258 = tpu.vector_load %arg8[%get3A_1256, %get3A_1257] {strides = array<i32>} : memref<128x64xf32, #tpu.memory_space<vmem>>, vector<16xf32>,
      tpu.vector_store_idx %arg12[%shift_right_arithmetic3A_17, %and3A_28, %add3A_1255], %get3A_1239 : memref<8x8x129xf32, #tpu.memory_space<vmem>>[vector<16xi32>, vector<16xi32>, vector<16xi32>], vector<16xf32>,
      %get3A_1259 = arith.index_cast %add3A_1252 : i32 to index
      %get3A_1260 = arith.constant 16 : index
      %get3A_1261 = tpu.vector_load %arg8[%get3A_1259, %get3A_1260] {strides = array<i32>} : memref<128x64xf32, #tpu.memory_space<vmem>>, vector<16xf32>,
      tpu.vector_store_idx %arg12[%shift_right_arithmetic3A_20, %and3A_31, %add3A_1255], %get3A_1242 : memref<8x8x129xf32, #tpu.memory_space<vmem>>[vector<16xi32>, vector<16xi32>, vector<16xi32>], vector<16xf32>,
      %get3A_1262 = arith.index_cast %add3A_1252 : i32 to index
      %get3A_1263 = arith.constant 32 : index
      %get3A_1264 = tpu.vector_load %arg8[%get3A_1262, %get3A_1263] {strides = array<i32>} : memref<128x64xf32, #tpu.memory_space<vmem>>, vector<16xf32>,
      tpu.vector_store_idx %arg12[%shift_right_arithmetic3A_23, %and3A_34, %add3A_1255], %get3A_1245 : memref<8x8x129xf32, #tpu.memory_space<vmem>>[vector<16xi32>, vector<16xi32>, vector<16xi32>], vector<16xf32>,
      %get3A_1265 = arith.index_cast %add3A_1252 : i32 to index
      %get3A_1266 = arith.constant 48 : index
      %get3A_1267 = tpu.vector_load %arg8[%get3A_1265, %get3A_1266] {strides = array<i32>} : memref<128x64xf32, #tpu.memory_space<vmem>>, vector<16xf32>,
      tpu.vector_store_idx %arg12[%shift_right_arithmetic3A_26, %and3A_37, %add3A_1255], %get3A_1248 : memref<8x8x129xf32, #tpu.memory_space<vmem>>[vector<16xi32>, vector<16xi32>, vector<16xi32>], vector<16xf32>,
      %mul3A_1268 = arith.constant 8 : i32
      %mul3A_1269 = arith.muli %scan3A_1152, %mul3A_1268 : i32
      %add3A_1270 = arith.constant 6 : i32
      %add3A_1271 = arith.addi %mul3A_1269, %add3A_1270 : i32
      %add3A_1272 = arith.constant 5 : i32
      %add3A_1273 = vector.broadcast %add3A_1272 : i32 to vector<16xi32>
      %add3A_1274 = arith.addi %add3A_1156, %add3A_1273 : vector<16xi32>
      %get3A_1275 = arith.index_cast %add3A_1271 : i32 to index
      %get3A_1276 = arith.constant 0 : index
      %get3A_1277 = tpu.vector_load %arg8[%get3A_1275, %get3A_1276] {strides = array<i32>} : memref<128x64xf32, #tpu.memory_space<vmem>>, vector<16xf32>,
      tpu.vector_store_idx %arg12[%shift_right_arithmetic3A_17, %and3A_28, %add3A_1274], %get3A_1258 : memref<8x8x129xf32, #tpu.memory_space<vmem>>[vector<16xi32>, vector<16xi32>, vector<16xi32>], vector<16xf32>,
      %get3A_1278 = arith.index_cast %add3A_1271 : i32 to index
      %get3A_1279 = arith.constant 16 : index
      %get3A_1280 = tpu.vector_load %arg8[%get3A_1278, %get3A_1279] {strides = array<i32>} : memref<128x64xf32, #tpu.memory_space<vmem>>, vector<16xf32>,
      tpu.vector_store_idx %arg12[%shift_right_arithmetic3A_20, %and3A_31, %add3A_1274], %get3A_1261 : memref<8x8x129xf32, #tpu.memory_space<vmem>>[vector<16xi32>, vector<16xi32>, vector<16xi32>], vector<16xf32>,
      %get3A_1281 = arith.index_cast %add3A_1271 : i32 to index
      %get3A_1282 = arith.constant 32 : index
      %get3A_1283 = tpu.vector_load %arg8[%get3A_1281, %get3A_1282] {strides = array<i32>} : memref<128x64xf32, #tpu.memory_space<vmem>>, vector<16xf32>,
      tpu.vector_store_idx %arg12[%shift_right_arithmetic3A_23, %and3A_34, %add3A_1274], %get3A_1264 : memref<8x8x129xf32, #tpu.memory_space<vmem>>[vector<16xi32>, vector<16xi32>, vector<16xi32>], vector<16xf32>,
      %get3A_1284 = arith.index_cast %add3A_1271 : i32 to index
      %get3A_1285 = arith.constant 48 : index
      %get3A_1286 = tpu.vector_load %arg8[%get3A_1284, %get3A_1285] {strides = array<i32>} : memref<128x64xf32, #tpu.memory_space<vmem>>, vector<16xf32>,
      tpu.vector_store_idx %arg12[%shift_right_arithmetic3A_26, %and3A_37, %add3A_1274], %get3A_1267 : memref<8x8x129xf32, #tpu.memory_space<vmem>>[vector<16xi32>, vector<16xi32>, vector<16xi32>], vector<16xf32>,
      %mul3A_1287 = arith.constant 8 : i32
      %mul3A_1288 = arith.muli %scan3A_1152, %mul3A_1287 : i32
      %add3A_1289 = arith.constant 7 : i32
      %add3A_1290 = arith.addi %mul3A_1288, %add3A_1289 : i32
      %add3A_1291 = arith.constant 6 : i32
      %add3A_1292 = vector.broadcast %add3A_1291 : i32 to vector<16xi32>
      %add3A_1293 = arith.addi %add3A_1156, %add3A_1292 : vector<16xi32>
      %get3A_1294 = arith.index_cast %add3A_1290 : i32 to index
      %get3A_1295 = arith.constant 0 : index
      %get3A_1296 = tpu.vector_load %arg8[%get3A_1294, %get3A_1295] {strides = array<i32>} : memref<128x64xf32, #tpu.memory_space<vmem>>, vector<16xf32>,
      tpu.vector_store_idx %arg12[%shift_right_arithmetic3A_17, %and3A_28, %add3A_1293], %get3A_1277 : memref<8x8x129xf32, #tpu.memory_space<vmem>>[vector<16xi32>, vector<16xi32>, vector<16xi32>], vector<16xf32>,
      %get3A_1297 = arith.index_cast %add3A_1290 : i32 to index
      %get3A_1298 = arith.constant 16 : index
      %get3A_1299 = tpu.vector_load %arg8[%get3A_1297, %get3A_1298] {strides = array<i32>} : memref<128x64xf32, #tpu.memory_space<vmem>>, vector<16xf32>,
      tpu.vector_store_idx %arg12[%shift_right_arithmetic3A_20, %and3A_31, %add3A_1293], %get3A_1280 : memref<8x8x129xf32, #tpu.memory_space<vmem>>[vector<16xi32>, vector<16xi32>, vector<16xi32>], vector<16xf32>,
      %get3A_1300 = arith.index_cast %add3A_1290 : i32 to index
      %get3A_1301 = arith.constant 32 : index
      %get3A_1302 = tpu.vector_load %arg8[%get3A_1300, %get3A_1301] {strides = array<i32>} : memref<128x64xf32, #tpu.memory_space<vmem>>, vector<16xf32>,
      tpu.vector_store_idx %arg12[%shift_right_arithmetic3A_23, %and3A_34, %add3A_1293], %get3A_1283 : memref<8x8x129xf32, #tpu.memory_space<vmem>>[vector<16xi32>, vector<16xi32>, vector<16xi32>], vector<16xf32>,
      %get3A_1303 = arith.index_cast %add3A_1290 : i32 to index
      %get3A_1304 = arith.constant 48 : index
      %get3A_1305 = tpu.vector_load %arg8[%get3A_1303, %get3A_1304] {strides = array<i32>} : memref<128x64xf32, #tpu.memory_space<vmem>>, vector<16xf32>,
      tpu.vector_store_idx %arg12[%shift_right_arithmetic3A_26, %and3A_37, %add3A_1293], %get3A_1286 : memref<8x8x129xf32, #tpu.memory_space<vmem>>[vector<16xi32>, vector<16xi32>, vector<16xi32>], vector<16xf32>,
      %add3A_1306 = arith.constant 7 : i32
      %add3A_1307 = vector.broadcast %add3A_1306 : i32 to vector<16xi32>
      %add3A_1308 = arith.addi %add3A_1156, %add3A_1307 : vector<16xi32>
      tpu.vector_store_idx %arg12[%shift_right_arithmetic3A_17, %and3A_28, %add3A_1308], %get3A_1296 : memref<8x8x129xf32, #tpu.memory_space<vmem>>[vector<16xi32>, vector<16xi32>, vector<16xi32>], vector<16xf32>,
      tpu.vector_store_idx %arg12[%shift_right_arithmetic3A_20, %and3A_31, %add3A_1308], %get3A_1299 : memref<8x8x129xf32, #tpu.memory_space<vmem>>[vector<16xi32>, vector<16xi32>, vector<16xi32>], vector<16xf32>,
      tpu.vector_store_idx %arg12[%shift_right_arithmetic3A_23, %and3A_34, %add3A_1308], %get3A_1302 : memref<8x8x129xf32, #tpu.memory_space<vmem>>[vector<16xi32>, vector<16xi32>, vector<16xi32>], vector<16xf32>,
      tpu.vector_store_idx %arg12[%shift_right_arithmetic3A_26, %and3A_37, %add3A_1308], %get3A_1305 : memref<8x8x129xf32, #tpu.memory_space<vmem>>[vector<16xi32>, vector<16xi32>, vector<16xi32>], vector<16xf32>,
    }
    %scan3A_718 = arith.constant 16 : i32
    %add3A_719 = arith.constant 198 : i32
    %add3A_720 = arith.addi %mul3A_2, %add3A_719 : i32
    %jit3A_721 = arith.constant 128 : i32
    %div3A_722 = arith.divsi %add3A_720, %jit3A_721 : i32
    %sign3A_723 = arith.constant 0 : i32
    %sign3A_724 = arith.cmpi sgt, %add3A_720, %sign3A_723 : i32
    %sign3A_725 = arith.extui %sign3A_724 : i1 to i32
    %sign3A_726 = arith.constant 0 : i32
    %sign3A_727 = arith.cmpi slt, %add3A_720, %sign3A_726 : i32
    %sign3A_728 = arith.extui %sign3A_727 : i1 to i32
    %sign3A_729 = arith.subi %sign3A_725, %sign3A_728 : i32
    %sign3A_730 = arith.constant 0 : i32
    %sign3A_731 = arith.cmpi sgt, %jit3A_721, %sign3A_730 : i32
    %sign3A_732 = arith.extui %sign3A_731 : i1 to i32
    %sign3A_733 = arith.constant 0 : i32
    %sign3A_734 = arith.cmpi slt, %jit3A_721, %sign3A_733 : i32
    %sign3A_735 = arith.extui %sign3A_734 : i1 to i32
    %sign3A_736 = arith.subi %sign3A_732, %sign3A_735 : i32
    %ne3A_737 = arith.cmpi ne, %sign3A_729, %sign3A_736 : i32
    %rem3A_738 = arith.remsi %add3A_720, %jit3A_721 : i32
    %ne3A_739 = arith.constant 0 : i32
    %ne3A_740 = arith.cmpi ne, %rem3A_738, %ne3A_739 : i32
    %and3A_741 = arith.andi %ne3A_737, %ne3A_740 : i1
    %sub3A_742 = arith.constant 1 : i32
    %sub3A_743 = arith.subi %div3A_722, %sub3A_742 : i32
    %select_n3A_744 = arith.select %and3A_741, %sub3A_743, %div3A_722 : i32
    %jit3A_745 = arith.constant 128 : i32
    %eq3A_746 = arith.constant 0 : i32
    %eq3A_747 = arith.cmpi eq, %jit3A_745, %eq3A_746 : i32
    %jit3A_748 = arith.constant 1 : i32
    %select_n3A_749 = arith.select %eq3A_747, %jit3A_748, %jit3A_745 : i32
    %rem3A_750 = arith.remsi %add3A_720, %select_n3A_749 : i32
    %ne3A_751 = arith.constant 0 : i32
    %ne3A_752 = arith.cmpi ne, %rem3A_750, %ne3A_751 : i32
    %lt3A_753 = arith.constant 0 : i32
    %lt3A_754 = arith.cmpi slt, %rem3A_750, %lt3A_753 : i32
    %lt3A_755 = arith.constant 0 : i32
    %lt3A_756 = arith.cmpi slt, %select_n3A_749, %lt3A_755 : i32
    %ne3A_757 = arith.xori %lt3A_754, %lt3A_756 : i1
    %and3A_758 = arith.andi %ne3A_757, %ne3A_752 : i1
    %add3A_759 = arith.addi %rem3A_750, %select_n3A_749 : i32
    %select_n3A_760 = arith.select %and3A_758, %add3A_759, %rem3A_750 : i32
    %dma_start3A_761 = arith.constant 0 : i32
    %dma_start3A_762 = arith.constant 0 : i32
    %dma_start3A_763 = arith.constant 0 : i32
    %dma_start3A_764 = tpu.memref_slice %arg12[%dma_start3A_761, %dma_start3A_762, %dma_start3A_763] : memref<8x8x129xf32, #tpu.memory_space<vmem>> -> memref<8x8x128xf32, #tpu.memory_space<vmem>>
    %dma_start3A_765 = arith.constant 0 : i32
    %dma_start3A_766 = arith.constant 0 : i32
    %dma_start3A_767 = arith.constant 0 : i32
    %dma_start3A_768 = tpu.memref_slice %arg4[%select_n3A_744, %dma_start3A_765, %select_n3A_760, %dma_start3A_766, %dma_start3A_767] : memref<50x8x128x8x128xf32, #tpu.memory_space<hbm>> -> memref<1x8x1x8x128xf32, #tpu.memory_space<hbm>>
    %dma_start3A_769 = tpu.memref_squeeze %dma_start3A_768 : memref<1x8x1x8x128xf32, #tpu.memory_space<hbm>> -> memref<8x8x128xf32, #tpu.memory_space<hbm>>
    %dma_start3A_770 = arith.constant 0 : i32
    %dma_start3A_771 = arith.constant 0 : i32
    %dma_start3A_772 = arith.constant 0 : i32
    %dma_start3A_773 = tpu.memref_slice %arg4[%select_n3A_744, %dma_start3A_770, %select_n3A_760, %dma_start3A_771, %dma_start3A_772] : memref<50x8x128x8x128xf32, #tpu.memory_space<hbm>> -> memref<1x8x1x8x128xf32, #tpu.memory_space<hbm>>
    %dma_start3A_774 = tpu.memref_squeeze %dma_start3A_773 : memref<1x8x1x8x128xf32, #tpu.memory_space<hbm>> -> memref<8x8x128xf32, #tpu.memory_space<hbm>>
    %dma_start3A_775 = arith.constant 0 : i32
    %dma_start3A_776 = arith.constant 0 : i32
    %dma_start3A_777 = arith.constant 0 : i32
    %dma_start3A_778 = tpu.memref_slice %arg12[%dma_start3A_775, %dma_start3A_776, %dma_start3A_777] : memref<8x8x129xf32, #tpu.memory_space<vmem>> -> memref<8x8x128xf32, #tpu.memory_space<vmem>>
    tpu.enqueue_dma source(%dma_start3A_778 : memref<8x8x128xf32, #tpu.memory_space<vmem>>) target(%dma_start3A_774 : memref<8x8x128xf32, #tpu.memory_space<hbm>>) target_semaphore(%arg20 : memref<!tpu.dma_semaphore, #tpu.memory_space<semaphore_mem>>)
    %add3A_779 = arith.constant 195 : i32
    %add3A_780 = arith.addi %mul3A_2, %add3A_779 : i32
    %jit3A_781 = arith.constant 128 : i32
    %div3A_782 = arith.divsi %add3A_780, %jit3A_781 : i32
    %sign3A_783 = arith.constant 0 : i32
    %sign3A_784 = arith.cmpi sgt, %add3A_780, %sign3A_783 : i32
    %sign3A_785 = arith.extui %sign3A_784 : i1 to i32
    %sign3A_786 = arith.constant 0 : i32
    %sign3A_787 = arith.cmpi slt, %add3A_780, %sign3A_786 : i32
    %sign3A_788 = arith.extui %sign3A_787 : i1 to i32
    %sign3A_789 = arith.subi %sign3A_785, %sign3A_788 : i32
    %sign3A_790 = arith.constant 0 : i32
    %sign3A_791 = arith.cmpi sgt, %jit3A_781, %sign3A_790 : i32
    %sign3A_792 = arith.extui %sign3A_791 : i1 to i32
    %sign3A_793 = arith.constant 0 : i32
    %sign3A_794 = arith.cmpi slt, %jit3A_781, %sign3A_793 : i32
    %sign3A_795 = arith.extui %sign3A_794 : i1 to i32
    %sign3A_796 = arith.subi %sign3A_792, %sign3A_795 : i32
    %ne3A_797 = arith.cmpi ne, %sign3A_789, %sign3A_796 : i32
    %rem3A_798 = arith.remsi %add3A_780, %jit3A_781 : i32
    %ne3A_799 = arith.constant 0 : i32
    %ne3A_800 = arith.cmpi ne, %rem3A_798, %ne3A_799 : i32
    %and3A_801 = arith.andi %ne3A_797, %ne3A_800 : i1
    %sub3A_802 = arith.constant 1 : i32
    %sub3A_803 = arith.subi %div3A_782, %sub3A_802 : i32
    %select_n3A_804 = arith.select %and3A_801, %sub3A_803, %div3A_782 : i32
    %jit3A_805 = arith.constant 128 : i32
    %eq3A_806 = arith.constant 0 : i32
    %eq3A_807 = arith.cmpi eq, %jit3A_805, %eq3A_806 : i32
    %jit3A_808 = arith.constant 1 : i32
    %select_n3A_809 = arith.select %eq3A_807, %jit3A_808, %jit3A_805 : i32
    %rem3A_810 = arith.remsi %add3A_780, %select_n3A_809 : i32
    %ne3A_811 = arith.constant 0 : i32
    %ne3A_812 = arith.cmpi ne, %rem3A_810, %ne3A_811 : i32
    %lt3A_813 = arith.constant 0 : i32
    %lt3A_814 = arith.cmpi slt, %rem3A_810, %lt3A_813 : i32
    %lt3A_815 = arith.constant 0 : i32
    %lt3A_816 = arith.cmpi slt, %select_n3A_809, %lt3A_815 : i32
    %ne3A_817 = arith.xori %lt3A_814, %lt3A_816 : i1
    %and3A_818 = arith.andi %ne3A_817, %ne3A_812 : i1
    %add3A_819 = arith.addi %rem3A_810, %select_n3A_809 : i32
    %select_n3A_820 = arith.select %and3A_818, %add3A_819, %rem3A_810 : i32
    %dma_wait3A_821 = arith.constant 0 : i32
    %dma_wait3A_822 = arith.constant 0 : i32
    %dma_wait3A_823 = arith.constant 0 : i32
    %dma_wait3A_824 = tpu.memref_slice %arg13[%dma_wait3A_821, %dma_wait3A_822, %dma_wait3A_823] : memref<8x8x129xf32, #tpu.memory_space<vmem>> -> memref<8x8x128xf32, #tpu.memory_space<vmem>>
    %dma_wait3A_825 = arith.constant 0 : i32
    %dma_wait3A_826 = arith.constant 0 : i32
    %dma_wait3A_827 = arith.constant 0 : i32
    %dma_wait3A_828 = tpu.memref_slice %arg4[%select_n3A_804, %dma_wait3A_825, %select_n3A_820, %dma_wait3A_826, %dma_wait3A_827] : memref<50x8x128x8x128xf32, #tpu.memory_space<hbm>> -> memref<1x8x1x8x128xf32, #tpu.memory_space<hbm>>
    %dma_wait3A_829 = tpu.memref_squeeze %dma_wait3A_828 : memref<1x8x1x8x128xf32, #tpu.memory_space<hbm>> -> memref<8x8x128xf32, #tpu.memory_space<hbm>>
    %dma_wait3A_830 = arith.constant 0 : i32
    %dma_wait3A_831 = arith.constant 0 : i32
    %dma_wait3A_832 = arith.constant 0 : i32
    %dma_wait3A_833 = tpu.memref_slice %arg4[%select_n3A_804, %dma_wait3A_830, %select_n3A_820, %dma_wait3A_831, %dma_wait3A_832] : memref<50x8x128x8x128xf32, #tpu.memory_space<hbm>> -> memref<1x8x1x8x128xf32, #tpu.memory_space<hbm>>
    %dma_wait3A_834 = tpu.memref_squeeze %dma_wait3A_833 : memref<1x8x1x8x128xf32, #tpu.memory_space<hbm>> -> memref<8x8x128xf32, #tpu.memory_space<hbm>>
    %dma_wait3A_835 = arith.constant 0 : i32
    %dma_wait3A_836 = arith.constant 0 : i32
    %dma_wait3A_837 = arith.constant 0 : i32
    %dma_wait3A_838 = tpu.memref_slice %arg13[%dma_wait3A_835, %dma_wait3A_836, %dma_wait3A_837] : memref<8x8x129xf32, #tpu.memory_space<vmem>> -> memref<8x8x128xf32, #tpu.memory_space<vmem>>
    tpu.wait_dma2 semaphore(%arg21 : memref<!tpu.dma_semaphore, #tpu.memory_space<semaphore_mem>>) src(%dma_wait3A_838 : memref<8x8x128xf32, #tpu.memory_space<vmem>>) dst(%dma_wait3A_834 : memref<8x8x128xf32, #tpu.memory_space<hbm>>)
    %dma_wait3A_839 = arith.constant 199 : i32
    %dma_wait3A_840 = arith.constant 0 : i32
    %dma_wait3A_841 = tpu.memref_slice %arg5[%dma_wait3A_839, %dma_wait3A_840] : memref<200x128xi32, #tpu.memory_space<vmem>> -> memref<1x128xi32, #tpu.memory_space<vmem>>
    %dma_wait3A_842 = tpu.memref_squeeze %dma_wait3A_841 : memref<1x128xi32, #tpu.memory_space<vmem>> -> memref<128xi32, #tpu.memory_space<vmem>>
    %dma_wait3A_843 = arith.constant 0 : i32
    %dma_wait3A_844 = arith.constant 0 : i32
    %dma_wait3A_845 = tpu.memref_slice %arg3[%dma_wait3A_843, %dma_wait3A_844] : memref<100000x64xf32, #tpu.memory_space<hbm>> -> memref<100000x64xf32, #tpu.memory_space<hbm>>
    tpu.wait_indirect_dma semaphore(%arg17 : memref<!tpu.dma_semaphore, #tpu.memory_space<semaphore_mem>>) src(%dma_wait3A_845 : memref<100000x64xf32, #tpu.memory_space<hbm>>) dst(%arg9 : memref<128x64xf32, #tpu.memory_space<vmem>>)
    %scan3A_846 = arith.constant 0 : i32
    %scan3A_847 = arith.constant 0 : i32
    %scan3A_848 = arith.constant 16 : i32
    %scan3A_849 = arith.addi %scan3A_847, %scan3A_848 : i32
    %scan3A_850 = arith.constant 1 : i32
    scf.for %scan3A_1152 = %scan3A_847 to %scan3A_849 step %scan3A_850  : i32 {
      %mul3A_1153 = arith.constant 8 : i32
      %mul3A_1154 = arith.muli %scan3A_1152, %mul3A_1153 : i32
      %add3A_1155 = vector.broadcast %mul3A_1154 : i32 to vector<16xi32>
      %add3A_1156 = arith.addi %broadcast_in_dim3A_3, %add3A_1155 : vector<16xi32>
      %mul3A_1157 = arith.constant 8 : i32
      %mul3A_1158 = arith.muli %scan3A_1152, %mul3A_1157 : i32
      %get3A = arith.index_cast %mul3A_1158 : i32 to index
      %get3A_1159 = arith.constant 0 : index
      %get3A_1160 = tpu.vector_load %arg9[%get3A, %get3A_1159] {strides = array<i32>} : memref<128x64xf32, #tpu.memory_space<vmem>>, vector<16xf32>,
      %mul3A_1161 = arith.constant 8 : i32
      %mul3A_1162 = arith.muli %scan3A_1152, %mul3A_1161 : i32
      %get3A_1163 = arith.index_cast %mul3A_1162 : i32 to index
      %get3A_1164 = arith.constant 16 : index
      %get3A_1165 = tpu.vector_load %arg9[%get3A_1163, %get3A_1164] {strides = array<i32>} : memref<128x64xf32, #tpu.memory_space<vmem>>, vector<16xf32>,
      %mul3A_1166 = arith.constant 8 : i32
      %mul3A_1167 = arith.muli %scan3A_1152, %mul3A_1166 : i32
      %get3A_1168 = arith.index_cast %mul3A_1167 : i32 to index
      %get3A_1169 = arith.constant 32 : index
      %get3A_1170 = tpu.vector_load %arg9[%get3A_1168, %get3A_1169] {strides = array<i32>} : memref<128x64xf32, #tpu.memory_space<vmem>>, vector<16xf32>,
      %mul3A_1171 = arith.constant 8 : i32
      %mul3A_1172 = arith.muli %scan3A_1152, %mul3A_1171 : i32
      %get3A_1173 = arith.index_cast %mul3A_1172 : i32 to index
      %get3A_1174 = arith.constant 48 : index
      %get3A_1175 = tpu.vector_load %arg9[%get3A_1173, %get3A_1174] {strides = array<i32>} : memref<128x64xf32, #tpu.memory_space<vmem>>, vector<16xf32>,
      %mul3A_1176 = arith.constant 8 : i32
      %mul3A_1177 = arith.muli %scan3A_1152, %mul3A_1176 : i32
      %add3A_1178 = arith.constant 1 : i32
      %add3A_1179 = arith.addi %mul3A_1177, %add3A_1178 : i32
      %get3A_1180 = arith.index_cast %add3A_1179 : i32 to index
      %get3A_1181 = arith.constant 0 : index
      %get3A_1182 = tpu.vector_load %arg9[%get3A_1180, %get3A_1181] {strides = array<i32>} : memref<128x64xf32, #tpu.memory_space<vmem>>, vector<16xf32>,
      tpu.vector_store_idx %arg13[%shift_right_arithmetic3A_17, %and3A_28, %add3A_1156], %get3A_1160 : memref<8x8x129xf32, #tpu.memory_space<vmem>>[vector<16xi32>, vector<16xi32>, vector<16xi32>], vector<16xf32>,
      %get3A_1183 = arith.index_cast %add3A_1179 : i32 to index
      %get3A_1184 = arith.constant 16 : index
      %get3A_1185 = tpu.vector_load %arg9[%get3A_1183, %get3A_1184] {strides = array<i32>} : memref<128x64xf32, #tpu.memory_space<vmem>>, vector<16xf32>,
      tpu.vector_store_idx %arg13[%shift_right_arithmetic3A_20, %and3A_31, %add3A_1156], %get3A_1165 : memref<8x8x129xf32, #tpu.memory_space<vmem>>[vector<16xi32>, vector<16xi32>, vector<16xi32>], vector<16xf32>,
      %get3A_1186 = arith.index_cast %add3A_1179 : i32 to index
      %get3A_1187 = arith.constant 32 : index
      %get3A_1188 = tpu.vector_load %arg9[%get3A_1186, %get3A_1187] {strides = array<i32>} : memref<128x64xf32, #tpu.memory_space<vmem>>, vector<16xf32>,
      tpu.vector_store_idx %arg13[%shift_right_arithmetic3A_23, %and3A_34, %add3A_1156], %get3A_1170 : memref<8x8x129xf32, #tpu.memory_space<vmem>>[vector<16xi32>, vector<16xi32>, vector<16xi32>], vector<16xf32>,
      %get3A_1189 = arith.index_cast %add3A_1179 : i32 to index
      %get3A_1190 = arith.constant 48 : index
      %get3A_1191 = tpu.vector_load %arg9[%get3A_1189, %get3A_1190] {strides = array<i32>} : memref<128x64xf32, #tpu.memory_space<vmem>>, vector<16xf32>,
      tpu.vector_store_idx %arg13[%shift_right_arithmetic3A_26, %and3A_37, %add3A_1156], %get3A_1175 : memref<8x8x129xf32, #tpu.memory_space<vmem>>[vector<16xi32>, vector<16xi32>, vector<16xi32>], vector<16xf32>,
      %mul3A_1192 = arith.constant 8 : i32
      %mul3A_1193 = arith.muli %scan3A_1152, %mul3A_1192 : i32
      %add3A_1194 = arith.constant 2 : i32
      %add3A_1195 = arith.addi %mul3A_1193, %add3A_1194 : i32
      %add3A_1196 = arith.constant 1 : i32
      %add3A_1197 = vector.broadcast %add3A_1196 : i32 to vector<16xi32>
      %add3A_1198 = arith.addi %add3A_1156, %add3A_1197 : vector<16xi32>
      %get3A_1199 = arith.index_cast %add3A_1195 : i32 to index
      %get3A_1200 = arith.constant 0 : index
      %get3A_1201 = tpu.vector_load %arg9[%get3A_1199, %get3A_1200] {strides = array<i32>} : memref<128x64xf32, #tpu.memory_space<vmem>>, vector<16xf32>,
      tpu.vector_store_idx %arg13[%shift_right_arithmetic3A_17, %and3A_28, %add3A_1198], %get3A_1182 : memref<8x8x129xf32, #tpu.memory_space<vmem>>[vector<16xi32>, vector<16xi32>, vector<16xi32>], vector<16xf32>,
      %get3A_1202 = arith.index_cast %add3A_1195 : i32 to index
      %get3A_1203 = arith.constant 16 : index
      %get3A_1204 = tpu.vector_load %arg9[%get3A_1202, %get3A_1203] {strides = array<i32>} : memref<128x64xf32, #tpu.memory_space<vmem>>, vector<16xf32>,
      tpu.vector_store_idx %arg13[%shift_right_arithmetic3A_20, %and3A_31, %add3A_1198], %get3A_1185 : memref<8x8x129xf32, #tpu.memory_space<vmem>>[vector<16xi32>, vector<16xi32>, vector<16xi32>], vector<16xf32>,
      %get3A_1205 = arith.index_cast %add3A_1195 : i32 to index
      %get3A_1206 = arith.constant 32 : index
      %get3A_1207 = tpu.vector_load %arg9[%get3A_1205, %get3A_1206] {strides = array<i32>} : memref<128x64xf32, #tpu.memory_space<vmem>>, vector<16xf32>,
      tpu.vector_store_idx %arg13[%shift_right_arithmetic3A_23, %and3A_34, %add3A_1198], %get3A_1188 : memref<8x8x129xf32, #tpu.memory_space<vmem>>[vector<16xi32>, vector<16xi32>, vector<16xi32>], vector<16xf32>,
      %get3A_1208 = arith.index_cast %add3A_1195 : i32 to index
      %get3A_1209 = arith.constant 48 : index
      %get3A_1210 = tpu.vector_load %arg9[%get3A_1208, %get3A_1209] {strides = array<i32>} : memref<128x64xf32, #tpu.memory_space<vmem>>, vector<16xf32>,
      tpu.vector_store_idx %arg13[%shift_right_arithmetic3A_26, %and3A_37, %add3A_1198], %get3A_1191 : memref<8x8x129xf32, #tpu.memory_space<vmem>>[vector<16xi32>, vector<16xi32>, vector<16xi32>], vector<16xf32>,
      %mul3A_1211 = arith.constant 8 : i32
      %mul3A_1212 = arith.muli %scan3A_1152, %mul3A_1211 : i32
      %add3A_1213 = arith.constant 3 : i32
      %add3A_1214 = arith.addi %mul3A_1212, %add3A_1213 : i32
      %add3A_1215 = arith.constant 2 : i32
      %add3A_1216 = vector.broadcast %add3A_1215 : i32 to vector<16xi32>
      %add3A_1217 = arith.addi %add3A_1156, %add3A_1216 : vector<16xi32>
      %get3A_1218 = arith.index_cast %add3A_1214 : i32 to index
      %get3A_1219 = arith.constant 0 : index
      %get3A_1220 = tpu.vector_load %arg9[%get3A_1218, %get3A_1219] {strides = array<i32>} : memref<128x64xf32, #tpu.memory_space<vmem>>, vector<16xf32>,
      tpu.vector_store_idx %arg13[%shift_right_arithmetic3A_17, %and3A_28, %add3A_1217], %get3A_1201 : memref<8x8x129xf32, #tpu.memory_space<vmem>>[vector<16xi32>, vector<16xi32>, vector<16xi32>], vector<16xf32>,
      %get3A_1221 = arith.index_cast %add3A_1214 : i32 to index
      %get3A_1222 = arith.constant 16 : index
      %get3A_1223 = tpu.vector_load %arg9[%get3A_1221, %get3A_1222] {strides = array<i32>} : memref<128x64xf32, #tpu.memory_space<vmem>>, vector<16xf32>,
      tpu.vector_store_idx %arg13[%shift_right_arithmetic3A_20, %and3A_31, %add3A_1217], %get3A_1204 : memref<8x8x129xf32, #tpu.memory_space<vmem>>[vector<16xi32>, vector<16xi32>, vector<16xi32>], vector<16xf32>,
      %get3A_1224 = arith.index_cast %add3A_1214 : i32 to index
      %get3A_1225 = arith.constant 32 : index
      %get3A_1226 = tpu.vector_load %arg9[%get3A_1224, %get3A_1225] {strides = array<i32>} : memref<128x64xf32, #tpu.memory_space<vmem>>, vector<16xf32>,
      tpu.vector_store_idx %arg13[%shift_right_arithmetic3A_23, %and3A_34, %add3A_1217], %get3A_1207 : memref<8x8x129xf32, #tpu.memory_space<vmem>>[vector<16xi32>, vector<16xi32>, vector<16xi32>], vector<16xf32>,
      %get3A_1227 = arith.index_cast %add3A_1214 : i32 to index
      %get3A_1228 = arith.constant 48 : index
      %get3A_1229 = tpu.vector_load %arg9[%get3A_1227, %get3A_1228] {strides = array<i32>} : memref<128x64xf32, #tpu.memory_space<vmem>>, vector<16xf32>,
      tpu.vector_store_idx %arg13[%shift_right_arithmetic3A_26, %and3A_37, %add3A_1217], %get3A_1210 : memref<8x8x129xf32, #tpu.memory_space<vmem>>[vector<16xi32>, vector<16xi32>, vector<16xi32>], vector<16xf32>,
      %mul3A_1230 = arith.constant 8 : i32
      %mul3A_1231 = arith.muli %scan3A_1152, %mul3A_1230 : i32
      %add3A_1232 = arith.constant 4 : i32
      %add3A_1233 = arith.addi %mul3A_1231, %add3A_1232 : i32
      %add3A_1234 = arith.constant 3 : i32
      %add3A_1235 = vector.broadcast %add3A_1234 : i32 to vector<16xi32>
      %add3A_1236 = arith.addi %add3A_1156, %add3A_1235 : vector<16xi32>
      %get3A_1237 = arith.index_cast %add3A_1233 : i32 to index
      %get3A_1238 = arith.constant 0 : index
      %get3A_1239 = tpu.vector_load %arg9[%get3A_1237, %get3A_1238] {strides = array<i32>} : memref<128x64xf32, #tpu.memory_space<vmem>>, vector<16xf32>,
      tpu.vector_store_idx %arg13[%shift_right_arithmetic3A_17, %and3A_28, %add3A_1236], %get3A_1220 : memref<8x8x129xf32, #tpu.memory_space<vmem>>[vector<16xi32>, vector<16xi32>, vector<16xi32>], vector<16xf32>,
      %get3A_1240 = arith.index_cast %add3A_1233 : i32 to index
      %get3A_1241 = arith.constant 16 : index
      %get3A_1242 = tpu.vector_load %arg9[%get3A_1240, %get3A_1241] {strides = array<i32>} : memref<128x64xf32, #tpu.memory_space<vmem>>, vector<16xf32>,
      tpu.vector_store_idx %arg13[%shift_right_arithmetic3A_20, %and3A_31, %add3A_1236], %get3A_1223 : memref<8x8x129xf32, #tpu.memory_space<vmem>>[vector<16xi32>, vector<16xi32>, vector<16xi32>], vector<16xf32>,
      %get3A_1243 = arith.index_cast %add3A_1233 : i32 to index
      %get3A_1244 = arith.constant 32 : index
      %get3A_1245 = tpu.vector_load %arg9[%get3A_1243, %get3A_1244] {strides = array<i32>} : memref<128x64xf32, #tpu.memory_space<vmem>>, vector<16xf32>,
      tpu.vector_store_idx %arg13[%shift_right_arithmetic3A_23, %and3A_34, %add3A_1236], %get3A_1226 : memref<8x8x129xf32, #tpu.memory_space<vmem>>[vector<16xi32>, vector<16xi32>, vector<16xi32>], vector<16xf32>,
      %get3A_1246 = arith.index_cast %add3A_1233 : i32 to index
      %get3A_1247 = arith.constant 48 : index
      %get3A_1248 = tpu.vector_load %arg9[%get3A_1246, %get3A_1247] {strides = array<i32>} : memref<128x64xf32, #tpu.memory_space<vmem>>, vector<16xf32>,
      tpu.vector_store_idx %arg13[%shift_right_arithmetic3A_26, %and3A_37, %add3A_1236], %get3A_1229 : memref<8x8x129xf32, #tpu.memory_space<vmem>>[vector<16xi32>, vector<16xi32>, vector<16xi32>], vector<16xf32>,
      %mul3A_1249 = arith.constant 8 : i32
      %mul3A_1250 = arith.muli %scan3A_1152, %mul3A_1249 : i32
      %add3A_1251 = arith.constant 5 : i32
      %add3A_1252 = arith.addi %mul3A_1250, %add3A_1251 : i32
      %add3A_1253 = arith.constant 4 : i32
      %add3A_1254 = vector.broadcast %add3A_1253 : i32 to vector<16xi32>
      %add3A_1255 = arith.addi %add3A_1156, %add3A_1254 : vector<16xi32>
      %get3A_1256 = arith.index_cast %add3A_1252 : i32 to index
      %get3A_1257 = arith.constant 0 : index
      %get3A_1258 = tpu.vector_load %arg9[%get3A_1256, %get3A_1257] {strides = array<i32>} : memref<128x64xf32, #tpu.memory_space<vmem>>, vector<16xf32>,
      tpu.vector_store_idx %arg13[%shift_right_arithmetic3A_17, %and3A_28, %add3A_1255], %get3A_1239 : memref<8x8x129xf32, #tpu.memory_space<vmem>>[vector<16xi32>, vector<16xi32>, vector<16xi32>], vector<16xf32>,
      %get3A_1259 = arith.index_cast %add3A_1252 : i32 to index
      %get3A_1260 = arith.constant 16 : index
      %get3A_1261 = tpu.vector_load %arg9[%get3A_1259, %get3A_1260] {strides = array<i32>} : memref<128x64xf32, #tpu.memory_space<vmem>>, vector<16xf32>,
      tpu.vector_store_idx %arg13[%shift_right_arithmetic3A_20, %and3A_31, %add3A_1255], %get3A_1242 : memref<8x8x129xf32, #tpu.memory_space<vmem>>[vector<16xi32>, vector<16xi32>, vector<16xi32>], vector<16xf32>,
      %get3A_1262 = arith.index_cast %add3A_1252 : i32 to index
      %get3A_1263 = arith.constant 32 : index
      %get3A_1264 = tpu.vector_load %arg9[%get3A_1262, %get3A_1263] {strides = array<i32>} : memref<128x64xf32, #tpu.memory_space<vmem>>, vector<16xf32>,
      tpu.vector_store_idx %arg13[%shift_right_arithmetic3A_23, %and3A_34, %add3A_1255], %get3A_1245 : memref<8x8x129xf32, #tpu.memory_space<vmem>>[vector<16xi32>, vector<16xi32>, vector<16xi32>], vector<16xf32>,
      %get3A_1265 = arith.index_cast %add3A_1252 : i32 to index
      %get3A_1266 = arith.constant 48 : index
      %get3A_1267 = tpu.vector_load %arg9[%get3A_1265, %get3A_1266] {strides = array<i32>} : memref<128x64xf32, #tpu.memory_space<vmem>>, vector<16xf32>,
      tpu.vector_store_idx %arg13[%shift_right_arithmetic3A_26, %and3A_37, %add3A_1255], %get3A_1248 : memref<8x8x129xf32, #tpu.memory_space<vmem>>[vector<16xi32>, vector<16xi32>, vector<16xi32>], vector<16xf32>,
      %mul3A_1268 = arith.constant 8 : i32
      %mul3A_1269 = arith.muli %scan3A_1152, %mul3A_1268 : i32
      %add3A_1270 = arith.constant 6 : i32
      %add3A_1271 = arith.addi %mul3A_1269, %add3A_1270 : i32
      %add3A_1272 = arith.constant 5 : i32
      %add3A_1273 = vector.broadcast %add3A_1272 : i32 to vector<16xi32>
      %add3A_1274 = arith.addi %add3A_1156, %add3A_1273 : vector<16xi32>
      %get3A_1275 = arith.index_cast %add3A_1271 : i32 to index
      %get3A_1276 = arith.constant 0 : index
      %get3A_1277 = tpu.vector_load %arg9[%get3A_1275, %get3A_1276] {strides = array<i32>} : memref<128x64xf32, #tpu.memory_space<vmem>>, vector<16xf32>,
      tpu.vector_store_idx %arg13[%shift_right_arithmetic3A_17, %and3A_28, %add3A_1274], %get3A_1258 : memref<8x8x129xf32, #tpu.memory_space<vmem>>[vector<16xi32>, vector<16xi32>, vector<16xi32>], vector<16xf32>,
      %get3A_1278 = arith.index_cast %add3A_1271 : i32 to index
      %get3A_1279 = arith.constant 16 : index
      %get3A_1280 = tpu.vector_load %arg9[%get3A_1278, %get3A_1279] {strides = array<i32>} : memref<128x64xf32, #tpu.memory_space<vmem>>, vector<16xf32>,
      tpu.vector_store_idx %arg13[%shift_right_arithmetic3A_20, %and3A_31, %add3A_1274], %get3A_1261 : memref<8x8x129xf32, #tpu.memory_space<vmem>>[vector<16xi32>, vector<16xi32>, vector<16xi32>], vector<16xf32>,
      %get3A_1281 = arith.index_cast %add3A_1271 : i32 to index
      %get3A_1282 = arith.constant 32 : index
      %get3A_1283 = tpu.vector_load %arg9[%get3A_1281, %get3A_1282] {strides = array<i32>} : memref<128x64xf32, #tpu.memory_space<vmem>>, vector<16xf32>,
      tpu.vector_store_idx %arg13[%shift_right_arithmetic3A_23, %and3A_34, %add3A_1274], %get3A_1264 : memref<8x8x129xf32, #tpu.memory_space<vmem>>[vector<16xi32>, vector<16xi32>, vector<16xi32>], vector<16xf32>,
      %get3A_1284 = arith.index_cast %add3A_1271 : i32 to index
      %get3A_1285 = arith.constant 48 : index
      %get3A_1286 = tpu.vector_load %arg9[%get3A_1284, %get3A_1285] {strides = array<i32>} : memref<128x64xf32, #tpu.memory_space<vmem>>, vector<16xf32>,
      tpu.vector_store_idx %arg13[%shift_right_arithmetic3A_26, %and3A_37, %add3A_1274], %get3A_1267 : memref<8x8x129xf32, #tpu.memory_space<vmem>>[vector<16xi32>, vector<16xi32>, vector<16xi32>], vector<16xf32>,
      %mul3A_1287 = arith.constant 8 : i32
      %mul3A_1288 = arith.muli %scan3A_1152, %mul3A_1287 : i32
      %add3A_1289 = arith.constant 7 : i32
      %add3A_1290 = arith.addi %mul3A_1288, %add3A_1289 : i32
      %add3A_1291 = arith.constant 6 : i32
      %add3A_1292 = vector.broadcast %add3A_1291 : i32 to vector<16xi32>
      %add3A_1293 = arith.addi %add3A_1156, %add3A_1292 : vector<16xi32>
      %get3A_1294 = arith.index_cast %add3A_1290 : i32 to index
      %get3A_1295 = arith.constant 0 : index
      %get3A_1296 = tpu.vector_load %arg9[%get3A_1294, %get3A_1295] {strides = array<i32>} : memref<128x64xf32, #tpu.memory_space<vmem>>, vector<16xf32>,
      tpu.vector_store_idx %arg13[%shift_right_arithmetic3A_17, %and3A_28, %add3A_1293], %get3A_1277 : memref<8x8x129xf32, #tpu.memory_space<vmem>>[vector<16xi32>, vector<16xi32>, vector<16xi32>], vector<16xf32>,
      %get3A_1297 = arith.index_cast %add3A_1290 : i32 to index
      %get3A_1298 = arith.constant 16 : index
      %get3A_1299 = tpu.vector_load %arg9[%get3A_1297, %get3A_1298] {strides = array<i32>} : memref<128x64xf32, #tpu.memory_space<vmem>>, vector<16xf32>,
      tpu.vector_store_idx %arg13[%shift_right_arithmetic3A_20, %and3A_31, %add3A_1293], %get3A_1280 : memref<8x8x129xf32, #tpu.memory_space<vmem>>[vector<16xi32>, vector<16xi32>, vector<16xi32>], vector<16xf32>,
      %get3A_1300 = arith.index_cast %add3A_1290 : i32 to index
      %get3A_1301 = arith.constant 32 : index
      %get3A_1302 = tpu.vector_load %arg9[%get3A_1300, %get3A_1301] {strides = array<i32>} : memref<128x64xf32, #tpu.memory_space<vmem>>, vector<16xf32>,
      tpu.vector_store_idx %arg13[%shift_right_arithmetic3A_23, %and3A_34, %add3A_1293], %get3A_1283 : memref<8x8x129xf32, #tpu.memory_space<vmem>>[vector<16xi32>, vector<16xi32>, vector<16xi32>], vector<16xf32>,
      %get3A_1303 = arith.index_cast %add3A_1290 : i32 to index
      %get3A_1304 = arith.constant 48 : index
      %get3A_1305 = tpu.vector_load %arg9[%get3A_1303, %get3A_1304] {strides = array<i32>} : memref<128x64xf32, #tpu.memory_space<vmem>>, vector<16xf32>,
      tpu.vector_store_idx %arg13[%shift_right_arithmetic3A_26, %and3A_37, %add3A_1293], %get3A_1286 : memref<8x8x129xf32, #tpu.memory_space<vmem>>[vector<16xi32>, vector<16xi32>, vector<16xi32>], vector<16xf32>,
      %add3A_1306 = arith.constant 7 : i32
      %add3A_1307 = vector.broadcast %add3A_1306 : i32 to vector<16xi32>
      %add3A_1308 = arith.addi %add3A_1156, %add3A_1307 : vector<16xi32>
      tpu.vector_store_idx %arg13[%shift_right_arithmetic3A_17, %and3A_28, %add3A_1308], %get3A_1296 : memref<8x8x129xf32, #tpu.memory_space<vmem>>[vector<16xi32>, vector<16xi32>, vector<16xi32>], vector<16xf32>,
      tpu.vector_store_idx %arg13[%shift_right_arithmetic3A_20, %and3A_31, %add3A_1308], %get3A_1299 : memref<8x8x129xf32, #tpu.memory_space<vmem>>[vector<16xi32>, vector<16xi32>, vector<16xi32>], vector<16xf32>,
      tpu.vector_store_idx %arg13[%shift_right_arithmetic3A_23, %and3A_34, %add3A_1308], %get3A_1302 : memref<8x8x129xf32, #tpu.memory_space<vmem>>[vector<16xi32>, vector<16xi32>, vector<16xi32>], vector<16xf32>,
      tpu.vector_store_idx %arg13[%shift_right_arithmetic3A_26, %and3A_37, %add3A_1308], %get3A_1305 : memref<8x8x129xf32, #tpu.memory_space<vmem>>[vector<16xi32>, vector<16xi32>, vector<16xi32>], vector<16xf32>,
    }
    %scan3A_851 = arith.constant 16 : i32
    %add3A_852 = arith.constant 199 : i32
    %add3A_853 = arith.addi %mul3A_2, %add3A_852 : i32
    %jit3A_854 = arith.constant 128 : i32
    %div3A_855 = arith.divsi %add3A_853, %jit3A_854 : i32
    %sign3A_856 = arith.constant 0 : i32
    %sign3A_857 = arith.cmpi sgt, %add3A_853, %sign3A_856 : i32
    %sign3A_858 = arith.extui %sign3A_857 : i1 to i32
    %sign3A_859 = arith.constant 0 : i32
    %sign3A_860 = arith.cmpi slt, %add3A_853, %sign3A_859 : i32
    %sign3A_861 = arith.extui %sign3A_860 : i1 to i32
    %sign3A_862 = arith.subi %sign3A_858, %sign3A_861 : i32
    %sign3A_863 = arith.constant 0 : i32
    %sign3A_864 = arith.cmpi sgt, %jit3A_854, %sign3A_863 : i32
    %sign3A_865 = arith.extui %sign3A_864 : i1 to i32
    %sign3A_866 = arith.constant 0 : i32
    %sign3A_867 = arith.cmpi slt, %jit3A_854, %sign3A_866 : i32
    %sign3A_868 = arith.extui %sign3A_867 : i1 to i32
    %sign3A_869 = arith.subi %sign3A_865, %sign3A_868 : i32
    %ne3A_870 = arith.cmpi ne, %sign3A_862, %sign3A_869 : i32
    %rem3A_871 = arith.remsi %add3A_853, %jit3A_854 : i32
    %ne3A_872 = arith.constant 0 : i32
    %ne3A_873 = arith.cmpi ne, %rem3A_871, %ne3A_872 : i32
    %and3A_874 = arith.andi %ne3A_870, %ne3A_873 : i1
    %sub3A_875 = arith.constant 1 : i32
    %sub3A_876 = arith.subi %div3A_855, %sub3A_875 : i32
    %select_n3A_877 = arith.select %and3A_874, %sub3A_876, %div3A_855 : i32
    %jit3A_878 = arith.constant 128 : i32
    %eq3A_879 = arith.constant 0 : i32
    %eq3A_880 = arith.cmpi eq, %jit3A_878, %eq3A_879 : i32
    %jit3A_881 = arith.constant 1 : i32
    %select_n3A_882 = arith.select %eq3A_880, %jit3A_881, %jit3A_878 : i32
    %rem3A_883 = arith.remsi %add3A_853, %select_n3A_882 : i32
    %ne3A_884 = arith.constant 0 : i32
    %ne3A_885 = arith.cmpi ne, %rem3A_883, %ne3A_884 : i32
    %lt3A_886 = arith.constant 0 : i32
    %lt3A_887 = arith.cmpi slt, %rem3A_883, %lt3A_886 : i32
    %lt3A_888 = arith.constant 0 : i32
    %lt3A_889 = arith.cmpi slt, %select_n3A_882, %lt3A_888 : i32
    %ne3A_890 = arith.xori %lt3A_887, %lt3A_889 : i1
    %and3A_891 = arith.andi %ne3A_890, %ne3A_885 : i1
    %add3A_892 = arith.addi %rem3A_883, %select_n3A_882 : i32
    %select_n3A_893 = arith.select %and3A_891, %add3A_892, %rem3A_883 : i32
    %dma_start3A_894 = arith.constant 0 : i32
    %dma_start3A_895 = arith.constant 0 : i32
    %dma_start3A_896 = arith.constant 0 : i32
    %dma_start3A_897 = tpu.memref_slice %arg13[%dma_start3A_894, %dma_start3A_895, %dma_start3A_896] : memref<8x8x129xf32, #tpu.memory_space<vmem>> -> memref<8x8x128xf32, #tpu.memory_space<vmem>>
    %dma_start3A_898 = arith.constant 0 : i32
    %dma_start3A_899 = arith.constant 0 : i32
    %dma_start3A_900 = arith.constant 0 : i32
    %dma_start3A_901 = tpu.memref_slice %arg4[%select_n3A_877, %dma_start3A_898, %select_n3A_893, %dma_start3A_899, %dma_start3A_900] : memref<50x8x128x8x128xf32, #tpu.memory_space<hbm>> -> memref<1x8x1x8x128xf32, #tpu.memory_space<hbm>>
    %dma_start3A_902 = tpu.memref_squeeze %dma_start3A_901 : memref<1x8x1x8x128xf32, #tpu.memory_space<hbm>> -> memref<8x8x128xf32, #tpu.memory_space<hbm>>
    %dma_start3A_903 = arith.constant 0 : i32
    %dma_start3A_904 = arith.constant 0 : i32
    %dma_start3A_905 = arith.constant 0 : i32
    %dma_start3A_906 = tpu.memref_slice %arg4[%select_n3A_877, %dma_start3A_903, %select_n3A_893, %dma_start3A_904, %dma_start3A_905] : memref<50x8x128x8x128xf32, #tpu.memory_space<hbm>> -> memref<1x8x1x8x128xf32, #tpu.memory_space<hbm>>
    %dma_start3A_907 = tpu.memref_squeeze %dma_start3A_906 : memref<1x8x1x8x128xf32, #tpu.memory_space<hbm>> -> memref<8x8x128xf32, #tpu.memory_space<hbm>>
    %dma_start3A_908 = arith.constant 0 : i32
    %dma_start3A_909 = arith.constant 0 : i32
    %dma_start3A_910 = arith.constant 0 : i32
    %dma_start3A_911 = tpu.memref_slice %arg13[%dma_start3A_908, %dma_start3A_909, %dma_start3A_910] : memref<8x8x129xf32, #tpu.memory_space<vmem>> -> memref<8x8x128xf32, #tpu.memory_space<vmem>>
    tpu.enqueue_dma source(%dma_start3A_911 : memref<8x8x128xf32, #tpu.memory_space<vmem>>) target(%dma_start3A_907 : memref<8x8x128xf32, #tpu.memory_space<hbm>>) target_semaphore(%arg21 : memref<!tpu.dma_semaphore, #tpu.memory_space<semaphore_mem>>)
    %add3A_912 = arith.constant 196 : i32
    %add3A_913 = arith.addi %mul3A_2, %add3A_912 : i32
    %jit3A_914 = arith.constant 128 : i32
    %div3A_915 = arith.divsi %add3A_913, %jit3A_914 : i32
    %sign3A_916 = arith.constant 0 : i32
    %sign3A_917 = arith.cmpi sgt, %add3A_913, %sign3A_916 : i32
    %sign3A_918 = arith.extui %sign3A_917 : i1 to i32
    %sign3A_919 = arith.constant 0 : i32
    %sign3A_920 = arith.cmpi slt, %add3A_913, %sign3A_919 : i32
    %sign3A_921 = arith.extui %sign3A_920 : i1 to i32
    %sign3A_922 = arith.subi %sign3A_918, %sign3A_921 : i32
    %sign3A_923 = arith.constant 0 : i32
    %sign3A_924 = arith.cmpi sgt, %jit3A_914, %sign3A_923 : i32
    %sign3A_925 = arith.extui %sign3A_924 : i1 to i32
    %sign3A_926 = arith.constant 0 : i32
    %sign3A_927 = arith.cmpi slt, %jit3A_914, %sign3A_926 : i32
    %sign3A_928 = arith.extui %sign3A_927 : i1 to i32
    %sign3A_929 = arith.subi %sign3A_925, %sign3A_928 : i32
    %ne3A_930 = arith.cmpi ne, %sign3A_922, %sign3A_929 : i32
    %rem3A_931 = arith.remsi %add3A_913, %jit3A_914 : i32
    %ne3A_932 = arith.constant 0 : i32
    %ne3A_933 = arith.cmpi ne, %rem3A_931, %ne3A_932 : i32
    %and3A_934 = arith.andi %ne3A_930, %ne3A_933 : i1
    %sub3A_935 = arith.constant 1 : i32
    %sub3A_936 = arith.subi %div3A_915, %sub3A_935 : i32
    %select_n3A_937 = arith.select %and3A_934, %sub3A_936, %div3A_915 : i32
    %jit3A_938 = arith.constant 128 : i32
    %eq3A_939 = arith.constant 0 : i32
    %eq3A_940 = arith.cmpi eq, %jit3A_938, %eq3A_939 : i32
    %jit3A_941 = arith.constant 1 : i32
    %select_n3A_942 = arith.select %eq3A_940, %jit3A_941, %jit3A_938 : i32
    %rem3A_943 = arith.remsi %add3A_913, %select_n3A_942 : i32
    %ne3A_944 = arith.constant 0 : i32
    %ne3A_945 = arith.cmpi ne, %rem3A_943, %ne3A_944 : i32
    %lt3A_946 = arith.constant 0 : i32
    %lt3A_947 = arith.cmpi slt, %rem3A_943, %lt3A_946 : i32
    %lt3A_948 = arith.constant 0 : i32
    %lt3A_949 = arith.cmpi slt, %select_n3A_942, %lt3A_948 : i32
    %ne3A_950 = arith.xori %lt3A_947, %lt3A_949 : i1
    %and3A_951 = arith.andi %ne3A_950, %ne3A_945 : i1
    %add3A_952 = arith.addi %rem3A_943, %select_n3A_942 : i32
    %select_n3A_953 = arith.select %and3A_951, %add3A_952, %rem3A_943 : i32
    %dma_wait3A_954 = arith.constant 0 : i32
    %dma_wait3A_955 = arith.constant 0 : i32
    %dma_wait3A_956 = arith.constant 0 : i32
    %dma_wait3A_957 = tpu.memref_slice %arg10[%dma_wait3A_954, %dma_wait3A_955, %dma_wait3A_956] : memref<8x8x129xf32, #tpu.memory_space<vmem>> -> memref<8x8x128xf32, #tpu.memory_space<vmem>>
    %dma_wait3A_958 = arith.constant 0 : i32
    %dma_wait3A_959 = arith.constant 0 : i32
    %dma_wait3A_960 = arith.constant 0 : i32
    %dma_wait3A_961 = tpu.memref_slice %arg4[%select_n3A_937, %dma_wait3A_958, %select_n3A_953, %dma_wait3A_959, %dma_wait3A_960] : memref<50x8x128x8x128xf32, #tpu.memory_space<hbm>> -> memref<1x8x1x8x128xf32, #tpu.memory_space<hbm>>
    %dma_wait3A_962 = tpu.memref_squeeze %dma_wait3A_961 : memref<1x8x1x8x128xf32, #tpu.memory_space<hbm>> -> memref<8x8x128xf32, #tpu.memory_space<hbm>>
    %dma_wait3A_963 = arith.constant 0 : i32
    %dma_wait3A_964 = arith.constant 0 : i32
    %dma_wait3A_965 = arith.constant 0 : i32
    %dma_wait3A_966 = tpu.memref_slice %arg4[%select_n3A_937, %dma_wait3A_963, %select_n3A_953, %dma_wait3A_964, %dma_wait3A_965] : memref<50x8x128x8x128xf32, #tpu.memory_space<hbm>> -> memref<1x8x1x8x128xf32, #tpu.memory_space<hbm>>
    %dma_wait3A_967 = tpu.memref_squeeze %dma_wait3A_966 : memref<1x8x1x8x128xf32, #tpu.memory_space<hbm>> -> memref<8x8x128xf32, #tpu.memory_space<hbm>>
    %dma_wait3A_968 = arith.constant 0 : i32
    %dma_wait3A_969 = arith.constant 0 : i32
    %dma_wait3A_970 = arith.constant 0 : i32
    %dma_wait3A_971 = tpu.memref_slice %arg10[%dma_wait3A_968, %dma_wait3A_969, %dma_wait3A_970] : memref<8x8x129xf32, #tpu.memory_space<vmem>> -> memref<8x8x128xf32, #tpu.memory_space<vmem>>
    tpu.wait_dma2 semaphore(%arg18 : memref<!tpu.dma_semaphore, #tpu.memory_space<semaphore_mem>>) src(%dma_wait3A_971 : memref<8x8x128xf32, #tpu.memory_space<vmem>>) dst(%dma_wait3A_967 : memref<8x8x128xf32, #tpu.memory_space<hbm>>)
    %add3A_972 = arith.constant 197 : i32
    %add3A_973 = arith.addi %mul3A_2, %add3A_972 : i32
    %jit3A_974 = arith.constant 128 : i32
    %div3A_975 = arith.divsi %add3A_973, %jit3A_974 : i32
    %sign3A_976 = arith.constant 0 : i32
    %sign3A_977 = arith.cmpi sgt, %add3A_973, %sign3A_976 : i32
    %sign3A_978 = arith.extui %sign3A_977 : i1 to i32
    %sign3A_979 = arith.constant 0 : i32
    %sign3A_980 = arith.cmpi slt, %add3A_973, %sign3A_979 : i32
    %sign3A_981 = arith.extui %sign3A_980 : i1 to i32
    %sign3A_982 = arith.subi %sign3A_978, %sign3A_981 : i32
    %sign3A_983 = arith.constant 0 : i32
    %sign3A_984 = arith.cmpi sgt, %jit3A_974, %sign3A_983 : i32
    %sign3A_985 = arith.extui %sign3A_984 : i1 to i32
    %sign3A_986 = arith.constant 0 : i32
    %sign3A_987 = arith.cmpi slt, %jit3A_974, %sign3A_986 : i32
    %sign3A_988 = arith.extui %sign3A_987 : i1 to i32
    %sign3A_989 = arith.subi %sign3A_985, %sign3A_988 : i32
    %ne3A_990 = arith.cmpi ne, %sign3A_982, %sign3A_989 : i32
    %rem3A_991 = arith.remsi %add3A_973, %jit3A_974 : i32
    %ne3A_992 = arith.constant 0 : i32
    %ne3A_993 = arith.cmpi ne, %rem3A_991, %ne3A_992 : i32
    %and3A_994 = arith.andi %ne3A_990, %ne3A_993 : i1
    %sub3A_995 = arith.constant 1 : i32
    %sub3A_996 = arith.subi %div3A_975, %sub3A_995 : i32
    %select_n3A_997 = arith.select %and3A_994, %sub3A_996, %div3A_975 : i32
    %jit3A_998 = arith.constant 128 : i32
    %eq3A_999 = arith.constant 0 : i32
    %eq3A_1000 = arith.cmpi eq, %jit3A_998, %eq3A_999 : i32
    %jit3A_1001 = arith.constant 1 : i32
    %select_n3A_1002 = arith.select %eq3A_1000, %jit3A_1001, %jit3A_998 : i32
    %rem3A_1003 = arith.remsi %add3A_973, %select_n3A_1002 : i32
    %ne3A_1004 = arith.constant 0 : i32
    %ne3A_1005 = arith.cmpi ne, %rem3A_1003, %ne3A_1004 : i32
    %lt3A_1006 = arith.constant 0 : i32
    %lt3A_1007 = arith.cmpi slt, %rem3A_1003, %lt3A_1006 : i32
    %lt3A_1008 = arith.constant 0 : i32
    %lt3A_1009 = arith.cmpi slt, %select_n3A_1002, %lt3A_1008 : i32
    %ne3A_1010 = arith.xori %lt3A_1007, %lt3A_1009 : i1
    %and3A_1011 = arith.andi %ne3A_1010, %ne3A_1005 : i1
    %add3A_1012 = arith.addi %rem3A_1003, %select_n3A_1002 : i32
    %select_n3A_1013 = arith.select %and3A_1011, %add3A_1012, %rem3A_1003 : i32
    %dma_wait3A_1014 = arith.constant 0 : i32
    %dma_wait3A_1015 = arith.constant 0 : i32
    %dma_wait3A_1016 = arith.constant 0 : i32
    %dma_wait3A_1017 = tpu.memref_slice %arg11[%dma_wait3A_1014, %dma_wait3A_1015, %dma_wait3A_1016] : memref<8x8x129xf32, #tpu.memory_space<vmem>> -> memref<8x8x128xf32, #tpu.memory_space<vmem>>
    %dma_wait3A_1018 = arith.constant 0 : i32
    %dma_wait3A_1019 = arith.constant 0 : i32
    %dma_wait3A_1020 = arith.constant 0 : i32
    %dma_wait3A_1021 = tpu.memref_slice %arg4[%select_n3A_997, %dma_wait3A_1018, %select_n3A_1013, %dma_wait3A_1019, %dma_wait3A_1020] : memref<50x8x128x8x128xf32, #tpu.memory_space<hbm>> -> memref<1x8x1x8x128xf32, #tpu.memory_space<hbm>>
    %dma_wait3A_1022 = tpu.memref_squeeze %dma_wait3A_1021 : memref<1x8x1x8x128xf32, #tpu.memory_space<hbm>> -> memref<8x8x128xf32, #tpu.memory_space<hbm>>
    %dma_wait3A_1023 = arith.constant 0 : i32
    %dma_wait3A_1024 = arith.constant 0 : i32
    %dma_wait3A_1025 = arith.constant 0 : i32
    %dma_wait3A_1026 = tpu.memref_slice %arg4[%select_n3A_997, %dma_wait3A_1023, %select_n3A_1013, %dma_wait3A_1024, %dma_wait3A_1025] : memref<50x8x128x8x128xf32, #tpu.memory_space<hbm>> -> memref<1x8x1x8x128xf32, #tpu.memory_space<hbm>>
    %dma_wait3A_1027 = tpu.memref_squeeze %dma_wait3A_1026 : memref<1x8x1x8x128xf32, #tpu.memory_space<hbm>> -> memref<8x8x128xf32, #tpu.memory_space<hbm>>
    %dma_wait3A_1028 = arith.constant 0 : i32
    %dma_wait3A_1029 = arith.constant 0 : i32
    %dma_wait3A_1030 = arith.constant 0 : i32
    %dma_wait3A_1031 = tpu.memref_slice %arg11[%dma_wait3A_1028, %dma_wait3A_1029, %dma_wait3A_1030] : memref<8x8x129xf32, #tpu.memory_space<vmem>> -> memref<8x8x128xf32, #tpu.memory_space<vmem>>
    tpu.wait_dma2 semaphore(%arg19 : memref<!tpu.dma_semaphore, #tpu.memory_space<semaphore_mem>>) src(%dma_wait3A_1031 : memref<8x8x128xf32, #tpu.memory_space<vmem>>) dst(%dma_wait3A_1027 : memref<8x8x128xf32, #tpu.memory_space<hbm>>)
    %add3A_1032 = arith.constant 198 : i32
    %add3A_1033 = arith.addi %mul3A_2, %add3A_1032 : i32
    %jit3A_1034 = arith.constant 128 : i32
    %div3A_1035 = arith.divsi %add3A_1033, %jit3A_1034 : i32
    %sign3A_1036 = arith.constant 0 : i32
    %sign3A_1037 = arith.cmpi sgt, %add3A_1033, %sign3A_1036 : i32
    %sign3A_1038 = arith.extui %sign3A_1037 : i1 to i32
    %sign3A_1039 = arith.constant 0 : i32
    %sign3A_1040 = arith.cmpi slt, %add3A_1033, %sign3A_1039 : i32
    %sign3A_1041 = arith.extui %sign3A_1040 : i1 to i32
    %sign3A_1042 = arith.subi %sign3A_1038, %sign3A_1041 : i32
    %sign3A_1043 = arith.constant 0 : i32
    %sign3A_1044 = arith.cmpi sgt, %jit3A_1034, %sign3A_1043 : i32
    %sign3A_1045 = arith.extui %sign3A_1044 : i1 to i32
    %sign3A_1046 = arith.constant 0 : i32
    %sign3A_1047 = arith.cmpi slt, %jit3A_1034, %sign3A_1046 : i32
    %sign3A_1048 = arith.extui %sign3A_1047 : i1 to i32
    %sign3A_1049 = arith.subi %sign3A_1045, %sign3A_1048 : i32
    %ne3A_1050 = arith.cmpi ne, %sign3A_1042, %sign3A_1049 : i32
    %rem3A_1051 = arith.remsi %add3A_1033, %jit3A_1034 : i32
    %ne3A_1052 = arith.constant 0 : i32
    %ne3A_1053 = arith.cmpi ne, %rem3A_1051, %ne3A_1052 : i32
    %and3A_1054 = arith.andi %ne3A_1050, %ne3A_1053 : i1
    %sub3A_1055 = arith.constant 1 : i32
    %sub3A_1056 = arith.subi %div3A_1035, %sub3A_1055 : i32
    %select_n3A_1057 = arith.select %and3A_1054, %sub3A_1056, %div3A_1035 : i32
    %jit3A_1058 = arith.constant 128 : i32
    %eq3A_1059 = arith.constant 0 : i32
    %eq3A_1060 = arith.cmpi eq, %jit3A_1058, %eq3A_1059 : i32
    %jit3A_1061 = arith.constant 1 : i32
    %select_n3A_1062 = arith.select %eq3A_1060, %jit3A_1061, %jit3A_1058 : i32
    %rem3A_1063 = arith.remsi %add3A_1033, %select_n3A_1062 : i32
    %ne3A_1064 = arith.constant 0 : i32
    %ne3A_1065 = arith.cmpi ne, %rem3A_1063, %ne3A_1064 : i32
    %lt3A_1066 = arith.constant 0 : i32
    %lt3A_1067 = arith.cmpi slt, %rem3A_1063, %lt3A_1066 : i32
    %lt3A_1068 = arith.constant 0 : i32
    %lt3A_1069 = arith.cmpi slt, %select_n3A_1062, %lt3A_1068 : i32
    %ne3A_1070 = arith.xori %lt3A_1067, %lt3A_1069 : i1
    %and3A_1071 = arith.andi %ne3A_1070, %ne3A_1065 : i1
    %add3A_1072 = arith.addi %rem3A_1063, %select_n3A_1062 : i32
    %select_n3A_1073 = arith.select %and3A_1071, %add3A_1072, %rem3A_1063 : i32
    %dma_wait3A_1074 = arith.constant 0 : i32
    %dma_wait3A_1075 = arith.constant 0 : i32
    %dma_wait3A_1076 = arith.constant 0 : i32
    %dma_wait3A_1077 = tpu.memref_slice %arg12[%dma_wait3A_1074, %dma_wait3A_1075, %dma_wait3A_1076] : memref<8x8x129xf32, #tpu.memory_space<vmem>> -> memref<8x8x128xf32, #tpu.memory_space<vmem>>
    %dma_wait3A_1078 = arith.constant 0 : i32
    %dma_wait3A_1079 = arith.constant 0 : i32
    %dma_wait3A_1080 = arith.constant 0 : i32
    %dma_wait3A_1081 = tpu.memref_slice %arg4[%select_n3A_1057, %dma_wait3A_1078, %select_n3A_1073, %dma_wait3A_1079, %dma_wait3A_1080] : memref<50x8x128x8x128xf32, #tpu.memory_space<hbm>> -> memref<1x8x1x8x128xf32, #tpu.memory_space<hbm>>
    %dma_wait3A_1082 = tpu.memref_squeeze %dma_wait3A_1081 : memref<1x8x1x8x128xf32, #tpu.memory_space<hbm>> -> memref<8x8x128xf32, #tpu.memory_space<hbm>>
    %dma_wait3A_1083 = arith.constant 0 : i32
    %dma_wait3A_1084 = arith.constant 0 : i32
    %dma_wait3A_1085 = arith.constant 0 : i32
    %dma_wait3A_1086 = tpu.memref_slice %arg4[%select_n3A_1057, %dma_wait3A_1083, %select_n3A_1073, %dma_wait3A_1084, %dma_wait3A_1085] : memref<50x8x128x8x128xf32, #tpu.memory_space<hbm>> -> memref<1x8x1x8x128xf32, #tpu.memory_space<hbm>>
    %dma_wait3A_1087 = tpu.memref_squeeze %dma_wait3A_1086 : memref<1x8x1x8x128xf32, #tpu.memory_space<hbm>> -> memref<8x8x128xf32, #tpu.memory_space<hbm>>
    %dma_wait3A_1088 = arith.constant 0 : i32
    %dma_wait3A_1089 = arith.constant 0 : i32
    %dma_wait3A_1090 = arith.constant 0 : i32
    %dma_wait3A_1091 = tpu.memref_slice %arg12[%dma_wait3A_1088, %dma_wait3A_1089, %dma_wait3A_1090] : memref<8x8x129xf32, #tpu.memory_space<vmem>> -> memref<8x8x128xf32, #tpu.memory_space<vmem>>
    tpu.wait_dma2 semaphore(%arg20 : memref<!tpu.dma_semaphore, #tpu.memory_space<semaphore_mem>>) src(%dma_wait3A_1091 : memref<8x8x128xf32, #tpu.memory_space<vmem>>) dst(%dma_wait3A_1087 : memref<8x8x128xf32, #tpu.memory_space<hbm>>)
    %add3A_1092 = arith.constant 199 : i32
    %add3A_1093 = arith.addi %mul3A_2, %add3A_1092 : i32
    %jit3A_1094 = arith.constant 128 : i32
    %div3A_1095 = arith.divsi %add3A_1093, %jit3A_1094 : i32
    %sign3A_1096 = arith.constant 0 : i32
    %sign3A_1097 = arith.cmpi sgt, %add3A_1093, %sign3A_1096 : i32
    %sign3A_1098 = arith.extui %sign3A_1097 : i1 to i32
    %sign3A_1099 = arith.constant 0 : i32
    %sign3A_1100 = arith.cmpi slt, %add3A_1093, %sign3A_1099 : i32
    %sign3A_1101 = arith.extui %sign3A_1100 : i1 to i32
    %sign3A_1102 = arith.subi %sign3A_1098, %sign3A_1101 : i32
    %sign3A_1103 = arith.constant 0 : i32
    %sign3A_1104 = arith.cmpi sgt, %jit3A_1094, %sign3A_1103 : i32
    %sign3A_1105 = arith.extui %sign3A_1104 : i1 to i32
    %sign3A_1106 = arith.constant 0 : i32
    %sign3A_1107 = arith.cmpi slt, %jit3A_1094, %sign3A_1106 : i32
    %sign3A_1108 = arith.extui %sign3A_1107 : i1 to i32
    %sign3A_1109 = arith.subi %sign3A_1105, %sign3A_1108 : i32
    %ne3A_1110 = arith.cmpi ne, %sign3A_1102, %sign3A_1109 : i32
    %rem3A_1111 = arith.remsi %add3A_1093, %jit3A_1094 : i32
    %ne3A_1112 = arith.constant 0 : i32
    %ne3A_1113 = arith.cmpi ne, %rem3A_1111, %ne3A_1112 : i32
    %and3A_1114 = arith.andi %ne3A_1110, %ne3A_1113 : i1
    %sub3A_1115 = arith.constant 1 : i32
    %sub3A_1116 = arith.subi %div3A_1095, %sub3A_1115 : i32
    %select_n3A_1117 = arith.select %and3A_1114, %sub3A_1116, %div3A_1095 : i32
    %jit3A_1118 = arith.constant 128 : i32
    %eq3A_1119 = arith.constant 0 : i32
    %eq3A_1120 = arith.cmpi eq, %jit3A_1118, %eq3A_1119 : i32
    %jit3A_1121 = arith.constant 1 : i32
    %select_n3A_1122 = arith.select %eq3A_1120, %jit3A_1121, %jit3A_1118 : i32
    %rem3A_1123 = arith.remsi %add3A_1093, %select_n3A_1122 : i32
    %ne3A_1124 = arith.constant 0 : i32
    %ne3A_1125 = arith.cmpi ne, %rem3A_1123, %ne3A_1124 : i32
    %lt3A_1126 = arith.constant 0 : i32
    %lt3A_1127 = arith.cmpi slt, %rem3A_1123, %lt3A_1126 : i32
    %lt3A_1128 = arith.constant 0 : i32
    %lt3A_1129 = arith.cmpi slt, %select_n3A_1122, %lt3A_1128 : i32
    %ne3A_1130 = arith.xori %lt3A_1127, %lt3A_1129 : i1
    %and3A_1131 = arith.andi %ne3A_1130, %ne3A_1125 : i1
    %add3A_1132 = arith.addi %rem3A_1123, %select_n3A_1122 : i32
    %select_n3A_1133 = arith.select %and3A_1131, %add3A_1132, %rem3A_1123 : i32
    %dma_wait3A_1134 = arith.constant 0 : i32
    %dma_wait3A_1135 = arith.constant 0 : i32
    %dma_wait3A_1136 = arith.constant 0 : i32
    %dma_wait3A_1137 = tpu.memref_slice %arg13[%dma_wait3A_1134, %dma_wait3A_1135, %dma_wait3A_1136] : memref<8x8x129xf32, #tpu.memory_space<vmem>> -> memref<8x8x128xf32, #tpu.memory_space<vmem>>
    %dma_wait3A_1138 = arith.constant 0 : i32
    %dma_wait3A_1139 = arith.constant 0 : i32
    %dma_wait3A_1140 = arith.constant 0 : i32
    %dma_wait3A_1141 = tpu.memref_slice %arg4[%select_n3A_1117, %dma_wait3A_1138, %select_n3A_1133, %dma_wait3A_1139, %dma_wait3A_1140] : memref<50x8x128x8x128xf32, #tpu.memory_space<hbm>> -> memref<1x8x1x8x128xf32, #tpu.memory_space<hbm>>
    %dma_wait3A_1142 = tpu.memref_squeeze %dma_wait3A_1141 : memref<1x8x1x8x128xf32, #tpu.memory_space<hbm>> -> memref<8x8x128xf32, #tpu.memory_space<hbm>>
    %dma_wait3A_1143 = arith.constant 0 : i32
    %dma_wait3A_1144 = arith.constant 0 : i32
    %dma_wait3A_1145 = arith.constant 0 : i32
    %dma_wait3A_1146 = tpu.memref_slice %arg4[%select_n3A_1117, %dma_wait3A_1143, %select_n3A_1133, %dma_wait3A_1144, %dma_wait3A_1145] : memref<50x8x128x8x128xf32, #tpu.memory_space<hbm>> -> memref<1x8x1x8x128xf32, #tpu.memory_space<hbm>>
    %dma_wait3A_1147 = tpu.memref_squeeze %dma_wait3A_1146 : memref<1x8x1x8x128xf32, #tpu.memory_space<hbm>> -> memref<8x8x128xf32, #tpu.memory_space<hbm>>
    %dma_wait3A_1148 = arith.constant 0 : i32
    %dma_wait3A_1149 = arith.constant 0 : i32
    %dma_wait3A_1150 = arith.constant 0 : i32
    %dma_wait3A_1151 = tpu.memref_slice %arg13[%dma_wait3A_1148, %dma_wait3A_1149, %dma_wait3A_1150] : memref<8x8x129xf32, #tpu.memory_space<vmem>> -> memref<8x8x128xf32, #tpu.memory_space<vmem>>
    tpu.wait_dma2 semaphore(%arg21 : memref<!tpu.dma_semaphore, #tpu.memory_space<semaphore_mem>>) src(%dma_wait3A_1151 : memref<8x8x128xf32, #tpu.memory_space<vmem>>) dst(%dma_wait3A_1147 : memref<8x8x128xf32, #tpu.memory_space<hbm>>)
    return
  }
}

</mosaic_0001>

<sc_bundles>
// kernel: kernel.3.cloned.1.call-start
scs
__scs_entry_jumppad:
0x0: {  	(pc) =	sbr.rel $0x88, $3  }
0x1: {  	(tag) =	ssettag $0x0;
	lr =	simm.s32 $0x1  }
0x2: {  	[smem:$0x3F9F] =	sst lr;
	_ =	strace $0xD0000000  }
0x3: {  	_ = 	snop  }
0x4: {  	_ = 	snop  }
0x5: {  	_ = 	snop  }
0x6: {  	_ = 	snop  }
0x7: {  	_ = 	snop  }
__scs_overlays_trampoline_lowered:
0x8: {  	[smem:$0x3FAE] =	sst s0  }
0x9: {  	[smem:$0x3FAF] =	sst s1  }
0xa: {  	[smem:$0x3FB0] =	sst s2  }
0xb: {  	[smem:$0x3FB1] =	sst s3  }
0xc: {  	[smem:$0x3FB2] =	sst s4  }
0xd: {  	[smem:$0x3FB3] =	sst s5  }
0xe: {  	[smem:$0x3FB4] =	sst s6  }
0xf: {  	[smem:$0x3FB5] =	sst s7  }
0x10: {  	[smem:$0x3FB6] =	sst s8  }
0x11: {  	[smem:$0x3FB7] =	sst s9;
	s0 =	simm.s32 @!p0 $0x0  }
0x12: {  	s1 =	sld [smem:$0x3F9D];
	s0 =	simm.s32 @p0 $0x1  }
0x13: {  	[smem:$0x3FB8] =	sst s0;
	s0 =	simm.s32 @!p1 $0x0  }
0x14: {  	s2 =	sld [smem:$0x3F9C];
	s0 =	simm.s32 @p1 $0x1  }
0x15: {  	[smem:$0x3FB9] =	sst s0;
	s0 =	simm.s32 @!p2 $0x0  }
0x16: {  	s3 =	sld [smem:$0x3FDB];
	s0 =	simm.s32 @p2 $0x1  }
0x17: {  	s4 =	simm.s32 $0x1BF5;
	[smem:$0x3FBB] =	sst s0  }
0x18: {  	s0 =	sld [smem:$0x3F9E];
	_ =	swait.ge [sflag:s4], $0x0  }
0x19: {  	s7 =	sld [smem:$0x3F9F]  }
0x1a: {  	s8 =	sadd.s32 $0xFFFFE003, lr  }
0x1b: {  	s9 =	sadd.s32 $0xFFFFFEF7, lr;
	s5 =	simm.s32 $0xFFFFFFFF;
	p2 =	slt.u32 s8, $0xFFFFF086  }
0x1c: {  	p1 =	slt.u32 s9, $0xF7A;
	s5 =	simm.s32 @!p2 $0x0  }
0x1d: {  	s5 =	simm.s32 @p1 $0x1;
	p0 =	seq.s32 s7, s2  }
0x1e: {  	s7 =	smul.u32 @!p0 $0xF7A, s2;
	p2 =	seq.s32 @!p0 s5, $0x0  }
0x1f: {  	s9 =	smul.u32 $0xF7A, s1;
	s8 =	simm.s32 @!p0 $0x1BF5;
	p2 =	por !p2, p0  }
0x20: {  	[sflag:s8] =	ssyncset.s32 @!p0 $0xFFFFF086;
	s6 =	sadd.s32 @!p0 s3, s7;
	s7 =	simm.s32 @!p0 $0x108  }
0x21: {  	s3 =	sadd.s32 s3, s9;
	s6 =	sadd.s32 @!p0 $0x88, s6;
	s7 =	simm.s32 @p2 $0x1082  }
0x22: {  	[simem:s7], [sflag:s8] =	dma.local @!p0 [hbm:s6], $0xF7A  }
0x23: {  	s9 =	sor.u32 $0xD0000000, s2;
	s6 =	simm.s32 $0x108;
	_ =	swait.ge @!p0 [sflag:s8], $0x0  }
0x24: {  	s3 =	sadd.s32 $0x88, s3;
	s6 =	simm.s32 @!p1 $0x1082;
	[sflag:s4] =	ssyncset.s32 $0xFFFFF086  }
0x25: {  	[simem:s6], [sflag:s4] =	dma.local [hbm:s3], $0xF7A  }
0x26: {  	[smem:$0x3F9F] =	sst s1;
	(tag) =	ssettag s2;
	_ =	strace s9  }
0x27: {  	s1 =	sld [smem:$0x3FAF]  }
0x28: {  	s2 =	sld [smem:$0x3FB0]  }
0x29: {  	s4 =	sld [smem:$0x3FB2]  }
0x2a: {  	p0 =	seq.s32 s5, $0x0;
	s5 =	sld [smem:$0x3FB3]  }
0x2b: {  	s6 =	sld [smem:$0x3FB4]  }
0x2c: {  	s7 =	sld [smem:$0x3FB5]  }
0x2d: {  	s3 =	simm.s32 $0x108;
	s8 =	sld [smem:$0x3FB6]  }
0x2e: {  	s3 =	simm.s32 @!p0 $0x1082;
	s9 =	sld [smem:$0x3FB7]  }
0x2f: {  	lr =	sadd.s32 s0, s3;
	s0 =	sld [smem:$0x3FAE]  }
0x30: {  	s3 =	sld [smem:$0x3FB1]  }
0x31: {  	[smem:$0x3FBA] =	sst s10  }
0x32: {  	s10 =	sld [smem:$0x3FB8];
	_ =	sdelay $0x3  }
0x33: {  	p0 =	seq.s32 s10, $0x1;
	s10 =	sld [smem:$0x3FBA];
	_ =	sdelay $0x3  }
0x34: {  	[smem:$0x3FBA] =	sst s10  }
0x35: {  	s10 =	sld [smem:$0x3FB9];
	_ =	sdelay $0x3  }
0x36: {  	p1 =	seq.s32 s10, $0x1;
	s10 =	sld [smem:$0x3FBA];
	_ =	sdelay $0x3  }
0x37: {  	[smem:$0x3FBA] =	sst s10  }
0x38: {  	s10 =	sld [smem:$0x3FBB]  }
0x39: {  	_ = 	snop;
	(pc) =	sbr.ind lr, $3  }
0x3a: {  	_ = 	snop  }
0x3b: {  	_ = 	snop  }
0x3c: {  	p2 =	seq.s32 s10, $0x1;
	s10 =	sld [smem:$0x3FBA]  }
0x3d: {  	_ =	shalt  }
0x3e: {  	_ =	shalt  }
0x3f: {  	_ =	shalt  }
0x40: {  	_ =	shalt  }
0x41: {  	_ =	shalt  }
0x42: {  	_ =	shalt  }
0x43: {  	_ =	shalt  }
0x44: {  	_ =	shalt  }
0x45: {  	_ =	shalt  }
0x46: {  	_ =	shalt  }
0x47: {  	_ =	shalt  }
0x48: {  	_ =	shalt  }
0x49: {  	_ =	shalt  }
0x4a: {  	_ =	shalt  }
0x4b: {  	_ =	shalt  }
0x4c: {  	_ =	shalt  }
0x4d: {  	_ =	shalt  }
0x4e: {  	_ =	shalt  }
0x4f: {  	_ =	shalt  }
0x50: {  	_ =	shalt  }
0x51: {  	_ =	shalt  }
0x52: {  	_ =	shalt  }
0x53: {  	_ =	shalt  }
0x54: {  	_ =	shalt  }
0x55: {  	_ =	shalt  }
0x56: {  	_ =	shalt  }
0x57: {  	_ =	shalt  }
0x58: {  	_ =	shalt  }
0x59: {  	_ =	shalt  }
0x5a: {  	_ =	shalt  }
0x5b: {  	_ =	shalt  }
0x5c: {  	_ =	shalt  }
0x5d: {  	_ =	shalt  }
0x5e: {  	_ =	shalt  }
0x5f: {  	_ =	shalt  }
0x60: {  	_ =	shalt  }
0x61: {  	_ =	shalt  }
0x62: {  	_ =	shalt  }
0x63: {  	_ =	shalt  }
0x64: {  	_ =	shalt  }
0x65: {  	_ =	shalt  }
0x66: {  	_ =	shalt  }
0x67: {  	_ =	shalt  }
0x68: {  	_ =	shalt  }
0x69: {  	_ =	shalt  }
0x6a: {  	_ =	shalt  }
0x6b: {  	_ =	shalt  }
0x6c: {  	_ =	shalt  }
0x6d: {  	_ =	shalt  }
0x6e: {  	_ =	shalt  }
0x6f: {  	_ =	shalt  }
0x70: {  	_ =	shalt  }
0x71: {  	_ =	shalt  }
0x72: {  	_ =	shalt  }
0x73: {  	_ =	shalt  }
0x74: {  	_ =	shalt  }
0x75: {  	_ =	shalt  }
0x76: {  	_ =	shalt  }
0x77: {  	_ =	shalt  }
0x78: {  	_ =	shalt  }
0x79: {  	_ =	shalt  }
0x7a: {  	_ =	shalt  }
0x7b: {  	_ =	shalt  }
0x7c: {  	_ =	shalt  }
0x7d: {  	_ =	shalt  }
0x7e: {  	_ =	shalt  }
0x7f: {  	_ =	shalt  }
0x80: {  	_ =	shalt  }
0x81: {  	_ =	shalt  }
0x82: {  	_ =	shalt  }
0x83: {  	_ =	shalt  }
0x84: {  	_ =	shalt  }
0x85: {  	_ =	shalt  }
0x86: {  	_ =	shalt  }
0x87: {  	_ =	shalt  }
.Lfunc_end0:
.L_simem_size_0:
called_computation_lowered:
.L_overlay_start_0:
0x88: {  	s2 =	sld [smem:$0x3FD9]  }
0x89: {  	s3 =	sld [smem:$0x3FFE];
	_ =	sdelay $0x1  }
0x8a: {  	s1 =	srdreg.scid  }
0x8b: {  	s0 =	sand.u32 $0x1, s1  }
0x8c: {  	s17 =	sshll.u32 s0, $0xA;
	s2 =	sadd.s32 s3, s2  }
0x8d: {  	s2 =	sadd.s32 s2, s17  }
0x8e: {  	[smem:$0x3FC6] =	sst s2  }
0x8f: {  	_ = 	snop  }
0x90: {  	s2 =	sld [smem:$0x3FD0];
	(tm) =	ssettm $0x1  }
0x91: {  	s18 =	sld [smem:$0x3FFB];
	_ =	sdelay $0x3  }
0x92: {  	_ =	strace s18  }
0x93: {  	s3 =	sld [smem:$0x3FFC];
	_ =	sdelay $0x3  }
0x94: {  	_ =	strace s3  }
0x95: {  	s3 =	sld [smem:$0x3FFD];
	_ =	sdelay $0x3  }
0x96: {  	_ =	strace s3  }
0x97: {  	_ =	strace $0x8FFFFFFF  }
0x98: {  	s19 =	sld [smem:$0x3FDB];
	_ =	sdelay $0x1  }
0x99: {  	s4 =	simm.s32 $_scs_section_size  }
0x9a: {  	s5 =	simm.s32 $_size__tile_overlayer_lowered;
	s6 =	simm.s32 $_tile_overlayer_lowered  }
0x9b: {  	s22 =	simm.s32 $0x1BFF;
	s21 =	sshll.u32 s6, $0x1;
	s3 =	sadd.s32 s4, s19  }
0x9c: {  	s7 =	simm.s32 $0x0;
	s20 =	sshll.u32 s5, $0x1;
	s5 =	sadd.s32 s21, s3  }
0x9d: {  	[timem:s7], [sflag:s22] =	dma.local [hbm:s5], s20  }
0x9e: {  	_ =	swait.ge [sflag:s22], s20  }
0x9f: {  	s4 =	ssub.s32 $0x0, s20;
	[sflag:s22] =	ssyncset.done $0x0  }
0xa0: {  	[sflag:s22] =	ssyncadd.s32 s4;
	_ =	sdelay $0x1  }
0xa1: {  	s23 =	simm.s32 $0x1B8B  }
0xa2: {  	_ =	swait.ge [sflag:s23], $0x1  }
0xa3: {  	[sflag:s23] =	ssyncset.done $0x0  }
0xa4: {  	s25 =	simm.s32 $0x1B8E;
	s24 =	sld [smem:$0x3FFE];
	[sflag:s23] =	ssyncadd.s32 $0xFFFFFFFF  }
0xa5: {  	s26 =	simm.s32 $execute0_lowered;
	[smem:$0x3FD2] =	sst s25  }
0xa6: {  	s5 =	sshll.u32 s26, $0x1;
	_ =	strace $0x80000046;
	[dreg:$0x1] =	wrdreg $0xFFFFFFFF  }
0xa7: {  	s28 =	simm.s32 $_size_execute0_lowered;
	s3 =	sadd.s32 s3, s5;
	[dreg:$0x0] =	wrdreg $0x0  }
0xa8: {  	s5 =	sshll.u32 s28, $0x1;
	[dreg:$0x2] =	wrdreg s3  }
0xa9: {  	[dreg:$0x3] =	wrdreg s5  }
0xaa: {  	[dreg:$0x4] =	wrdreg $0xC0  }
0xab: {  	_ =	task [dreg:s7], $0x5FFFF  }
0xac: {  	[dreg:$0x1] =	wrdreg $0xFFFFFFFF  }
0xad: {  	[dreg:$0x0] =	wrdreg $0x60  }
0xae: {  	[dreg:$0x2] =	wrdreg s24  }
0xaf: {  	[dreg:$0x3] =	wrdreg s2  }
0xb0: {  	[dreg:$0x4] =	wrdreg $0x9  }
0xb1: {  	_ =	task.clear_ibuf [dreg:s7], $0x5FFFF;
	_ =	strace $0x90000046  }
0xb2: {  	s29 =	simm.s32 $0x9;
	_ =	strace $0x80000048  }
0xb3: {  	_ =	swait.ge [sflag:s29], $0x1  }
0xb4: {  	[sflag:s29] =	ssyncadd.s32 $0xFFFFFFFF  }
0xb5: {  	_ =	strace $0x90000048  }
0xb6: {  	_ =	sfence  }
0xb7: {  	s30 =	sld [smem:$0x0];
	_ =	sdelay $0x2  }
0xb8: {  	s31 =	sshll.u32 s1, $0xD;
	s1 =	sshrl.u32 s1, $0x2  }
0xb9: {  	s3 =	sand.u32 $0x4000, s31;
	s1 =	sadd.s32 s1, s30  }
0xba: {  	s0 =	sor.u32 s3, s0;
	s1 =	sshll.u32 s1, $0x11  }
0xbb: {  	s0 =	sor.u32 s1, s0  }
0xbc: {  	s0 =	sadd.s32 $0x8F2B, s0  }
0xbd: {  	[sflag:s0] =	ssyncadd.remote.s32 $0x1  }
0xbe: {  	_ =	sfence.sel $0xFFFF  }
0xbf: {  	[dreg:$0x0] =	wrdreg $0xFFFFFFFF;
	(pc) =	sbr.abs _section_cstart, $3  }
0xc0: {  	[dreg:$0x1] =	wrdreg $0xFFFFFFFF  }
0xc1: {  	_ =	task.clear_ibuf [dreg:s7], $0x2FFFF;
	_ =	strace $0x9FFFFFFF  }
0xc2: {  	(tm) =	ssettm $0x7FFFFFFF  }
0xc3: {  	_ =	shalt  }
tec
execute0_lowered:
.L_overlay_start_1:
0x0: {  	(tag) =	ssettag $0x1  }
0x1: {  	s0 =	srdreg.scid  }
0x2: {  	s1 =	stileid.u32;
	s4 =	rddreg [dreg:$0x0]  }
0x3: {  	s2 =	rddreg [dreg:$0x1];
	s0 =	sand.u32 $0x1, s0;
	s1 =	sshll.u32 s1, $0x1  }
0x4: {  	s3 =	simm.s32 $0x0;
	s28 =	simm.s32 $0x2;
	s1 =	sor.u32 s0, s1  }
0x5: {  	s29 =	simm.s32 $0x10600;
	s31 =	simm.s32 $0x3;
	s5 =	smul.u32 $0xC80, s1  }
0x6: {  	s30 =	simm.s32 $0x5;
	s0 =	ssub.s32 $0x2, s0;
	s6 =	smul.u32 $0x190000, s1  }
0x7: {  	[smem:$0x7FF] =	sst s3;
	s7 =	smul.u32 $0x12000, s1;
	s11 =	sshrl.u32 s0, $0x1  }
0x8: {  	_ =	strace $0x80000047;
	s0 =	ssub.s32 s0, s11;
	s8 =	sadd.s32 s5, s4  }
0x9: {  	s9 =	sand.u32 $0x3F00000, s6;
	s10 =	sand.u32 $0x1E000, s7;
	s4 =	sadd.s32 $0x19400, s4  }
0xa: {  	s5 =	smul.u32 $0xC8, s1;
	s0 =	smax.u32 s0, $0x1;
	s6 =	sor.u32 s10, s9  }
0xb: {  	s13 =	sadd.s32 $0x400, s8;
	[dreg:$0xb] =	wrdreg s0;
	s0 =	simm.s32 $0x6  }
0xc: {  	s12 =	sshrl.u32 s6, $0x3;
	[dreg:$0x3] =	wrdreg s13;
	s16 =	sadd.s32 $0xC4, s5  }
0xd: {  	s18 =	sadd.s32 $0xC5, s5;
	s21 =	sadd.s32 $0xC6, s5;
	s23 =	sadd.s32 $0xC7, s5  }
0xe: {  	s14 =	sadd.s32 s2, s12;
	s17 =	sshll.u32 s16, $0xA;
	s19 =	sshll.u32 s18, $0x7  }
0xf: {  	s7 =	sshll.u32 s18, $0xA;
	s22 =	sshll.u32 s21, $0xA;
	s24 =	sshll.u32 s23, $0x7  }
0x10: {  	v0 =	vlaneseq.u32;
	s18 =	simm.s32 $0x6400;
	s1 =	sadd.s32 $0x80, s14;
	[dreg:$0x4] =	wrdreg s14  }
0x11: {  	v0 =	vmul.u32 $0x88, v0;
	s15 =	sadd.s32 $0x100, s14;
	s6 =	sadd.s32 $0x180, s14;
	[dreg:$0x5] =	wrdreg s1  }
0x12: {  	s8 =	sand.u32 $0x3E80, s19;
	s7 =	sand.u32 $0xFE0000, s7;
	[dreg:$0x6] =	wrdreg s15  }
0x13: {  	v1 =	vadd.s32 $0x880, v0;
	s19 =	simm.s32 $0x8400;
	[dreg:$0x7] =	wrdreg s6;
	s6 =	sand.u32 $0xFE0000, s17  }
0x14: {  	v2 =	vadd.s32 $0x1100, v0;
	v3 =	vadd.s32 $0x1980, v0;
	v4 =	vor.u32 $0x1, v0;
	s1 =	sshll.u32 s16, $0x7;
	s8 =	sadd.s32 s2, s8;
	s17 =	simm.s32 $0x80  }
0x15: {  	v5 =	vadd.s32 $0x881, v0;
	v6 =	vadd.s32 $0x1101, v0;
	v7 =	vadd.s32 $0x1981, v0;
	s1 =	sand.u32 $0x3E00, s1;
	s20 =	sadd.s32 s7, s8;
	s7 =	sshll.u32 s23, $0xA  }
0x16: {  	v8 =	vor.u32 $0x2, v0;
	v9 =	vadd.s32 $0x882, v0;
	v10 =	vadd.s32 $0x1102, v0;
	s8 =	sand.u32 $0x3F80, s24;
	s23 =	simm.s32 $0xC400;
	s24 =	simm.s32 $0x1  }
0x17: {  	v11 =	vadd.s32 $0x1982, v0;
	v12 =	vor.u32 $0x3, v0;
	v13 =	vadd.s32 $0x883, v0;
	s1 =	sadd.s32 s2, s1;
	[dreg:$0x9] =	wrdreg s20;
	s25 =	sand.u32 $0xFE0000, s7  }
0x18: {  	v14 =	vadd.s32 $0x1103, v0;
	v15 =	vadd.s32 $0x1983, v0;
	v16 =	vor.u32 $0x4, v0;
	s26 =	sadd.s32 s2, s8;
	s20 =	simm.s32 $0x4;
	s1 =	sadd.s32 s6, s1  }
0x19: {  	v17 =	vadd.s32 $0x884, v0;
	v18 =	vadd.s32 $0x1104, v0;
	v19 =	vadd.s32 $0x1984, v0;
	s8 =	simm.s32 $0x0;
	[dreg:$0x8] =	wrdreg s1;
	s1 =	sshll.u32 s21, $0x7  }
0x1a: {  	v20 =	vor.u32 $0x5, v0;
	v21 =	vadd.s32 $0x885, v0;
	v22 =	vadd.s32 $0x1105, v0;
	s6 =	sand.u32 $0xFE0000, s22;
	s14 =	sadd.s32 s25, s26;
	s1 =	sand.u32 $0x3F00, s1  }
0x1b: {  	v23 =	vadd.s32 $0x1985, v0;
	v24 =	vor.u32 $0x6, v0;
	v25 =	vadd.s32 $0x886, v0;
	s25 =	simm.s32 $0xE400;
	s22 =	simm.s32 $0x14A00;
	s1 =	sadd.s32 s2, s1  }
0x1c: {  	v26 =	vadd.s32 $0x1106, v0;
	v27 =	vadd.s32 $0x1986, v0;
	v28 =	vor.u32 $0x7, v0;
	s26 =	simm.s32 $0x7;
	s21 =	simm.s32 $0xA400;
	s1 =	sadd.s32 s6, s1  }
0x1d: {  	v29 =	vadd.s32 $0x887, v0;
	v30 =	vadd.s32 $0x1107, v0;
	v31 =	vadd.s32 $0x1987, v0;
	s6 =	simm.s32 $0x8;
	[dreg:$0xa] =	wrdreg s1;
	s1 =	simm.s32 $0x12800  }
.LBB2_1:
0x1e: {  	[dreg:$0xc] =	wrdreg s8  }
0x1f: {  	s7 =	rddreg [dreg:$0x3];
	s13 =	simm.s32 $0x9  }
0x20: {  	[tilespmem:s3], [sflag:$0x9] =	stream.linear.gather [hbm4b:s7+s3], $0x6400, $0x38;
	[tilespmem:$0x16C00] =	vst v63  }
0x21: {  	_ =	swait.ge [sflag:s13], $0x6400  }
0x22: {  	[sflag:s13] =	ssyncset.done $0x0  }
0x23: {  	[sflag:s13] =	ssyncadd.s32 $0xFFFF9C00  }
0x24: {  	[tilespmem:s18], [sflag:$0x1] =	stream.indirect.gather [hbm4b:s4+s17], $0x40, s3, s17, $0xb8;
	[tilespmem:$0x16C00] =	vst v63  }
0x25: {  	_ = 	snop  }
0x26: {  	[tilespmem:s19], [sflag:$0x2] =	stream.indirect.gather [hbm4b:s4+s17], $0x40, s17, s17, $0xb8;
	[tilespmem:$0x16C00] =	vst v63  }
0x27: {  	s15 =	simm.s32 $0x100  }
0x28: {  	[tilespmem:s21], [sflag:$0x3] =	stream.indirect.gather [hbm4b:s4+s17], $0x40, s15, s17, $0xb8;
	[tilespmem:$0x16C00] =	vst v63  }
0x29: {  	s16 =	simm.s32 $0x180  }
0x2a: {  	[tilespmem:s23], [sflag:$0x4] =	stream.indirect.gather [hbm4b:s4+s17], $0x40, s16, s17, $0xb8;
	[tilespmem:$0x16C00] =	vst v63  }
0x2b: {  	_ =	swait.ge [sflag:s24], $0x2000  }
0x2c: {  	[sflag:s24] =	ssyncset.done $0x0  }
0x2d: {  	s8 =	simm.s32 $0x6500;
	s9 =	simm.s32 $0x0;
	[sflag:s24] =	ssyncadd.s32 $0xFFFFE000  }
.LBB2_2:
0x2e: {  	v32 =	vld [tilespmem:s8+$0xFFFFFF00];
	v33 =	vadd.s32 s9, v0  }
0x2f: {  	v34 =	vld [tilespmem:s8+$0xFFFFFF10];
	v36 =	vadd.s32 s9, v1;
	_ =	sdelay $0x1  }
0x30: {  	v35 =	vld [tilespmem:s8+$0xFFFFFF20];
	v39 =	vadd.s32 s9, v2  }
0x31: {  	v37 =	vld [tilespmem:s8+$0xFFFFFF30];
	v59 =	vadd.s32 s9, v3  }
0x32: {  	v38 =	vld [tilespmem:s8+$0xFFFFFF40];
	v60 =	vadd.s32 s9, v4;
	[tilespmem:v33+s25+$0x0] =	vst.idx.msk $0xffff, v32  }
0x33: {  	v61 =	vadd.s32 s9, v5;
	v32 =	vld [tilespmem:s8+$0xFFFFFF50];
	[tilespmem:v36+s25+$0x0] =	vst.idx.msk $0xffff, v34  }
0x34: {  	v62 =	vadd.s32 s9, v6;
	v34 =	vld [tilespmem:s8+$0xFFFFFF60]  }
0x35: {  	[tilespmem:v39+s25+$0x0] =	vst.idx.msk $0xffff, v35  }
0x36: {  	v63 =	vadd.s32 s9, v7;
	v35 =	vld [tilespmem:s8+$0xFFFFFF70];
	[tilespmem:v59+s25+$0x0] =	vst.idx.msk $0xffff, v37  }
0x37: {  	v42 =	vadd.s32 s9, v8;
	v33 =	vld [tilespmem:s8+$0xFFFFFF80];
	[tilespmem:v60+s25+$0x0] =	vst.idx.msk $0xffff, v38  }
0x38: {  	v43 =	vadd.s32 s9, v9;
	v36 =	vld [tilespmem:s8+$0xFFFFFF90];
	[tilespmem:v61+s25+$0x0] =	vst.idx.msk $0xffff, v32  }
0x39: {  	v44 =	vadd.s32 s9, v10;
	v32 =	vld [tilespmem:s8+$0xFFFFFFA0];
	[tilespmem:v62+s25+$0x0] =	vst.idx.msk $0xffff, v34  }
0x3a: {  	v45 =	vadd.s32 s9, v11;
	v34 =	vld [tilespmem:s8+$0xFFFFFFB0]  }
0x3b: {  	[tilespmem:v63+s25+$0x0] =	vst.idx.msk $0xffff, v35  }
0x3c: {  	v46 =	vadd.s32 s9, v12;
	v35 =	vld [tilespmem:s8+$0xFFFFFFC0];
	[tilespmem:v42+s25+$0x0] =	vst.idx.msk $0xffff, v33  }
0x3d: {  	v47 =	vadd.s32 s9, v13;
	v33 =	vld [tilespmem:s8+$0xFFFFFFD0];
	[tilespmem:v43+s25+$0x0] =	vst.idx.msk $0xffff, v36  }
0x3e: {  	v48 =	vadd.s32 s9, v14;
	v36 =	vld [tilespmem:s8+$0xFFFFFFE0];
	[tilespmem:v44+s25+$0x0] =	vst.idx.msk $0xffff, v32  }
0x3f: {  	v49 =	vadd.s32 s9, v15;
	v32 =	vld [tilespmem:s8+$0xFFFFFFF0];
	[tilespmem:v45+s25+$0x0] =	vst.idx.msk $0xffff, v34  }
0x40: {  	v50 =	vadd.s32 s9, v16;
	v34 =	vld [tilespmem:s8+$0x0]  }
0x41: {  	[tilespmem:v46+s25+$0x0] =	vst.idx.msk $0xffff, v35  }
0x42: {  	v51 =	vadd.s32 s9, v17;
	v35 =	vld [tilespmem:s8+$0x10];
	[tilespmem:v47+s25+$0x0] =	vst.idx.msk $0xffff, v33  }
0x43: {  	v52 =	vadd.s32 s9, v18;
	v33 =	vld [tilespmem:s8+$0x20];
	[tilespmem:v48+s25+$0x0] =	vst.idx.msk $0xffff, v36  }
0x44: {  	v53 =	vadd.s32 s9, v19;
	v36 =	vld [tilespmem:s8+$0x30];
	[tilespmem:v49+s25+$0x0] =	vst.idx.msk $0xffff, v32  }
0x45: {  	v54 =	vadd.s32 s9, v20;
	v32 =	vld [tilespmem:s8+$0x40];
	[tilespmem:v50+s25+$0x0] =	vst.idx.msk $0xffff, v34  }
0x46: {  	v55 =	vadd.s32 s9, v21;
	v34 =	vld [tilespmem:s8+$0x50]  }
0x47: {  	[tilespmem:v51+s25+$0x0] =	vst.idx.msk $0xffff, v35  }
0x48: {  	v56 =	vadd.s32 s9, v22;
	v35 =	vld [tilespmem:s8+$0x60];
	[tilespmem:v52+s25+$0x0] =	vst.idx.msk $0xffff, v33  }
0x49: {  	v57 =	vadd.s32 s9, v23;
	v33 =	vld [tilespmem:s8+$0x70];
	[tilespmem:v53+s25+$0x0] =	vst.idx.msk $0xffff, v36  }
0x4a: {  	v58 =	vadd.s32 s9, v24;
	v36 =	vld [tilespmem:s8+$0x80];
	[tilespmem:v54+s25+$0x0] =	vst.idx.msk $0xffff, v32  }
0x4b: {  	v59 =	vadd.s32 s9, v25;
	v32 =	vld [tilespmem:s8+$0x90];
	[tilespmem:v55+s25+$0x0] =	vst.idx.msk $0xffff, v34  }
0x4c: {  	v60 =	vadd.s32 s9, v26;
	v34 =	vld [tilespmem:s8+$0xA0]  }
0x4d: {  	[tilespmem:v56+s25+$0x0] =	vst.idx.msk $0xffff, v35  }
0x4e: {  	v61 =	vadd.s32 s9, v27;
	v35 =	vld [tilespmem:s8+$0xB0];
	[tilespmem:v57+s25+$0x0] =	vst.idx.msk $0xffff, v33  }
0x4f: {  	v62 =	vadd.s32 s9, v28;
	v33 =	vld [tilespmem:s8+$0xC0];
	[tilespmem:v58+s25+$0x0] =	vst.idx.msk $0xffff, v36  }
0x50: {  	v40 =	vadd.s32 s9, v29;
	v36 =	vld [tilespmem:s8+$0xD0];
	[tilespmem:v59+s25+$0x0] =	vst.idx.msk $0xffff, v32  }
0x51: {  	v63 =	vadd.s32 s9, v30;
	v38 =	vld [tilespmem:s8+$0xE0];
	[tilespmem:v60+s25+$0x0] =	vst.idx.msk $0xffff, v34  }
0x52: {  	v41 =	vadd.s32 s9, v31;
	p0 =	sne.s32 s9, $0x78;
	v39 =	vld [tilespmem:s8+$0xF0]  }
.Ltmp0:
0x53: {  	[tilespmem:v61+s25+$0x0] =	vst.idx.msk $0xffff, v35;
	(pc) =	sbr.rel @p0 .LBB2_2-.Ltmp0, $4  }
0x54: {  	[tilespmem:v62+s25+$0x0] =	vst.idx.msk $0xffff, v33  }
0x55: {  	[tilespmem:v40+s25+$0x0] =	vst.idx.msk $0xffff, v36  }
0x56: {  	[tilespmem:v63+s25+$0x0] =	vst.idx.msk $0xffff, v38  }
0x57: {  	s9 =	sadd.s32 $0x8, s9;
	s8 =	sadd.s32 $0x200, s8;
	[tilespmem:v41+s25+$0x0] =	vst.idx.msk $0xffff, v39  }
0x58: {  	s7 =	simm.s32 $0x200  }
0x59: {  	[tilespmem:s18], [sflag:$0x1] =	stream.indirect.gather [hbm4b:s4+s17], $0x40, s7, s17, $0xb8;
	[tilespmem:$0x16C00] =	vst v63  }
0x5a: {  	s10 =	simm.s32 $0xE400;
	s9 =	rddreg [dreg:$0x4]  }
0x5b: {  	[hbm4b:s9+s3] =	stream.linear.scatter [tilespmem:s10], [sflag:$0x5], $0x80, $0x38;
	[tilespmem:$0x16C00] =	vst v63  }
0x5c: {  	s11 =	simm.s32 $0xE488;
	s8 =	sadd.s32 $0x10, s9  }
0x5d: {  	[hbm4b:s8+s3] =	stream.linear.scatter [tilespmem:s11], [sflag:$0x5], $0x80, $0x38;
	[tilespmem:$0x16C00] =	vst v63  }
0x5e: {  	s12 =	simm.s32 $0xE510;
	s15 =	simm.s32 $0xE598;
	s13 =	sadd.s32 $0x20, s9  }
0x5f: {  	[hbm4b:s13+s3] =	stream.linear.scatter [tilespmem:s12], [sflag:$0x5], $0x80, $0x38;
	[tilespmem:$0x16C00] =	vst v63  }
0x60: {  	s16 =	sadd.s32 $0x30, s9;
	s10 =	simm.s32 $0xE620;
	s11 =	sadd.s32 $0x40, s9  }
0x61: {  	[hbm4b:s16+s3] =	stream.linear.scatter [tilespmem:s15], [sflag:$0x5], $0x80, $0x38;
	[tilespmem:$0x16C00] =	vst v63  }
0x62: {  	s8 =	simm.s32 $0x440;
	s12 =	simm.s32 $0xE6A8;
	s13 =	sadd.s32 $0x50, s9  }
0x63: {  	[hbm4b:s11+s3] =	stream.linear.scatter [tilespmem:s10], [sflag:$0x5], $0x80, $0x38;
	[tilespmem:$0x16C00] =	vst v63  }
0x64: {  	s15 =	simm.s32 $0xE730;
	s16 =	sadd.s32 $0x60, s9;
	s10 =	simm.s32 $0x2200  }
0x65: {  	[hbm4b:s13+s3] =	stream.linear.scatter [tilespmem:s12], [sflag:$0x5], $0x80, $0x38;
	[tilespmem:$0x16C00] =	vst v63  }
0x66: {  	s11 =	simm.s32 $0xE7B8;
	s12 =	sadd.s32 $0x70, s9;
	s9 =	sadd.s32 $0x4000, s9  }
0x67: {  	[hbm4b:s16+s3] =	stream.linear.scatter [tilespmem:s15], [sflag:$0x5], $0x80, $0x38;
	[tilespmem:$0x16C00] =	vst v63  }
.LBB2_4:
0x68: {  	[hbm4b:s12+s3] =	stream.linear.scatter [tilespmem:s11], [sflag:$0x5], $0x80, $0x38;
	[tilespmem:$0x16C00] =	vst v63  }
0x69: {  	s7 =	smov.u32 s8;
	s8 =	smov.u32 s10  }
0x6a: {  	s15 =	sadd.s32 $0x1100, s10;
	s8 =	sshra.s32 s8, $0x2;
	s11 =	sadd.s32 $0xE400, s7  }
0x6b: {  	[hbm4b:s9+s3] =	stream.linear.scatter [tilespmem:s11], [sflag:$0x5], $0x80, $0x38;
	[tilespmem:$0x16C00] =	vst v63  }
0x6c: {  	p0 =	sne.s32 s10, $0x7700;
	s10 =	sadd.s32 $0xE488, s7;
	s11 =	sadd.s32 $0x10, s9  }
0x6d: {  	[hbm4b:s11+s3] =	stream.linear.scatter [tilespmem:s10], [sflag:$0x5], $0x80, $0x38;
	[tilespmem:$0x16C00] =	vst v63  }
0x6e: {  	s10 =	sadd.s32 $0xE510, s7;
	s11 =	sadd.s32 $0x20, s9  }
0x6f: {  	[hbm4b:s11+s3] =	stream.linear.scatter [tilespmem:s10], [sflag:$0x5], $0x80, $0x38;
	[tilespmem:$0x16C00] =	vst v63  }
0x70: {  	s10 =	sadd.s32 $0xE598, s7;
	s11 =	sadd.s32 $0x30, s9  }
0x71: {  	[hbm4b:s11+s3] =	stream.linear.scatter [tilespmem:s10], [sflag:$0x5], $0x80, $0x38;
	[tilespmem:$0x16C00] =	vst v63  }
0x72: {  	s10 =	sadd.s32 $0xE620, s7;
	s11 =	sadd.s32 $0x40, s9  }
0x73: {  	[hbm4b:s11+s3] =	stream.linear.scatter [tilespmem:s10], [sflag:$0x5], $0x80, $0x38;
	[tilespmem:$0x16C00] =	vst v63  }
.Ltmp1:
0x74: {  	s10 =	sadd.s32 $0xE6A8, s7;
	s11 =	sadd.s32 $0x50, s9;
	(pc) =	sbr.rel @p0 .LBB2_4-.Ltmp1, $4  }
0x75: {  	[hbm4b:s11+s3] =	stream.linear.scatter [tilespmem:s10], [sflag:$0x5], $0x80, $0x38;
	[tilespmem:$0x16C00] =	vst v63  }
0x76: {  	s12 =	sadd.s32 $0x70, s9;
	s10 =	sadd.s32 $0xE730, s7;
	s11 =	sadd.s32 $0x60, s9  }
0x77: {  	[hbm4b:s11+s3] =	stream.linear.scatter [tilespmem:s10], [sflag:$0x5], $0x80, $0x38;
	[tilespmem:$0x16C00] =	vst v63  }
0x78: {  	s9 =	sadd.s32 $0x4000, s9;
	s11 =	sadd.s32 $0xE7B8, s7;
	s10 =	smov.u32 s15  }
0x79: {  	[hbm4b:s12+s3] =	stream.linear.scatter [tilespmem:s11], [sflag:$0x5], $0x80, $0x38;
	[tilespmem:$0x16C00] =	vst v63  }
0x7a: {  	s7 =	sadd.s32 $0xE400, s8  }
0x7b: {  	[hbm4b:s9+s3] =	stream.linear.scatter [tilespmem:s7], [sflag:$0x5], $0x80, $0x38;
	[tilespmem:$0x16C00] =	vst v63  }
0x7c: {  	s16 =	sadd.s32 $0xE488, s8;
	s10 =	sadd.s32 $0x10, s9  }
0x7d: {  	[hbm4b:s10+s3] =	stream.linear.scatter [tilespmem:s16], [sflag:$0x5], $0x80, $0x38;
	[tilespmem:$0x16C00] =	vst v63  }
0x7e: {  	s11 =	sadd.s32 $0x20, s9;
	s10 =	sadd.s32 $0xE510, s8  }
0x7f: {  	[hbm4b:s11+s3] =	stream.linear.scatter [tilespmem:s10], [sflag:$0x5], $0x80, $0x38;
	[tilespmem:$0x16C00] =	vst v63  }
0x80: {  	s12 =	sadd.s32 $0xE598, s8;
	s13 =	sadd.s32 $0x30, s9  }
0x81: {  	[hbm4b:s13+s3] =	stream.linear.scatter [tilespmem:s12], [sflag:$0x5], $0x80, $0x38;
	[tilespmem:$0x16C00] =	vst v63  }
0x82: {  	s15 =	sadd.s32 $0xE620, s8;
	s16 =	sadd.s32 $0x40, s9  }
0x83: {  	[hbm4b:s16+s3] =	stream.linear.scatter [tilespmem:s15], [sflag:$0x5], $0x80, $0x38;
	[tilespmem:$0x16C00] =	vst v63  }
0x84: {  	s10 =	sadd.s32 $0xE6A8, s8;
	s11 =	sadd.s32 $0x50, s9  }
0x85: {  	[hbm4b:s11+s3] =	stream.linear.scatter [tilespmem:s10], [sflag:$0x5], $0x80, $0x38;
	[tilespmem:$0x16C00] =	vst v63  }
0x86: {  	s12 =	sadd.s32 $0xE730, s8;
	s13 =	sadd.s32 $0x60, s9  }
0x87: {  	[hbm4b:s13+s3] =	stream.linear.scatter [tilespmem:s12], [sflag:$0x5], $0x80, $0x38;
	[tilespmem:$0x16C00] =	vst v63  }
0x88: {  	s15 =	sadd.s32 $0xE7B8, s8;
	s16 =	sadd.s32 $0x70, s9  }
0x89: {  	[hbm4b:s16+s3] =	stream.linear.scatter [tilespmem:s15], [sflag:$0x5], $0x80, $0x38;
	[tilespmem:$0x16C00] =	vst v63  }
0x8a: {  	_ =	swait.ge [sflag:s28], $0x2000  }
0x8b: {  	[sflag:s28] =	ssyncset.done $0x0  }
0x8c: {  	s8 =	simm.s32 $0x0;
	s9 =	simm.s32 $0x8500;
	[sflag:s28] =	ssyncadd.s32 $0xFFFFE000  }
.LBB2_6:
0x8d: {  	v32 =	vld [tilespmem:s9+$0xFFFFFF00];
	v33 =	vadd.s32 s8, v0  }
0x8e: {  	v34 =	vld [tilespmem:s9+$0xFFFFFF10];
	v36 =	vadd.s32 s8, v1;
	_ =	sdelay $0x1  }
0x8f: {  	v35 =	vld [tilespmem:s9+$0xFFFFFF20];
	v39 =	vadd.s32 s8, v2  }
0x90: {  	v37 =	vld [tilespmem:s9+$0xFFFFFF30];
	v59 =	vadd.s32 s8, v3  }
0x91: {  	v38 =	vld [tilespmem:s9+$0xFFFFFF40];
	v60 =	vadd.s32 s8, v4;
	[tilespmem:v33+s29+$0x0] =	vst.idx.msk $0xffff, v32  }
0x92: {  	v61 =	vadd.s32 s8, v5;
	v32 =	vld [tilespmem:s9+$0xFFFFFF50];
	[tilespmem:v36+s29+$0x0] =	vst.idx.msk $0xffff, v34  }
0x93: {  	v62 =	vadd.s32 s8, v6;
	v34 =	vld [tilespmem:s9+$0xFFFFFF60]  }
0x94: {  	[tilespmem:v39+s29+$0x0] =	vst.idx.msk $0xffff, v35  }
0x95: {  	v63 =	vadd.s32 s8, v7;
	v35 =	vld [tilespmem:s9+$0xFFFFFF70];
	[tilespmem:v59+s29+$0x0] =	vst.idx.msk $0xffff, v37  }
0x96: {  	v42 =	vadd.s32 s8, v8;
	v33 =	vld [tilespmem:s9+$0xFFFFFF80];
	[tilespmem:v60+s29+$0x0] =	vst.idx.msk $0xffff, v38  }
0x97: {  	v43 =	vadd.s32 s8, v9;
	v36 =	vld [tilespmem:s9+$0xFFFFFF90];
	[tilespmem:v61+s29+$0x0] =	vst.idx.msk $0xffff, v32  }
0x98: {  	v44 =	vadd.s32 s8, v10;
	v32 =	vld [tilespmem:s9+$0xFFFFFFA0];
	[tilespmem:v62+s29+$0x0] =	vst.idx.msk $0xffff, v34  }
0x99: {  	v45 =	vadd.s32 s8, v11;
	v34 =	vld [tilespmem:s9+$0xFFFFFFB0]  }
0x9a: {  	[tilespmem:v63+s29+$0x0] =	vst.idx.msk $0xffff, v35  }
0x9b: {  	v46 =	vadd.s32 s8, v12;
	v35 =	vld [tilespmem:s9+$0xFFFFFFC0];
	[tilespmem:v42+s29+$0x0] =	vst.idx.msk $0xffff, v33  }
0x9c: {  	v47 =	vadd.s32 s8, v13;
	v33 =	vld [tilespmem:s9+$0xFFFFFFD0];
	[tilespmem:v43+s29+$0x0] =	vst.idx.msk $0xffff, v36  }
0x9d: {  	v48 =	vadd.s32 s8, v14;
	v36 =	vld [tilespmem:s9+$0xFFFFFFE0];
	[tilespmem:v44+s29+$0x0] =	vst.idx.msk $0xffff, v32  }
0x9e: {  	v49 =	vadd.s32 s8, v15;
	v32 =	vld [tilespmem:s9+$0xFFFFFFF0];
	[tilespmem:v45+s29+$0x0] =	vst.idx.msk $0xffff, v34  }
0x9f: {  	v50 =	vadd.s32 s8, v16;
	v34 =	vld [tilespmem:s9+$0x0]  }
0xa0: {  	[tilespmem:v46+s29+$0x0] =	vst.idx.msk $0xffff, v35  }
0xa1: {  	v51 =	vadd.s32 s8, v17;
	v35 =	vld [tilespmem:s9+$0x10];
	[tilespmem:v47+s29+$0x0] =	vst.idx.msk $0xffff, v33  }
0xa2: {  	v52 =	vadd.s32 s8, v18;
	v33 =	vld [tilespmem:s9+$0x20];
	[tilespmem:v48+s29+$0x0] =	vst.idx.msk $0xffff, v36  }
0xa3: {  	v53 =	vadd.s32 s8, v19;
	v36 =	vld [tilespmem:s9+$0x30];
	[tilespmem:v49+s29+$0x0] =	vst.idx.msk $0xffff, v32  }
0xa4: {  	v54 =	vadd.s32 s8, v20;
	v32 =	vld [tilespmem:s9+$0x40];
	[tilespmem:v50+s29+$0x0] =	vst.idx.msk $0xffff, v34  }
0xa5: {  	v55 =	vadd.s32 s8, v21;
	v34 =	vld [tilespmem:s9+$0x50]  }
0xa6: {  	[tilespmem:v51+s29+$0x0] =	vst.idx.msk $0xffff, v35  }
0xa7: {  	v56 =	vadd.s32 s8, v22;
	v35 =	vld [tilespmem:s9+$0x60];
	[tilespmem:v52+s29+$0x0] =	vst.idx.msk $0xffff, v33  }
0xa8: {  	v57 =	vadd.s32 s8, v23;
	v33 =	vld [tilespmem:s9+$0x70];
	[tilespmem:v53+s29+$0x0] =	vst.idx.msk $0xffff, v36  }
0xa9: {  	v58 =	vadd.s32 s8, v24;
	v36 =	vld [tilespmem:s9+$0x80];
	[tilespmem:v54+s29+$0x0] =	vst.idx.msk $0xffff, v32  }
0xaa: {  	v59 =	vadd.s32 s8, v25;
	v32 =	vld [tilespmem:s9+$0x90];
	[tilespmem:v55+s29+$0x0] =	vst.idx.msk $0xffff, v34  }
0xab: {  	v60 =	vadd.s32 s8, v26;
	v34 =	vld [tilespmem:s9+$0xA0]  }
0xac: {  	[tilespmem:v56+s29+$0x0] =	vst.idx.msk $0xffff, v35  }
0xad: {  	v61 =	vadd.s32 s8, v27;
	v35 =	vld [tilespmem:s9+$0xB0];
	[tilespmem:v57+s29+$0x0] =	vst.idx.msk $0xffff, v33  }
0xae: {  	v62 =	vadd.s32 s8, v28;
	v33 =	vld [tilespmem:s9+$0xC0];
	[tilespmem:v58+s29+$0x0] =	vst.idx.msk $0xffff, v36  }
0xaf: {  	v40 =	vadd.s32 s8, v29;
	v36 =	vld [tilespmem:s9+$0xD0];
	[tilespmem:v59+s29+$0x0] =	vst.idx.msk $0xffff, v32  }
0xb0: {  	v63 =	vadd.s32 s8, v30;
	v38 =	vld [tilespmem:s9+$0xE0];
	[tilespmem:v60+s29+$0x0] =	vst.idx.msk $0xffff, v34  }
0xb1: {  	v41 =	vadd.s32 s8, v31;
	p0 =	sne.s32 s8, $0x78;
	v39 =	vld [tilespmem:s9+$0xF0]  }
.Ltmp2:
0xb2: {  	[tilespmem:v61+s29+$0x0] =	vst.idx.msk $0xffff, v35;
	(pc) =	sbr.rel @p0 .LBB2_6-.Ltmp2, $4  }
0xb3: {  	[tilespmem:v62+s29+$0x0] =	vst.idx.msk $0xffff, v33  }
0xb4: {  	[tilespmem:v40+s29+$0x0] =	vst.idx.msk $0xffff, v36  }
0xb5: {  	[tilespmem:v63+s29+$0x0] =	vst.idx.msk $0xffff, v38  }
0xb6: {  	s8 =	sadd.s32 $0x8, s8;
	s9 =	sadd.s32 $0x200, s9;
	[tilespmem:v41+s29+$0x0] =	vst.idx.msk $0xffff, v39  }
0xb7: {  	s7 =	simm.s32 $0x280  }
0xb8: {  	[tilespmem:s19], [sflag:$0x2] =	stream.indirect.gather [hbm4b:s4+s17], $0x40, s7, s17, $0xb8;
	[tilespmem:$0x16C00] =	vst v63  }
0xb9: {  	s10 =	simm.s32 $0x10600;
	s9 =	rddreg [dreg:$0x5]  }
0xba: {  	[hbm4b:s9+s3] =	stream.linear.scatter [tilespmem:s10], [sflag:$0x6], $0x80, $0x38;
	[tilespmem:$0x16C00] =	vst v63  }
0xbb: {  	s11 =	simm.s32 $0x10688;
	s8 =	sadd.s32 $0x10, s9  }
0xbc: {  	[hbm4b:s8+s3] =	stream.linear.scatter [tilespmem:s11], [sflag:$0x6], $0x80, $0x38;
	[tilespmem:$0x16C00] =	vst v63  }
0xbd: {  	s12 =	simm.s32 $0x10710;
	s15 =	simm.s32 $0x10798;
	s13 =	sadd.s32 $0x20, s9  }
0xbe: {  	[hbm4b:s13+s3] =	stream.linear.scatter [tilespmem:s12], [sflag:$0x6], $0x80, $0x38;
	[tilespmem:$0x16C00] =	vst v63  }
0xbf: {  	s16 =	sadd.s32 $0x30, s9;
	s10 =	simm.s32 $0x10820;
	s11 =	sadd.s32 $0x40, s9  }
0xc0: {  	[hbm4b:s16+s3] =	stream.linear.scatter [tilespmem:s15], [sflag:$0x6], $0x80, $0x38;
	[tilespmem:$0x16C00] =	vst v63  }
0xc1: {  	s8 =	simm.s32 $0x440;
	s12 =	simm.s32 $0x108A8;
	s13 =	sadd.s32 $0x50, s9  }
0xc2: {  	[hbm4b:s11+s3] =	stream.linear.scatter [tilespmem:s10], [sflag:$0x6], $0x80, $0x38;
	[tilespmem:$0x16C00] =	vst v63  }
0xc3: {  	s15 =	simm.s32 $0x10930;
	s16 =	sadd.s32 $0x60, s9;
	s10 =	simm.s32 $0x2200  }
0xc4: {  	[hbm4b:s13+s3] =	stream.linear.scatter [tilespmem:s12], [sflag:$0x6], $0x80, $0x38;
	[tilespmem:$0x16C00] =	vst v63  }
0xc5: {  	s11 =	simm.s32 $0x109B8;
	s12 =	sadd.s32 $0x70, s9;
	s9 =	sadd.s32 $0x4000, s9  }
0xc6: {  	[hbm4b:s16+s3] =	stream.linear.scatter [tilespmem:s15], [sflag:$0x6], $0x80, $0x38;
	[tilespmem:$0x16C00] =	vst v63  }
.LBB2_8:
0xc7: {  	[hbm4b:s12+s3] =	stream.linear.scatter [tilespmem:s11], [sflag:$0x6], $0x80, $0x38;
	[tilespmem:$0x16C00] =	vst v63  }
0xc8: {  	s7 =	smov.u32 s8;
	s8 =	smov.u32 s10  }
0xc9: {  	s15 =	sadd.s32 $0x1100, s10;
	s8 =	sshra.s32 s8, $0x2;
	s11 =	sadd.s32 $0x10600, s7  }
0xca: {  	[hbm4b:s9+s3] =	stream.linear.scatter [tilespmem:s11], [sflag:$0x6], $0x80, $0x38;
	[tilespmem:$0x16C00] =	vst v63  }
0xcb: {  	p0 =	sne.s32 s10, $0x7700;
	s10 =	sadd.s32 $0x10688, s7;
	s11 =	sadd.s32 $0x10, s9  }
0xcc: {  	[hbm4b:s11+s3] =	stream.linear.scatter [tilespmem:s10], [sflag:$0x6], $0x80, $0x38;
	[tilespmem:$0x16C00] =	vst v63  }
0xcd: {  	s10 =	sadd.s32 $0x10710, s7;
	s11 =	sadd.s32 $0x20, s9  }
0xce: {  	[hbm4b:s11+s3] =	stream.linear.scatter [tilespmem:s10], [sflag:$0x6], $0x80, $0x38;
	[tilespmem:$0x16C00] =	vst v63  }
0xcf: {  	s10 =	sadd.s32 $0x10798, s7;
	s11 =	sadd.s32 $0x30, s9  }
0xd0: {  	[hbm4b:s11+s3] =	stream.linear.scatter [tilespmem:s10], [sflag:$0x6], $0x80, $0x38;
	[tilespmem:$0x16C00] =	vst v63  }
0xd1: {  	s10 =	sadd.s32 $0x10820, s7;
	s11 =	sadd.s32 $0x40, s9  }
0xd2: {  	[hbm4b:s11+s3] =	stream.linear.scatter [tilespmem:s10], [sflag:$0x6], $0x80, $0x38;
	[tilespmem:$0x16C00] =	vst v63  }
.Ltmp3:
0xd3: {  	s10 =	sadd.s32 $0x108A8, s7;
	s11 =	sadd.s32 $0x50, s9;
	(pc) =	sbr.rel @p0 .LBB2_8-.Ltmp3, $4  }
0xd4: {  	[hbm4b:s11+s3] =	stream.linear.scatter [tilespmem:s10], [sflag:$0x6], $0x80, $0x38;
	[tilespmem:$0x16C00] =	vst v63  }
0xd5: {  	s12 =	sadd.s32 $0x70, s9;
	s10 =	sadd.s32 $0x10930, s7;
	s11 =	sadd.s32 $0x60, s9  }
0xd6: {  	[hbm4b:s11+s3] =	stream.linear.scatter [tilespmem:s10], [sflag:$0x6], $0x80, $0x38;
	[tilespmem:$0x16C00] =	vst v63  }
0xd7: {  	s9 =	sadd.s32 $0x4000, s9;
	s11 =	sadd.s32 $0x109B8, s7;
	s10 =	smov.u32 s15  }
0xd8: {  	[hbm4b:s12+s3] =	stream.linear.scatter [tilespmem:s11], [sflag:$0x6], $0x80, $0x38;
	[tilespmem:$0x16C00] =	vst v63  }
0xd9: {  	s7 =	sadd.s32 $0x10600, s8  }
0xda: {  	[hbm4b:s9+s3] =	stream.linear.scatter [tilespmem:s7], [sflag:$0x6], $0x80, $0x38;
	[tilespmem:$0x16C00] =	vst v63  }
0xdb: {  	s16 =	sadd.s32 $0x10688, s8;
	s10 =	sadd.s32 $0x10, s9  }
0xdc: {  	[hbm4b:s10+s3] =	stream.linear.scatter [tilespmem:s16], [sflag:$0x6], $0x80, $0x38;
	[tilespmem:$0x16C00] =	vst v63  }
0xdd: {  	s11 =	sadd.s32 $0x20, s9;
	s10 =	sadd.s32 $0x10710, s8  }
0xde: {  	[hbm4b:s11+s3] =	stream.linear.scatter [tilespmem:s10], [sflag:$0x6], $0x80, $0x38;
	[tilespmem:$0x16C00] =	vst v63  }
0xdf: {  	s12 =	sadd.s32 $0x10798, s8;
	s13 =	sadd.s32 $0x30, s9  }
0xe0: {  	[hbm4b:s13+s3] =	stream.linear.scatter [tilespmem:s12], [sflag:$0x6], $0x80, $0x38;
	[tilespmem:$0x16C00] =	vst v63  }
0xe1: {  	s15 =	sadd.s32 $0x10820, s8;
	s16 =	sadd.s32 $0x40, s9  }
0xe2: {  	[hbm4b:s16+s3] =	stream.linear.scatter [tilespmem:s15], [sflag:$0x6], $0x80, $0x38;
	[tilespmem:$0x16C00] =	vst v63  }
0xe3: {  	s10 =	sadd.s32 $0x108A8, s8;
	s11 =	sadd.s32 $0x50, s9  }
0xe4: {  	[hbm4b:s11+s3] =	stream.linear.scatter [tilespmem:s10], [sflag:$0x6], $0x80, $0x38;
	[tilespmem:$0x16C00] =	vst v63  }
0xe5: {  	s12 =	sadd.s32 $0x10930, s8;
	s13 =	sadd.s32 $0x60, s9  }
0xe6: {  	[hbm4b:s13+s3] =	stream.linear.scatter [tilespmem:s12], [sflag:$0x6], $0x80, $0x38;
	[tilespmem:$0x16C00] =	vst v63  }
0xe7: {  	s15 =	sadd.s32 $0x109B8, s8;
	s16 =	sadd.s32 $0x70, s9  }
0xe8: {  	[hbm4b:s16+s3] =	stream.linear.scatter [tilespmem:s15], [sflag:$0x6], $0x80, $0x38;
	[tilespmem:$0x16C00] =	vst v63  }
0xe9: {  	_ =	swait.ge [sflag:s31], $0x2000  }
0xea: {  	[sflag:s31] =	ssyncset.done $0x0  }
0xeb: {  	s8 =	simm.s32 $0x0;
	s9 =	simm.s32 $0xA500;
	[sflag:s31] =	ssyncadd.s32 $0xFFFFE000  }
.LBB2_10:
0xec: {  	v32 =	vld [tilespmem:s9+$0xFFFFFF00];
	v33 =	vadd.s32 s8, v0  }
0xed: {  	v34 =	vld [tilespmem:s9+$0xFFFFFF10];
	v36 =	vadd.s32 s8, v1;
	_ =	sdelay $0x1  }
0xee: {  	v35 =	vld [tilespmem:s9+$0xFFFFFF20];
	v39 =	vadd.s32 s8, v2  }
0xef: {  	v37 =	vld [tilespmem:s9+$0xFFFFFF30];
	v59 =	vadd.s32 s8, v3  }
0xf0: {  	v38 =	vld [tilespmem:s9+$0xFFFFFF40];
	v60 =	vadd.s32 s8, v4;
	[tilespmem:v33+s1+$0x0] =	vst.idx.msk $0xffff, v32  }
0xf1: {  	v61 =	vadd.s32 s8, v5;
	v32 =	vld [tilespmem:s9+$0xFFFFFF50];
	[tilespmem:v36+s1+$0x0] =	vst.idx.msk $0xffff, v34  }
0xf2: {  	v62 =	vadd.s32 s8, v6;
	v34 =	vld [tilespmem:s9+$0xFFFFFF60]  }
0xf3: {  	[tilespmem:v39+s1+$0x0] =	vst.idx.msk $0xffff, v35  }
0xf4: {  	v63 =	vadd.s32 s8, v7;
	v35 =	vld [tilespmem:s9+$0xFFFFFF70];
	[tilespmem:v59+s1+$0x0] =	vst.idx.msk $0xffff, v37  }
0xf5: {  	v42 =	vadd.s32 s8, v8;
	v33 =	vld [tilespmem:s9+$0xFFFFFF80];
	[tilespmem:v60+s1+$0x0] =	vst.idx.msk $0xffff, v38  }
0xf6: {  	v43 =	vadd.s32 s8, v9;
	v36 =	vld [tilespmem:s9+$0xFFFFFF90];
	[tilespmem:v61+s1+$0x0] =	vst.idx.msk $0xffff, v32  }
0xf7: {  	v44 =	vadd.s32 s8, v10;
	v32 =	vld [tilespmem:s9+$0xFFFFFFA0];
	[tilespmem:v62+s1+$0x0] =	vst.idx.msk $0xffff, v34  }
0xf8: {  	v45 =	vadd.s32 s8, v11;
	v34 =	vld [tilespmem:s9+$0xFFFFFFB0]  }
0xf9: {  	[tilespmem:v63+s1+$0x0] =	vst.idx.msk $0xffff, v35  }
0xfa: {  	v46 =	vadd.s32 s8, v12;
	v35 =	vld [tilespmem:s9+$0xFFFFFFC0];
	[tilespmem:v42+s1+$0x0] =	vst.idx.msk $0xffff, v33  }
0xfb: {  	v47 =	vadd.s32 s8, v13;
	v33 =	vld [tilespmem:s9+$0xFFFFFFD0];
	[tilespmem:v43+s1+$0x0] =	vst.idx.msk $0xffff, v36  }
0xfc: {  	v48 =	vadd.s32 s8, v14;
	v36 =	vld [tilespmem:s9+$0xFFFFFFE0];
	[tilespmem:v44+s1+$0x0] =	vst.idx.msk $0xffff, v32  }
0xfd: {  	v49 =	vadd.s32 s8, v15;
	v32 =	vld [tilespmem:s9+$0xFFFFFFF0];
	[tilespmem:v45+s1+$0x0] =	vst.idx.msk $0xffff, v34  }
0xfe: {  	v50 =	vadd.s32 s8, v16;
	v34 =	vld [tilespmem:s9+$0x0]  }
0xff: {  	[tilespmem:v46+s1+$0x0] =	vst.idx.msk $0xffff, v35  }
0x100: {  	v51 =	vadd.s32 s8, v17;
	v35 =	vld [tilespmem:s9+$0x10];
	[tilespmem:v47+s1+$0x0] =	vst.idx.msk $0xffff, v33  }
0x101: {  	v52 =	vadd.s32 s8, v18;
	v33 =	vld [tilespmem:s9+$0x20];
	[tilespmem:v48+s1+$0x0] =	vst.idx.msk $0xffff, v36  }
0x102: {  	v53 =	vadd.s32 s8, v19;
	v36 =	vld [tilespmem:s9+$0x30];
	[tilespmem:v49+s1+$0x0] =	vst.idx.msk $0xffff, v32  }
0x103: {  	v54 =	vadd.s32 s8, v20;
	v32 =	vld [tilespmem:s9+$0x40];
	[tilespmem:v50+s1+$0x0] =	vst.idx.msk $0xffff, v34  }
0x104: {  	v55 =	vadd.s32 s8, v21;
	v34 =	vld [tilespmem:s9+$0x50]  }
0x105: {  	[tilespmem:v51+s1+$0x0] =	vst.idx.msk $0xffff, v35  }
0x106: {  	v56 =	vadd.s32 s8, v22;
	v35 =	vld [tilespmem:s9+$0x60];
	[tilespmem:v52+s1+$0x0] =	vst.idx.msk $0xffff, v33  }
0x107: {  	v57 =	vadd.s32 s8, v23;
	v33 =	vld [tilespmem:s9+$0x70];
	[tilespmem:v53+s1+$0x0] =	vst.idx.msk $0xffff, v36  }
0x108: {  	v58 =	vadd.s32 s8, v24;
	v36 =	vld [tilespmem:s9+$0x80];
	[tilespmem:v54+s1+$0x0] =	vst.idx.msk $0xffff, v32  }
0x109: {  	v59 =	vadd.s32 s8, v25;
	v32 =	vld [tilespmem:s9+$0x90];
	[tilespmem:v55+s1+$0x0] =	vst.idx.msk $0xffff, v34  }
0x10a: {  	v60 =	vadd.s32 s8, v26;
	v34 =	vld [tilespmem:s9+$0xA0]  }
0x10b: {  	[tilespmem:v56+s1+$0x0] =	vst.idx.msk $0xffff, v35  }
0x10c: {  	v61 =	vadd.s32 s8, v27;
	v35 =	vld [tilespmem:s9+$0xB0];
	[tilespmem:v57+s1+$0x0] =	vst.idx.msk $0xffff, v33  }
0x10d: {  	v62 =	vadd.s32 s8, v28;
	v33 =	vld [tilespmem:s9+$0xC0];
	[tilespmem:v58+s1+$0x0] =	vst.idx.msk $0xffff, v36  }
0x10e: {  	v40 =	vadd.s32 s8, v29;
	v36 =	vld [tilespmem:s9+$0xD0];
	[tilespmem:v59+s1+$0x0] =	vst.idx.msk $0xffff, v32  }
0x10f: {  	v63 =	vadd.s32 s8, v30;
	v38 =	vld [tilespmem:s9+$0xE0];
	[tilespmem:v60+s1+$0x0] =	vst.idx.msk $0xffff, v34  }
0x110: {  	v41 =	vadd.s32 s8, v31;
	p0 =	sne.s32 s8, $0x78;
	v39 =	vld [tilespmem:s9+$0xF0]  }
.Ltmp4:
0x111: {  	[tilespmem:v61+s1+$0x0] =	vst.idx.msk $0xffff, v35;
	(pc) =	sbr.rel @p0 .LBB2_10-.Ltmp4, $4  }
0x112: {  	[tilespmem:v62+s1+$0x0] =	vst.idx.msk $0xffff, v33  }
0x113: {  	[tilespmem:v40+s1+$0x0] =	vst.idx.msk $0xffff, v36  }
0x114: {  	[tilespmem:v63+s1+$0x0] =	vst.idx.msk $0xffff, v38  }
0x115: {  	s8 =	sadd.s32 $0x8, s8;
	s9 =	sadd.s32 $0x200, s9;
	[tilespmem:v41+s1+$0x0] =	vst.idx.msk $0xffff, v39  }
0x116: {  	s7 =	simm.s32 $0x300  }
0x117: {  	[tilespmem:s21], [sflag:$0x3] =	stream.indirect.gather [hbm4b:s4+s17], $0x40, s7, s17, $0xb8;
	[tilespmem:$0x16C00] =	vst v63  }
0x118: {  	s10 =	simm.s32 $0x12800;
	s9 =	rddreg [dreg:$0x6]  }
0x119: {  	[hbm4b:s9+s3] =	stream.linear.scatter [tilespmem:s10], [sflag:$0x7], $0x80, $0x38;
	[tilespmem:$0x16C00] =	vst v63  }
0x11a: {  	s11 =	simm.s32 $0x12888;
	s8 =	sadd.s32 $0x10, s9  }
0x11b: {  	[hbm4b:s8+s3] =	stream.linear.scatter [tilespmem:s11], [sflag:$0x7], $0x80, $0x38;
	[tilespmem:$0x16C00] =	vst v63  }
0x11c: {  	s12 =	simm.s32 $0x12910;
	s15 =	simm.s32 $0x12998;
	s13 =	sadd.s32 $0x20, s9  }
0x11d: {  	[hbm4b:s13+s3] =	stream.linear.scatter [tilespmem:s12], [sflag:$0x7], $0x80, $0x38;
	[tilespmem:$0x16C00] =	vst v63  }
0x11e: {  	s16 =	sadd.s32 $0x30, s9;
	s10 =	simm.s32 $0x12A20;
	s11 =	sadd.s32 $0x40, s9  }
0x11f: {  	[hbm4b:s16+s3] =	stream.linear.scatter [tilespmem:s15], [sflag:$0x7], $0x80, $0x38;
	[tilespmem:$0x16C00] =	vst v63  }
0x120: {  	s8 =	simm.s32 $0x440;
	s12 =	simm.s32 $0x12AA8;
	s13 =	sadd.s32 $0x50, s9  }
0x121: {  	[hbm4b:s11+s3] =	stream.linear.scatter [tilespmem:s10], [sflag:$0x7], $0x80, $0x38;
	[tilespmem:$0x16C00] =	vst v63  }
0x122: {  	s15 =	simm.s32 $0x12B30;
	s16 =	sadd.s32 $0x60, s9;
	s10 =	simm.s32 $0x2200  }
0x123: {  	[hbm4b:s13+s3] =	stream.linear.scatter [tilespmem:s12], [sflag:$0x7], $0x80, $0x38;
	[tilespmem:$0x16C00] =	vst v63  }
0x124: {  	s11 =	simm.s32 $0x12BB8;
	s12 =	sadd.s32 $0x70, s9;
	s9 =	sadd.s32 $0x4000, s9  }
0x125: {  	[hbm4b:s16+s3] =	stream.linear.scatter [tilespmem:s15], [sflag:$0x7], $0x80, $0x38;
	[tilespmem:$0x16C00] =	vst v63  }
.LBB2_12:
0x126: {  	[hbm4b:s12+s3] =	stream.linear.scatter [tilespmem:s11], [sflag:$0x7], $0x80, $0x38;
	[tilespmem:$0x16C00] =	vst v63  }
0x127: {  	s7 =	smov.u32 s8;
	s8 =	smov.u32 s10  }
0x128: {  	s15 =	sadd.s32 $0x1100, s10;
	s8 =	sshra.s32 s8, $0x2;
	s11 =	sadd.s32 $0x12800, s7  }
0x129: {  	[hbm4b:s9+s3] =	stream.linear.scatter [tilespmem:s11], [sflag:$0x7], $0x80, $0x38;
	[tilespmem:$0x16C00] =	vst v63  }
0x12a: {  	p0 =	sne.s32 s10, $0x7700;
	s10 =	sadd.s32 $0x12888, s7;
	s11 =	sadd.s32 $0x10, s9  }
0x12b: {  	[hbm4b:s11+s3] =	stream.linear.scatter [tilespmem:s10], [sflag:$0x7], $0x80, $0x38;
	[tilespmem:$0x16C00] =	vst v63  }
0x12c: {  	s10 =	sadd.s32 $0x12910, s7;
	s11 =	sadd.s32 $0x20, s9  }
0x12d: {  	[hbm4b:s11+s3] =	stream.linear.scatter [tilespmem:s10], [sflag:$0x7], $0x80, $0x38;
	[tilespmem:$0x16C00] =	vst v63  }
0x12e: {  	s10 =	sadd.s32 $0x12998, s7;
	s11 =	sadd.s32 $0x30, s9  }
0x12f: {  	[hbm4b:s11+s3] =	stream.linear.scatter [tilespmem:s10], [sflag:$0x7], $0x80, $0x38;
	[tilespmem:$0x16C00] =	vst v63  }
0x130: {  	s10 =	sadd.s32 $0x12A20, s7;
	s11 =	sadd.s32 $0x40, s9  }
0x131: {  	[hbm4b:s11+s3] =	stream.linear.scatter [tilespmem:s10], [sflag:$0x7], $0x80, $0x38;
	[tilespmem:$0x16C00] =	vst v63  }
.Ltmp5:
0x132: {  	s10 =	sadd.s32 $0x12AA8, s7;
	s11 =	sadd.s32 $0x50, s9;
	(pc) =	sbr.rel @p0 .LBB2_12-.Ltmp5, $4  }
0x133: {  	[hbm4b:s11+s3] =	stream.linear.scatter [tilespmem:s10], [sflag:$0x7], $0x80, $0x38;
	[tilespmem:$0x16C00] =	vst v63  }
0x134: {  	s12 =	sadd.s32 $0x70, s9;
	s10 =	sadd.s32 $0x12B30, s7;
	s11 =	sadd.s32 $0x60, s9  }
0x135: {  	[hbm4b:s11+s3] =	stream.linear.scatter [tilespmem:s10], [sflag:$0x7], $0x80, $0x38;
	[tilespmem:$0x16C00] =	vst v63  }
0x136: {  	s9 =	sadd.s32 $0x4000, s9;
	s11 =	sadd.s32 $0x12BB8, s7;
	s10 =	smov.u32 s15  }
0x137: {  	[hbm4b:s12+s3] =	stream.linear.scatter [tilespmem:s11], [sflag:$0x7], $0x80, $0x38;
	[tilespmem:$0x16C00] =	vst v63  }
0x138: {  	s7 =	sadd.s32 $0x12800, s8  }
0x139: {  	[hbm4b:s9+s3] =	stream.linear.scatter [tilespmem:s7], [sflag:$0x7], $0x80, $0x38;
	[tilespmem:$0x16C00] =	vst v63  }
0x13a: {  	s16 =	sadd.s32 $0x12888, s8;
	s10 =	sadd.s32 $0x10, s9  }
0x13b: {  	[hbm4b:s10+s3] =	stream.linear.scatter [tilespmem:s16], [sflag:$0x7], $0x80, $0x38;
	[tilespmem:$0x16C00] =	vst v63  }
0x13c: {  	s11 =	sadd.s32 $0x20, s9;
	s10 =	sadd.s32 $0x12910, s8  }
0x13d: {  	[hbm4b:s11+s3] =	stream.linear.scatter [tilespmem:s10], [sflag:$0x7], $0x80, $0x38;
	[tilespmem:$0x16C00] =	vst v63  }
0x13e: {  	s12 =	sadd.s32 $0x12998, s8;
	s13 =	sadd.s32 $0x30, s9  }
0x13f: {  	[hbm4b:s13+s3] =	stream.linear.scatter [tilespmem:s12], [sflag:$0x7], $0x80, $0x38;
	[tilespmem:$0x16C00] =	vst v63  }
0x140: {  	s15 =	sadd.s32 $0x12A20, s8;
	s16 =	sadd.s32 $0x40, s9  }
0x141: {  	[hbm4b:s16+s3] =	stream.linear.scatter [tilespmem:s15], [sflag:$0x7], $0x80, $0x38;
	[tilespmem:$0x16C00] =	vst v63  }
0x142: {  	s10 =	sadd.s32 $0x12AA8, s8;
	s11 =	sadd.s32 $0x50, s9  }
0x143: {  	[hbm4b:s11+s3] =	stream.linear.scatter [tilespmem:s10], [sflag:$0x7], $0x80, $0x38;
	[tilespmem:$0x16C00] =	vst v63  }
0x144: {  	s12 =	sadd.s32 $0x12B30, s8;
	s13 =	sadd.s32 $0x60, s9  }
0x145: {  	[hbm4b:s13+s3] =	stream.linear.scatter [tilespmem:s12], [sflag:$0x7], $0x80, $0x38;
	[tilespmem:$0x16C00] =	vst v63  }
0x146: {  	s15 =	sadd.s32 $0x12BB8, s8;
	s16 =	sadd.s32 $0x70, s9  }
0x147: {  	[hbm4b:s16+s3] =	stream.linear.scatter [tilespmem:s15], [sflag:$0x7], $0x80, $0x38;
	[tilespmem:$0x16C00] =	vst v63  }
0x148: {  	_ =	swait.ge [sflag:s20], $0x2000  }
0x149: {  	[sflag:s20] =	ssyncset.done $0x0  }
0x14a: {  	s8 =	simm.s32 $0x0;
	s9 =	simm.s32 $0xC500;
	[sflag:s20] =	ssyncadd.s32 $0xFFFFE000  }
.LBB2_14:
0x14b: {  	v32 =	vld [tilespmem:s9+$0xFFFFFF00];
	v33 =	vadd.s32 s8, v0  }
0x14c: {  	v34 =	vld [tilespmem:s9+$0xFFFFFF10];
	v36 =	vadd.s32 s8, v1;
	_ =	sdelay $0x1  }
0x14d: {  	v35 =	vld [tilespmem:s9+$0xFFFFFF20];
	v39 =	vadd.s32 s8, v2  }
0x14e: {  	v37 =	vld [tilespmem:s9+$0xFFFFFF30];
	v59 =	vadd.s32 s8, v3  }
0x14f: {  	v38 =	vld [tilespmem:s9+$0xFFFFFF40];
	v60 =	vadd.s32 s8, v4;
	[tilespmem:v33+s22+$0x0] =	vst.idx.msk $0xffff, v32  }
0x150: {  	v61 =	vadd.s32 s8, v5;
	v32 =	vld [tilespmem:s9+$0xFFFFFF50];
	[tilespmem:v36+s22+$0x0] =	vst.idx.msk $0xffff, v34  }
0x151: {  	v62 =	vadd.s32 s8, v6;
	v34 =	vld [tilespmem:s9+$0xFFFFFF60]  }
0x152: {  	[tilespmem:v39+s22+$0x0] =	vst.idx.msk $0xffff, v35  }
0x153: {  	v63 =	vadd.s32 s8, v7;
	v35 =	vld [tilespmem:s9+$0xFFFFFF70];
	[tilespmem:v59+s22+$0x0] =	vst.idx.msk $0xffff, v37  }
0x154: {  	v42 =	vadd.s32 s8, v8;
	v33 =	vld [tilespmem:s9+$0xFFFFFF80];
	[tilespmem:v60+s22+$0x0] =	vst.idx.msk $0xffff, v38  }
0x155: {  	v43 =	vadd.s32 s8, v9;
	v36 =	vld [tilespmem:s9+$0xFFFFFF90];
	[tilespmem:v61+s22+$0x0] =	vst.idx.msk $0xffff, v32  }
0x156: {  	v44 =	vadd.s32 s8, v10;
	v32 =	vld [tilespmem:s9+$0xFFFFFFA0];
	[tilespmem:v62+s22+$0x0] =	vst.idx.msk $0xffff, v34  }
0x157: {  	v45 =	vadd.s32 s8, v11;
	v34 =	vld [tilespmem:s9+$0xFFFFFFB0]  }
0x158: {  	[tilespmem:v63+s22+$0x0] =	vst.idx.msk $0xffff, v35  }
0x159: {  	v46 =	vadd.s32 s8, v12;
	v35 =	vld [tilespmem:s9+$0xFFFFFFC0];
	[tilespmem:v42+s22+$0x0] =	vst.idx.msk $0xffff, v33  }
0x15a: {  	v47 =	vadd.s32 s8, v13;
	v33 =	vld [tilespmem:s9+$0xFFFFFFD0];
	[tilespmem:v43+s22+$0x0] =	vst.idx.msk $0xffff, v36  }
0x15b: {  	v48 =	vadd.s32 s8, v14;
	v36 =	vld [tilespmem:s9+$0xFFFFFFE0];
	[tilespmem:v44+s22+$0x0] =	vst.idx.msk $0xffff, v32  }
0x15c: {  	v49 =	vadd.s32 s8, v15;
	v32 =	vld [tilespmem:s9+$0xFFFFFFF0];
	[tilespmem:v45+s22+$0x0] =	vst.idx.msk $0xffff, v34  }
0x15d: {  	v50 =	vadd.s32 s8, v16;
	v34 =	vld [tilespmem:s9+$0x0]  }
0x15e: {  	[tilespmem:v46+s22+$0x0] =	vst.idx.msk $0xffff, v35  }
0x15f: {  	v51 =	vadd.s32 s8, v17;
	v35 =	vld [tilespmem:s9+$0x10];
	[tilespmem:v47+s22+$0x0] =	vst.idx.msk $0xffff, v33  }
0x160: {  	v52 =	vadd.s32 s8, v18;
	v33 =	vld [tilespmem:s9+$0x20];
	[tilespmem:v48+s22+$0x0] =	vst.idx.msk $0xffff, v36  }
0x161: {  	v53 =	vadd.s32 s8, v19;
	v36 =	vld [tilespmem:s9+$0x30];
	[tilespmem:v49+s22+$0x0] =	vst.idx.msk $0xffff, v32  }
0x162: {  	v54 =	vadd.s32 s8, v20;
	v32 =	vld [tilespmem:s9+$0x40];
	[tilespmem:v50+s22+$0x0] =	vst.idx.msk $0xffff, v34  }
0x163: {  	v55 =	vadd.s32 s8, v21;
	v34 =	vld [tilespmem:s9+$0x50]  }
0x164: {  	[tilespmem:v51+s22+$0x0] =	vst.idx.msk $0xffff, v35  }
0x165: {  	v56 =	vadd.s32 s8, v22;
	v35 =	vld [tilespmem:s9+$0x60];
	[tilespmem:v52+s22+$0x0] =	vst.idx.msk $0xffff, v33  }
0x166: {  	v57 =	vadd.s32 s8, v23;
	v33 =	vld [tilespmem:s9+$0x70];
	[tilespmem:v53+s22+$0x0] =	vst.idx.msk $0xffff, v36  }
0x167: {  	v58 =	vadd.s32 s8, v24;
	v36 =	vld [tilespmem:s9+$0x80];
	[tilespmem:v54+s22+$0x0] =	vst.idx.msk $0xffff, v32  }
0x168: {  	v59 =	vadd.s32 s8, v25;
	v32 =	vld [tilespmem:s9+$0x90];
	[tilespmem:v55+s22+$0x0] =	vst.idx.msk $0xffff, v34  }
0x169: {  	v60 =	vadd.s32 s8, v26;
	v34 =	vld [tilespmem:s9+$0xA0]  }
0x16a: {  	[tilespmem:v56+s22+$0x0] =	vst.idx.msk $0xffff, v35  }
0x16b: {  	v61 =	vadd.s32 s8, v27;
	v35 =	vld [tilespmem:s9+$0xB0];
	[tilespmem:v57+s22+$0x0] =	vst.idx.msk $0xffff, v33  }
0x16c: {  	v62 =	vadd.s32 s8, v28;
	v33 =	vld [tilespmem:s9+$0xC0];
	[tilespmem:v58+s22+$0x0] =	vst.idx.msk $0xffff, v36  }
0x16d: {  	v40 =	vadd.s32 s8, v29;
	v36 =	vld [tilespmem:s9+$0xD0];
	[tilespmem:v59+s22+$0x0] =	vst.idx.msk $0xffff, v32  }
0x16e: {  	v63 =	vadd.s32 s8, v30;
	v38 =	vld [tilespmem:s9+$0xE0];
	[tilespmem:v60+s22+$0x0] =	vst.idx.msk $0xffff, v34  }
0x16f: {  	v41 =	vadd.s32 s8, v31;
	p0 =	sne.s32 s8, $0x78;
	v39 =	vld [tilespmem:s9+$0xF0]  }
.Ltmp6:
0x170: {  	[tilespmem:v61+s22+$0x0] =	vst.idx.msk $0xffff, v35;
	(pc) =	sbr.rel @p0 .LBB2_14-.Ltmp6, $4  }
0x171: {  	[tilespmem:v62+s22+$0x0] =	vst.idx.msk $0xffff, v33  }
0x172: {  	[tilespmem:v40+s22+$0x0] =	vst.idx.msk $0xffff, v36  }
0x173: {  	[tilespmem:v63+s22+$0x0] =	vst.idx.msk $0xffff, v38  }
0x174: {  	s8 =	sadd.s32 $0x8, s8;
	s9 =	sadd.s32 $0x200, s9;
	[tilespmem:v41+s22+$0x0] =	vst.idx.msk $0xffff, v39  }
0x175: {  	s7 =	simm.s32 $0x380  }
0x176: {  	[tilespmem:s23], [sflag:$0x4] =	stream.indirect.gather [hbm4b:s4+s17], $0x40, s7, s17, $0xb8;
	[tilespmem:$0x16C00] =	vst v63  }
0x177: {  	s10 =	simm.s32 $0x14A00;
	s9 =	rddreg [dreg:$0x7]  }
0x178: {  	[hbm4b:s9+s3] =	stream.linear.scatter [tilespmem:s10], [sflag:$0x8], $0x80, $0x38;
	[tilespmem:$0x16C00] =	vst v63  }
0x179: {  	s11 =	simm.s32 $0x14A88;
	s8 =	sadd.s32 $0x10, s9  }
0x17a: {  	[hbm4b:s8+s3] =	stream.linear.scatter [tilespmem:s11], [sflag:$0x8], $0x80, $0x38;
	[tilespmem:$0x16C00] =	vst v63  }
0x17b: {  	s12 =	simm.s32 $0x14B10;
	s15 =	simm.s32 $0x14B98;
	s13 =	sadd.s32 $0x20, s9  }
0x17c: {  	[hbm4b:s13+s3] =	stream.linear.scatter [tilespmem:s12], [sflag:$0x8], $0x80, $0x38;
	[tilespmem:$0x16C00] =	vst v63  }
0x17d: {  	s16 =	sadd.s32 $0x30, s9;
	s7 =	sadd.s32 $0x70, s9;
	s10 =	simm.s32 $0x14C20  }
0x17e: {  	[hbm4b:s16+s3] =	stream.linear.scatter [tilespmem:s15], [sflag:$0x8], $0x80, $0x38;
	[tilespmem:$0x16C00] =	vst v63  }
0x17f: {  	s11 =	sadd.s32 $0x40, s9;
	s8 =	simm.s32 $0x440;
	s12 =	simm.s32 $0x14CA8  }
0x180: {  	[hbm4b:s11+s3] =	stream.linear.scatter [tilespmem:s10], [sflag:$0x8], $0x80, $0x38;
	[tilespmem:$0x16C00] =	vst v63  }
0x181: {  	s13 =	sadd.s32 $0x50, s9;
	s15 =	simm.s32 $0x14D30;
	s16 =	sadd.s32 $0x60, s9  }
0x182: {  	[hbm4b:s13+s3] =	stream.linear.scatter [tilespmem:s12], [sflag:$0x8], $0x80, $0x38;
	[tilespmem:$0x16C00] =	vst v63  }
0x183: {  	s9 =	sadd.s32 $0x4000, s9;
	s10 =	simm.s32 $0x2200;
	s11 =	simm.s32 $0x14DB8  }
0x184: {  	[hbm4b:s16+s3] =	stream.linear.scatter [tilespmem:s15], [sflag:$0x8], $0x80, $0x38;
	[tilespmem:$0x16C00] =	vst v63  }
.LBB2_16:
0x185: {  	[hbm4b:s7+s3] =	stream.linear.scatter [tilespmem:s11], [sflag:$0x8], $0x80, $0x38;
	[tilespmem:$0x16C00] =	vst v63  }
0x186: {  	s7 =	smov.u32 s8;
	s8 =	smov.u32 s10  }
0x187: {  	s12 =	sadd.s32 $0x1100, s10;
	s8 =	sshra.s32 s8, $0x2;
	s11 =	sadd.s32 $0x14A00, s7  }
0x188: {  	[hbm4b:s9+s3] =	stream.linear.scatter [tilespmem:s11], [sflag:$0x8], $0x80, $0x38;
	[tilespmem:$0x16C00] =	vst v63  }
0x189: {  	p0 =	sne.s32 s10, $0x7700;
	s10 =	sadd.s32 $0x14A88, s7;
	s11 =	sadd.s32 $0x10, s9  }
0x18a: {  	[hbm4b:s11+s3] =	stream.linear.scatter [tilespmem:s10], [sflag:$0x8], $0x80, $0x38;
	[tilespmem:$0x16C00] =	vst v63  }
0x18b: {  	s10 =	sadd.s32 $0x14B10, s7;
	s11 =	sadd.s32 $0x20, s9  }
0x18c: {  	[hbm4b:s11+s3] =	stream.linear.scatter [tilespmem:s10], [sflag:$0x8], $0x80, $0x38;
	[tilespmem:$0x16C00] =	vst v63  }
0x18d: {  	s10 =	sadd.s32 $0x14B98, s7;
	s11 =	sadd.s32 $0x30, s9  }
0x18e: {  	[hbm4b:s11+s3] =	stream.linear.scatter [tilespmem:s10], [sflag:$0x8], $0x80, $0x38;
	[tilespmem:$0x16C00] =	vst v63  }
0x18f: {  	s10 =	sadd.s32 $0x14C20, s7;
	s11 =	sadd.s32 $0x40, s9  }
0x190: {  	[hbm4b:s11+s3] =	stream.linear.scatter [tilespmem:s10], [sflag:$0x8], $0x80, $0x38;
	[tilespmem:$0x16C00] =	vst v63  }
0x191: {  	s10 =	sadd.s32 $0x14CA8, s7;
	s11 =	sadd.s32 $0x50, s9  }
0x192: {  	[hbm4b:s11+s3] =	stream.linear.scatter [tilespmem:s10], [sflag:$0x8], $0x80, $0x38;
	[tilespmem:$0x16C00] =	vst v63  }
.Ltmp7:
0x193: {  	_ = 	snop;
	(pc) =	sbr.rel @p0 .LBB2_16-.Ltmp7, $4  }
0x194: {  	s10 =	sadd.s32 $0x14D30, s7;
	s11 =	sadd.s32 $0x60, s9  }
0x195: {  	[hbm4b:s11+s3] =	stream.linear.scatter [tilespmem:s10], [sflag:$0x8], $0x80, $0x38;
	[tilespmem:$0x16C00] =	vst v63  }
0x196: {  	s11 =	sadd.s32 $0x14DB8, s7  }
0x197: {  	s7 =	sadd.s32 $0x70, s9;
	s9 =	sadd.s32 $0x4000, s9;
	s10 =	smov.u32 s12  }
0x198: {  	[hbm4b:s7+s3] =	stream.linear.scatter [tilespmem:s11], [sflag:$0x8], $0x80, $0x38;
	[tilespmem:$0x16C00] =	vst v63  }
0x199: {  	s15 =	sadd.s32 $0x14A00, s8  }
0x19a: {  	[hbm4b:s9+s3] =	stream.linear.scatter [tilespmem:s15], [sflag:$0x8], $0x80, $0x38;
	[tilespmem:$0x16C00] =	vst v63  }
0x19b: {  	s16 =	sadd.s32 $0x14A88, s8;
	s10 =	sadd.s32 $0x10, s9  }
0x19c: {  	[hbm4b:s10+s3] =	stream.linear.scatter [tilespmem:s16], [sflag:$0x8], $0x80, $0x38;
	[tilespmem:$0x16C00] =	vst v63  }
0x19d: {  	s11 =	sadd.s32 $0x20, s9;
	s10 =	sadd.s32 $0x14B10, s8  }
0x19e: {  	[hbm4b:s11+s3] =	stream.linear.scatter [tilespmem:s10], [sflag:$0x8], $0x80, $0x38;
	[tilespmem:$0x16C00] =	vst v63  }
0x19f: {  	s12 =	sadd.s32 $0x14B98, s8;
	s13 =	sadd.s32 $0x30, s9  }
0x1a0: {  	[hbm4b:s13+s3] =	stream.linear.scatter [tilespmem:s12], [sflag:$0x8], $0x80, $0x38;
	[tilespmem:$0x16C00] =	vst v63  }
0x1a1: {  	s15 =	sadd.s32 $0x14C20, s8;
	s16 =	sadd.s32 $0x40, s9  }
0x1a2: {  	[hbm4b:s16+s3] =	stream.linear.scatter [tilespmem:s15], [sflag:$0x8], $0x80, $0x38;
	[tilespmem:$0x16C00] =	vst v63  }
0x1a3: {  	s10 =	sadd.s32 $0x14CA8, s8;
	s11 =	sadd.s32 $0x50, s9  }
0x1a4: {  	[hbm4b:s11+s3] =	stream.linear.scatter [tilespmem:s10], [sflag:$0x8], $0x80, $0x38;
	[tilespmem:$0x16C00] =	vst v63  }
0x1a5: {  	s12 =	sadd.s32 $0x14D30, s8;
	s13 =	sadd.s32 $0x60, s9  }
0x1a6: {  	[hbm4b:s13+s3] =	stream.linear.scatter [tilespmem:s12], [sflag:$0x8], $0x80, $0x38;
	[tilespmem:$0x16C00] =	vst v63  }
0x1a7: {  	s15 =	sadd.s32 $0x14DB8, s8;
	s16 =	sadd.s32 $0x70, s9  }
0x1a8: {  	[hbm4b:s16+s3] =	stream.linear.scatter [tilespmem:s15], [sflag:$0x8], $0x80, $0x38;
	[tilespmem:$0x16C00] =	vst v63  }
0x1a9: {  	s16 =	simm.s32 $0x1  }
.LBB2_18:
0x1aa: {  	_ =	swait.ge [sflag:s30], $0x2000  }
0x1ab: {  	[sflag:s30] =	ssyncset.done $0x0  }
0x1ac: {  	[sflag:s30] =	ssyncadd.s32 $0xFFFFE000  }
0x1ad: {  	_ =	swait.ge [sflag:s24], $0x2000  }
0x1ae: {  	[sflag:s24] =	ssyncset.done $0x0  }
0x1af: {  	s8 =	simm.s32 $0x0;
	s9 =	simm.s32 $0x6500;
	[sflag:s24] =	ssyncadd.s32 $0xFFFFE000  }
.LBB2_19:
0x1b0: {  	v32 =	vld [tilespmem:s9+$0xFFFFFF00];
	v33 =	vadd.s32 s8, v0  }
0x1b1: {  	v34 =	vld [tilespmem:s9+$0xFFFFFF10];
	v36 =	vadd.s32 s8, v1;
	_ =	sdelay $0x1  }
0x1b2: {  	v35 =	vld [tilespmem:s9+$0xFFFFFF20];
	v39 =	vadd.s32 s8, v2  }
0x1b3: {  	v37 =	vld [tilespmem:s9+$0xFFFFFF30];
	v59 =	vadd.s32 s8, v3  }
0x1b4: {  	v38 =	vld [tilespmem:s9+$0xFFFFFF40];
	v60 =	vadd.s32 s8, v4;
	[tilespmem:v33+s25+$0x0] =	vst.idx.msk $0xffff, v32  }
0x1b5: {  	v61 =	vadd.s32 s8, v5;
	v32 =	vld [tilespmem:s9+$0xFFFFFF50];
	[tilespmem:v36+s25+$0x0] =	vst.idx.msk $0xffff, v34  }
0x1b6: {  	v62 =	vadd.s32 s8, v6;
	v34 =	vld [tilespmem:s9+$0xFFFFFF60]  }
0x1b7: {  	[tilespmem:v39+s25+$0x0] =	vst.idx.msk $0xffff, v35  }
0x1b8: {  	v63 =	vadd.s32 s8, v7;
	v35 =	vld [tilespmem:s9+$0xFFFFFF70];
	[tilespmem:v59+s25+$0x0] =	vst.idx.msk $0xffff, v37  }
0x1b9: {  	v42 =	vadd.s32 s8, v8;
	v33 =	vld [tilespmem:s9+$0xFFFFFF80];
	[tilespmem:v60+s25+$0x0] =	vst.idx.msk $0xffff, v38  }
0x1ba: {  	v43 =	vadd.s32 s8, v9;
	v36 =	vld [tilespmem:s9+$0xFFFFFF90];
	[tilespmem:v61+s25+$0x0] =	vst.idx.msk $0xffff, v32  }
0x1bb: {  	v44 =	vadd.s32 s8, v10;
	v32 =	vld [tilespmem:s9+$0xFFFFFFA0];
	[tilespmem:v62+s25+$0x0] =	vst.idx.msk $0xffff, v34  }
0x1bc: {  	v45 =	vadd.s32 s8, v11;
	v34 =	vld [tilespmem:s9+$0xFFFFFFB0]  }
0x1bd: {  	[tilespmem:v63+s25+$0x0] =	vst.idx.msk $0xffff, v35  }
0x1be: {  	v46 =	vadd.s32 s8, v12;
	v35 =	vld [tilespmem:s9+$0xFFFFFFC0];
	[tilespmem:v42+s25+$0x0] =	vst.idx.msk $0xffff, v33  }
0x1bf: {  	v47 =	vadd.s32 s8, v13;
	v33 =	vld [tilespmem:s9+$0xFFFFFFD0];
	[tilespmem:v43+s25+$0x0] =	vst.idx.msk $0xffff, v36  }
0x1c0: {  	v48 =	vadd.s32 s8, v14;
	v36 =	vld [tilespmem:s9+$0xFFFFFFE0];
	[tilespmem:v44+s25+$0x0] =	vst.idx.msk $0xffff, v32  }
0x1c1: {  	v49 =	vadd.s32 s8, v15;
	v32 =	vld [tilespmem:s9+$0xFFFFFFF0];
	[tilespmem:v45+s25+$0x0] =	vst.idx.msk $0xffff, v34  }
0x1c2: {  	v50 =	vadd.s32 s8, v16;
	v34 =	vld [tilespmem:s9+$0x0]  }
0x1c3: {  	[tilespmem:v46+s25+$0x0] =	vst.idx.msk $0xffff, v35  }
0x1c4: {  	v51 =	vadd.s32 s8, v17;
	v35 =	vld [tilespmem:s9+$0x10];
	[tilespmem:v47+s25+$0x0] =	vst.idx.msk $0xffff, v33  }
0x1c5: {  	v52 =	vadd.s32 s8, v18;
	v33 =	vld [tilespmem:s9+$0x20];
	[tilespmem:v48+s25+$0x0] =	vst.idx.msk $0xffff, v36  }
0x1c6: {  	v53 =	vadd.s32 s8, v19;
	v36 =	vld [tilespmem:s9+$0x30];
	[tilespmem:v49+s25+$0x0] =	vst.idx.msk $0xffff, v32  }
0x1c7: {  	v54 =	vadd.s32 s8, v20;
	v32 =	vld [tilespmem:s9+$0x40];
	[tilespmem:v50+s25+$0x0] =	vst.idx.msk $0xffff, v34  }
0x1c8: {  	v55 =	vadd.s32 s8, v21;
	v34 =	vld [tilespmem:s9+$0x50]  }
0x1c9: {  	[tilespmem:v51+s25+$0x0] =	vst.idx.msk $0xffff, v35  }
0x1ca: {  	v56 =	vadd.s32 s8, v22;
	v35 =	vld [tilespmem:s9+$0x60];
	[tilespmem:v52+s25+$0x0] =	vst.idx.msk $0xffff, v33  }
0x1cb: {  	v57 =	vadd.s32 s8, v23;
	v33 =	vld [tilespmem:s9+$0x70];
	[tilespmem:v53+s25+$0x0] =	vst.idx.msk $0xffff, v36  }
0x1cc: {  	v58 =	vadd.s32 s8, v24;
	v36 =	vld [tilespmem:s9+$0x80];
	[tilespmem:v54+s25+$0x0] =	vst.idx.msk $0xffff, v32  }
0x1cd: {  	v59 =	vadd.s32 s8, v25;
	v32 =	vld [tilespmem:s9+$0x90];
	[tilespmem:v55+s25+$0x0] =	vst.idx.msk $0xffff, v34  }
0x1ce: {  	v60 =	vadd.s32 s8, v26;
	v34 =	vld [tilespmem:s9+$0xA0]  }
0x1cf: {  	[tilespmem:v56+s25+$0x0] =	vst.idx.msk $0xffff, v35  }
0x1d0: {  	v61 =	vadd.s32 s8, v27;
	v35 =	vld [tilespmem:s9+$0xB0];
	[tilespmem:v57+s25+$0x0] =	vst.idx.msk $0xffff, v33  }
0x1d1: {  	v62 =	vadd.s32 s8, v28;
	v33 =	vld [tilespmem:s9+$0xC0];
	[tilespmem:v58+s25+$0x0] =	vst.idx.msk $0xffff, v36  }
0x1d2: {  	v40 =	vadd.s32 s8, v29;
	v36 =	vld [tilespmem:s9+$0xD0];
	[tilespmem:v59+s25+$0x0] =	vst.idx.msk $0xffff, v32  }
0x1d3: {  	v63 =	vadd.s32 s8, v30;
	v38 =	vld [tilespmem:s9+$0xE0];
	[tilespmem:v60+s25+$0x0] =	vst.idx.msk $0xffff, v34  }
0x1d4: {  	v41 =	vadd.s32 s8, v31;
	p0 =	sne.s32 s8, $0x78;
	v39 =	vld [tilespmem:s9+$0xF0]  }
.Ltmp8:
0x1d5: {  	[tilespmem:v61+s25+$0x0] =	vst.idx.msk $0xffff, v35;
	(pc) =	sbr.rel @p0 .LBB2_19-.Ltmp8, $4  }
0x1d6: {  	[tilespmem:v62+s25+$0x0] =	vst.idx.msk $0xffff, v33  }
0x1d7: {  	[tilespmem:v40+s25+$0x0] =	vst.idx.msk $0xffff, v36  }
0x1d8: {  	[tilespmem:v63+s25+$0x0] =	vst.idx.msk $0xffff, v38  }
0x1d9: {  	s8 =	sadd.s32 $0x8, s8;
	s9 =	sadd.s32 $0x200, s9;
	[tilespmem:v41+s25+$0x0] =	vst.idx.msk $0xffff, v39  }
0x1da: {  	s7 =	sshll.u32 s16, $0x9;
	s8 =	sshll.u32 s16, $0x2  }
0x1db: {  	s15 =	sand.u32 $0x3FFFFE00, s7;
	s13 =	sadd.s32 s5, s8  }
0x1dc: {  	s7 =	sadd.s32 $0x200, s15;
	s9 =	sshll.u32 s13, $0x7  }
0x1dd: {  	[tilespmem:s18], [sflag:$0x1] =	stream.indirect.gather [hbm4b:s4+s17], $0x40, s7, s17, $0xb8;
	[tilespmem:$0x16C00] =	vst v63  }
0x1de: {  	s7 =	sshll.u32 s13, $0xA;
	s9 =	sand.u32 $0x3E00, s9  }
0x1df: {  	s7 =	sand.u32 $0xFFE0000, s7;
	s9 =	sadd.s32 s2, s9  }
0x1e0: {  	s10 =	sadd.s32 s7, s9;
	s9 =	simm.s32 $0xE400  }
0x1e1: {  	[hbm4b:s10+s3] =	stream.linear.scatter [tilespmem:s9], [sflag:$0x5], $0x80, $0x38;
	[tilespmem:$0x16C00] =	vst v63  }
0x1e2: {  	s11 =	simm.s32 $0xE488;
	s9 =	sadd.s32 $0x10, s10  }
0x1e3: {  	[hbm4b:s9+s3] =	stream.linear.scatter [tilespmem:s11], [sflag:$0x5], $0x80, $0x38;
	[tilespmem:$0x16C00] =	vst v63  }
0x1e4: {  	s12 =	simm.s32 $0xE510;
	s13 =	sadd.s32 $0x20, s10  }
0x1e5: {  	[hbm4b:s13+s3] =	stream.linear.scatter [tilespmem:s12], [sflag:$0x5], $0x80, $0x38;
	[tilespmem:$0x16C00] =	vst v63  }
0x1e6: {  	s9 =	simm.s32 $0xE598;
	s11 =	sadd.s32 $0x30, s10  }
0x1e7: {  	[hbm4b:s11+s3] =	stream.linear.scatter [tilespmem:s9], [sflag:$0x5], $0x80, $0x38;
	[tilespmem:$0x16C00] =	vst v63  }
0x1e8: {  	s12 =	simm.s32 $0xE620;
	s13 =	sadd.s32 $0x40, s10  }
0x1e9: {  	[hbm4b:s13+s3] =	stream.linear.scatter [tilespmem:s12], [sflag:$0x5], $0x80, $0x38;
	[tilespmem:$0x16C00] =	vst v63  }
0x1ea: {  	s7 =	sadd.s32 $0x70, s10;
	s9 =	simm.s32 $0xE6A8;
	s11 =	sadd.s32 $0x50, s10  }
0x1eb: {  	[hbm4b:s11+s3] =	stream.linear.scatter [tilespmem:s9], [sflag:$0x5], $0x80, $0x38;
	[tilespmem:$0x16C00] =	vst v63  }
0x1ec: {  	s12 =	simm.s32 $0xE730;
	s13 =	sadd.s32 $0x60, s10;
	s10 =	sadd.s32 $0x4000, s10  }
0x1ed: {  	[hbm4b:s13+s3] =	stream.linear.scatter [tilespmem:s12], [sflag:$0x5], $0x80, $0x38;
	[tilespmem:$0x16C00] =	vst v63  }
0x1ee: {  	s9 =	simm.s32 $0x440;
	s11 =	simm.s32 $0x2200;
	s12 =	simm.s32 $0xE7B8  }
.LBB2_21:
0x1ef: {  	[hbm4b:s7+s3] =	stream.linear.scatter [tilespmem:s12], [sflag:$0x5], $0x80, $0x38;
	[tilespmem:$0x16C00] =	vst v63  }
0x1f0: {  	s7 =	smov.u32 s9;
	s9 =	smov.u32 s11  }
0x1f1: {  	s13 =	sadd.s32 $0x1100, s11;
	s9 =	sshra.s32 s9, $0x2;
	s12 =	sadd.s32 $0xE400, s7  }
0x1f2: {  	[hbm4b:s10+s3] =	stream.linear.scatter [tilespmem:s12], [sflag:$0x5], $0x80, $0x38;
	[tilespmem:$0x16C00] =	vst v63  }
0x1f3: {  	p0 =	sne.s32 s11, $0x7700;
	s11 =	sadd.s32 $0xE488, s7;
	s12 =	sadd.s32 $0x10, s10  }
0x1f4: {  	[hbm4b:s12+s3] =	stream.linear.scatter [tilespmem:s11], [sflag:$0x5], $0x80, $0x38;
	[tilespmem:$0x16C00] =	vst v63  }
0x1f5: {  	s11 =	sadd.s32 $0xE510, s7;
	s12 =	sadd.s32 $0x20, s10  }
0x1f6: {  	[hbm4b:s12+s3] =	stream.linear.scatter [tilespmem:s11], [sflag:$0x5], $0x80, $0x38;
	[tilespmem:$0x16C00] =	vst v63  }
0x1f7: {  	s11 =	sadd.s32 $0xE598, s7;
	s12 =	sadd.s32 $0x30, s10  }
0x1f8: {  	[hbm4b:s12+s3] =	stream.linear.scatter [tilespmem:s11], [sflag:$0x5], $0x80, $0x38;
	[tilespmem:$0x16C00] =	vst v63  }
0x1f9: {  	s11 =	sadd.s32 $0xE620, s7;
	s12 =	sadd.s32 $0x40, s10  }
0x1fa: {  	[hbm4b:s12+s3] =	stream.linear.scatter [tilespmem:s11], [sflag:$0x5], $0x80, $0x38;
	[tilespmem:$0x16C00] =	vst v63  }
0x1fb: {  	s11 =	sadd.s32 $0xE6A8, s7;
	s12 =	sadd.s32 $0x50, s10  }
0x1fc: {  	[hbm4b:s12+s3] =	stream.linear.scatter [tilespmem:s11], [sflag:$0x5], $0x80, $0x38;
	[tilespmem:$0x16C00] =	vst v63  }
.Ltmp9:
0x1fd: {  	_ = 	snop;
	(pc) =	sbr.rel @p0 .LBB2_21-.Ltmp9, $4  }
0x1fe: {  	s11 =	sadd.s32 $0xE730, s7;
	s12 =	sadd.s32 $0x60, s10  }
0x1ff: {  	[hbm4b:s12+s3] =	stream.linear.scatter [tilespmem:s11], [sflag:$0x5], $0x80, $0x38;
	[tilespmem:$0x16C00] =	vst v63  }
0x200: {  	s12 =	sadd.s32 $0xE7B8, s7  }
0x201: {  	s7 =	sadd.s32 $0x70, s10;
	s10 =	sadd.s32 $0x4000, s10;
	s11 =	smov.u32 s13  }
0x202: {  	[hbm4b:s7+s3] =	stream.linear.scatter [tilespmem:s12], [sflag:$0x5], $0x80, $0x38;
	[tilespmem:$0x16C00] =	vst v63  }
0x203: {  	s12 =	sadd.s32 $0xE400, s9  }
0x204: {  	[hbm4b:s10+s3] =	stream.linear.scatter [tilespmem:s12], [sflag:$0x5], $0x80, $0x38;
	[tilespmem:$0x16C00] =	vst v63  }
0x205: {  	s13 =	sadd.s32 $0xE488, s9;
	s11 =	sadd.s32 $0x10, s10  }
0x206: {  	[hbm4b:s11+s3] =	stream.linear.scatter [tilespmem:s13], [sflag:$0x5], $0x80, $0x38;
	[tilespmem:$0x16C00] =	vst v63  }
0x207: {  	s12 =	sadd.s32 $0xE510, s9;
	s13 =	sadd.s32 $0x20, s10  }
0x208: {  	[hbm4b:s13+s3] =	stream.linear.scatter [tilespmem:s12], [sflag:$0x5], $0x80, $0x38;
	[tilespmem:$0x16C00] =	vst v63  }
0x209: {  	s12 =	sadd.s32 $0xE598, s9;
	s13 =	sadd.s32 $0x30, s10  }
0x20a: {  	[hbm4b:s13+s3] =	stream.linear.scatter [tilespmem:s12], [sflag:$0x5], $0x80, $0x38;
	[tilespmem:$0x16C00] =	vst v63  }
0x20b: {  	s12 =	sadd.s32 $0xE620, s9;
	s13 =	sadd.s32 $0x40, s10  }
0x20c: {  	[hbm4b:s13+s3] =	stream.linear.scatter [tilespmem:s12], [sflag:$0x5], $0x80, $0x38;
	[tilespmem:$0x16C00] =	vst v63  }
0x20d: {  	s12 =	sadd.s32 $0xE6A8, s9;
	s13 =	sadd.s32 $0x50, s10  }
0x20e: {  	[hbm4b:s13+s3] =	stream.linear.scatter [tilespmem:s12], [sflag:$0x5], $0x80, $0x38;
	[tilespmem:$0x16C00] =	vst v63  }
0x20f: {  	s12 =	sadd.s32 $0xE730, s9;
	s13 =	sadd.s32 $0x60, s10  }
0x210: {  	[hbm4b:s13+s3] =	stream.linear.scatter [tilespmem:s12], [sflag:$0x5], $0x80, $0x38;
	[tilespmem:$0x16C00] =	vst v63  }
0x211: {  	s12 =	sadd.s32 $0xE7B8, s9;
	s13 =	sadd.s32 $0x70, s10  }
0x212: {  	[hbm4b:s13+s3] =	stream.linear.scatter [tilespmem:s12], [sflag:$0x5], $0x80, $0x38;
	[tilespmem:$0x16C00] =	vst v63  }
0x213: {  	_ =	swait.ge [sflag:s0], $0x2000  }
0x214: {  	[sflag:s0] =	ssyncset.done $0x0  }
0x215: {  	[sflag:s0] =	ssyncadd.s32 $0xFFFFE000  }
0x216: {  	_ =	swait.ge [sflag:s28], $0x2000  }
0x217: {  	[sflag:s28] =	ssyncset.done $0x0  }
0x218: {  	s9 =	simm.s32 $0x0;
	s10 =	simm.s32 $0x8500;
	[sflag:s28] =	ssyncadd.s32 $0xFFFFE000  }
.LBB2_23:
0x219: {  	v32 =	vld [tilespmem:s10+$0xFFFFFF00];
	v33 =	vadd.s32 s9, v0  }
0x21a: {  	v34 =	vld [tilespmem:s10+$0xFFFFFF10];
	v36 =	vadd.s32 s9, v1;
	_ =	sdelay $0x1  }
0x21b: {  	v35 =	vld [tilespmem:s10+$0xFFFFFF20];
	v39 =	vadd.s32 s9, v2  }
0x21c: {  	v37 =	vld [tilespmem:s10+$0xFFFFFF30];
	v59 =	vadd.s32 s9, v3  }
0x21d: {  	v38 =	vld [tilespmem:s10+$0xFFFFFF40];
	v60 =	vadd.s32 s9, v4;
	[tilespmem:v33+s29+$0x0] =	vst.idx.msk $0xffff, v32  }
0x21e: {  	v61 =	vadd.s32 s9, v5;
	v32 =	vld [tilespmem:s10+$0xFFFFFF50];
	[tilespmem:v36+s29+$0x0] =	vst.idx.msk $0xffff, v34  }
0x21f: {  	v62 =	vadd.s32 s9, v6;
	v34 =	vld [tilespmem:s10+$0xFFFFFF60]  }
0x220: {  	[tilespmem:v39+s29+$0x0] =	vst.idx.msk $0xffff, v35  }
0x221: {  	v63 =	vadd.s32 s9, v7;
	v35 =	vld [tilespmem:s10+$0xFFFFFF70];
	[tilespmem:v59+s29+$0x0] =	vst.idx.msk $0xffff, v37  }
0x222: {  	v42 =	vadd.s32 s9, v8;
	v33 =	vld [tilespmem:s10+$0xFFFFFF80];
	[tilespmem:v60+s29+$0x0] =	vst.idx.msk $0xffff, v38  }
0x223: {  	v43 =	vadd.s32 s9, v9;
	v36 =	vld [tilespmem:s10+$0xFFFFFF90];
	[tilespmem:v61+s29+$0x0] =	vst.idx.msk $0xffff, v32  }
0x224: {  	v44 =	vadd.s32 s9, v10;
	v32 =	vld [tilespmem:s10+$0xFFFFFFA0];
	[tilespmem:v62+s29+$0x0] =	vst.idx.msk $0xffff, v34  }
0x225: {  	v45 =	vadd.s32 s9, v11;
	v34 =	vld [tilespmem:s10+$0xFFFFFFB0]  }
0x226: {  	[tilespmem:v63+s29+$0x0] =	vst.idx.msk $0xffff, v35  }
0x227: {  	v46 =	vadd.s32 s9, v12;
	v35 =	vld [tilespmem:s10+$0xFFFFFFC0];
	[tilespmem:v42+s29+$0x0] =	vst.idx.msk $0xffff, v33  }
0x228: {  	v47 =	vadd.s32 s9, v13;
	v33 =	vld [tilespmem:s10+$0xFFFFFFD0];
	[tilespmem:v43+s29+$0x0] =	vst.idx.msk $0xffff, v36  }
0x229: {  	v48 =	vadd.s32 s9, v14;
	v36 =	vld [tilespmem:s10+$0xFFFFFFE0];
	[tilespmem:v44+s29+$0x0] =	vst.idx.msk $0xffff, v32  }
0x22a: {  	v49 =	vadd.s32 s9, v15;
	v32 =	vld [tilespmem:s10+$0xFFFFFFF0];
	[tilespmem:v45+s29+$0x0] =	vst.idx.msk $0xffff, v34  }
0x22b: {  	v50 =	vadd.s32 s9, v16;
	v34 =	vld [tilespmem:s10+$0x0]  }
0x22c: {  	[tilespmem:v46+s29+$0x0] =	vst.idx.msk $0xffff, v35  }
0x22d: {  	v51 =	vadd.s32 s9, v17;
	v35 =	vld [tilespmem:s10+$0x10];
	[tilespmem:v47+s29+$0x0] =	vst.idx.msk $0xffff, v33  }
0x22e: {  	v52 =	vadd.s32 s9, v18;
	v33 =	vld [tilespmem:s10+$0x20];
	[tilespmem:v48+s29+$0x0] =	vst.idx.msk $0xffff, v36  }
0x22f: {  	v53 =	vadd.s32 s9, v19;
	v36 =	vld [tilespmem:s10+$0x30];
	[tilespmem:v49+s29+$0x0] =	vst.idx.msk $0xffff, v32  }
0x230: {  	v54 =	vadd.s32 s9, v20;
	v32 =	vld [tilespmem:s10+$0x40];
	[tilespmem:v50+s29+$0x0] =	vst.idx.msk $0xffff, v34  }
0x231: {  	v55 =	vadd.s32 s9, v21;
	v34 =	vld [tilespmem:s10+$0x50]  }
0x232: {  	[tilespmem:v51+s29+$0x0] =	vst.idx.msk $0xffff, v35  }
0x233: {  	v56 =	vadd.s32 s9, v22;
	v35 =	vld [tilespmem:s10+$0x60];
	[tilespmem:v52+s29+$0x0] =	vst.idx.msk $0xffff, v33  }
0x234: {  	v57 =	vadd.s32 s9, v23;
	v33 =	vld [tilespmem:s10+$0x70];
	[tilespmem:v53+s29+$0x0] =	vst.idx.msk $0xffff, v36  }
0x235: {  	v58 =	vadd.s32 s9, v24;
	v36 =	vld [tilespmem:s10+$0x80];
	[tilespmem:v54+s29+$0x0] =	vst.idx.msk $0xffff, v32  }
0x236: {  	v59 =	vadd.s32 s9, v25;
	v32 =	vld [tilespmem:s10+$0x90];
	[tilespmem:v55+s29+$0x0] =	vst.idx.msk $0xffff, v34  }
0x237: {  	v60 =	vadd.s32 s9, v26;
	v34 =	vld [tilespmem:s10+$0xA0]  }
0x238: {  	[tilespmem:v56+s29+$0x0] =	vst.idx.msk $0xffff, v35  }
0x239: {  	v61 =	vadd.s32 s9, v27;
	v35 =	vld [tilespmem:s10+$0xB0];
	[tilespmem:v57+s29+$0x0] =	vst.idx.msk $0xffff, v33  }
0x23a: {  	v62 =	vadd.s32 s9, v28;
	v33 =	vld [tilespmem:s10+$0xC0];
	[tilespmem:v58+s29+$0x0] =	vst.idx.msk $0xffff, v36  }
0x23b: {  	v40 =	vadd.s32 s9, v29;
	v36 =	vld [tilespmem:s10+$0xD0];
	[tilespmem:v59+s29+$0x0] =	vst.idx.msk $0xffff, v32  }
0x23c: {  	v63 =	vadd.s32 s9, v30;
	v38 =	vld [tilespmem:s10+$0xE0];
	[tilespmem:v60+s29+$0x0] =	vst.idx.msk $0xffff, v34  }
0x23d: {  	v41 =	vadd.s32 s9, v31;
	p0 =	sne.s32 s9, $0x78;
	v39 =	vld [tilespmem:s10+$0xF0]  }
.Ltmp10:
0x23e: {  	[tilespmem:v61+s29+$0x0] =	vst.idx.msk $0xffff, v35;
	(pc) =	sbr.rel @p0 .LBB2_23-.Ltmp10, $4  }
0x23f: {  	[tilespmem:v62+s29+$0x0] =	vst.idx.msk $0xffff, v33  }
0x240: {  	[tilespmem:v40+s29+$0x0] =	vst.idx.msk $0xffff, v36  }
0x241: {  	[tilespmem:v63+s29+$0x0] =	vst.idx.msk $0xffff, v38  }
0x242: {  	s9 =	sadd.s32 $0x8, s9;
	s10 =	sadd.s32 $0x200, s10;
	[tilespmem:v41+s29+$0x0] =	vst.idx.msk $0xffff, v39  }
0x243: {  	s7 =	sadd.s32 $0x280, s15;
	s8 =	sadd.s32 s8, s5  }
0x244: {  	[tilespmem:s19], [sflag:$0x2] =	stream.indirect.gather [hbm4b:s4+s17], $0x40, s7, s17, $0xb8;
	[tilespmem:$0x16C00] =	vst v63  }
0x245: {  	s13 =	sadd.s32 $0x1, s8  }
0x246: {  	s9 =	sshll.u32 s13, $0x7  }
0x247: {  	s7 =	sshll.u32 s13, $0xA;
	s9 =	sand.u32 $0x3E80, s9  }
0x248: {  	s7 =	sand.u32 $0xFFE0000, s7;
	s9 =	sadd.s32 s2, s9  }
0x249: {  	s10 =	sadd.s32 s7, s9;
	s9 =	simm.s32 $0x10600  }
0x24a: {  	[hbm4b:s10+s3] =	stream.linear.scatter [tilespmem:s9], [sflag:$0x6], $0x80, $0x38;
	[tilespmem:$0x16C00] =	vst v63  }
0x24b: {  	s11 =	simm.s32 $0x10688;
	s9 =	sadd.s32 $0x10, s10  }
0x24c: {  	[hbm4b:s9+s3] =	stream.linear.scatter [tilespmem:s11], [sflag:$0x6], $0x80, $0x38;
	[tilespmem:$0x16C00] =	vst v63  }
0x24d: {  	s12 =	simm.s32 $0x10710;
	s13 =	sadd.s32 $0x20, s10  }
0x24e: {  	[hbm4b:s13+s3] =	stream.linear.scatter [tilespmem:s12], [sflag:$0x6], $0x80, $0x38;
	[tilespmem:$0x16C00] =	vst v63  }
0x24f: {  	s9 =	simm.s32 $0x10798;
	s11 =	sadd.s32 $0x30, s10  }
0x250: {  	[hbm4b:s11+s3] =	stream.linear.scatter [tilespmem:s9], [sflag:$0x6], $0x80, $0x38;
	[tilespmem:$0x16C00] =	vst v63  }
0x251: {  	s12 =	simm.s32 $0x10820;
	s13 =	sadd.s32 $0x40, s10  }
0x252: {  	[hbm4b:s13+s3] =	stream.linear.scatter [tilespmem:s12], [sflag:$0x6], $0x80, $0x38;
	[tilespmem:$0x16C00] =	vst v63  }
0x253: {  	s7 =	sadd.s32 $0x70, s10;
	s9 =	simm.s32 $0x108A8;
	s11 =	sadd.s32 $0x50, s10  }
0x254: {  	[hbm4b:s11+s3] =	stream.linear.scatter [tilespmem:s9], [sflag:$0x6], $0x80, $0x38;
	[tilespmem:$0x16C00] =	vst v63  }
0x255: {  	s12 =	simm.s32 $0x10930;
	s13 =	sadd.s32 $0x60, s10;
	s10 =	sadd.s32 $0x4000, s10  }
0x256: {  	[hbm4b:s13+s3] =	stream.linear.scatter [tilespmem:s12], [sflag:$0x6], $0x80, $0x38;
	[tilespmem:$0x16C00] =	vst v63  }
0x257: {  	s9 =	simm.s32 $0x440;
	s11 =	simm.s32 $0x2200;
	s12 =	simm.s32 $0x109B8  }
.LBB2_25:
0x258: {  	[hbm4b:s7+s3] =	stream.linear.scatter [tilespmem:s12], [sflag:$0x6], $0x80, $0x38;
	[tilespmem:$0x16C00] =	vst v63  }
0x259: {  	s7 =	smov.u32 s9;
	s9 =	smov.u32 s11  }
0x25a: {  	s13 =	sadd.s32 $0x1100, s11;
	s9 =	sshra.s32 s9, $0x2;
	s12 =	sadd.s32 $0x10600, s7  }
0x25b: {  	[hbm4b:s10+s3] =	stream.linear.scatter [tilespmem:s12], [sflag:$0x6], $0x80, $0x38;
	[tilespmem:$0x16C00] =	vst v63  }
0x25c: {  	p0 =	sne.s32 s11, $0x7700;
	s11 =	sadd.s32 $0x10688, s7;
	s12 =	sadd.s32 $0x10, s10  }
0x25d: {  	[hbm4b:s12+s3] =	stream.linear.scatter [tilespmem:s11], [sflag:$0x6], $0x80, $0x38;
	[tilespmem:$0x16C00] =	vst v63  }
0x25e: {  	s11 =	sadd.s32 $0x10710, s7;
	s12 =	sadd.s32 $0x20, s10  }
0x25f: {  	[hbm4b:s12+s3] =	stream.linear.scatter [tilespmem:s11], [sflag:$0x6], $0x80, $0x38;
	[tilespmem:$0x16C00] =	vst v63  }
0x260: {  	s11 =	sadd.s32 $0x10798, s7;
	s12 =	sadd.s32 $0x30, s10  }
0x261: {  	[hbm4b:s12+s3] =	stream.linear.scatter [tilespmem:s11], [sflag:$0x6], $0x80, $0x38;
	[tilespmem:$0x16C00] =	vst v63  }
0x262: {  	s11 =	sadd.s32 $0x10820, s7;
	s12 =	sadd.s32 $0x40, s10  }
0x263: {  	[hbm4b:s12+s3] =	stream.linear.scatter [tilespmem:s11], [sflag:$0x6], $0x80, $0x38;
	[tilespmem:$0x16C00] =	vst v63  }
0x264: {  	s11 =	sadd.s32 $0x108A8, s7;
	s12 =	sadd.s32 $0x50, s10  }
0x265: {  	[hbm4b:s12+s3] =	stream.linear.scatter [tilespmem:s11], [sflag:$0x6], $0x80, $0x38;
	[tilespmem:$0x16C00] =	vst v63  }
.Ltmp11:
0x266: {  	_ = 	snop;
	(pc) =	sbr.rel @p0 .LBB2_25-.Ltmp11, $4  }
0x267: {  	s11 =	sadd.s32 $0x10930, s7;
	s12 =	sadd.s32 $0x60, s10  }
0x268: {  	[hbm4b:s12+s3] =	stream.linear.scatter [tilespmem:s11], [sflag:$0x6], $0x80, $0x38;
	[tilespmem:$0x16C00] =	vst v63  }
0x269: {  	s12 =	sadd.s32 $0x109B8, s7  }
0x26a: {  	s7 =	sadd.s32 $0x70, s10;
	s10 =	sadd.s32 $0x4000, s10;
	s11 =	smov.u32 s13  }
0x26b: {  	[hbm4b:s7+s3] =	stream.linear.scatter [tilespmem:s12], [sflag:$0x6], $0x80, $0x38;
	[tilespmem:$0x16C00] =	vst v63  }
0x26c: {  	s12 =	sadd.s32 $0x10600, s9  }
0x26d: {  	[hbm4b:s10+s3] =	stream.linear.scatter [tilespmem:s12], [sflag:$0x6], $0x80, $0x38;
	[tilespmem:$0x16C00] =	vst v63  }
0x26e: {  	s13 =	sadd.s32 $0x10688, s9;
	s11 =	sadd.s32 $0x10, s10  }
0x26f: {  	[hbm4b:s11+s3] =	stream.linear.scatter [tilespmem:s13], [sflag:$0x6], $0x80, $0x38;
	[tilespmem:$0x16C00] =	vst v63  }
0x270: {  	s12 =	sadd.s32 $0x10710, s9;
	s13 =	sadd.s32 $0x20, s10  }
0x271: {  	[hbm4b:s13+s3] =	stream.linear.scatter [tilespmem:s12], [sflag:$0x6], $0x80, $0x38;
	[tilespmem:$0x16C00] =	vst v63  }
0x272: {  	s12 =	sadd.s32 $0x10798, s9;
	s13 =	sadd.s32 $0x30, s10  }
0x273: {  	[hbm4b:s13+s3] =	stream.linear.scatter [tilespmem:s12], [sflag:$0x6], $0x80, $0x38;
	[tilespmem:$0x16C00] =	vst v63  }
0x274: {  	s12 =	sadd.s32 $0x10820, s9;
	s13 =	sadd.s32 $0x40, s10  }
0x275: {  	[hbm4b:s13+s3] =	stream.linear.scatter [tilespmem:s12], [sflag:$0x6], $0x80, $0x38;
	[tilespmem:$0x16C00] =	vst v63  }
0x276: {  	s12 =	sadd.s32 $0x108A8, s9;
	s13 =	sadd.s32 $0x50, s10  }
0x277: {  	[hbm4b:s13+s3] =	stream.linear.scatter [tilespmem:s12], [sflag:$0x6], $0x80, $0x38;
	[tilespmem:$0x16C00] =	vst v63  }
0x278: {  	s12 =	sadd.s32 $0x10930, s9;
	s13 =	sadd.s32 $0x60, s10  }
0x279: {  	[hbm4b:s13+s3] =	stream.linear.scatter [tilespmem:s12], [sflag:$0x6], $0x80, $0x38;
	[tilespmem:$0x16C00] =	vst v63  }
0x27a: {  	s12 =	sadd.s32 $0x109B8, s9;
	s13 =	sadd.s32 $0x70, s10  }
0x27b: {  	[hbm4b:s13+s3] =	stream.linear.scatter [tilespmem:s12], [sflag:$0x6], $0x80, $0x38;
	[tilespmem:$0x16C00] =	vst v63  }
0x27c: {  	_ =	swait.ge [sflag:s26], $0x2000  }
0x27d: {  	[sflag:s26] =	ssyncset.done $0x0  }
0x27e: {  	[sflag:s26] =	ssyncadd.s32 $0xFFFFE000  }
0x27f: {  	_ =	swait.ge [sflag:s31], $0x2000  }
0x280: {  	[sflag:s31] =	ssyncset.done $0x0  }
0x281: {  	s9 =	simm.s32 $0x0;
	s10 =	simm.s32 $0xA500;
	[sflag:s31] =	ssyncadd.s32 $0xFFFFE000  }
.LBB2_27:
0x282: {  	v32 =	vld [tilespmem:s10+$0xFFFFFF00];
	v33 =	vadd.s32 s9, v0  }
0x283: {  	v34 =	vld [tilespmem:s10+$0xFFFFFF10];
	v36 =	vadd.s32 s9, v1;
	_ =	sdelay $0x1  }
0x284: {  	v35 =	vld [tilespmem:s10+$0xFFFFFF20];
	v39 =	vadd.s32 s9, v2  }
0x285: {  	v37 =	vld [tilespmem:s10+$0xFFFFFF30];
	v59 =	vadd.s32 s9, v3  }
0x286: {  	v38 =	vld [tilespmem:s10+$0xFFFFFF40];
	v60 =	vadd.s32 s9, v4;
	[tilespmem:v33+s1+$0x0] =	vst.idx.msk $0xffff, v32  }
0x287: {  	v61 =	vadd.s32 s9, v5;
	v32 =	vld [tilespmem:s10+$0xFFFFFF50];
	[tilespmem:v36+s1+$0x0] =	vst.idx.msk $0xffff, v34  }
0x288: {  	v62 =	vadd.s32 s9, v6;
	v34 =	vld [tilespmem:s10+$0xFFFFFF60]  }
0x289: {  	[tilespmem:v39+s1+$0x0] =	vst.idx.msk $0xffff, v35  }
0x28a: {  	v63 =	vadd.s32 s9, v7;
	v35 =	vld [tilespmem:s10+$0xFFFFFF70];
	[tilespmem:v59+s1+$0x0] =	vst.idx.msk $0xffff, v37  }
0x28b: {  	v42 =	vadd.s32 s9, v8;
	v33 =	vld [tilespmem:s10+$0xFFFFFF80];
	[tilespmem:v60+s1+$0x0] =	vst.idx.msk $0xffff, v38  }
0x28c: {  	v43 =	vadd.s32 s9, v9;
	v36 =	vld [tilespmem:s10+$0xFFFFFF90];
	[tilespmem:v61+s1+$0x0] =	vst.idx.msk $0xffff, v32  }
0x28d: {  	v44 =	vadd.s32 s9, v10;
	v32 =	vld [tilespmem:s10+$0xFFFFFFA0];
	[tilespmem:v62+s1+$0x0] =	vst.idx.msk $0xffff, v34  }
0x28e: {  	v45 =	vadd.s32 s9, v11;
	v34 =	vld [tilespmem:s10+$0xFFFFFFB0]  }
0x28f: {  	[tilespmem:v63+s1+$0x0] =	vst.idx.msk $0xffff, v35  }
0x290: {  	v46 =	vadd.s32 s9, v12;
	v35 =	vld [tilespmem:s10+$0xFFFFFFC0];
	[tilespmem:v42+s1+$0x0] =	vst.idx.msk $0xffff, v33  }
0x291: {  	v47 =	vadd.s32 s9, v13;
	v33 =	vld [tilespmem:s10+$0xFFFFFFD0];
	[tilespmem:v43+s1+$0x0] =	vst.idx.msk $0xffff, v36  }
0x292: {  	v48 =	vadd.s32 s9, v14;
	v36 =	vld [tilespmem:s10+$0xFFFFFFE0];
	[tilespmem:v44+s1+$0x0] =	vst.idx.msk $0xffff, v32  }
0x293: {  	v49 =	vadd.s32 s9, v15;
	v32 =	vld [tilespmem:s10+$0xFFFFFFF0];
	[tilespmem:v45+s1+$0x0] =	vst.idx.msk $0xffff, v34  }
0x294: {  	v50 =	vadd.s32 s9, v16;
	v34 =	vld [tilespmem:s10+$0x0]  }
0x295: {  	[tilespmem:v46+s1+$0x0] =	vst.idx.msk $0xffff, v35  }
0x296: {  	v51 =	vadd.s32 s9, v17;
	v35 =	vld [tilespmem:s10+$0x10];
	[tilespmem:v47+s1+$0x0] =	vst.idx.msk $0xffff, v33  }
0x297: {  	v52 =	vadd.s32 s9, v18;
	v33 =	vld [tilespmem:s10+$0x20];
	[tilespmem:v48+s1+$0x0] =	vst.idx.msk $0xffff, v36  }
0x298: {  	v53 =	vadd.s32 s9, v19;
	v36 =	vld [tilespmem:s10+$0x30];
	[tilespmem:v49+s1+$0x0] =	vst.idx.msk $0xffff, v32  }
0x299: {  	v54 =	vadd.s32 s9, v20;
	v32 =	vld [tilespmem:s10+$0x40];
	[tilespmem:v50+s1+$0x0] =	vst.idx.msk $0xffff, v34  }
0x29a: {  	v55 =	vadd.s32 s9, v21;
	v34 =	vld [tilespmem:s10+$0x50]  }
0x29b: {  	[tilespmem:v51+s1+$0x0] =	vst.idx.msk $0xffff, v35  }
0x29c: {  	v56 =	vadd.s32 s9, v22;
	v35 =	vld [tilespmem:s10+$0x60];
	[tilespmem:v52+s1+$0x0] =	vst.idx.msk $0xffff, v33  }
0x29d: {  	v57 =	vadd.s32 s9, v23;
	v33 =	vld [tilespmem:s10+$0x70];
	[tilespmem:v53+s1+$0x0] =	vst.idx.msk $0xffff, v36  }
0x29e: {  	v58 =	vadd.s32 s9, v24;
	v36 =	vld [tilespmem:s10+$0x80];
	[tilespmem:v54+s1+$0x0] =	vst.idx.msk $0xffff, v32  }
0x29f: {  	v59 =	vadd.s32 s9, v25;
	v32 =	vld [tilespmem:s10+$0x90];
	[tilespmem:v55+s1+$0x0] =	vst.idx.msk $0xffff, v34  }
0x2a0: {  	v60 =	vadd.s32 s9, v26;
	v34 =	vld [tilespmem:s10+$0xA0]  }
0x2a1: {  	[tilespmem:v56+s1+$0x0] =	vst.idx.msk $0xffff, v35  }
0x2a2: {  	v61 =	vadd.s32 s9, v27;
	v35 =	vld [tilespmem:s10+$0xB0];
	[tilespmem:v57+s1+$0x0] =	vst.idx.msk $0xffff, v33  }
0x2a3: {  	v62 =	vadd.s32 s9, v28;
	v33 =	vld [tilespmem:s10+$0xC0];
	[tilespmem:v58+s1+$0x0] =	vst.idx.msk $0xffff, v36  }
0x2a4: {  	v40 =	vadd.s32 s9, v29;
	v36 =	vld [tilespmem:s10+$0xD0];
	[tilespmem:v59+s1+$0x0] =	vst.idx.msk $0xffff, v32  }
0x2a5: {  	v63 =	vadd.s32 s9, v30;
	v38 =	vld [tilespmem:s10+$0xE0];
	[tilespmem:v60+s1+$0x0] =	vst.idx.msk $0xffff, v34  }
0x2a6: {  	v41 =	vadd.s32 s9, v31;
	p0 =	sne.s32 s9, $0x78;
	v39 =	vld [tilespmem:s10+$0xF0]  }
.Ltmp12:
0x2a7: {  	[tilespmem:v61+s1+$0x0] =	vst.idx.msk $0xffff, v35;
	(pc) =	sbr.rel @p0 .LBB2_27-.Ltmp12, $4  }
0x2a8: {  	[tilespmem:v62+s1+$0x0] =	vst.idx.msk $0xffff, v33  }
0x2a9: {  	[tilespmem:v40+s1+$0x0] =	vst.idx.msk $0xffff, v36  }
0x2aa: {  	[tilespmem:v63+s1+$0x0] =	vst.idx.msk $0xffff, v38  }
0x2ab: {  	s9 =	sadd.s32 $0x8, s9;
	s10 =	sadd.s32 $0x200, s10;
	[tilespmem:v41+s1+$0x0] =	vst.idx.msk $0xffff, v39  }
0x2ac: {  	s7 =	sadd.s32 $0x300, s15;
	s13 =	sadd.s32 $0x2, s8  }
0x2ad: {  	[tilespmem:s21], [sflag:$0x3] =	stream.indirect.gather [hbm4b:s4+s17], $0x40, s7, s17, $0xb8;
	[tilespmem:$0x16C00] =	vst v63  }
0x2ae: {  	s9 =	sshll.u32 s13, $0x7  }
0x2af: {  	s7 =	sshll.u32 s13, $0xA;
	s9 =	sand.u32 $0x3F00, s9  }
0x2b0: {  	s7 =	sand.u32 $0xFFE0000, s7;
	s9 =	sadd.s32 s2, s9  }
0x2b1: {  	s10 =	sadd.s32 s7, s9;
	s9 =	simm.s32 $0x12800  }
0x2b2: {  	[hbm4b:s10+s3] =	stream.linear.scatter [tilespmem:s9], [sflag:$0x7], $0x80, $0x38;
	[tilespmem:$0x16C00] =	vst v63  }
0x2b3: {  	s11 =	simm.s32 $0x12888;
	s9 =	sadd.s32 $0x10, s10  }
0x2b4: {  	[hbm4b:s9+s3] =	stream.linear.scatter [tilespmem:s11], [sflag:$0x7], $0x80, $0x38;
	[tilespmem:$0x16C00] =	vst v63  }
0x2b5: {  	s12 =	simm.s32 $0x12910;
	s13 =	sadd.s32 $0x20, s10  }
0x2b6: {  	[hbm4b:s13+s3] =	stream.linear.scatter [tilespmem:s12], [sflag:$0x7], $0x80, $0x38;
	[tilespmem:$0x16C00] =	vst v63  }
0x2b7: {  	s9 =	simm.s32 $0x12998;
	s11 =	sadd.s32 $0x30, s10  }
0x2b8: {  	[hbm4b:s11+s3] =	stream.linear.scatter [tilespmem:s9], [sflag:$0x7], $0x80, $0x38;
	[tilespmem:$0x16C00] =	vst v63  }
0x2b9: {  	s12 =	simm.s32 $0x12A20;
	s13 =	sadd.s32 $0x40, s10  }
0x2ba: {  	[hbm4b:s13+s3] =	stream.linear.scatter [tilespmem:s12], [sflag:$0x7], $0x80, $0x38;
	[tilespmem:$0x16C00] =	vst v63  }
0x2bb: {  	s7 =	sadd.s32 $0x70, s10;
	s9 =	simm.s32 $0x12AA8;
	s11 =	sadd.s32 $0x50, s10  }
0x2bc: {  	[hbm4b:s11+s3] =	stream.linear.scatter [tilespmem:s9], [sflag:$0x7], $0x80, $0x38;
	[tilespmem:$0x16C00] =	vst v63  }
0x2bd: {  	s12 =	simm.s32 $0x12B30;
	s13 =	sadd.s32 $0x60, s10;
	s10 =	sadd.s32 $0x4000, s10  }
0x2be: {  	[hbm4b:s13+s3] =	stream.linear.scatter [tilespmem:s12], [sflag:$0x7], $0x80, $0x38;
	[tilespmem:$0x16C00] =	vst v63  }
0x2bf: {  	s9 =	simm.s32 $0x440;
	s11 =	simm.s32 $0x2200;
	s12 =	simm.s32 $0x12BB8  }
.LBB2_29:
0x2c0: {  	[hbm4b:s7+s3] =	stream.linear.scatter [tilespmem:s12], [sflag:$0x7], $0x80, $0x38;
	[tilespmem:$0x16C00] =	vst v63  }
0x2c1: {  	s7 =	smov.u32 s9;
	s9 =	smov.u32 s11  }
0x2c2: {  	s13 =	sadd.s32 $0x1100, s11;
	s9 =	sshra.s32 s9, $0x2;
	s12 =	sadd.s32 $0x12800, s7  }
0x2c3: {  	[hbm4b:s10+s3] =	stream.linear.scatter [tilespmem:s12], [sflag:$0x7], $0x80, $0x38;
	[tilespmem:$0x16C00] =	vst v63  }
0x2c4: {  	p0 =	sne.s32 s11, $0x7700;
	s11 =	sadd.s32 $0x12888, s7;
	s12 =	sadd.s32 $0x10, s10  }
0x2c5: {  	[hbm4b:s12+s3] =	stream.linear.scatter [tilespmem:s11], [sflag:$0x7], $0x80, $0x38;
	[tilespmem:$0x16C00] =	vst v63  }
0x2c6: {  	s11 =	sadd.s32 $0x12910, s7;
	s12 =	sadd.s32 $0x20, s10  }
0x2c7: {  	[hbm4b:s12+s3] =	stream.linear.scatter [tilespmem:s11], [sflag:$0x7], $0x80, $0x38;
	[tilespmem:$0x16C00] =	vst v63  }
0x2c8: {  	s11 =	sadd.s32 $0x12998, s7;
	s12 =	sadd.s32 $0x30, s10  }
0x2c9: {  	[hbm4b:s12+s3] =	stream.linear.scatter [tilespmem:s11], [sflag:$0x7], $0x80, $0x38;
	[tilespmem:$0x16C00] =	vst v63  }
0x2ca: {  	s11 =	sadd.s32 $0x12A20, s7;
	s12 =	sadd.s32 $0x40, s10  }
0x2cb: {  	[hbm4b:s12+s3] =	stream.linear.scatter [tilespmem:s11], [sflag:$0x7], $0x80, $0x38;
	[tilespmem:$0x16C00] =	vst v63  }
0x2cc: {  	s11 =	sadd.s32 $0x12AA8, s7;
	s12 =	sadd.s32 $0x50, s10  }
0x2cd: {  	[hbm4b:s12+s3] =	stream.linear.scatter [tilespmem:s11], [sflag:$0x7], $0x80, $0x38;
	[tilespmem:$0x16C00] =	vst v63  }
.Ltmp13:
0x2ce: {  	_ = 	snop;
	(pc) =	sbr.rel @p0 .LBB2_29-.Ltmp13, $4  }
0x2cf: {  	s11 =	sadd.s32 $0x12B30, s7;
	s12 =	sadd.s32 $0x60, s10  }
0x2d0: {  	[hbm4b:s12+s3] =	stream.linear.scatter [tilespmem:s11], [sflag:$0x7], $0x80, $0x38;
	[tilespmem:$0x16C00] =	vst v63  }
0x2d1: {  	s12 =	sadd.s32 $0x12BB8, s7  }
0x2d2: {  	s7 =	sadd.s32 $0x70, s10;
	s10 =	sadd.s32 $0x4000, s10;
	s11 =	smov.u32 s13  }
0x2d3: {  	[hbm4b:s7+s3] =	stream.linear.scatter [tilespmem:s12], [sflag:$0x7], $0x80, $0x38;
	[tilespmem:$0x16C00] =	vst v63  }
0x2d4: {  	s12 =	sadd.s32 $0x12800, s9  }
0x2d5: {  	[hbm4b:s10+s3] =	stream.linear.scatter [tilespmem:s12], [sflag:$0x7], $0x80, $0x38;
	[tilespmem:$0x16C00] =	vst v63  }
0x2d6: {  	s13 =	sadd.s32 $0x12888, s9;
	s11 =	sadd.s32 $0x10, s10  }
0x2d7: {  	[hbm4b:s11+s3] =	stream.linear.scatter [tilespmem:s13], [sflag:$0x7], $0x80, $0x38;
	[tilespmem:$0x16C00] =	vst v63  }
0x2d8: {  	s12 =	sadd.s32 $0x12910, s9;
	s13 =	sadd.s32 $0x20, s10  }
0x2d9: {  	[hbm4b:s13+s3] =	stream.linear.scatter [tilespmem:s12], [sflag:$0x7], $0x80, $0x38;
	[tilespmem:$0x16C00] =	vst v63  }
0x2da: {  	s12 =	sadd.s32 $0x12998, s9;
	s13 =	sadd.s32 $0x30, s10  }
0x2db: {  	[hbm4b:s13+s3] =	stream.linear.scatter [tilespmem:s12], [sflag:$0x7], $0x80, $0x38;
	[tilespmem:$0x16C00] =	vst v63  }
0x2dc: {  	s12 =	sadd.s32 $0x12A20, s9;
	s13 =	sadd.s32 $0x40, s10  }
0x2dd: {  	[hbm4b:s13+s3] =	stream.linear.scatter [tilespmem:s12], [sflag:$0x7], $0x80, $0x38;
	[tilespmem:$0x16C00] =	vst v63  }
0x2de: {  	s12 =	sadd.s32 $0x12AA8, s9;
	s13 =	sadd.s32 $0x50, s10  }
0x2df: {  	[hbm4b:s13+s3] =	stream.linear.scatter [tilespmem:s12], [sflag:$0x7], $0x80, $0x38;
	[tilespmem:$0x16C00] =	vst v63  }
0x2e0: {  	s12 =	sadd.s32 $0x12B30, s9;
	s13 =	sadd.s32 $0x60, s10  }
0x2e1: {  	[hbm4b:s13+s3] =	stream.linear.scatter [tilespmem:s12], [sflag:$0x7], $0x80, $0x38;
	[tilespmem:$0x16C00] =	vst v63  }
0x2e2: {  	s12 =	sadd.s32 $0x12BB8, s9;
	s13 =	sadd.s32 $0x70, s10  }
0x2e3: {  	[hbm4b:s13+s3] =	stream.linear.scatter [tilespmem:s12], [sflag:$0x7], $0x80, $0x38;
	[tilespmem:$0x16C00] =	vst v63  }
0x2e4: {  	_ =	swait.ge [sflag:s6], $0x2000  }
0x2e5: {  	[sflag:s6] =	ssyncset.done $0x0  }
0x2e6: {  	[sflag:s6] =	ssyncadd.s32 $0xFFFFE000  }
0x2e7: {  	_ =	swait.ge [sflag:s20], $0x2000  }
0x2e8: {  	[sflag:s20] =	ssyncset.done $0x0  }
0x2e9: {  	s9 =	simm.s32 $0x0;
	s10 =	simm.s32 $0xC500;
	[sflag:s20] =	ssyncadd.s32 $0xFFFFE000  }
.LBB2_31:
0x2ea: {  	v32 =	vld [tilespmem:s10+$0xFFFFFF00];
	v33 =	vadd.s32 s9, v0  }
0x2eb: {  	v34 =	vld [tilespmem:s10+$0xFFFFFF10];
	v36 =	vadd.s32 s9, v1;
	_ =	sdelay $0x1  }
0x2ec: {  	v35 =	vld [tilespmem:s10+$0xFFFFFF20];
	v39 =	vadd.s32 s9, v2  }
0x2ed: {  	v37 =	vld [tilespmem:s10+$0xFFFFFF30];
	v59 =	vadd.s32 s9, v3  }
0x2ee: {  	v38 =	vld [tilespmem:s10+$0xFFFFFF40];
	v60 =	vadd.s32 s9, v4;
	[tilespmem:v33+s22+$0x0] =	vst.idx.msk $0xffff, v32  }
0x2ef: {  	v61 =	vadd.s32 s9, v5;
	v32 =	vld [tilespmem:s10+$0xFFFFFF50];
	[tilespmem:v36+s22+$0x0] =	vst.idx.msk $0xffff, v34  }
0x2f0: {  	v62 =	vadd.s32 s9, v6;
	v34 =	vld [tilespmem:s10+$0xFFFFFF60]  }
0x2f1: {  	[tilespmem:v39+s22+$0x0] =	vst.idx.msk $0xffff, v35  }
0x2f2: {  	v63 =	vadd.s32 s9, v7;
	v35 =	vld [tilespmem:s10+$0xFFFFFF70];
	[tilespmem:v59+s22+$0x0] =	vst.idx.msk $0xffff, v37  }
0x2f3: {  	v42 =	vadd.s32 s9, v8;
	v33 =	vld [tilespmem:s10+$0xFFFFFF80];
	[tilespmem:v60+s22+$0x0] =	vst.idx.msk $0xffff, v38  }
0x2f4: {  	v43 =	vadd.s32 s9, v9;
	v36 =	vld [tilespmem:s10+$0xFFFFFF90];
	[tilespmem:v61+s22+$0x0] =	vst.idx.msk $0xffff, v32  }
0x2f5: {  	v44 =	vadd.s32 s9, v10;
	v32 =	vld [tilespmem:s10+$0xFFFFFFA0];
	[tilespmem:v62+s22+$0x0] =	vst.idx.msk $0xffff, v34  }
0x2f6: {  	v45 =	vadd.s32 s9, v11;
	v34 =	vld [tilespmem:s10+$0xFFFFFFB0]  }
0x2f7: {  	[tilespmem:v63+s22+$0x0] =	vst.idx.msk $0xffff, v35  }
0x2f8: {  	v46 =	vadd.s32 s9, v12;
	v35 =	vld [tilespmem:s10+$0xFFFFFFC0];
	[tilespmem:v42+s22+$0x0] =	vst.idx.msk $0xffff, v33  }
0x2f9: {  	v47 =	vadd.s32 s9, v13;
	v33 =	vld [tilespmem:s10+$0xFFFFFFD0];
	[tilespmem:v43+s22+$0x0] =	vst.idx.msk $0xffff, v36  }
0x2fa: {  	v48 =	vadd.s32 s9, v14;
	v36 =	vld [tilespmem:s10+$0xFFFFFFE0];
	[tilespmem:v44+s22+$0x0] =	vst.idx.msk $0xffff, v32  }
0x2fb: {  	v49 =	vadd.s32 s9, v15;
	v32 =	vld [tilespmem:s10+$0xFFFFFFF0];
	[tilespmem:v45+s22+$0x0] =	vst.idx.msk $0xffff, v34  }
0x2fc: {  	v50 =	vadd.s32 s9, v16;
	v34 =	vld [tilespmem:s10+$0x0]  }
0x2fd: {  	[tilespmem:v46+s22+$0x0] =	vst.idx.msk $0xffff, v35  }
0x2fe: {  	v51 =	vadd.s32 s9, v17;
	v35 =	vld [tilespmem:s10+$0x10];
	[tilespmem:v47+s22+$0x0] =	vst.idx.msk $0xffff, v33  }
0x2ff: {  	v52 =	vadd.s32 s9, v18;
	v33 =	vld [tilespmem:s10+$0x20];
	[tilespmem:v48+s22+$0x0] =	vst.idx.msk $0xffff, v36  }
0x300: {  	v53 =	vadd.s32 s9, v19;
	v36 =	vld [tilespmem:s10+$0x30];
	[tilespmem:v49+s22+$0x0] =	vst.idx.msk $0xffff, v32  }
0x301: {  	v54 =	vadd.s32 s9, v20;
	v32 =	vld [tilespmem:s10+$0x40];
	[tilespmem:v50+s22+$0x0] =	vst.idx.msk $0xffff, v34  }
0x302: {  	v55 =	vadd.s32 s9, v21;
	v34 =	vld [tilespmem:s10+$0x50]  }
0x303: {  	[tilespmem:v51+s22+$0x0] =	vst.idx.msk $0xffff, v35  }
0x304: {  	v56 =	vadd.s32 s9, v22;
	v35 =	vld [tilespmem:s10+$0x60];
	[tilespmem:v52+s22+$0x0] =	vst.idx.msk $0xffff, v33  }
0x305: {  	v57 =	vadd.s32 s9, v23;
	v33 =	vld [tilespmem:s10+$0x70];
	[tilespmem:v53+s22+$0x0] =	vst.idx.msk $0xffff, v36  }
0x306: {  	v58 =	vadd.s32 s9, v24;
	v36 =	vld [tilespmem:s10+$0x80];
	[tilespmem:v54+s22+$0x0] =	vst.idx.msk $0xffff, v32  }
0x307: {  	v59 =	vadd.s32 s9, v25;
	v32 =	vld [tilespmem:s10+$0x90];
	[tilespmem:v55+s22+$0x0] =	vst.idx.msk $0xffff, v34  }
0x308: {  	v60 =	vadd.s32 s9, v26;
	v34 =	vld [tilespmem:s10+$0xA0]  }
0x309: {  	[tilespmem:v56+s22+$0x0] =	vst.idx.msk $0xffff, v35  }
0x30a: {  	v61 =	vadd.s32 s9, v27;
	v35 =	vld [tilespmem:s10+$0xB0];
	[tilespmem:v57+s22+$0x0] =	vst.idx.msk $0xffff, v33  }
0x30b: {  	v62 =	vadd.s32 s9, v28;
	v33 =	vld [tilespmem:s10+$0xC0];
	[tilespmem:v58+s22+$0x0] =	vst.idx.msk $0xffff, v36  }
0x30c: {  	v40 =	vadd.s32 s9, v29;
	v36 =	vld [tilespmem:s10+$0xD0];
	[tilespmem:v59+s22+$0x0] =	vst.idx.msk $0xffff, v32  }
0x30d: {  	v63 =	vadd.s32 s9, v30;
	v38 =	vld [tilespmem:s10+$0xE0];
	[tilespmem:v60+s22+$0x0] =	vst.idx.msk $0xffff, v34  }
0x30e: {  	v41 =	vadd.s32 s9, v31;
	p0 =	sne.s32 s9, $0x78;
	v39 =	vld [tilespmem:s10+$0xF0]  }
.Ltmp14:
0x30f: {  	[tilespmem:v61+s22+$0x0] =	vst.idx.msk $0xffff, v35;
	(pc) =	sbr.rel @p0 .LBB2_31-.Ltmp14, $4  }
0x310: {  	[tilespmem:v62+s22+$0x0] =	vst.idx.msk $0xffff, v33  }
0x311: {  	[tilespmem:v40+s22+$0x0] =	vst.idx.msk $0xffff, v36  }
0x312: {  	[tilespmem:v63+s22+$0x0] =	vst.idx.msk $0xffff, v38  }
0x313: {  	s9 =	sadd.s32 $0x8, s9;
	s10 =	sadd.s32 $0x200, s10;
	[tilespmem:v41+s22+$0x0] =	vst.idx.msk $0xffff, v39  }
0x314: {  	s7 =	sadd.s32 $0x380, s15;
	s15 =	sadd.s32 $0x3, s8  }
0x315: {  	[tilespmem:s23], [sflag:$0x4] =	stream.indirect.gather [hbm4b:s4+s17], $0x40, s7, s17, $0xb8;
	[tilespmem:$0x16C00] =	vst v63  }
0x316: {  	s8 =	sshll.u32 s15, $0x7  }
0x317: {  	s7 =	sshll.u32 s15, $0xA;
	s8 =	sand.u32 $0x3F80, s8  }
0x318: {  	s7 =	sand.u32 $0xFFE0000, s7;
	s8 =	sadd.s32 s2, s8  }
0x319: {  	s9 =	sadd.s32 s7, s8;
	s8 =	simm.s32 $0x14A00  }
0x31a: {  	[hbm4b:s9+s3] =	stream.linear.scatter [tilespmem:s8], [sflag:$0x8], $0x80, $0x38;
	[tilespmem:$0x16C00] =	vst v63  }
0x31b: {  	s10 =	simm.s32 $0x14A88;
	s8 =	sadd.s32 $0x10, s9  }
0x31c: {  	[hbm4b:s8+s3] =	stream.linear.scatter [tilespmem:s10], [sflag:$0x8], $0x80, $0x38;
	[tilespmem:$0x16C00] =	vst v63  }
0x31d: {  	s11 =	simm.s32 $0x14B10;
	s13 =	simm.s32 $0x14B98;
	s12 =	sadd.s32 $0x20, s9  }
0x31e: {  	[hbm4b:s12+s3] =	stream.linear.scatter [tilespmem:s11], [sflag:$0x8], $0x80, $0x38;
	[tilespmem:$0x16C00] =	vst v63  }
0x31f: {  	s15 =	sadd.s32 $0x30, s9;
	s7 =	sadd.s32 $0x70, s9;
	s8 =	simm.s32 $0x14C20  }
0x320: {  	[hbm4b:s15+s3] =	stream.linear.scatter [tilespmem:s13], [sflag:$0x8], $0x80, $0x38;
	[tilespmem:$0x16C00] =	vst v63  }
0x321: {  	s10 =	sadd.s32 $0x40, s9;
	s11 =	simm.s32 $0x14CA8;
	s12 =	sadd.s32 $0x50, s9  }
0x322: {  	[hbm4b:s10+s3] =	stream.linear.scatter [tilespmem:s8], [sflag:$0x8], $0x80, $0x38;
	[tilespmem:$0x16C00] =	vst v63  }
0x323: {  	s13 =	simm.s32 $0x14D30;
	s15 =	sadd.s32 $0x60, s9;
	s9 =	sadd.s32 $0x4000, s9  }
0x324: {  	[hbm4b:s12+s3] =	stream.linear.scatter [tilespmem:s11], [sflag:$0x8], $0x80, $0x38;
	[tilespmem:$0x16C00] =	vst v63  }
0x325: {  	s8 =	simm.s32 $0x440;
	s10 =	simm.s32 $0x2200;
	s11 =	simm.s32 $0x14DB8  }
0x326: {  	[hbm4b:s15+s3] =	stream.linear.scatter [tilespmem:s13], [sflag:$0x8], $0x80, $0x38;
	[tilespmem:$0x16C00] =	vst v63  }
.LBB2_33:
0x327: {  	[hbm4b:s7+s3] =	stream.linear.scatter [tilespmem:s11], [sflag:$0x8], $0x80, $0x38;
	[tilespmem:$0x16C00] =	vst v63  }
0x328: {  	s7 =	smov.u32 s8;
	s8 =	smov.u32 s10  }
0x329: {  	s12 =	sadd.s32 $0x1100, s10;
	s8 =	sshra.s32 s8, $0x2;
	s11 =	sadd.s32 $0x14A00, s7  }
0x32a: {  	[hbm4b:s9+s3] =	stream.linear.scatter [tilespmem:s11], [sflag:$0x8], $0x80, $0x38;
	[tilespmem:$0x16C00] =	vst v63  }
0x32b: {  	p0 =	sne.s32 s10, $0x7700;
	s10 =	sadd.s32 $0x14A88, s7;
	s11 =	sadd.s32 $0x10, s9  }
0x32c: {  	[hbm4b:s11+s3] =	stream.linear.scatter [tilespmem:s10], [sflag:$0x8], $0x80, $0x38;
	[tilespmem:$0x16C00] =	vst v63  }
0x32d: {  	s10 =	sadd.s32 $0x14B10, s7;
	s11 =	sadd.s32 $0x20, s9  }
0x32e: {  	[hbm4b:s11+s3] =	stream.linear.scatter [tilespmem:s10], [sflag:$0x8], $0x80, $0x38;
	[tilespmem:$0x16C00] =	vst v63  }
0x32f: {  	s10 =	sadd.s32 $0x14B98, s7;
	s11 =	sadd.s32 $0x30, s9  }
0x330: {  	[hbm4b:s11+s3] =	stream.linear.scatter [tilespmem:s10], [sflag:$0x8], $0x80, $0x38;
	[tilespmem:$0x16C00] =	vst v63  }
0x331: {  	s10 =	sadd.s32 $0x14C20, s7;
	s11 =	sadd.s32 $0x40, s9  }
0x332: {  	[hbm4b:s11+s3] =	stream.linear.scatter [tilespmem:s10], [sflag:$0x8], $0x80, $0x38;
	[tilespmem:$0x16C00] =	vst v63  }
0x333: {  	s10 =	sadd.s32 $0x14CA8, s7;
	s11 =	sadd.s32 $0x50, s9  }
0x334: {  	[hbm4b:s11+s3] =	stream.linear.scatter [tilespmem:s10], [sflag:$0x8], $0x80, $0x38;
	[tilespmem:$0x16C00] =	vst v63  }
.Ltmp15:
0x335: {  	_ = 	snop;
	(pc) =	sbr.rel @p0 .LBB2_33-.Ltmp15, $4  }
0x336: {  	s10 =	sadd.s32 $0x14D30, s7;
	s11 =	sadd.s32 $0x60, s9  }
0x337: {  	[hbm4b:s11+s3] =	stream.linear.scatter [tilespmem:s10], [sflag:$0x8], $0x80, $0x38;
	[tilespmem:$0x16C00] =	vst v63  }
0x338: {  	s11 =	sadd.s32 $0x14DB8, s7  }
0x339: {  	s7 =	sadd.s32 $0x70, s9;
	s9 =	sadd.s32 $0x4000, s9;
	s10 =	smov.u32 s12  }
0x33a: {  	[hbm4b:s7+s3] =	stream.linear.scatter [tilespmem:s11], [sflag:$0x8], $0x80, $0x38;
	[tilespmem:$0x16C00] =	vst v63  }
0x33b: {  	s13 =	sadd.s32 $0x14A00, s8  }
0x33c: {  	[hbm4b:s9+s3] =	stream.linear.scatter [tilespmem:s13], [sflag:$0x8], $0x80, $0x38;
	[tilespmem:$0x16C00] =	vst v63  }
0x33d: {  	s15 =	sadd.s32 $0x14A88, s8;
	s10 =	sadd.s32 $0x10, s9  }
0x33e: {  	[hbm4b:s10+s3] =	stream.linear.scatter [tilespmem:s15], [sflag:$0x8], $0x80, $0x38;
	[tilespmem:$0x16C00] =	vst v63  }
0x33f: {  	s11 =	sadd.s32 $0x14B10, s8;
	s12 =	sadd.s32 $0x20, s9  }
0x340: {  	[hbm4b:s12+s3] =	stream.linear.scatter [tilespmem:s11], [sflag:$0x8], $0x80, $0x38;
	[tilespmem:$0x16C00] =	vst v63  }
0x341: {  	s13 =	sadd.s32 $0x14B98, s8;
	s15 =	sadd.s32 $0x30, s9  }
0x342: {  	[hbm4b:s15+s3] =	stream.linear.scatter [tilespmem:s13], [sflag:$0x8], $0x80, $0x38;
	[tilespmem:$0x16C00] =	vst v63  }
0x343: {  	s16 =	sadd.s32 $0x1, s16;
	s11 =	sadd.s32 $0x14C20, s8;
	s12 =	sadd.s32 $0x40, s9  }
0x344: {  	[hbm4b:s12+s3] =	stream.linear.scatter [tilespmem:s11], [sflag:$0x8], $0x80, $0x38;
	[tilespmem:$0x16C00] =	vst v63  }
0x345: {  	p0 =	sne.s32 s16, $0x31;
	s13 =	sadd.s32 $0x14CA8, s8;
	s15 =	sadd.s32 $0x50, s9  }
0x346: {  	[hbm4b:s15+s3] =	stream.linear.scatter [tilespmem:s13], [sflag:$0x8], $0x80, $0x38;
	[tilespmem:$0x16C00] =	vst v63  }
.Ltmp16:
0x347: {  	_ = 	snop;
	(pc) =	sbr.rel @p0 .LBB2_18-.Ltmp16, $4  }
0x348: {  	s11 =	sadd.s32 $0x14D30, s8;
	s12 =	sadd.s32 $0x60, s9  }
0x349: {  	[hbm4b:s12+s3] =	stream.linear.scatter [tilespmem:s11], [sflag:$0x8], $0x80, $0x38;
	[tilespmem:$0x16C00] =	vst v63  }
0x34a: {  	s13 =	sadd.s32 $0x14DB8, s8;
	s15 =	sadd.s32 $0x70, s9  }
0x34b: {  	[hbm4b:s15+s3] =	stream.linear.scatter [tilespmem:s13], [sflag:$0x8], $0x80, $0x38;
	[tilespmem:$0x16C00] =	vst v63  }
0x34c: {  	_ =	swait.ge [sflag:s30], $0x2000  }
0x34d: {  	[sflag:s30] =	ssyncset.done $0x0  }
0x34e: {  	[sflag:s30] =	ssyncadd.s32 $0xFFFFE000  }
0x34f: {  	_ =	swait.ge [sflag:s24], $0x2000  }
0x350: {  	[sflag:s24] =	ssyncset.done $0x0  }
0x351: {  	s8 =	simm.s32 $0x0;
	s9 =	simm.s32 $0x6500;
	[sflag:s24] =	ssyncadd.s32 $0xFFFFE000  }
.LBB2_36:
0x352: {  	v32 =	vld [tilespmem:s9+$0xFFFFFF00];
	v33 =	vadd.s32 s8, v0  }
0x353: {  	v34 =	vld [tilespmem:s9+$0xFFFFFF10];
	v36 =	vadd.s32 s8, v1;
	_ =	sdelay $0x1  }
0x354: {  	v35 =	vld [tilespmem:s9+$0xFFFFFF20];
	v39 =	vadd.s32 s8, v2  }
0x355: {  	v37 =	vld [tilespmem:s9+$0xFFFFFF30];
	v59 =	vadd.s32 s8, v3  }
0x356: {  	v38 =	vld [tilespmem:s9+$0xFFFFFF40];
	v60 =	vadd.s32 s8, v4;
	[tilespmem:v33+s25+$0x0] =	vst.idx.msk $0xffff, v32  }
0x357: {  	v61 =	vadd.s32 s8, v5;
	v32 =	vld [tilespmem:s9+$0xFFFFFF50];
	[tilespmem:v36+s25+$0x0] =	vst.idx.msk $0xffff, v34  }
0x358: {  	v62 =	vadd.s32 s8, v6;
	v34 =	vld [tilespmem:s9+$0xFFFFFF60]  }
0x359: {  	[tilespmem:v39+s25+$0x0] =	vst.idx.msk $0xffff, v35  }
0x35a: {  	v63 =	vadd.s32 s8, v7;
	v35 =	vld [tilespmem:s9+$0xFFFFFF70];
	[tilespmem:v59+s25+$0x0] =	vst.idx.msk $0xffff, v37  }
0x35b: {  	v42 =	vadd.s32 s8, v8;
	v33 =	vld [tilespmem:s9+$0xFFFFFF80];
	[tilespmem:v60+s25+$0x0] =	vst.idx.msk $0xffff, v38  }
0x35c: {  	v43 =	vadd.s32 s8, v9;
	v36 =	vld [tilespmem:s9+$0xFFFFFF90];
	[tilespmem:v61+s25+$0x0] =	vst.idx.msk $0xffff, v32  }
0x35d: {  	v44 =	vadd.s32 s8, v10;
	v32 =	vld [tilespmem:s9+$0xFFFFFFA0];
	[tilespmem:v62+s25+$0x0] =	vst.idx.msk $0xffff, v34  }
0x35e: {  	v45 =	vadd.s32 s8, v11;
	v34 =	vld [tilespmem:s9+$0xFFFFFFB0]  }
0x35f: {  	[tilespmem:v63+s25+$0x0] =	vst.idx.msk $0xffff, v35  }
0x360: {  	v46 =	vadd.s32 s8, v12;
	v35 =	vld [tilespmem:s9+$0xFFFFFFC0];
	[tilespmem:v42+s25+$0x0] =	vst.idx.msk $0xffff, v33  }
0x361: {  	v47 =	vadd.s32 s8, v13;
	v33 =	vld [tilespmem:s9+$0xFFFFFFD0];
	[tilespmem:v43+s25+$0x0] =	vst.idx.msk $0xffff, v36  }
0x362: {  	v48 =	vadd.s32 s8, v14;
	v36 =	vld [tilespmem:s9+$0xFFFFFFE0];
	[tilespmem:v44+s25+$0x0] =	vst.idx.msk $0xffff, v32  }
0x363: {  	v49 =	vadd.s32 s8, v15;
	v32 =	vld [tilespmem:s9+$0xFFFFFFF0];
	[tilespmem:v45+s25+$0x0] =	vst.idx.msk $0xffff, v34  }
0x364: {  	v50 =	vadd.s32 s8, v16;
	v34 =	vld [tilespmem:s9+$0x0]  }
0x365: {  	[tilespmem:v46+s25+$0x0] =	vst.idx.msk $0xffff, v35  }
0x366: {  	v51 =	vadd.s32 s8, v17;
	v35 =	vld [tilespmem:s9+$0x10];
	[tilespmem:v47+s25+$0x0] =	vst.idx.msk $0xffff, v33  }
0x367: {  	v52 =	vadd.s32 s8, v18;
	v33 =	vld [tilespmem:s9+$0x20];
	[tilespmem:v48+s25+$0x0] =	vst.idx.msk $0xffff, v36  }
0x368: {  	v53 =	vadd.s32 s8, v19;
	v36 =	vld [tilespmem:s9+$0x30];
	[tilespmem:v49+s25+$0x0] =	vst.idx.msk $0xffff, v32  }
0x369: {  	v54 =	vadd.s32 s8, v20;
	v32 =	vld [tilespmem:s9+$0x40];
	[tilespmem:v50+s25+$0x0] =	vst.idx.msk $0xffff, v34  }
0x36a: {  	v55 =	vadd.s32 s8, v21;
	v34 =	vld [tilespmem:s9+$0x50]  }
0x36b: {  	[tilespmem:v51+s25+$0x0] =	vst.idx.msk $0xffff, v35  }
0x36c: {  	v56 =	vadd.s32 s8, v22;
	v35 =	vld [tilespmem:s9+$0x60];
	[tilespmem:v52+s25+$0x0] =	vst.idx.msk $0xffff, v33  }
0x36d: {  	v57 =	vadd.s32 s8, v23;
	v33 =	vld [tilespmem:s9+$0x70];
	[tilespmem:v53+s25+$0x0] =	vst.idx.msk $0xffff, v36  }
0x36e: {  	v58 =	vadd.s32 s8, v24;
	v36 =	vld [tilespmem:s9+$0x80];
	[tilespmem:v54+s25+$0x0] =	vst.idx.msk $0xffff, v32  }
0x36f: {  	v59 =	vadd.s32 s8, v25;
	v32 =	vld [tilespmem:s9+$0x90];
	[tilespmem:v55+s25+$0x0] =	vst.idx.msk $0xffff, v34  }
0x370: {  	v60 =	vadd.s32 s8, v26;
	v34 =	vld [tilespmem:s9+$0xA0]  }
0x371: {  	[tilespmem:v56+s25+$0x0] =	vst.idx.msk $0xffff, v35  }
0x372: {  	v61 =	vadd.s32 s8, v27;
	v35 =	vld [tilespmem:s9+$0xB0];
	[tilespmem:v57+s25+$0x0] =	vst.idx.msk $0xffff, v33  }
0x373: {  	v62 =	vadd.s32 s8, v28;
	v33 =	vld [tilespmem:s9+$0xC0];
	[tilespmem:v58+s25+$0x0] =	vst.idx.msk $0xffff, v36  }
0x374: {  	v40 =	vadd.s32 s8, v29;
	v36 =	vld [tilespmem:s9+$0xD0];
	[tilespmem:v59+s25+$0x0] =	vst.idx.msk $0xffff, v32  }
0x375: {  	v63 =	vadd.s32 s8, v30;
	v38 =	vld [tilespmem:s9+$0xE0];
	[tilespmem:v60+s25+$0x0] =	vst.idx.msk $0xffff, v34  }
0x376: {  	v41 =	vadd.s32 s8, v31;
	p0 =	sne.s32 s8, $0x78;
	v39 =	vld [tilespmem:s9+$0xF0]  }
.Ltmp17:
0x377: {  	[tilespmem:v61+s25+$0x0] =	vst.idx.msk $0xffff, v35;
	(pc) =	sbr.rel @p0 .LBB2_36-.Ltmp17, $4  }
0x378: {  	[tilespmem:v62+s25+$0x0] =	vst.idx.msk $0xffff, v33  }
0x379: {  	[tilespmem:v40+s25+$0x0] =	vst.idx.msk $0xffff, v36  }
0x37a: {  	[tilespmem:v63+s25+$0x0] =	vst.idx.msk $0xffff, v38  }
0x37b: {  	s8 =	sadd.s32 $0x8, s8;
	s9 =	sadd.s32 $0x200, s9;
	[tilespmem:v41+s25+$0x0] =	vst.idx.msk $0xffff, v39  }
0x37c: {  	s7 =	simm.s32 $0xE400;
	s9 =	rddreg [dreg:$0x8]  }
0x37d: {  	[hbm4b:s9+s3] =	stream.linear.scatter [tilespmem:s7], [sflag:$0x5], $0x80, $0x38;
	[tilespmem:$0x16C00] =	vst v63  }
0x37e: {  	s11 =	simm.s32 $0xE488;
	s8 =	sadd.s32 $0x10, s9  }
0x37f: {  	[hbm4b:s8+s3] =	stream.linear.scatter [tilespmem:s11], [sflag:$0x5], $0x80, $0x38;
	[tilespmem:$0x16C00] =	vst v63  }
0x380: {  	s12 =	simm.s32 $0xE510;
	s15 =	simm.s32 $0xE598;
	s13 =	sadd.s32 $0x20, s9  }
0x381: {  	[hbm4b:s13+s3] =	stream.linear.scatter [tilespmem:s12], [sflag:$0x5], $0x80, $0x38;
	[tilespmem:$0x16C00] =	vst v63  }
0x382: {  	s10 =	simm.s32 $0xE620;
	s16 =	sadd.s32 $0x30, s9;
	s7 =	sadd.s32 $0x70, s9  }
0x383: {  	[hbm4b:s16+s3] =	stream.linear.scatter [tilespmem:s15], [sflag:$0x5], $0x80, $0x38;
	[tilespmem:$0x16C00] =	vst v63  }
0x384: {  	s11 =	sadd.s32 $0x40, s9;
	s8 =	simm.s32 $0x440;
	s12 =	simm.s32 $0xE6A8  }
0x385: {  	[hbm4b:s11+s3] =	stream.linear.scatter [tilespmem:s10], [sflag:$0x5], $0x80, $0x38;
	[tilespmem:$0x16C00] =	vst v63  }
0x386: {  	s13 =	sadd.s32 $0x50, s9;
	s15 =	simm.s32 $0xE730;
	s16 =	sadd.s32 $0x60, s9  }
0x387: {  	[hbm4b:s13+s3] =	stream.linear.scatter [tilespmem:s12], [sflag:$0x5], $0x80, $0x38;
	[tilespmem:$0x16C00] =	vst v63  }
0x388: {  	s9 =	sadd.s32 $0x4000, s9;
	s10 =	simm.s32 $0x2200;
	s11 =	simm.s32 $0xE7B8  }
0x389: {  	[hbm4b:s16+s3] =	stream.linear.scatter [tilespmem:s15], [sflag:$0x5], $0x80, $0x38;
	[tilespmem:$0x16C00] =	vst v63  }
.LBB2_38:
0x38a: {  	[hbm4b:s7+s3] =	stream.linear.scatter [tilespmem:s11], [sflag:$0x5], $0x80, $0x38;
	[tilespmem:$0x16C00] =	vst v63  }
0x38b: {  	s7 =	smov.u32 s8;
	s8 =	smov.u32 s10  }
0x38c: {  	s12 =	sadd.s32 $0x1100, s10;
	s8 =	sshra.s32 s8, $0x2;
	s11 =	sadd.s32 $0xE400, s7  }
0x38d: {  	[hbm4b:s9+s3] =	stream.linear.scatter [tilespmem:s11], [sflag:$0x5], $0x80, $0x38;
	[tilespmem:$0x16C00] =	vst v63  }
0x38e: {  	p0 =	sne.s32 s10, $0x7700;
	s10 =	sadd.s32 $0xE488, s7;
	s11 =	sadd.s32 $0x10, s9  }
0x38f: {  	[hbm4b:s11+s3] =	stream.linear.scatter [tilespmem:s10], [sflag:$0x5], $0x80, $0x38;
	[tilespmem:$0x16C00] =	vst v63  }
0x390: {  	s10 =	sadd.s32 $0xE510, s7;
	s11 =	sadd.s32 $0x20, s9  }
0x391: {  	[hbm4b:s11+s3] =	stream.linear.scatter [tilespmem:s10], [sflag:$0x5], $0x80, $0x38;
	[tilespmem:$0x16C00] =	vst v63  }
0x392: {  	s10 =	sadd.s32 $0xE598, s7;
	s11 =	sadd.s32 $0x30, s9  }
0x393: {  	[hbm4b:s11+s3] =	stream.linear.scatter [tilespmem:s10], [sflag:$0x5], $0x80, $0x38;
	[tilespmem:$0x16C00] =	vst v63  }
0x394: {  	s10 =	sadd.s32 $0xE620, s7;
	s11 =	sadd.s32 $0x40, s9  }
0x395: {  	[hbm4b:s11+s3] =	stream.linear.scatter [tilespmem:s10], [sflag:$0x5], $0x80, $0x38;
	[tilespmem:$0x16C00] =	vst v63  }
0x396: {  	s10 =	sadd.s32 $0xE6A8, s7;
	s11 =	sadd.s32 $0x50, s9  }
0x397: {  	[hbm4b:s11+s3] =	stream.linear.scatter [tilespmem:s10], [sflag:$0x5], $0x80, $0x38;
	[tilespmem:$0x16C00] =	vst v63  }
.Ltmp18:
0x398: {  	_ = 	snop;
	(pc) =	sbr.rel @p0 .LBB2_38-.Ltmp18, $4  }
0x399: {  	s10 =	sadd.s32 $0xE730, s7;
	s11 =	sadd.s32 $0x60, s9  }
0x39a: {  	[hbm4b:s11+s3] =	stream.linear.scatter [tilespmem:s10], [sflag:$0x5], $0x80, $0x38;
	[tilespmem:$0x16C00] =	vst v63  }
0x39b: {  	s11 =	sadd.s32 $0xE7B8, s7  }
0x39c: {  	s7 =	sadd.s32 $0x70, s9;
	s9 =	sadd.s32 $0x4000, s9;
	s10 =	smov.u32 s12  }
0x39d: {  	[hbm4b:s7+s3] =	stream.linear.scatter [tilespmem:s11], [sflag:$0x5], $0x80, $0x38;
	[tilespmem:$0x16C00] =	vst v63  }
0x39e: {  	s15 =	sadd.s32 $0xE400, s8  }
0x39f: {  	[hbm4b:s9+s3] =	stream.linear.scatter [tilespmem:s15], [sflag:$0x5], $0x80, $0x38;
	[tilespmem:$0x16C00] =	vst v63  }
0x3a0: {  	s16 =	sadd.s32 $0xE488, s8;
	s10 =	sadd.s32 $0x10, s9  }
0x3a1: {  	[hbm4b:s10+s3] =	stream.linear.scatter [tilespmem:s16], [sflag:$0x5], $0x80, $0x38;
	[tilespmem:$0x16C00] =	vst v63  }
0x3a2: {  	s11 =	sadd.s32 $0x20, s9;
	s10 =	sadd.s32 $0xE510, s8  }
0x3a3: {  	[hbm4b:s11+s3] =	stream.linear.scatter [tilespmem:s10], [sflag:$0x5], $0x80, $0x38;
	[tilespmem:$0x16C00] =	vst v63  }
0x3a4: {  	s12 =	sadd.s32 $0xE598, s8;
	s13 =	sadd.s32 $0x30, s9  }
0x3a5: {  	[hbm4b:s13+s3] =	stream.linear.scatter [tilespmem:s12], [sflag:$0x5], $0x80, $0x38;
	[tilespmem:$0x16C00] =	vst v63  }
0x3a6: {  	s15 =	sadd.s32 $0xE620, s8;
	s16 =	sadd.s32 $0x40, s9  }
0x3a7: {  	[hbm4b:s16+s3] =	stream.linear.scatter [tilespmem:s15], [sflag:$0x5], $0x80, $0x38;
	[tilespmem:$0x16C00] =	vst v63  }
0x3a8: {  	s10 =	sadd.s32 $0xE6A8, s8;
	s11 =	sadd.s32 $0x50, s9  }
0x3a9: {  	[hbm4b:s11+s3] =	stream.linear.scatter [tilespmem:s10], [sflag:$0x5], $0x80, $0x38;
	[tilespmem:$0x16C00] =	vst v63  }
0x3aa: {  	s12 =	sadd.s32 $0xE730, s8;
	s13 =	sadd.s32 $0x60, s9  }
0x3ab: {  	[hbm4b:s13+s3] =	stream.linear.scatter [tilespmem:s12], [sflag:$0x5], $0x80, $0x38;
	[tilespmem:$0x16C00] =	vst v63  }
0x3ac: {  	s15 =	sadd.s32 $0xE7B8, s8;
	s16 =	sadd.s32 $0x70, s9  }
0x3ad: {  	[hbm4b:s16+s3] =	stream.linear.scatter [tilespmem:s15], [sflag:$0x5], $0x80, $0x38;
	[tilespmem:$0x16C00] =	vst v63  }
0x3ae: {  	_ =	swait.ge [sflag:s0], $0x2000  }
0x3af: {  	[sflag:s0] =	ssyncset.done $0x0  }
0x3b0: {  	[sflag:s0] =	ssyncadd.s32 $0xFFFFE000  }
0x3b1: {  	_ =	swait.ge [sflag:s28], $0x2000  }
0x3b2: {  	[sflag:s28] =	ssyncset.done $0x0  }
0x3b3: {  	s8 =	simm.s32 $0x0;
	s9 =	simm.s32 $0x8500;
	[sflag:s28] =	ssyncadd.s32 $0xFFFFE000  }
.LBB2_40:
0x3b4: {  	v32 =	vld [tilespmem:s9+$0xFFFFFF00];
	v33 =	vadd.s32 s8, v0  }
0x3b5: {  	v34 =	vld [tilespmem:s9+$0xFFFFFF10];
	v36 =	vadd.s32 s8, v1;
	_ =	sdelay $0x1  }
0x3b6: {  	v35 =	vld [tilespmem:s9+$0xFFFFFF20];
	v39 =	vadd.s32 s8, v2  }
0x3b7: {  	v37 =	vld [tilespmem:s9+$0xFFFFFF30];
	v59 =	vadd.s32 s8, v3  }
0x3b8: {  	v38 =	vld [tilespmem:s9+$0xFFFFFF40];
	v60 =	vadd.s32 s8, v4;
	[tilespmem:v33+s29+$0x0] =	vst.idx.msk $0xffff, v32  }
0x3b9: {  	v61 =	vadd.s32 s8, v5;
	v32 =	vld [tilespmem:s9+$0xFFFFFF50];
	[tilespmem:v36+s29+$0x0] =	vst.idx.msk $0xffff, v34  }
0x3ba: {  	v62 =	vadd.s32 s8, v6;
	v34 =	vld [tilespmem:s9+$0xFFFFFF60]  }
0x3bb: {  	[tilespmem:v39+s29+$0x0] =	vst.idx.msk $0xffff, v35  }
0x3bc: {  	v63 =	vadd.s32 s8, v7;
	v35 =	vld [tilespmem:s9+$0xFFFFFF70];
	[tilespmem:v59+s29+$0x0] =	vst.idx.msk $0xffff, v37  }
0x3bd: {  	v42 =	vadd.s32 s8, v8;
	v33 =	vld [tilespmem:s9+$0xFFFFFF80];
	[tilespmem:v60+s29+$0x0] =	vst.idx.msk $0xffff, v38  }
0x3be: {  	v43 =	vadd.s32 s8, v9;
	v36 =	vld [tilespmem:s9+$0xFFFFFF90];
	[tilespmem:v61+s29+$0x0] =	vst.idx.msk $0xffff, v32  }
0x3bf: {  	v44 =	vadd.s32 s8, v10;
	v32 =	vld [tilespmem:s9+$0xFFFFFFA0];
	[tilespmem:v62+s29+$0x0] =	vst.idx.msk $0xffff, v34  }
0x3c0: {  	v45 =	vadd.s32 s8, v11;
	v34 =	vld [tilespmem:s9+$0xFFFFFFB0]  }
0x3c1: {  	[tilespmem:v63+s29+$0x0] =	vst.idx.msk $0xffff, v35  }
0x3c2: {  	v46 =	vadd.s32 s8, v12;
	v35 =	vld [tilespmem:s9+$0xFFFFFFC0];
	[tilespmem:v42+s29+$0x0] =	vst.idx.msk $0xffff, v33  }
0x3c3: {  	v47 =	vadd.s32 s8, v13;
	v33 =	vld [tilespmem:s9+$0xFFFFFFD0];
	[tilespmem:v43+s29+$0x0] =	vst.idx.msk $0xffff, v36  }
0x3c4: {  	v48 =	vadd.s32 s8, v14;
	v36 =	vld [tilespmem:s9+$0xFFFFFFE0];
	[tilespmem:v44+s29+$0x0] =	vst.idx.msk $0xffff, v32  }
0x3c5: {  	v49 =	vadd.s32 s8, v15;
	v32 =	vld [tilespmem:s9+$0xFFFFFFF0];
	[tilespmem:v45+s29+$0x0] =	vst.idx.msk $0xffff, v34  }
0x3c6: {  	v50 =	vadd.s32 s8, v16;
	v34 =	vld [tilespmem:s9+$0x0]  }
0x3c7: {  	[tilespmem:v46+s29+$0x0] =	vst.idx.msk $0xffff, v35  }
0x3c8: {  	v51 =	vadd.s32 s8, v17;
	v35 =	vld [tilespmem:s9+$0x10];
	[tilespmem:v47+s29+$0x0] =	vst.idx.msk $0xffff, v33  }
0x3c9: {  	v52 =	vadd.s32 s8, v18;
	v33 =	vld [tilespmem:s9+$0x20];
	[tilespmem:v48+s29+$0x0] =	vst.idx.msk $0xffff, v36  }
0x3ca: {  	v53 =	vadd.s32 s8, v19;
	v36 =	vld [tilespmem:s9+$0x30];
	[tilespmem:v49+s29+$0x0] =	vst.idx.msk $0xffff, v32  }
0x3cb: {  	v54 =	vadd.s32 s8, v20;
	v32 =	vld [tilespmem:s9+$0x40];
	[tilespmem:v50+s29+$0x0] =	vst.idx.msk $0xffff, v34  }
0x3cc: {  	v55 =	vadd.s32 s8, v21;
	v34 =	vld [tilespmem:s9+$0x50]  }
0x3cd: {  	[tilespmem:v51+s29+$0x0] =	vst.idx.msk $0xffff, v35  }
0x3ce: {  	v56 =	vadd.s32 s8, v22;
	v35 =	vld [tilespmem:s9+$0x60];
	[tilespmem:v52+s29+$0x0] =	vst.idx.msk $0xffff, v33  }
0x3cf: {  	v57 =	vadd.s32 s8, v23;
	v33 =	vld [tilespmem:s9+$0x70];
	[tilespmem:v53+s29+$0x0] =	vst.idx.msk $0xffff, v36  }
0x3d0: {  	v58 =	vadd.s32 s8, v24;
	v36 =	vld [tilespmem:s9+$0x80];
	[tilespmem:v54+s29+$0x0] =	vst.idx.msk $0xffff, v32  }
0x3d1: {  	v59 =	vadd.s32 s8, v25;
	v32 =	vld [tilespmem:s9+$0x90];
	[tilespmem:v55+s29+$0x0] =	vst.idx.msk $0xffff, v34  }
0x3d2: {  	v60 =	vadd.s32 s8, v26;
	v34 =	vld [tilespmem:s9+$0xA0]  }
0x3d3: {  	[tilespmem:v56+s29+$0x0] =	vst.idx.msk $0xffff, v35  }
0x3d4: {  	v61 =	vadd.s32 s8, v27;
	v35 =	vld [tilespmem:s9+$0xB0];
	[tilespmem:v57+s29+$0x0] =	vst.idx.msk $0xffff, v33  }
0x3d5: {  	v62 =	vadd.s32 s8, v28;
	v33 =	vld [tilespmem:s9+$0xC0];
	[tilespmem:v58+s29+$0x0] =	vst.idx.msk $0xffff, v36  }
0x3d6: {  	v40 =	vadd.s32 s8, v29;
	v36 =	vld [tilespmem:s9+$0xD0];
	[tilespmem:v59+s29+$0x0] =	vst.idx.msk $0xffff, v32  }
0x3d7: {  	v63 =	vadd.s32 s8, v30;
	v38 =	vld [tilespmem:s9+$0xE0];
	[tilespmem:v60+s29+$0x0] =	vst.idx.msk $0xffff, v34  }
0x3d8: {  	v41 =	vadd.s32 s8, v31;
	p0 =	sne.s32 s8, $0x78;
	v39 =	vld [tilespmem:s9+$0xF0]  }
.Ltmp19:
0x3d9: {  	[tilespmem:v61+s29+$0x0] =	vst.idx.msk $0xffff, v35;
	(pc) =	sbr.rel @p0 .LBB2_40-.Ltmp19, $4  }
0x3da: {  	[tilespmem:v62+s29+$0x0] =	vst.idx.msk $0xffff, v33  }
0x3db: {  	[tilespmem:v40+s29+$0x0] =	vst.idx.msk $0xffff, v36  }
0x3dc: {  	[tilespmem:v63+s29+$0x0] =	vst.idx.msk $0xffff, v38  }
0x3dd: {  	s8 =	sadd.s32 $0x8, s8;
	s9 =	sadd.s32 $0x200, s9;
	[tilespmem:v41+s29+$0x0] =	vst.idx.msk $0xffff, v39  }
0x3de: {  	s7 =	simm.s32 $0x10600;
	s9 =	rddreg [dreg:$0x9]  }
0x3df: {  	[hbm4b:s9+s3] =	stream.linear.scatter [tilespmem:s7], [sflag:$0x6], $0x80, $0x38;
	[tilespmem:$0x16C00] =	vst v63  }
0x3e0: {  	s11 =	simm.s32 $0x10688;
	s8 =	sadd.s32 $0x10, s9  }
0x3e1: {  	[hbm4b:s8+s3] =	stream.linear.scatter [tilespmem:s11], [sflag:$0x6], $0x80, $0x38;
	[tilespmem:$0x16C00] =	vst v63  }
0x3e2: {  	s12 =	simm.s32 $0x10710;
	s15 =	simm.s32 $0x10798;
	s13 =	sadd.s32 $0x20, s9  }
0x3e3: {  	[hbm4b:s13+s3] =	stream.linear.scatter [tilespmem:s12], [sflag:$0x6], $0x80, $0x38;
	[tilespmem:$0x16C00] =	vst v63  }
0x3e4: {  	s10 =	simm.s32 $0x10820;
	s16 =	sadd.s32 $0x30, s9;
	s7 =	sadd.s32 $0x70, s9  }
0x3e5: {  	[hbm4b:s16+s3] =	stream.linear.scatter [tilespmem:s15], [sflag:$0x6], $0x80, $0x38;
	[tilespmem:$0x16C00] =	vst v63  }
0x3e6: {  	s11 =	sadd.s32 $0x40, s9;
	s8 =	simm.s32 $0x440;
	s12 =	simm.s32 $0x108A8  }
0x3e7: {  	[hbm4b:s11+s3] =	stream.linear.scatter [tilespmem:s10], [sflag:$0x6], $0x80, $0x38;
	[tilespmem:$0x16C00] =	vst v63  }
0x3e8: {  	s13 =	sadd.s32 $0x50, s9;
	s15 =	simm.s32 $0x10930;
	s16 =	sadd.s32 $0x60, s9  }
0x3e9: {  	[hbm4b:s13+s3] =	stream.linear.scatter [tilespmem:s12], [sflag:$0x6], $0x80, $0x38;
	[tilespmem:$0x16C00] =	vst v63  }
0x3ea: {  	s9 =	sadd.s32 $0x4000, s9;
	s10 =	simm.s32 $0x2200;
	s11 =	simm.s32 $0x109B8  }
0x3eb: {  	[hbm4b:s16+s3] =	stream.linear.scatter [tilespmem:s15], [sflag:$0x6], $0x80, $0x38;
	[tilespmem:$0x16C00] =	vst v63  }
.LBB2_42:
0x3ec: {  	[hbm4b:s7+s3] =	stream.linear.scatter [tilespmem:s11], [sflag:$0x6], $0x80, $0x38;
	[tilespmem:$0x16C00] =	vst v63  }
0x3ed: {  	s7 =	smov.u32 s8;
	s8 =	smov.u32 s10  }
0x3ee: {  	s12 =	sadd.s32 $0x1100, s10;
	s8 =	sshra.s32 s8, $0x2;
	s11 =	sadd.s32 $0x10600, s7  }
0x3ef: {  	[hbm4b:s9+s3] =	stream.linear.scatter [tilespmem:s11], [sflag:$0x6], $0x80, $0x38;
	[tilespmem:$0x16C00] =	vst v63  }
0x3f0: {  	p0 =	sne.s32 s10, $0x7700;
	s10 =	sadd.s32 $0x10688, s7;
	s11 =	sadd.s32 $0x10, s9  }
0x3f1: {  	[hbm4b:s11+s3] =	stream.linear.scatter [tilespmem:s10], [sflag:$0x6], $0x80, $0x38;
	[tilespmem:$0x16C00] =	vst v63  }
0x3f2: {  	s10 =	sadd.s32 $0x10710, s7;
	s11 =	sadd.s32 $0x20, s9  }
0x3f3: {  	[hbm4b:s11+s3] =	stream.linear.scatter [tilespmem:s10], [sflag:$0x6], $0x80, $0x38;
	[tilespmem:$0x16C00] =	vst v63  }
0x3f4: {  	s10 =	sadd.s32 $0x10798, s7;
	s11 =	sadd.s32 $0x30, s9  }
0x3f5: {  	[hbm4b:s11+s3] =	stream.linear.scatter [tilespmem:s10], [sflag:$0x6], $0x80, $0x38;
	[tilespmem:$0x16C00] =	vst v63  }
0x3f6: {  	s10 =	sadd.s32 $0x10820, s7;
	s11 =	sadd.s32 $0x40, s9  }
0x3f7: {  	[hbm4b:s11+s3] =	stream.linear.scatter [tilespmem:s10], [sflag:$0x6], $0x80, $0x38;
	[tilespmem:$0x16C00] =	vst v63  }
0x3f8: {  	s10 =	sadd.s32 $0x108A8, s7;
	s11 =	sadd.s32 $0x50, s9  }
0x3f9: {  	[hbm4b:s11+s3] =	stream.linear.scatter [tilespmem:s10], [sflag:$0x6], $0x80, $0x38;
	[tilespmem:$0x16C00] =	vst v63  }
.Ltmp20:
0x3fa: {  	_ = 	snop;
	(pc) =	sbr.rel @p0 .LBB2_42-.Ltmp20, $4  }
0x3fb: {  	s10 =	sadd.s32 $0x10930, s7;
	s11 =	sadd.s32 $0x60, s9  }
0x3fc: {  	[hbm4b:s11+s3] =	stream.linear.scatter [tilespmem:s10], [sflag:$0x6], $0x80, $0x38;
	[tilespmem:$0x16C00] =	vst v63  }
0x3fd: {  	s11 =	sadd.s32 $0x109B8, s7  }
0x3fe: {  	s7 =	sadd.s32 $0x70, s9;
	s9 =	sadd.s32 $0x4000, s9;
	s10 =	smov.u32 s12  }
0x3ff: {  	[hbm4b:s7+s3] =	stream.linear.scatter [tilespmem:s11], [sflag:$0x6], $0x80, $0x38;
	[tilespmem:$0x16C00] =	vst v63  }
0x400: {  	s15 =	sadd.s32 $0x10600, s8  }
0x401: {  	[hbm4b:s9+s3] =	stream.linear.scatter [tilespmem:s15], [sflag:$0x6], $0x80, $0x38;
	[tilespmem:$0x16C00] =	vst v63  }
0x402: {  	s16 =	sadd.s32 $0x10688, s8;
	s10 =	sadd.s32 $0x10, s9  }
0x403: {  	[hbm4b:s10+s3] =	stream.linear.scatter [tilespmem:s16], [sflag:$0x6], $0x80, $0x38;
	[tilespmem:$0x16C00] =	vst v63  }
0x404: {  	s11 =	sadd.s32 $0x20, s9;
	s10 =	sadd.s32 $0x10710, s8  }
0x405: {  	[hbm4b:s11+s3] =	stream.linear.scatter [tilespmem:s10], [sflag:$0x6], $0x80, $0x38;
	[tilespmem:$0x16C00] =	vst v63  }
0x406: {  	s12 =	sadd.s32 $0x10798, s8;
	s13 =	sadd.s32 $0x30, s9  }
0x407: {  	[hbm4b:s13+s3] =	stream.linear.scatter [tilespmem:s12], [sflag:$0x6], $0x80, $0x38;
	[tilespmem:$0x16C00] =	vst v63  }
0x408: {  	s15 =	sadd.s32 $0x10820, s8;
	s16 =	sadd.s32 $0x40, s9  }
0x409: {  	[hbm4b:s16+s3] =	stream.linear.scatter [tilespmem:s15], [sflag:$0x6], $0x80, $0x38;
	[tilespmem:$0x16C00] =	vst v63  }
0x40a: {  	s10 =	sadd.s32 $0x108A8, s8;
	s11 =	sadd.s32 $0x50, s9  }
0x40b: {  	[hbm4b:s11+s3] =	stream.linear.scatter [tilespmem:s10], [sflag:$0x6], $0x80, $0x38;
	[tilespmem:$0x16C00] =	vst v63  }
0x40c: {  	s12 =	sadd.s32 $0x10930, s8;
	s13 =	sadd.s32 $0x60, s9  }
0x40d: {  	[hbm4b:s13+s3] =	stream.linear.scatter [tilespmem:s12], [sflag:$0x6], $0x80, $0x38;
	[tilespmem:$0x16C00] =	vst v63  }
0x40e: {  	s15 =	sadd.s32 $0x109B8, s8;
	s16 =	sadd.s32 $0x70, s9  }
0x40f: {  	[hbm4b:s16+s3] =	stream.linear.scatter [tilespmem:s15], [sflag:$0x6], $0x80, $0x38;
	[tilespmem:$0x16C00] =	vst v63  }
0x410: {  	_ =	swait.ge [sflag:s26], $0x2000  }
0x411: {  	[sflag:s26] =	ssyncset.done $0x0  }
0x412: {  	[sflag:s26] =	ssyncadd.s32 $0xFFFFE000  }
0x413: {  	_ =	swait.ge [sflag:s31], $0x2000  }
0x414: {  	[sflag:s31] =	ssyncset.done $0x0  }
0x415: {  	s8 =	simm.s32 $0x0;
	s9 =	simm.s32 $0xA500;
	[sflag:s31] =	ssyncadd.s32 $0xFFFFE000  }
.LBB2_44:
0x416: {  	v32 =	vld [tilespmem:s9+$0xFFFFFF00];
	v33 =	vadd.s32 s8, v0  }
0x417: {  	v34 =	vld [tilespmem:s9+$0xFFFFFF10];
	v36 =	vadd.s32 s8, v1;
	_ =	sdelay $0x1  }
0x418: {  	v35 =	vld [tilespmem:s9+$0xFFFFFF20];
	v39 =	vadd.s32 s8, v2  }
0x419: {  	v37 =	vld [tilespmem:s9+$0xFFFFFF30];
	v59 =	vadd.s32 s8, v3  }
0x41a: {  	v38 =	vld [tilespmem:s9+$0xFFFFFF40];
	v60 =	vadd.s32 s8, v4;
	[tilespmem:v33+s1+$0x0] =	vst.idx.msk $0xffff, v32  }
0x41b: {  	v61 =	vadd.s32 s8, v5;
	v32 =	vld [tilespmem:s9+$0xFFFFFF50];
	[tilespmem:v36+s1+$0x0] =	vst.idx.msk $0xffff, v34  }
0x41c: {  	v62 =	vadd.s32 s8, v6;
	v34 =	vld [tilespmem:s9+$0xFFFFFF60]  }
0x41d: {  	[tilespmem:v39+s1+$0x0] =	vst.idx.msk $0xffff, v35  }
0x41e: {  	v63 =	vadd.s32 s8, v7;
	v35 =	vld [tilespmem:s9+$0xFFFFFF70];
	[tilespmem:v59+s1+$0x0] =	vst.idx.msk $0xffff, v37  }
0x41f: {  	v42 =	vadd.s32 s8, v8;
	v33 =	vld [tilespmem:s9+$0xFFFFFF80];
	[tilespmem:v60+s1+$0x0] =	vst.idx.msk $0xffff, v38  }
0x420: {  	v43 =	vadd.s32 s8, v9;
	v36 =	vld [tilespmem:s9+$0xFFFFFF90];
	[tilespmem:v61+s1+$0x0] =	vst.idx.msk $0xffff, v32  }
0x421: {  	v44 =	vadd.s32 s8, v10;
	v32 =	vld [tilespmem:s9+$0xFFFFFFA0];
	[tilespmem:v62+s1+$0x0] =	vst.idx.msk $0xffff, v34  }
0x422: {  	v45 =	vadd.s32 s8, v11;
	v34 =	vld [tilespmem:s9+$0xFFFFFFB0]  }
0x423: {  	[tilespmem:v63+s1+$0x0] =	vst.idx.msk $0xffff, v35  }
0x424: {  	v46 =	vadd.s32 s8, v12;
	v35 =	vld [tilespmem:s9+$0xFFFFFFC0];
	[tilespmem:v42+s1+$0x0] =	vst.idx.msk $0xffff, v33  }
0x425: {  	v47 =	vadd.s32 s8, v13;
	v33 =	vld [tilespmem:s9+$0xFFFFFFD0];
	[tilespmem:v43+s1+$0x0] =	vst.idx.msk $0xffff, v36  }
0x426: {  	v48 =	vadd.s32 s8, v14;
	v36 =	vld [tilespmem:s9+$0xFFFFFFE0];
	[tilespmem:v44+s1+$0x0] =	vst.idx.msk $0xffff, v32  }
0x427: {  	v49 =	vadd.s32 s8, v15;
	v32 =	vld [tilespmem:s9+$0xFFFFFFF0];
	[tilespmem:v45+s1+$0x0] =	vst.idx.msk $0xffff, v34  }
0x428: {  	v50 =	vadd.s32 s8, v16;
	v34 =	vld [tilespmem:s9+$0x0]  }
0x429: {  	[tilespmem:v46+s1+$0x0] =	vst.idx.msk $0xffff, v35  }
0x42a: {  	v51 =	vadd.s32 s8, v17;
	v35 =	vld [tilespmem:s9+$0x10];
	[tilespmem:v47+s1+$0x0] =	vst.idx.msk $0xffff, v33  }
0x42b: {  	v52 =	vadd.s32 s8, v18;
	v33 =	vld [tilespmem:s9+$0x20];
	[tilespmem:v48+s1+$0x0] =	vst.idx.msk $0xffff, v36  }
0x42c: {  	v53 =	vadd.s32 s8, v19;
	v36 =	vld [tilespmem:s9+$0x30];
	[tilespmem:v49+s1+$0x0] =	vst.idx.msk $0xffff, v32  }
0x42d: {  	v54 =	vadd.s32 s8, v20;
	v32 =	vld [tilespmem:s9+$0x40];
	[tilespmem:v50+s1+$0x0] =	vst.idx.msk $0xffff, v34  }
0x42e: {  	v55 =	vadd.s32 s8, v21;
	v34 =	vld [tilespmem:s9+$0x50]  }
0x42f: {  	[tilespmem:v51+s1+$0x0] =	vst.idx.msk $0xffff, v35  }
0x430: {  	v56 =	vadd.s32 s8, v22;
	v35 =	vld [tilespmem:s9+$0x60];
	[tilespmem:v52+s1+$0x0] =	vst.idx.msk $0xffff, v33  }
0x431: {  	v57 =	vadd.s32 s8, v23;
	v33 =	vld [tilespmem:s9+$0x70];
	[tilespmem:v53+s1+$0x0] =	vst.idx.msk $0xffff, v36  }
0x432: {  	v58 =	vadd.s32 s8, v24;
	v36 =	vld [tilespmem:s9+$0x80];
	[tilespmem:v54+s1+$0x0] =	vst.idx.msk $0xffff, v32  }
0x433: {  	v59 =	vadd.s32 s8, v25;
	v32 =	vld [tilespmem:s9+$0x90];
	[tilespmem:v55+s1+$0x0] =	vst.idx.msk $0xffff, v34  }
0x434: {  	v60 =	vadd.s32 s8, v26;
	v34 =	vld [tilespmem:s9+$0xA0]  }
0x435: {  	[tilespmem:v56+s1+$0x0] =	vst.idx.msk $0xffff, v35  }
0x436: {  	v61 =	vadd.s32 s8, v27;
	v35 =	vld [tilespmem:s9+$0xB0];
	[tilespmem:v57+s1+$0x0] =	vst.idx.msk $0xffff, v33  }
0x437: {  	v62 =	vadd.s32 s8, v28;
	v33 =	vld [tilespmem:s9+$0xC0];
	[tilespmem:v58+s1+$0x0] =	vst.idx.msk $0xffff, v36  }
0x438: {  	v40 =	vadd.s32 s8, v29;
	v36 =	vld [tilespmem:s9+$0xD0];
	[tilespmem:v59+s1+$0x0] =	vst.idx.msk $0xffff, v32  }
0x439: {  	v63 =	vadd.s32 s8, v30;
	v38 =	vld [tilespmem:s9+$0xE0];
	[tilespmem:v60+s1+$0x0] =	vst.idx.msk $0xffff, v34  }
0x43a: {  	v41 =	vadd.s32 s8, v31;
	p0 =	sne.s32 s8, $0x78;
	v39 =	vld [tilespmem:s9+$0xF0]  }
.Ltmp21:
0x43b: {  	[tilespmem:v61+s1+$0x0] =	vst.idx.msk $0xffff, v35;
	(pc) =	sbr.rel @p0 .LBB2_44-.Ltmp21, $4  }
0x43c: {  	[tilespmem:v62+s1+$0x0] =	vst.idx.msk $0xffff, v33  }
0x43d: {  	[tilespmem:v40+s1+$0x0] =	vst.idx.msk $0xffff, v36  }
0x43e: {  	[tilespmem:v63+s1+$0x0] =	vst.idx.msk $0xffff, v38  }
0x43f: {  	s8 =	sadd.s32 $0x8, s8;
	s9 =	sadd.s32 $0x200, s9;
	[tilespmem:v41+s1+$0x0] =	vst.idx.msk $0xffff, v39  }
0x440: {  	s7 =	simm.s32 $0x12800;
	s9 =	rddreg [dreg:$0xa]  }
0x441: {  	[hbm4b:s9+s3] =	stream.linear.scatter [tilespmem:s7], [sflag:$0x7], $0x80, $0x38;
	[tilespmem:$0x16C00] =	vst v63  }
0x442: {  	s11 =	simm.s32 $0x12888;
	s8 =	sadd.s32 $0x10, s9  }
0x443: {  	[hbm4b:s8+s3] =	stream.linear.scatter [tilespmem:s11], [sflag:$0x7], $0x80, $0x38;
	[tilespmem:$0x16C00] =	vst v63  }
0x444: {  	s12 =	simm.s32 $0x12910;
	s15 =	simm.s32 $0x12998;
	s13 =	sadd.s32 $0x20, s9  }
0x445: {  	[hbm4b:s13+s3] =	stream.linear.scatter [tilespmem:s12], [sflag:$0x7], $0x80, $0x38;
	[tilespmem:$0x16C00] =	vst v63  }
0x446: {  	s10 =	simm.s32 $0x12A20;
	s16 =	sadd.s32 $0x30, s9;
	s7 =	sadd.s32 $0x70, s9  }
0x447: {  	[hbm4b:s16+s3] =	stream.linear.scatter [tilespmem:s15], [sflag:$0x7], $0x80, $0x38;
	[tilespmem:$0x16C00] =	vst v63  }
0x448: {  	s11 =	sadd.s32 $0x40, s9;
	s8 =	simm.s32 $0x440;
	s12 =	simm.s32 $0x12AA8  }
0x449: {  	[hbm4b:s11+s3] =	stream.linear.scatter [tilespmem:s10], [sflag:$0x7], $0x80, $0x38;
	[tilespmem:$0x16C00] =	vst v63  }
0x44a: {  	s13 =	sadd.s32 $0x50, s9;
	s15 =	simm.s32 $0x12B30;
	s16 =	sadd.s32 $0x60, s9  }
0x44b: {  	[hbm4b:s13+s3] =	stream.linear.scatter [tilespmem:s12], [sflag:$0x7], $0x80, $0x38;
	[tilespmem:$0x16C00] =	vst v63  }
0x44c: {  	s9 =	sadd.s32 $0x4000, s9;
	s10 =	simm.s32 $0x2200;
	s11 =	simm.s32 $0x12BB8  }
0x44d: {  	[hbm4b:s16+s3] =	stream.linear.scatter [tilespmem:s15], [sflag:$0x7], $0x80, $0x38;
	[tilespmem:$0x16C00] =	vst v63  }
.LBB2_46:
0x44e: {  	[hbm4b:s7+s3] =	stream.linear.scatter [tilespmem:s11], [sflag:$0x7], $0x80, $0x38;
	[tilespmem:$0x16C00] =	vst v63  }
0x44f: {  	s7 =	smov.u32 s8;
	s8 =	smov.u32 s10  }
0x450: {  	s12 =	sadd.s32 $0x1100, s10;
	s8 =	sshra.s32 s8, $0x2;
	s11 =	sadd.s32 $0x12800, s7  }
0x451: {  	[hbm4b:s9+s3] =	stream.linear.scatter [tilespmem:s11], [sflag:$0x7], $0x80, $0x38;
	[tilespmem:$0x16C00] =	vst v63  }
0x452: {  	p0 =	sne.s32 s10, $0x7700;
	s10 =	sadd.s32 $0x12888, s7;
	s11 =	sadd.s32 $0x10, s9  }
0x453: {  	[hbm4b:s11+s3] =	stream.linear.scatter [tilespmem:s10], [sflag:$0x7], $0x80, $0x38;
	[tilespmem:$0x16C00] =	vst v63  }
0x454: {  	s10 =	sadd.s32 $0x12910, s7;
	s11 =	sadd.s32 $0x20, s9  }
0x455: {  	[hbm4b:s11+s3] =	stream.linear.scatter [tilespmem:s10], [sflag:$0x7], $0x80, $0x38;
	[tilespmem:$0x16C00] =	vst v63  }
0x456: {  	s10 =	sadd.s32 $0x12998, s7;
	s11 =	sadd.s32 $0x30, s9  }
0x457: {  	[hbm4b:s11+s3] =	stream.linear.scatter [tilespmem:s10], [sflag:$0x7], $0x80, $0x38;
	[tilespmem:$0x16C00] =	vst v63  }
0x458: {  	s10 =	sadd.s32 $0x12A20, s7;
	s11 =	sadd.s32 $0x40, s9  }
0x459: {  	[hbm4b:s11+s3] =	stream.linear.scatter [tilespmem:s10], [sflag:$0x7], $0x80, $0x38;
	[tilespmem:$0x16C00] =	vst v63  }
0x45a: {  	s10 =	sadd.s32 $0x12AA8, s7;
	s11 =	sadd.s32 $0x50, s9  }
0x45b: {  	[hbm4b:s11+s3] =	stream.linear.scatter [tilespmem:s10], [sflag:$0x7], $0x80, $0x38;
	[tilespmem:$0x16C00] =	vst v63  }
.Ltmp22:
0x45c: {  	_ = 	snop;
	(pc) =	sbr.rel @p0 .LBB2_46-.Ltmp22, $4  }
0x45d: {  	s10 =	sadd.s32 $0x12B30, s7;
	s11 =	sadd.s32 $0x60, s9  }
0x45e: {  	[hbm4b:s11+s3] =	stream.linear.scatter [tilespmem:s10], [sflag:$0x7], $0x80, $0x38;
	[tilespmem:$0x16C00] =	vst v63  }
0x45f: {  	s11 =	sadd.s32 $0x12BB8, s7  }
0x460: {  	s7 =	sadd.s32 $0x70, s9;
	s9 =	sadd.s32 $0x4000, s9;
	s10 =	smov.u32 s12  }
0x461: {  	[hbm4b:s7+s3] =	stream.linear.scatter [tilespmem:s11], [sflag:$0x7], $0x80, $0x38;
	[tilespmem:$0x16C00] =	vst v63  }
0x462: {  	s15 =	sadd.s32 $0x12800, s8  }
0x463: {  	[hbm4b:s9+s3] =	stream.linear.scatter [tilespmem:s15], [sflag:$0x7], $0x80, $0x38;
	[tilespmem:$0x16C00] =	vst v63  }
0x464: {  	s16 =	sadd.s32 $0x12888, s8;
	s10 =	sadd.s32 $0x10, s9  }
0x465: {  	[hbm4b:s10+s3] =	stream.linear.scatter [tilespmem:s16], [sflag:$0x7], $0x80, $0x38;
	[tilespmem:$0x16C00] =	vst v63  }
0x466: {  	s11 =	sadd.s32 $0x20, s9;
	s10 =	sadd.s32 $0x12910, s8  }
0x467: {  	[hbm4b:s11+s3] =	stream.linear.scatter [tilespmem:s10], [sflag:$0x7], $0x80, $0x38;
	[tilespmem:$0x16C00] =	vst v63  }
0x468: {  	s12 =	sadd.s32 $0x12998, s8;
	s13 =	sadd.s32 $0x30, s9  }
0x469: {  	[hbm4b:s13+s3] =	stream.linear.scatter [tilespmem:s12], [sflag:$0x7], $0x80, $0x38;
	[tilespmem:$0x16C00] =	vst v63  }
0x46a: {  	s15 =	sadd.s32 $0x12A20, s8;
	s16 =	sadd.s32 $0x40, s9  }
0x46b: {  	[hbm4b:s16+s3] =	stream.linear.scatter [tilespmem:s15], [sflag:$0x7], $0x80, $0x38;
	[tilespmem:$0x16C00] =	vst v63  }
0x46c: {  	s10 =	sadd.s32 $0x12AA8, s8;
	s11 =	sadd.s32 $0x50, s9  }
0x46d: {  	[hbm4b:s11+s3] =	stream.linear.scatter [tilespmem:s10], [sflag:$0x7], $0x80, $0x38;
	[tilespmem:$0x16C00] =	vst v63  }
0x46e: {  	s12 =	sadd.s32 $0x12B30, s8;
	s13 =	sadd.s32 $0x60, s9  }
0x46f: {  	[hbm4b:s13+s3] =	stream.linear.scatter [tilespmem:s12], [sflag:$0x7], $0x80, $0x38;
	[tilespmem:$0x16C00] =	vst v63  }
0x470: {  	s15 =	sadd.s32 $0x12BB8, s8;
	s16 =	sadd.s32 $0x70, s9  }
0x471: {  	[hbm4b:s16+s3] =	stream.linear.scatter [tilespmem:s15], [sflag:$0x7], $0x80, $0x38;
	[tilespmem:$0x16C00] =	vst v63  }
0x472: {  	_ =	swait.ge [sflag:s6], $0x2000  }
0x473: {  	[sflag:s6] =	ssyncset.done $0x0  }
0x474: {  	[sflag:s6] =	ssyncadd.s32 $0xFFFFE000  }
0x475: {  	_ =	swait.ge [sflag:s20], $0x2000  }
0x476: {  	[sflag:s20] =	ssyncset.done $0x0  }
0x477: {  	s8 =	simm.s32 $0x0;
	s9 =	simm.s32 $0xC500;
	[sflag:s20] =	ssyncadd.s32 $0xFFFFE000  }
.LBB2_48:
0x478: {  	v32 =	vld [tilespmem:s9+$0xFFFFFF00];
	v33 =	vadd.s32 s8, v0  }
0x479: {  	v34 =	vld [tilespmem:s9+$0xFFFFFF10];
	v36 =	vadd.s32 s8, v1;
	_ =	sdelay $0x1  }
0x47a: {  	v35 =	vld [tilespmem:s9+$0xFFFFFF20];
	v39 =	vadd.s32 s8, v2  }
0x47b: {  	v37 =	vld [tilespmem:s9+$0xFFFFFF30];
	v59 =	vadd.s32 s8, v3  }
0x47c: {  	v38 =	vld [tilespmem:s9+$0xFFFFFF40];
	v60 =	vadd.s32 s8, v4;
	[tilespmem:v33+s22+$0x0] =	vst.idx.msk $0xffff, v32  }
0x47d: {  	v61 =	vadd.s32 s8, v5;
	v32 =	vld [tilespmem:s9+$0xFFFFFF50];
	[tilespmem:v36+s22+$0x0] =	vst.idx.msk $0xffff, v34  }
0x47e: {  	v62 =	vadd.s32 s8, v6;
	v34 =	vld [tilespmem:s9+$0xFFFFFF60]  }
0x47f: {  	[tilespmem:v39+s22+$0x0] =	vst.idx.msk $0xffff, v35  }
0x480: {  	v63 =	vadd.s32 s8, v7;
	v35 =	vld [tilespmem:s9+$0xFFFFFF70];
	[tilespmem:v59+s22+$0x0] =	vst.idx.msk $0xffff, v37  }
0x481: {  	v42 =	vadd.s32 s8, v8;
	v33 =	vld [tilespmem:s9+$0xFFFFFF80];
	[tilespmem:v60+s22+$0x0] =	vst.idx.msk $0xffff, v38  }
0x482: {  	v43 =	vadd.s32 s8, v9;
	v36 =	vld [tilespmem:s9+$0xFFFFFF90];
	[tilespmem:v61+s22+$0x0] =	vst.idx.msk $0xffff, v32  }
0x483: {  	v44 =	vadd.s32 s8, v10;
	v32 =	vld [tilespmem:s9+$0xFFFFFFA0];
	[tilespmem:v62+s22+$0x0] =	vst.idx.msk $0xffff, v34  }
0x484: {  	v45 =	vadd.s32 s8, v11;
	v34 =	vld [tilespmem:s9+$0xFFFFFFB0]  }
0x485: {  	[tilespmem:v63+s22+$0x0] =	vst.idx.msk $0xffff, v35  }
0x486: {  	v46 =	vadd.s32 s8, v12;
	v35 =	vld [tilespmem:s9+$0xFFFFFFC0];
	[tilespmem:v42+s22+$0x0] =	vst.idx.msk $0xffff, v33  }
0x487: {  	v47 =	vadd.s32 s8, v13;
	v33 =	vld [tilespmem:s9+$0xFFFFFFD0];
	[tilespmem:v43+s22+$0x0] =	vst.idx.msk $0xffff, v36  }
0x488: {  	v48 =	vadd.s32 s8, v14;
	v36 =	vld [tilespmem:s9+$0xFFFFFFE0];
	[tilespmem:v44+s22+$0x0] =	vst.idx.msk $0xffff, v32  }
0x489: {  	v49 =	vadd.s32 s8, v15;
	v32 =	vld [tilespmem:s9+$0xFFFFFFF0];
	[tilespmem:v45+s22+$0x0] =	vst.idx.msk $0xffff, v34  }
0x48a: {  	v50 =	vadd.s32 s8, v16;
	v34 =	vld [tilespmem:s9+$0x0]  }
0x48b: {  	[tilespmem:v46+s22+$0x0] =	vst.idx.msk $0xffff, v35  }
0x48c: {  	v51 =	vadd.s32 s8, v17;
	v35 =	vld [tilespmem:s9+$0x10];
	[tilespmem:v47+s22+$0x0] =	vst.idx.msk $0xffff, v33  }
0x48d: {  	v52 =	vadd.s32 s8, v18;
	v33 =	vld [tilespmem:s9+$0x20];
	[tilespmem:v48+s22+$0x0] =	vst.idx.msk $0xffff, v36  }
0x48e: {  	v53 =	vadd.s32 s8, v19;
	v36 =	vld [tilespmem:s9+$0x30];
	[tilespmem:v49+s22+$0x0] =	vst.idx.msk $0xffff, v32  }
0x48f: {  	v54 =	vadd.s32 s8, v20;
	v32 =	vld [tilespmem:s9+$0x40];
	[tilespmem:v50+s22+$0x0] =	vst.idx.msk $0xffff, v34  }
0x490: {  	v55 =	vadd.s32 s8, v21;
	v34 =	vld [tilespmem:s9+$0x50]  }
0x491: {  	[tilespmem:v51+s22+$0x0] =	vst.idx.msk $0xffff, v35  }
0x492: {  	v56 =	vadd.s32 s8, v22;
	v35 =	vld [tilespmem:s9+$0x60];
	[tilespmem:v52+s22+$0x0] =	vst.idx.msk $0xffff, v33  }
0x493: {  	v57 =	vadd.s32 s8, v23;
	v33 =	vld [tilespmem:s9+$0x70];
	[tilespmem:v53+s22+$0x0] =	vst.idx.msk $0xffff, v36  }
0x494: {  	v58 =	vadd.s32 s8, v24;
	v36 =	vld [tilespmem:s9+$0x80];
	[tilespmem:v54+s22+$0x0] =	vst.idx.msk $0xffff, v32  }
0x495: {  	v59 =	vadd.s32 s8, v25;
	v32 =	vld [tilespmem:s9+$0x90];
	[tilespmem:v55+s22+$0x0] =	vst.idx.msk $0xffff, v34  }
0x496: {  	v60 =	vadd.s32 s8, v26;
	v34 =	vld [tilespmem:s9+$0xA0]  }
0x497: {  	[tilespmem:v56+s22+$0x0] =	vst.idx.msk $0xffff, v35  }
0x498: {  	v61 =	vadd.s32 s8, v27;
	v35 =	vld [tilespmem:s9+$0xB0];
	[tilespmem:v57+s22+$0x0] =	vst.idx.msk $0xffff, v33  }
0x499: {  	v62 =	vadd.s32 s8, v28;
	v33 =	vld [tilespmem:s9+$0xC0];
	[tilespmem:v58+s22+$0x0] =	vst.idx.msk $0xffff, v36  }
0x49a: {  	v40 =	vadd.s32 s8, v29;
	v36 =	vld [tilespmem:s9+$0xD0];
	[tilespmem:v59+s22+$0x0] =	vst.idx.msk $0xffff, v32  }
0x49b: {  	v63 =	vadd.s32 s8, v30;
	v38 =	vld [tilespmem:s9+$0xE0];
	[tilespmem:v60+s22+$0x0] =	vst.idx.msk $0xffff, v34  }
0x49c: {  	v41 =	vadd.s32 s8, v31;
	p0 =	sne.s32 s8, $0x78;
	v39 =	vld [tilespmem:s9+$0xF0]  }
.Ltmp23:
0x49d: {  	[tilespmem:v61+s22+$0x0] =	vst.idx.msk $0xffff, v35;
	(pc) =	sbr.rel @p0 .LBB2_48-.Ltmp23, $4  }
0x49e: {  	[tilespmem:v62+s22+$0x0] =	vst.idx.msk $0xffff, v33  }
0x49f: {  	[tilespmem:v40+s22+$0x0] =	vst.idx.msk $0xffff, v36  }
0x4a0: {  	[tilespmem:v63+s22+$0x0] =	vst.idx.msk $0xffff, v38  }
0x4a1: {  	s8 =	sadd.s32 $0x8, s8;
	s9 =	sadd.s32 $0x200, s9;
	[tilespmem:v41+s22+$0x0] =	vst.idx.msk $0xffff, v39  }
0x4a2: {  	s7 =	simm.s32 $0x14A00  }
0x4a3: {  	[hbm4b:s14+s3] =	stream.linear.scatter [tilespmem:s7], [sflag:$0x8], $0x80, $0x38;
	[tilespmem:$0x16C00] =	vst v63  }
0x4a4: {  	s13 =	simm.s32 $0x14A88;
	s8 =	sadd.s32 $0x10, s14  }
0x4a5: {  	[hbm4b:s8+s3] =	stream.linear.scatter [tilespmem:s13], [sflag:$0x8], $0x80, $0x38;
	[tilespmem:$0x16C00] =	vst v63  }
0x4a6: {  	s15 =	simm.s32 $0x14B10;
	s16 =	sadd.s32 $0x20, s14;
	s9 =	sadd.s32 $0x30, s14  }
0x4a7: {  	[hbm4b:s16+s3] =	stream.linear.scatter [tilespmem:s15], [sflag:$0x8], $0x80, $0x38;
	[tilespmem:$0x16C00] =	vst v63  }
0x4a8: {  	s10 =	simm.s32 $0x14C20;
	s11 =	sadd.s32 $0x40, s14;
	s8 =	simm.s32 $0x14B98  }
0x4a9: {  	[hbm4b:s9+s3] =	stream.linear.scatter [tilespmem:s8], [sflag:$0x8], $0x80, $0x38;
	[tilespmem:$0x16C00] =	vst v63  }
0x4aa: {  	s12 =	simm.s32 $0x14CA8;
	s7 =	sadd.s32 $0x70, s14;
	s13 =	sadd.s32 $0x50, s14  }
0x4ab: {  	[hbm4b:s11+s3] =	stream.linear.scatter [tilespmem:s10], [sflag:$0x8], $0x80, $0x38;
	[tilespmem:$0x16C00] =	vst v63  }
0x4ac: {  	s15 =	simm.s32 $0x14D30;
	s16 =	sadd.s32 $0x60, s14;
	s8 =	simm.s32 $0x440  }
0x4ad: {  	[hbm4b:s13+s3] =	stream.linear.scatter [tilespmem:s12], [sflag:$0x8], $0x80, $0x38;
	[tilespmem:$0x16C00] =	vst v63  }
0x4ae: {  	s9 =	sadd.s32 $0x4000, s14;
	s10 =	simm.s32 $0x2200;
	s11 =	simm.s32 $0x14DB8  }
0x4af: {  	[hbm4b:s16+s3] =	stream.linear.scatter [tilespmem:s15], [sflag:$0x8], $0x80, $0x38;
	[tilespmem:$0x16C00] =	vst v63  }
.LBB2_50:
0x4b0: {  	[hbm4b:s7+s3] =	stream.linear.scatter [tilespmem:s11], [sflag:$0x8], $0x80, $0x38;
	[tilespmem:$0x16C00] =	vst v63  }
0x4b1: {  	s7 =	smov.u32 s8;
	s8 =	smov.u32 s10  }
0x4b2: {  	s12 =	sadd.s32 $0x1100, s10;
	s8 =	sshra.s32 s8, $0x2;
	s11 =	sadd.s32 $0x14A00, s7  }
0x4b3: {  	[hbm4b:s9+s3] =	stream.linear.scatter [tilespmem:s11], [sflag:$0x8], $0x80, $0x38;
	[tilespmem:$0x16C00] =	vst v63  }
0x4b4: {  	p0 =	sne.s32 s10, $0x7700;
	s10 =	sadd.s32 $0x14A88, s7;
	s11 =	sadd.s32 $0x10, s9  }
0x4b5: {  	[hbm4b:s11+s3] =	stream.linear.scatter [tilespmem:s10], [sflag:$0x8], $0x80, $0x38;
	[tilespmem:$0x16C00] =	vst v63  }
0x4b6: {  	s10 =	sadd.s32 $0x14B10, s7;
	s11 =	sadd.s32 $0x20, s9  }
0x4b7: {  	[hbm4b:s11+s3] =	stream.linear.scatter [tilespmem:s10], [sflag:$0x8], $0x80, $0x38;
	[tilespmem:$0x16C00] =	vst v63  }
0x4b8: {  	s10 =	sadd.s32 $0x14B98, s7;
	s11 =	sadd.s32 $0x30, s9  }
0x4b9: {  	[hbm4b:s11+s3] =	stream.linear.scatter [tilespmem:s10], [sflag:$0x8], $0x80, $0x38;
	[tilespmem:$0x16C00] =	vst v63  }
0x4ba: {  	s10 =	sadd.s32 $0x14C20, s7;
	s11 =	sadd.s32 $0x40, s9  }
0x4bb: {  	[hbm4b:s11+s3] =	stream.linear.scatter [tilespmem:s10], [sflag:$0x8], $0x80, $0x38;
	[tilespmem:$0x16C00] =	vst v63  }
0x4bc: {  	s10 =	sadd.s32 $0x14CA8, s7;
	s11 =	sadd.s32 $0x50, s9  }
0x4bd: {  	[hbm4b:s11+s3] =	stream.linear.scatter [tilespmem:s10], [sflag:$0x8], $0x80, $0x38;
	[tilespmem:$0x16C00] =	vst v63  }
.Ltmp24:
0x4be: {  	_ = 	snop;
	(pc) =	sbr.rel @p0 .LBB2_50-.Ltmp24, $4  }
0x4bf: {  	s10 =	sadd.s32 $0x14D30, s7;
	s11 =	sadd.s32 $0x60, s9  }
0x4c0: {  	[hbm4b:s11+s3] =	stream.linear.scatter [tilespmem:s10], [sflag:$0x8], $0x80, $0x38;
	[tilespmem:$0x16C00] =	vst v63  }
0x4c1: {  	s11 =	sadd.s32 $0x14DB8, s7  }
0x4c2: {  	s7 =	sadd.s32 $0x70, s9;
	s9 =	sadd.s32 $0x4000, s9;
	s10 =	smov.u32 s12  }
0x4c3: {  	[hbm4b:s7+s3] =	stream.linear.scatter [tilespmem:s11], [sflag:$0x8], $0x80, $0x38;
	[tilespmem:$0x16C00] =	vst v63  }
0x4c4: {  	s12 =	sadd.s32 $0x14A00, s8  }
0x4c5: {  	[hbm4b:s9+s3] =	stream.linear.scatter [tilespmem:s12], [sflag:$0x8], $0x80, $0x38;
	[tilespmem:$0x16C00] =	vst v63  }
0x4c6: {  	s13 =	sadd.s32 $0x14A88, s8;
	s10 =	sadd.s32 $0x10, s9  }
0x4c7: {  	[hbm4b:s10+s3] =	stream.linear.scatter [tilespmem:s13], [sflag:$0x8], $0x80, $0x38;
	[tilespmem:$0x16C00] =	vst v63  }
0x4c8: {  	s15 =	sadd.s32 $0x14B10, s8;
	s16 =	sadd.s32 $0x20, s9  }
0x4c9: {  	[hbm4b:s16+s3] =	stream.linear.scatter [tilespmem:s15], [sflag:$0x8], $0x80, $0x38;
	[tilespmem:$0x16C00] =	vst v63  }
0x4ca: {  	s11 =	sadd.s32 $0x30, s9;
	s10 =	sadd.s32 $0x14B98, s8  }
0x4cb: {  	[hbm4b:s11+s3] =	stream.linear.scatter [tilespmem:s10], [sflag:$0x8], $0x80, $0x38;
	[tilespmem:$0x16C00] =	vst v63  }
0x4cc: {  	s12 =	sadd.s32 $0x14C20, s8;
	s13 =	sadd.s32 $0x40, s9  }
0x4cd: {  	[hbm4b:s13+s3] =	stream.linear.scatter [tilespmem:s12], [sflag:$0x8], $0x80, $0x38;
	[tilespmem:$0x16C00] =	vst v63  }
0x4ce: {  	s15 =	sadd.s32 $0x14CA8, s8;
	s16 =	sadd.s32 $0x50, s9  }
0x4cf: {  	[hbm4b:s16+s3] =	stream.linear.scatter [tilespmem:s15], [sflag:$0x8], $0x80, $0x38;
	[tilespmem:$0x16C00] =	vst v63  }
0x4d0: {  	s10 =	sadd.s32 $0x14D30, s8;
	s11 =	sadd.s32 $0x60, s9  }
0x4d1: {  	[hbm4b:s11+s3] =	stream.linear.scatter [tilespmem:s10], [sflag:$0x8], $0x80, $0x38;
	[tilespmem:$0x16C00] =	vst v63  }
0x4d2: {  	s12 =	sadd.s32 $0x14DB8, s8;
	s13 =	sadd.s32 $0x70, s9  }
0x4d3: {  	[hbm4b:s13+s3] =	stream.linear.scatter [tilespmem:s12], [sflag:$0x8], $0x80, $0x38;
	[tilespmem:$0x16C00] =	vst v63  }
0x4d4: {  	_ =	swait.ge [sflag:s30], $0x2000  }
0x4d5: {  	[sflag:s30] =	ssyncset.done $0x0  }
0x4d6: {  	[sflag:s30] =	ssyncadd.s32 $0xFFFFE000  }
0x4d7: {  	_ =	swait.ge [sflag:s0], $0x2000  }
0x4d8: {  	[sflag:s0] =	ssyncset.done $0x0  }
0x4d9: {  	[sflag:s0] =	ssyncadd.s32 $0xFFFFE000  }
0x4da: {  	_ =	swait.ge [sflag:s26], $0x2000  }
0x4db: {  	[sflag:s26] =	ssyncset.done $0x0  }
0x4dc: {  	[sflag:s26] =	ssyncadd.s32 $0xFFFFE000  }
0x4dd: {  	_ =	swait.ge [sflag:s6], $0x2000  }
0x4de: {  	s15 =	rddreg [dreg:$0xc]  }
0x4df: {  	s16 =	rddreg [dreg:$0xb];
	s8 =	sadd.s32 $0x1, s15  }
0x4e0: {  	p0 =	sne.s32 s8, s16  }
.Ltmp25:
0x4e1: {  	_ = 	snop;
	(pc) =	sbr.rel @p0 .LBB2_1-.Ltmp25, $3  }
0x4e2: {  	_ =	sdelay $0x1  }
0x4e3: {  	[sflag:s6] =	ssyncset.done $0x0  }
0x4e4: {  	[sflag:s6] =	ssyncadd.s32 $0xFFFFE000  }
0x4e5: {  	_ =	sfence.sel $0x180000  }
0x4e6: {  	[bflag:$0x0] =	sbarrier.arrive $0xFFFF  }
0x4e7: {  	_ =	strace $0x90000047  }
0x4e8: {  	s0 =	stileid.u32;
	[bflag:$0x2] =	sbarrier.arrive $0xFFFF  }
0x4e9: {  	p0 =	sne.s32 s0, $0x0;
	s0 =	rddreg [dreg:$0x2]  }
0x4ea: {  	s0 =	sadd.s32 @!p0 $0x100000, s0  }
0x4eb: {  	[sflag:s0] =	ssyncadd.tile.s32 @!p0 $0x1;
	_ =	shalt  }
.Lfunc_end2:
_tile_overlayer_lowered:
.L_overlay_start_2:
0x4ec: {  	(tag) =	ssettag $0x2  }
0x4ed: {  	s0 =	rddreg [dreg:$0x0];
	s2 =	stileid.u32  }
0x4ee: {  	s1 =	rddreg [dreg:$0x1];
	p0 =	sne.s32 s2, $0x0  }
0x4ef: {  	s3 =	rddreg [dreg:$0x2];
	[bflag:$0x3] =	sbarrier.arrive $0xFFFF;
	s2 =	simm.s32 @!p0 $0x1C09  }
0x4f0: {  	[timem:s3], [sflag:s2] =	dma.local @!p0 [hbm:s0], s1  }
0x4f1: {  	s0 =	simm.s32 @!p0 $0x9  }
0x4f2: {  	_ =	swait.ge @!p0 [sflag:s0], s1  }
0x4f3: {  	s1 =	ssub.s32 @!p0 $0x0, s1;
	[sflag:s0] =	ssyncset.done @!p0 $0x0  }
0x4f4: {  	[sflag:s0] =	ssyncadd.s32 @!p0 s1  }
0x4f5: {  	[bflag:$0x3] =	sbarrier.arrive $0xFFFF  }
0x4f6: {  	_ =	shalt  }

</sc_bundles>
